<compile_context>
chip_gen: v7x
topology: tpu7x:2x2x1
jax: 0.10.2.dev20260603
libtpu: 0.0.44.dev20260713+nightly
codegen_flags: <defaults>
</compile_context>

<pallas_src>
import functools

import jax
import jax.numpy as jnp
from jax import lax
from jax.experimental import pallas as pl
from jax.experimental.pallas import tpu as pltpu
from jax.experimental.pallas import tpu_sc as plsc

N_NODES = 50000
N_EDGES = 800000
H_FEATS = 150
F = 16
NW = 32
EB = 128
KCH = 196
EPAD = NW * KCH * EB
NPAD = 53248
RPS = NPAD // 16
BM8 = 512
TC_GRID = 13


def _sc_edge_aggregate(table, edges, width):
    mesh = plsc.VectorSubcoreMesh(core_axis_name="c", subcore_axis_name="s")

    @functools.partial(
        pl.kernel,
        mesh=mesh,
        out_type=jax.ShapeDtypeStruct((2, NPAD, width), jnp.float32),
        scratch_types=[
            pltpu.VMEM((KCH, EB), jnp.int32),
            pltpu.VMEM((KCH, EB), jnp.int32),
            [pltpu.VMEM((EB, width), jnp.float32) for _ in range(7)],
            pltpu.VMEM_SHARED((NPAD, width), jnp.float32),
            [pltpu.SemaphoreType.DMA for _ in range(7)],
            [pltpu.SemaphoreType.DMA for _ in range(7)],
        ],
        compiler_params=pltpu.CompilerParams(use_tc_tiling_on_sc=False),
    )
    def k(table_h, edges_h, out_h, srcv, dstv, rows, aggs, gsem, ssem):
        cid = lax.axis_index("c")
        sid = lax.axis_index("s")
        wid = sid * 2 + cid

        for i in range(EB):
            rows[0][i, :] = jnp.zeros((width,), jnp.float32)
        for z in range(RPS // EB):
            pltpu.sync_copy(rows[0], aggs.at[pl.ds(sid * RPS + z * EB, EB)])
        plsc.subcore_barrier()

        pltpu.sync_copy(edges_h.at[0, wid], srcv)
        pltpu.sync_copy(edges_h.at[1, wid], dstv)

        for b in range(7):
            pltpu.async_copy(table_h.at[srcv.at[b]], rows[b], gsem[b])

        def body(jq, carry):
            j = jq * 7
            for b in range(7):
                jb = j + b
                pltpu.make_async_copy(table_h.at[srcv.at[jb]], rows[b],
                                      gsem[b]).wait()
                pltpu.async_copy(rows[b], aggs.at[dstv.at[jb]], ssem[b],
                                 add=True)
            for b in range(7):
                jb = j + b

                @pl.when(jb + 7 < KCH)
                def _():
                    pltpu.make_async_copy(rows[b], aggs.at[dstv.at[jb]],
                                          ssem[b]).wait()
                    pltpu.async_copy(table_h.at[srcv.at[jb + 7]], rows[b],
                                     gsem[b])
            return carry

        lax.fori_loop(0, KCH // 7, body, 0)
        for b in range(7):
            pltpu.make_async_copy(rows[b], aggs.at[dstv.at[KCH - 7 + b]],
                                  ssem[b]).wait()
        plsc.subcore_barrier()

        pltpu.sync_copy(aggs.at[pl.ds(sid * RPS, RPS)],
                        out_h.at[cid, pl.ds(sid * RPS, RPS)])

    return k(table, edges)


def _tc_layer1(x24, a1, w1s_big, w1n_big, sdeg, b1_big, w2s_big, w2n_big,
               b2_big):

    def body(x_ref, a_ref, w1s_ref, w1n_ref, sdeg_ref, b1_ref, w2s_ref,
             w2n_ref, b2_ref, p_ref, q_ref):
        a = a_ref[0] + a_ref[1]
        deg = jnp.clip(
            jnp.dot(a, sdeg_ref[...], preferred_element_type=jnp.float32),
            1.0, None)
        hn = a / deg
        h = (jnp.dot(x_ref[...], w1s_ref[...], preferred_element_type=jnp.float32)
             + jnp.dot(hn, w1n_ref[...], preferred_element_type=jnp.float32)
             + b1_ref[...])
        h = jnp.maximum(h, 0.0)
        hb16 = h.astype(jnp.bfloat16)
        p_ref[...] = jnp.dot(hb16, w2n_ref[...],
                             preferred_element_type=jnp.float32)
        q_ref[...] = (jnp.dot(hb16, w2s_ref[...],
                              preferred_element_type=jnp.float32)
                      + b2_ref[...])

    hb = 8 * H_FEATS
    return pl.pallas_call(
        body,
        grid=(TC_GRID,),
        in_specs=[
            pl.BlockSpec((BM8, 24), lambda i: (i, 0)),
            pl.BlockSpec((2, BM8, 128), lambda i: (0, i, 0)),
            pl.BlockSpec((24, hb), lambda i: (0, 0)),
            pl.BlockSpec((128, hb), lambda i: (0, 0)),
            pl.BlockSpec((128, 128), lambda i: (0, 0)),
            pl.BlockSpec((1, hb), lambda i: (0, 0)),
            pl.BlockSpec((hb, 128), lambda i: (0, 0)),
            pl.BlockSpec((hb, 128), lambda i: (0, 0)),
            pl.BlockSpec((1, 128), lambda i: (0, 0)),
        ],
        out_specs=[pl.BlockSpec((BM8, 128), lambda i: (i, 0)),
                   pl.BlockSpec((BM8, 128), lambda i: (i, 0))],
        out_shape=[jax.ShapeDtypeStruct((N_NODES // 8, 128), jnp.float32),
                   jax.ShapeDtypeStruct((N_NODES // 8, 128), jnp.float32)],
    )(x24, a1, w1s_big, w1n_big, sdeg, b1_big, w2s_big, w2n_big, b2_big)


def _tc_out(q, a2, a1, sdeg):

    def body(q_ref, a2_ref, a1_ref, sdeg_ref, out_ref):
        a2b = a2_ref[0] + a2_ref[1]
        a1b = a1_ref[0] + a1_ref[1]
        deg = jnp.clip(
            jnp.dot(a1b, sdeg_ref[...], preferred_element_type=jnp.float32),
            1.0, None)
        out_ref[...] = q_ref[...] + a2b / deg

    return pl.pallas_call(
        body,
        grid=(TC_GRID,),
        in_specs=[
            pl.BlockSpec((BM8, 128), lambda i: (i, 0)),
            pl.BlockSpec((2, BM8, 128), lambda i: (0, i, 0)),
            pl.BlockSpec((2, BM8, 128), lambda i: (0, i, 0)),
            pl.BlockSpec((128, 128), lambda i: (0, 0)),
        ],
        out_specs=pl.BlockSpec((BM8, 128), lambda i: (i, 0)),
        out_shape=jax.ShapeDtypeStruct((N_NODES // 8, 128), jnp.float32),
    )(q, a2, a1, sdeg)


def kernel(in_feat, edge_index, W1_self, W1_neigh, b1, W2_self, W2_neigh, b2):
    ei = edge_index.astype(jnp.int32)
    pad = EPAD - N_EDGES
    pad_vals = jnp.stack(
        [jnp.zeros((pad,), jnp.int32),
         N_NODES + jnp.arange(pad, dtype=jnp.int32) % (NPAD - N_NODES)])
    edges = jnp.concatenate([ei, pad_vals], axis=1).reshape(2, NW, KCH, EB)
    xp = jnp.concatenate(
        [in_feat, jnp.ones((N_NODES, 1), jnp.float32),
         jnp.zeros((N_NODES, F - 4), jnp.float32)], axis=1)

    eye8 = jnp.eye(8, dtype=jnp.float32)
    sdeg = jnp.kron(eye8, jnp.zeros((F, F), jnp.float32).at[3, :].set(1.0))
    w1n16 = jnp.concatenate(
        [W1_neigh, jnp.zeros((F - 3, H_FEATS), jnp.float32)], axis=0)
    w1s_big = jnp.kron(eye8, W1_self)
    w1n_big = jnp.kron(eye8, w1n16)
    w2s_big = jnp.kron(eye8, W2_self).astype(jnp.bfloat16)
    w2n_big = jnp.kron(eye8, W2_neigh).astype(jnp.bfloat16)
    b1_big = jnp.tile(b1, 8).reshape(1, 8 * H_FEATS)
    b2_big = jnp.tile(b2, 8).reshape(1, 128)
    x24 = in_feat.reshape(N_NODES // 8, 24)

    agg1 = _sc_edge_aggregate(xp, edges, F)
    a1 = agg1.reshape(2, NPAD // 8, 128)
    p128, q128 = _tc_layer1(x24, a1, w1s_big, w1n_big, sdeg, b1_big,
                            w2s_big, w2n_big, b2_big)
    p = p128.reshape(N_NODES, F)
    agg2 = _sc_edge_aggregate(p, edges, F)
    a2 = agg2.reshape(2, NPAD // 8, 128)
    out128 = _tc_out(q128, a2, a1, sdeg)
    return out128.reshape(N_NODES, F)

# --- scband reference (transcript-rebuilt; emitter-appended) ---
"""Pipeline reference for scband-graph-sage-2456721293647 (READ-ONLY COPY).

The authoritative reference and input builder live on the scoring server;
editing this copy changes nothing except your own understanding.
"""

import jax, jax.numpy as jnp
import numpy as np

N_NODES = 50000
N_EDGES = 800000
IN_FEATS = 3
H_FEATS = 150
NUM_OUT = 16


def _glorot(key, shape):
    fan_in, fan_out = shape[0], shape[1]
    limit = np.sqrt(6.0 / (fan_in + fan_out))
    return jax.random.uniform(key, shape, jnp.float32, -limit, limit)


def setup_inputs(seed: int = 0) -> dict:
    key = jax.random.key(seed)
    ks = jax.random.split(key, 8)
    in_feat = jax.random.normal(ks[0], (N_NODES, IN_FEATS), dtype=jnp.float32)
    edge_index = jax.random.randint(ks[1], (2, N_EDGES), 0, N_NODES, dtype=jnp.int64)
    W1_self = _glorot(ks[2], (IN_FEATS, H_FEATS))
    W1_neigh = _glorot(ks[3], (IN_FEATS, H_FEATS))
    b1 = jnp.zeros((H_FEATS,), jnp.float32)
    W2_self = _glorot(ks[4], (H_FEATS, NUM_OUT))
    W2_neigh = _glorot(ks[5], (H_FEATS, NUM_OUT))
    b2 = jnp.zeros((NUM_OUT,), jnp.float32)
    return {"in_feat": in_feat, "edge_index": edge_index,
            "W1_self": W1_self, "W1_neigh": W1_neigh, "b1": b1,
            "W2_self": W2_self, "W2_neigh": W2_neigh, "b2": b2}


def _sage_conv_mean(x, src, dst, W_self, W_neigh, b, num_nodes):
    # DGL SAGEConv with 'mean' aggregator:
    # h_neigh = mean_{u in N(v)} x_u ; out = x_v @ W_self + h_neigh @ W_neigh + b
    msg = jnp.take(x, src, axis=0)                              # gather [E, d]
    agg = jax.ops.segment_sum(msg, dst, num_segments=num_nodes)  # scatter-add
    deg = jax.ops.segment_sum(jnp.ones((src.shape[0],), jnp.float32), dst,
                              num_segments=num_nodes)
    h_neigh = agg / jnp.clip(deg, 1.0, None)[:, None]
    return x @ W_self + h_neigh @ W_neigh + b


def reference(in_feat, edge_index, W1_self, W1_neigh, b1, W2_self, W2_neigh, b2):
    src = edge_index[0]
    dst = edge_index[1]
    h = _sage_conv_mean(in_feat, src, dst, W1_self, W1_neigh, b1, N_NODES)
    h = jax.nn.relu(h)
    h = _sage_conv_mean(h, src, dst, W2_self, W2_neigh, b2, N_NODES)
    return h

if __name__ == "__main__":
    import jax
    _d = setup_inputs()
    print(jax.jit(kernel)(*tuple(_d.values())))

</pallas_src>

<mosaic_0001>
#map = affine_map<(d0, d1) -> (0, 0)>
#map1 = affine_map<(d0, d1) -> (0, 0, 0, 0)>
#map2 = affine_map<(d0, d1) -> (0, 0, 0)>
module attributes {stable_mosaic.version = 14 : i64} {
  func.func @k(%arg0: i32, %arg1: i32, %arg2: memref<50000x16xf32, #tpu.memory_space<hbm>>, %arg3: memref<2x32x196x128xi32, #tpu.memory_space<hbm>>, %arg4: memref<2x53248x16xf32, #tpu.memory_space<hbm>>, %arg5: memref<196x128xi32, #tpu.memory_space<vmem>>, %arg6: memref<196x128xi32, #tpu.memory_space<vmem>>, %arg7: memref<128x16xf32, #tpu.memory_space<vmem>>, %arg8: memref<128x16xf32, #tpu.memory_space<vmem>>, %arg9: memref<128x16xf32, #tpu.memory_space<vmem>>, %arg10: memref<128x16xf32, #tpu.memory_space<vmem>>, %arg11: memref<128x16xf32, #tpu.memory_space<vmem>>, %arg12: memref<128x16xf32, #tpu.memory_space<vmem>>, %arg13: memref<128x16xf32, #tpu.memory_space<vmem>>, %arg14: memref<53248x16xf32, #tpu.memory_space<vmem_shared>>, %arg15: memref<!tpu.dma_semaphore, #tpu.memory_space<semaphore_mem>>, %arg16: memref<!tpu.dma_semaphore, #tpu.memory_space<semaphore_mem>>, %arg17: memref<!tpu.dma_semaphore, #tpu.memory_space<semaphore_mem>>, %arg18: memref<!tpu.dma_semaphore, #tpu.memory_space<semaphore_mem>>, %arg19: memref<!tpu.dma_semaphore, #tpu.memory_space<semaphore_mem>>, %arg20: memref<!tpu.dma_semaphore, #tpu.memory_space<semaphore_mem>>, %arg21: memref<!tpu.dma_semaphore, #tpu.memory_space<semaphore_mem>>, %arg22: memref<!tpu.dma_semaphore, #tpu.memory_space<semaphore_mem>>, %arg23: memref<!tpu.dma_semaphore, #tpu.memory_space<semaphore_mem>>, %arg24: memref<!tpu.dma_semaphore, #tpu.memory_space<semaphore_mem>>, %arg25: memref<!tpu.dma_semaphore, #tpu.memory_space<semaphore_mem>>, %arg26: memref<!tpu.dma_semaphore, #tpu.memory_space<semaphore_mem>>, %arg27: memref<!tpu.dma_semaphore, #tpu.memory_space<semaphore_mem>>, %arg28: memref<!tpu.dma_semaphore, #tpu.memory_space<semaphore_mem>>) attributes {dimension_semantics = [#tpu.dimension_semantics<core_parallel>, #tpu.dimension_semantics<subcore_parallel>], iteration_bounds = array<i64: 2, 16>, scalar_prefetch = 0 : i64, scratch_operands = 24 : i64, tpu.core_type = #tpu.core_type<sc_vector_subcore>, window_params = [{transform_indices = #map}, {transform_indices = #map1}, {transform_indices = #map2}]} {
    %mul3A = arith.constant 2 : i32
    %mul3A_0 = arith.muli %arg1, %mul3A : i32
    %add3A = arith.addi %mul3A_0, %arg0 : i32
    %broadcast_in_dim3A = arith.constant 0.000000e+00 : f32
    %broadcast_in_dim3A_1 = vector.broadcast %broadcast_in_dim3A : f32 to vector<16xf32>
    %swap3A = arith.constant 0 : i32
    %swap3A_2 = arith.index_cast %swap3A : i32 to index
    %swap3A_3 = arith.constant 0 : index
    %swap3A_4 = tpu.vector_load %arg7[%swap3A_2, %swap3A_3] {strides = array<i32>} : memref<128x16xf32, #tpu.memory_space<vmem>>, vector<1x16xf32>,
    %swap3A_5 = vector.shape_cast %swap3A_4 : vector<1x16xf32> to vector<16xf32>
    %swap3A_6 = vector.shape_cast %broadcast_in_dim3A_1 : vector<16xf32> to vector<1x16xf32>
    tpu.vector_store %arg7[%swap3A_2, %swap3A_3], %swap3A_6 {strides = array<i32>} : memref<128x16xf32, #tpu.memory_space<vmem>>, vector<1x16xf32>,
    %broadcast_in_dim3A_7 = arith.constant 0.000000e+00 : f32
    %broadcast_in_dim3A_8 = vector.broadcast %broadcast_in_dim3A_7 : f32 to vector<16xf32>
    %swap3A_9 = arith.constant 1 : i32
    %swap3A_10 = arith.index_cast %swap3A_9 : i32 to index
    %swap3A_11 = arith.constant 0 : index
    %swap3A_12 = tpu.vector_load %arg7[%swap3A_10, %swap3A_11] {strides = array<i32>} : memref<128x16xf32, #tpu.memory_space<vmem>>, vector<1x16xf32>,
    %swap3A_13 = vector.shape_cast %swap3A_12 : vector<1x16xf32> to vector<16xf32>
    %swap3A_14 = vector.shape_cast %broadcast_in_dim3A_8 : vector<16xf32> to vector<1x16xf32>
    tpu.vector_store %arg7[%swap3A_10, %swap3A_11], %swap3A_14 {strides = array<i32>} : memref<128x16xf32, #tpu.memory_space<vmem>>, vector<1x16xf32>,
    %broadcast_in_dim3A_15 = arith.constant 0.000000e+00 : f32
    %broadcast_in_dim3A_16 = vector.broadcast %broadcast_in_dim3A_15 : f32 to vector<16xf32>
    %swap3A_17 = arith.constant 2 : i32
    %swap3A_18 = arith.index_cast %swap3A_17 : i32 to index
    %swap3A_19 = arith.constant 0 : index
    %swap3A_20 = tpu.vector_load %arg7[%swap3A_18, %swap3A_19] {strides = array<i32>} : memref<128x16xf32, #tpu.memory_space<vmem>>, vector<1x16xf32>,
    %swap3A_21 = vector.shape_cast %swap3A_20 : vector<1x16xf32> to vector<16xf32>
    %swap3A_22 = vector.shape_cast %broadcast_in_dim3A_16 : vector<16xf32> to vector<1x16xf32>
    tpu.vector_store %arg7[%swap3A_18, %swap3A_19], %swap3A_22 {strides = array<i32>} : memref<128x16xf32, #tpu.memory_space<vmem>>, vector<1x16xf32>,
    %broadcast_in_dim3A_23 = arith.constant 0.000000e+00 : f32
    %broadcast_in_dim3A_24 = vector.broadcast %broadcast_in_dim3A_23 : f32 to vector<16xf32>
    %swap3A_25 = arith.constant 3 : i32
    %swap3A_26 = arith.index_cast %swap3A_25 : i32 to index
    %swap3A_27 = arith.constant 0 : index
    %swap3A_28 = tpu.vector_load %arg7[%swap3A_26, %swap3A_27] {strides = array<i32>} : memref<128x16xf32, #tpu.memory_space<vmem>>, vector<1x16xf32>,
    %swap3A_29 = vector.shape_cast %swap3A_28 : vector<1x16xf32> to vector<16xf32>
    %swap3A_30 = vector.shape_cast %broadcast_in_dim3A_24 : vector<16xf32> to vector<1x16xf32>
    tpu.vector_store %arg7[%swap3A_26, %swap3A_27], %swap3A_30 {strides = array<i32>} : memref<128x16xf32, #tpu.memory_space<vmem>>, vector<1x16xf32>,
    %broadcast_in_dim3A_31 = arith.constant 0.000000e+00 : f32
    %broadcast_in_dim3A_32 = vector.broadcast %broadcast_in_dim3A_31 : f32 to vector<16xf32>
    %swap3A_33 = arith.constant 4 : i32
    %swap3A_34 = arith.index_cast %swap3A_33 : i32 to index
    %swap3A_35 = arith.constant 0 : index
    %swap3A_36 = tpu.vector_load %arg7[%swap3A_34, %swap3A_35] {strides = array<i32>} : memref<128x16xf32, #tpu.memory_space<vmem>>, vector<1x16xf32>,
    %swap3A_37 = vector.shape_cast %swap3A_36 : vector<1x16xf32> to vector<16xf32>
    %swap3A_38 = vector.shape_cast %broadcast_in_dim3A_32 : vector<16xf32> to vector<1x16xf32>
    tpu.vector_store %arg7[%swap3A_34, %swap3A_35], %swap3A_38 {strides = array<i32>} : memref<128x16xf32, #tpu.memory_space<vmem>>, vector<1x16xf32>,
    %broadcast_in_dim3A_39 = arith.constant 0.000000e+00 : f32
    %broadcast_in_dim3A_40 = vector.broadcast %broadcast_in_dim3A_39 : f32 to vector<16xf32>
    %swap3A_41 = arith.constant 5 : i32
    %swap3A_42 = arith.index_cast %swap3A_41 : i32 to index
    %swap3A_43 = arith.constant 0 : index
    %swap3A_44 = tpu.vector_load %arg7[%swap3A_42, %swap3A_43] {strides = array<i32>} : memref<128x16xf32, #tpu.memory_space<vmem>>, vector<1x16xf32>,
    %swap3A_45 = vector.shape_cast %swap3A_44 : vector<1x16xf32> to vector<16xf32>
    %swap3A_46 = vector.shape_cast %broadcast_in_dim3A_40 : vector<16xf32> to vector<1x16xf32>
    tpu.vector_store %arg7[%swap3A_42, %swap3A_43], %swap3A_46 {strides = array<i32>} : memref<128x16xf32, #tpu.memory_space<vmem>>, vector<1x16xf32>,
    %broadcast_in_dim3A_47 = arith.constant 0.000000e+00 : f32
    %broadcast_in_dim3A_48 = vector.broadcast %broadcast_in_dim3A_47 : f32 to vector<16xf32>
    %swap3A_49 = arith.constant 6 : i32
    %swap3A_50 = arith.index_cast %swap3A_49 : i32 to index
    %swap3A_51 = arith.constant 0 : index
    %swap3A_52 = tpu.vector_load %arg7[%swap3A_50, %swap3A_51] {strides = array<i32>} : memref<128x16xf32, #tpu.memory_space<vmem>>, vector<1x16xf32>,
    %swap3A_53 = vector.shape_cast %swap3A_52 : vector<1x16xf32> to vector<16xf32>
    %swap3A_54 = vector.shape_cast %broadcast_in_dim3A_48 : vector<16xf32> to vector<1x16xf32>
    tpu.vector_store %arg7[%swap3A_50, %swap3A_51], %swap3A_54 {strides = array<i32>} : memref<128x16xf32, #tpu.memory_space<vmem>>, vector<1x16xf32>,
    %broadcast_in_dim3A_55 = arith.constant 0.000000e+00 : f32
    %broadcast_in_dim3A_56 = vector.broadcast %broadcast_in_dim3A_55 : f32 to vector<16xf32>
    %swap3A_57 = arith.constant 7 : i32
    %swap3A_58 = arith.index_cast %swap3A_57 : i32 to index
    %swap3A_59 = arith.constant 0 : index
    %swap3A_60 = tpu.vector_load %arg7[%swap3A_58, %swap3A_59] {strides = array<i32>} : memref<128x16xf32, #tpu.memory_space<vmem>>, vector<1x16xf32>,
    %swap3A_61 = vector.shape_cast %swap3A_60 : vector<1x16xf32> to vector<16xf32>
    %swap3A_62 = vector.shape_cast %broadcast_in_dim3A_56 : vector<16xf32> to vector<1x16xf32>
    tpu.vector_store %arg7[%swap3A_58, %swap3A_59], %swap3A_62 {strides = array<i32>} : memref<128x16xf32, #tpu.memory_space<vmem>>, vector<1x16xf32>,
    %broadcast_in_dim3A_63 = arith.constant 0.000000e+00 : f32
    %broadcast_in_dim3A_64 = vector.broadcast %broadcast_in_dim3A_63 : f32 to vector<16xf32>
    %swap3A_65 = arith.constant 8 : i32
    %swap3A_66 = arith.index_cast %swap3A_65 : i32 to index
    %swap3A_67 = arith.constant 0 : index
    %swap3A_68 = tpu.vector_load %arg7[%swap3A_66, %swap3A_67] {strides = array<i32>} : memref<128x16xf32, #tpu.memory_space<vmem>>, vector<1x16xf32>,
    %swap3A_69 = vector.shape_cast %swap3A_68 : vector<1x16xf32> to vector<16xf32>
    %swap3A_70 = vector.shape_cast %broadcast_in_dim3A_64 : vector<16xf32> to vector<1x16xf32>
    tpu.vector_store %arg7[%swap3A_66, %swap3A_67], %swap3A_70 {strides = array<i32>} : memref<128x16xf32, #tpu.memory_space<vmem>>, vector<1x16xf32>,
    %broadcast_in_dim3A_71 = arith.constant 0.000000e+00 : f32
    %broadcast_in_dim3A_72 = vector.broadcast %broadcast_in_dim3A_71 : f32 to vector<16xf32>
    %swap3A_73 = arith.constant 9 : i32
    %swap3A_74 = arith.index_cast %swap3A_73 : i32 to index
    %swap3A_75 = arith.constant 0 : index
    %swap3A_76 = tpu.vector_load %arg7[%swap3A_74, %swap3A_75] {strides = array<i32>} : memref<128x16xf32, #tpu.memory_space<vmem>>, vector<1x16xf32>,
    %swap3A_77 = vector.shape_cast %swap3A_76 : vector<1x16xf32> to vector<16xf32>
    %swap3A_78 = vector.shape_cast %broadcast_in_dim3A_72 : vector<16xf32> to vector<1x16xf32>
    tpu.vector_store %arg7[%swap3A_74, %swap3A_75], %swap3A_78 {strides = array<i32>} : memref<128x16xf32, #tpu.memory_space<vmem>>, vector<1x16xf32>,
    %broadcast_in_dim3A_79 = arith.constant 0.000000e+00 : f32
    %broadcast_in_dim3A_80 = vector.broadcast %broadcast_in_dim3A_79 : f32 to vector<16xf32>
    %swap3A_81 = arith.constant 10 : i32
    %swap3A_82 = arith.index_cast %swap3A_81 : i32 to index
    %swap3A_83 = arith.constant 0 : index
    %swap3A_84 = tpu.vector_load %arg7[%swap3A_82, %swap3A_83] {strides = array<i32>} : memref<128x16xf32, #tpu.memory_space<vmem>>, vector<1x16xf32>,
    %swap3A_85 = vector.shape_cast %swap3A_84 : vector<1x16xf32> to vector<16xf32>
    %swap3A_86 = vector.shape_cast %broadcast_in_dim3A_80 : vector<16xf32> to vector<1x16xf32>
    tpu.vector_store %arg7[%swap3A_82, %swap3A_83], %swap3A_86 {strides = array<i32>} : memref<128x16xf32, #tpu.memory_space<vmem>>, vector<1x16xf32>,
    %broadcast_in_dim3A_87 = arith.constant 0.000000e+00 : f32
    %broadcast_in_dim3A_88 = vector.broadcast %broadcast_in_dim3A_87 : f32 to vector<16xf32>
    %swap3A_89 = arith.constant 11 : i32
    %swap3A_90 = arith.index_cast %swap3A_89 : i32 to index
    %swap3A_91 = arith.constant 0 : index
    %swap3A_92 = tpu.vector_load %arg7[%swap3A_90, %swap3A_91] {strides = array<i32>} : memref<128x16xf32, #tpu.memory_space<vmem>>, vector<1x16xf32>,
    %swap3A_93 = vector.shape_cast %swap3A_92 : vector<1x16xf32> to vector<16xf32>
    %swap3A_94 = vector.shape_cast %broadcast_in_dim3A_88 : vector<16xf32> to vector<1x16xf32>
    tpu.vector_store %arg7[%swap3A_90, %swap3A_91], %swap3A_94 {strides = array<i32>} : memref<128x16xf32, #tpu.memory_space<vmem>>, vector<1x16xf32>,
    %broadcast_in_dim3A_95 = arith.constant 0.000000e+00 : f32
    %broadcast_in_dim3A_96 = vector.broadcast %broadcast_in_dim3A_95 : f32 to vector<16xf32>
    %swap3A_97 = arith.constant 12 : i32
    %swap3A_98 = arith.index_cast %swap3A_97 : i32 to index
    %swap3A_99 = arith.constant 0 : index
    %swap3A_100 = tpu.vector_load %arg7[%swap3A_98, %swap3A_99] {strides = array<i32>} : memref<128x16xf32, #tpu.memory_space<vmem>>, vector<1x16xf32>,
    %swap3A_101 = vector.shape_cast %swap3A_100 : vector<1x16xf32> to vector<16xf32>
    %swap3A_102 = vector.shape_cast %broadcast_in_dim3A_96 : vector<16xf32> to vector<1x16xf32>
    tpu.vector_store %arg7[%swap3A_98, %swap3A_99], %swap3A_102 {strides = array<i32>} : memref<128x16xf32, #tpu.memory_space<vmem>>, vector<1x16xf32>,
    %broadcast_in_dim3A_103 = arith.constant 0.000000e+00 : f32
    %broadcast_in_dim3A_104 = vector.broadcast %broadcast_in_dim3A_103 : f32 to vector<16xf32>
    %swap3A_105 = arith.constant 13 : i32
    %swap3A_106 = arith.index_cast %swap3A_105 : i32 to index
    %swap3A_107 = arith.constant 0 : index
    %swap3A_108 = tpu.vector_load %arg7[%swap3A_106, %swap3A_107] {strides = array<i32>} : memref<128x16xf32, #tpu.memory_space<vmem>>, vector<1x16xf32>,
    %swap3A_109 = vector.shape_cast %swap3A_108 : vector<1x16xf32> to vector<16xf32>
    %swap3A_110 = vector.shape_cast %broadcast_in_dim3A_104 : vector<16xf32> to vector<1x16xf32>
    tpu.vector_store %arg7[%swap3A_106, %swap3A_107], %swap3A_110 {strides = array<i32>} : memref<128x16xf32, #tpu.memory_space<vmem>>, vector<1x16xf32>,
    %broadcast_in_dim3A_111 = arith.constant 0.000000e+00 : f32
    %broadcast_in_dim3A_112 = vector.broadcast %broadcast_in_dim3A_111 : f32 to vector<16xf32>
    %swap3A_113 = arith.constant 14 : i32
    %swap3A_114 = arith.index_cast %swap3A_113 : i32 to index
    %swap3A_115 = arith.constant 0 : index
    %swap3A_116 = tpu.vector_load %arg7[%swap3A_114, %swap3A_115] {strides = array<i32>} : memref<128x16xf32, #tpu.memory_space<vmem>>, vector<1x16xf32>,
    %swap3A_117 = vector.shape_cast %swap3A_116 : vector<1x16xf32> to vector<16xf32>
    %swap3A_118 = vector.shape_cast %broadcast_in_dim3A_112 : vector<16xf32> to vector<1x16xf32>
    tpu.vector_store %arg7[%swap3A_114, %swap3A_115], %swap3A_118 {strides = array<i32>} : memref<128x16xf32, #tpu.memory_space<vmem>>, vector<1x16xf32>,
    %broadcast_in_dim3A_119 = arith.constant 0.000000e+00 : f32
    %broadcast_in_dim3A_120 = vector.broadcast %broadcast_in_dim3A_119 : f32 to vector<16xf32>
    %swap3A_121 = arith.constant 15 : i32
    %swap3A_122 = arith.index_cast %swap3A_121 : i32 to index
    %swap3A_123 = arith.constant 0 : index
    %swap3A_124 = tpu.vector_load %arg7[%swap3A_122, %swap3A_123] {strides = array<i32>} : memref<128x16xf32, #tpu.memory_space<vmem>>, vector<1x16xf32>,
    %swap3A_125 = vector.shape_cast %swap3A_124 : vector<1x16xf32> to vector<16xf32>
    %swap3A_126 = vector.shape_cast %broadcast_in_dim3A_120 : vector<16xf32> to vector<1x16xf32>
    tpu.vector_store %arg7[%swap3A_122, %swap3A_123], %swap3A_126 {strides = array<i32>} : memref<128x16xf32, #tpu.memory_space<vmem>>, vector<1x16xf32>,
    %broadcast_in_dim3A_127 = arith.constant 0.000000e+00 : f32
    %broadcast_in_dim3A_128 = vector.broadcast %broadcast_in_dim3A_127 : f32 to vector<16xf32>
    %swap3A_129 = arith.constant 16 : i32
    %swap3A_130 = arith.index_cast %swap3A_129 : i32 to index
    %swap3A_131 = arith.constant 0 : index
    %swap3A_132 = tpu.vector_load %arg7[%swap3A_130, %swap3A_131] {strides = array<i32>} : memref<128x16xf32, #tpu.memory_space<vmem>>, vector<1x16xf32>,
    %swap3A_133 = vector.shape_cast %swap3A_132 : vector<1x16xf32> to vector<16xf32>
    %swap3A_134 = vector.shape_cast %broadcast_in_dim3A_128 : vector<16xf32> to vector<1x16xf32>
    tpu.vector_store %arg7[%swap3A_130, %swap3A_131], %swap3A_134 {strides = array<i32>} : memref<128x16xf32, #tpu.memory_space<vmem>>, vector<1x16xf32>,
    %broadcast_in_dim3A_135 = arith.constant 0.000000e+00 : f32
    %broadcast_in_dim3A_136 = vector.broadcast %broadcast_in_dim3A_135 : f32 to vector<16xf32>
    %swap3A_137 = arith.constant 17 : i32
    %swap3A_138 = arith.index_cast %swap3A_137 : i32 to index
    %swap3A_139 = arith.constant 0 : index
    %swap3A_140 = tpu.vector_load %arg7[%swap3A_138, %swap3A_139] {strides = array<i32>} : memref<128x16xf32, #tpu.memory_space<vmem>>, vector<1x16xf32>,
    %swap3A_141 = vector.shape_cast %swap3A_140 : vector<1x16xf32> to vector<16xf32>
    %swap3A_142 = vector.shape_cast %broadcast_in_dim3A_136 : vector<16xf32> to vector<1x16xf32>
    tpu.vector_store %arg7[%swap3A_138, %swap3A_139], %swap3A_142 {strides = array<i32>} : memref<128x16xf32, #tpu.memory_space<vmem>>, vector<1x16xf32>,
    %broadcast_in_dim3A_143 = arith.constant 0.000000e+00 : f32
    %broadcast_in_dim3A_144 = vector.broadcast %broadcast_in_dim3A_143 : f32 to vector<16xf32>
    %swap3A_145 = arith.constant 18 : i32
    %swap3A_146 = arith.index_cast %swap3A_145 : i32 to index
    %swap3A_147 = arith.constant 0 : index
    %swap3A_148 = tpu.vector_load %arg7[%swap3A_146, %swap3A_147] {strides = array<i32>} : memref<128x16xf32, #tpu.memory_space<vmem>>, vector<1x16xf32>,
    %swap3A_149 = vector.shape_cast %swap3A_148 : vector<1x16xf32> to vector<16xf32>
    %swap3A_150 = vector.shape_cast %broadcast_in_dim3A_144 : vector<16xf32> to vector<1x16xf32>
    tpu.vector_store %arg7[%swap3A_146, %swap3A_147], %swap3A_150 {strides = array<i32>} : memref<128x16xf32, #tpu.memory_space<vmem>>, vector<1x16xf32>,
    %broadcast_in_dim3A_151 = arith.constant 0.000000e+00 : f32
    %broadcast_in_dim3A_152 = vector.broadcast %broadcast_in_dim3A_151 : f32 to vector<16xf32>
    %swap3A_153 = arith.constant 19 : i32
    %swap3A_154 = arith.index_cast %swap3A_153 : i32 to index
    %swap3A_155 = arith.constant 0 : index
    %swap3A_156 = tpu.vector_load %arg7[%swap3A_154, %swap3A_155] {strides = array<i32>} : memref<128x16xf32, #tpu.memory_space<vmem>>, vector<1x16xf32>,
    %swap3A_157 = vector.shape_cast %swap3A_156 : vector<1x16xf32> to vector<16xf32>
    %swap3A_158 = vector.shape_cast %broadcast_in_dim3A_152 : vector<16xf32> to vector<1x16xf32>
    tpu.vector_store %arg7[%swap3A_154, %swap3A_155], %swap3A_158 {strides = array<i32>} : memref<128x16xf32, #tpu.memory_space<vmem>>, vector<1x16xf32>,
    %broadcast_in_dim3A_159 = arith.constant 0.000000e+00 : f32
    %broadcast_in_dim3A_160 = vector.broadcast %broadcast_in_dim3A_159 : f32 to vector<16xf32>
    %swap3A_161 = arith.constant 20 : i32
    %swap3A_162 = arith.index_cast %swap3A_161 : i32 to index
    %swap3A_163 = arith.constant 0 : index
    %swap3A_164 = tpu.vector_load %arg7[%swap3A_162, %swap3A_163] {strides = array<i32>} : memref<128x16xf32, #tpu.memory_space<vmem>>, vector<1x16xf32>,
    %swap3A_165 = vector.shape_cast %swap3A_164 : vector<1x16xf32> to vector<16xf32>
    %swap3A_166 = vector.shape_cast %broadcast_in_dim3A_160 : vector<16xf32> to vector<1x16xf32>
    tpu.vector_store %arg7[%swap3A_162, %swap3A_163], %swap3A_166 {strides = array<i32>} : memref<128x16xf32, #tpu.memory_space<vmem>>, vector<1x16xf32>,
    %broadcast_in_dim3A_167 = arith.constant 0.000000e+00 : f32
    %broadcast_in_dim3A_168 = vector.broadcast %broadcast_in_dim3A_167 : f32 to vector<16xf32>
    %swap3A_169 = arith.constant 21 : i32
    %swap3A_170 = arith.index_cast %swap3A_169 : i32 to index
    %swap3A_171 = arith.constant 0 : index
    %swap3A_172 = tpu.vector_load %arg7[%swap3A_170, %swap3A_171] {strides = array<i32>} : memref<128x16xf32, #tpu.memory_space<vmem>>, vector<1x16xf32>,
    %swap3A_173 = vector.shape_cast %swap3A_172 : vector<1x16xf32> to vector<16xf32>
    %swap3A_174 = vector.shape_cast %broadcast_in_dim3A_168 : vector<16xf32> to vector<1x16xf32>
    tpu.vector_store %arg7[%swap3A_170, %swap3A_171], %swap3A_174 {strides = array<i32>} : memref<128x16xf32, #tpu.memory_space<vmem>>, vector<1x16xf32>,
    %broadcast_in_dim3A_175 = arith.constant 0.000000e+00 : f32
    %broadcast_in_dim3A_176 = vector.broadcast %broadcast_in_dim3A_175 : f32 to vector<16xf32>
    %swap3A_177 = arith.constant 22 : i32
    %swap3A_178 = arith.index_cast %swap3A_177 : i32 to index
    %swap3A_179 = arith.constant 0 : index
    %swap3A_180 = tpu.vector_load %arg7[%swap3A_178, %swap3A_179] {strides = array<i32>} : memref<128x16xf32, #tpu.memory_space<vmem>>, vector<1x16xf32>,
    %swap3A_181 = vector.shape_cast %swap3A_180 : vector<1x16xf32> to vector<16xf32>
    %swap3A_182 = vector.shape_cast %broadcast_in_dim3A_176 : vector<16xf32> to vector<1x16xf32>
    tpu.vector_store %arg7[%swap3A_178, %swap3A_179], %swap3A_182 {strides = array<i32>} : memref<128x16xf32, #tpu.memory_space<vmem>>, vector<1x16xf32>,
    %broadcast_in_dim3A_183 = arith.constant 0.000000e+00 : f32
    %broadcast_in_dim3A_184 = vector.broadcast %broadcast_in_dim3A_183 : f32 to vector<16xf32>
    %swap3A_185 = arith.constant 23 : i32
    %swap3A_186 = arith.index_cast %swap3A_185 : i32 to index
    %swap3A_187 = arith.constant 0 : index
    %swap3A_188 = tpu.vector_load %arg7[%swap3A_186, %swap3A_187] {strides = array<i32>} : memref<128x16xf32, #tpu.memory_space<vmem>>, vector<1x16xf32>,
    %swap3A_189 = vector.shape_cast %swap3A_188 : vector<1x16xf32> to vector<16xf32>
    %swap3A_190 = vector.shape_cast %broadcast_in_dim3A_184 : vector<16xf32> to vector<1x16xf32>
    tpu.vector_store %arg7[%swap3A_186, %swap3A_187], %swap3A_190 {strides = array<i32>} : memref<128x16xf32, #tpu.memory_space<vmem>>, vector<1x16xf32>,
    %broadcast_in_dim3A_191 = arith.constant 0.000000e+00 : f32
    %broadcast_in_dim3A_192 = vector.broadcast %broadcast_in_dim3A_191 : f32 to vector<16xf32>
    %swap3A_193 = arith.constant 24 : i32
    %swap3A_194 = arith.index_cast %swap3A_193 : i32 to index
    %swap3A_195 = arith.constant 0 : index
    %swap3A_196 = tpu.vector_load %arg7[%swap3A_194, %swap3A_195] {strides = array<i32>} : memref<128x16xf32, #tpu.memory_space<vmem>>, vector<1x16xf32>,
    %swap3A_197 = vector.shape_cast %swap3A_196 : vector<1x16xf32> to vector<16xf32>
    %swap3A_198 = vector.shape_cast %broadcast_in_dim3A_192 : vector<16xf32> to vector<1x16xf32>
    tpu.vector_store %arg7[%swap3A_194, %swap3A_195], %swap3A_198 {strides = array<i32>} : memref<128x16xf32, #tpu.memory_space<vmem>>, vector<1x16xf32>,
    %broadcast_in_dim3A_199 = arith.constant 0.000000e+00 : f32
    %broadcast_in_dim3A_200 = vector.broadcast %broadcast_in_dim3A_199 : f32 to vector<16xf32>
    %swap3A_201 = arith.constant 25 : i32
    %swap3A_202 = arith.index_cast %swap3A_201 : i32 to index
    %swap3A_203 = arith.constant 0 : index
    %swap3A_204 = tpu.vector_load %arg7[%swap3A_202, %swap3A_203] {strides = array<i32>} : memref<128x16xf32, #tpu.memory_space<vmem>>, vector<1x16xf32>,
    %swap3A_205 = vector.shape_cast %swap3A_204 : vector<1x16xf32> to vector<16xf32>
    %swap3A_206 = vector.shape_cast %broadcast_in_dim3A_200 : vector<16xf32> to vector<1x16xf32>
    tpu.vector_store %arg7[%swap3A_202, %swap3A_203], %swap3A_206 {strides = array<i32>} : memref<128x16xf32, #tpu.memory_space<vmem>>, vector<1x16xf32>,
    %broadcast_in_dim3A_207 = arith.constant 0.000000e+00 : f32
    %broadcast_in_dim3A_208 = vector.broadcast %broadcast_in_dim3A_207 : f32 to vector<16xf32>
    %swap3A_209 = arith.constant 26 : i32
    %swap3A_210 = arith.index_cast %swap3A_209 : i32 to index
    %swap3A_211 = arith.constant 0 : index
    %swap3A_212 = tpu.vector_load %arg7[%swap3A_210, %swap3A_211] {strides = array<i32>} : memref<128x16xf32, #tpu.memory_space<vmem>>, vector<1x16xf32>,
    %swap3A_213 = vector.shape_cast %swap3A_212 : vector<1x16xf32> to vector<16xf32>
    %swap3A_214 = vector.shape_cast %broadcast_in_dim3A_208 : vector<16xf32> to vector<1x16xf32>
    tpu.vector_store %arg7[%swap3A_210, %swap3A_211], %swap3A_214 {strides = array<i32>} : memref<128x16xf32, #tpu.memory_space<vmem>>, vector<1x16xf32>,
    %broadcast_in_dim3A_215 = arith.constant 0.000000e+00 : f32
    %broadcast_in_dim3A_216 = vector.broadcast %broadcast_in_dim3A_215 : f32 to vector<16xf32>
    %swap3A_217 = arith.constant 27 : i32
    %swap3A_218 = arith.index_cast %swap3A_217 : i32 to index
    %swap3A_219 = arith.constant 0 : index
    %swap3A_220 = tpu.vector_load %arg7[%swap3A_218, %swap3A_219] {strides = array<i32>} : memref<128x16xf32, #tpu.memory_space<vmem>>, vector<1x16xf32>,
    %swap3A_221 = vector.shape_cast %swap3A_220 : vector<1x16xf32> to vector<16xf32>
    %swap3A_222 = vector.shape_cast %broadcast_in_dim3A_216 : vector<16xf32> to vector<1x16xf32>
    tpu.vector_store %arg7[%swap3A_218, %swap3A_219], %swap3A_222 {strides = array<i32>} : memref<128x16xf32, #tpu.memory_space<vmem>>, vector<1x16xf32>,
    %broadcast_in_dim3A_223 = arith.constant 0.000000e+00 : f32
    %broadcast_in_dim3A_224 = vector.broadcast %broadcast_in_dim3A_223 : f32 to vector<16xf32>
    %swap3A_225 = arith.constant 28 : i32
    %swap3A_226 = arith.index_cast %swap3A_225 : i32 to index
    %swap3A_227 = arith.constant 0 : index
    %swap3A_228 = tpu.vector_load %arg7[%swap3A_226, %swap3A_227] {strides = array<i32>} : memref<128x16xf32, #tpu.memory_space<vmem>>, vector<1x16xf32>,
    %swap3A_229 = vector.shape_cast %swap3A_228 : vector<1x16xf32> to vector<16xf32>
    %swap3A_230 = vector.shape_cast %broadcast_in_dim3A_224 : vector<16xf32> to vector<1x16xf32>
    tpu.vector_store %arg7[%swap3A_226, %swap3A_227], %swap3A_230 {strides = array<i32>} : memref<128x16xf32, #tpu.memory_space<vmem>>, vector<1x16xf32>,
    %broadcast_in_dim3A_231 = arith.constant 0.000000e+00 : f32
    %broadcast_in_dim3A_232 = vector.broadcast %broadcast_in_dim3A_231 : f32 to vector<16xf32>
    %swap3A_233 = arith.constant 29 : i32
    %swap3A_234 = arith.index_cast %swap3A_233 : i32 to index
    %swap3A_235 = arith.constant 0 : index
    %swap3A_236 = tpu.vector_load %arg7[%swap3A_234, %swap3A_235] {strides = array<i32>} : memref<128x16xf32, #tpu.memory_space<vmem>>, vector<1x16xf32>,
    %swap3A_237 = vector.shape_cast %swap3A_236 : vector<1x16xf32> to vector<16xf32>
    %swap3A_238 = vector.shape_cast %broadcast_in_dim3A_232 : vector<16xf32> to vector<1x16xf32>
    tpu.vector_store %arg7[%swap3A_234, %swap3A_235], %swap3A_238 {strides = array<i32>} : memref<128x16xf32, #tpu.memory_space<vmem>>, vector<1x16xf32>,
    %broadcast_in_dim3A_239 = arith.constant 0.000000e+00 : f32
    %broadcast_in_dim3A_240 = vector.broadcast %broadcast_in_dim3A_239 : f32 to vector<16xf32>
    %swap3A_241 = arith.constant 30 : i32
    %swap3A_242 = arith.index_cast %swap3A_241 : i32 to index
    %swap3A_243 = arith.constant 0 : index
    %swap3A_244 = tpu.vector_load %arg7[%swap3A_242, %swap3A_243] {strides = array<i32>} : memref<128x16xf32, #tpu.memory_space<vmem>>, vector<1x16xf32>,
    %swap3A_245 = vector.shape_cast %swap3A_244 : vector<1x16xf32> to vector<16xf32>
    %swap3A_246 = vector.shape_cast %broadcast_in_dim3A_240 : vector<16xf32> to vector<1x16xf32>
    tpu.vector_store %arg7[%swap3A_242, %swap3A_243], %swap3A_246 {strides = array<i32>} : memref<128x16xf32, #tpu.memory_space<vmem>>, vector<1x16xf32>,
    %broadcast_in_dim3A_247 = arith.constant 0.000000e+00 : f32
    %broadcast_in_dim3A_248 = vector.broadcast %broadcast_in_dim3A_247 : f32 to vector<16xf32>
    %swap3A_249 = arith.constant 31 : i32
    %swap3A_250 = arith.index_cast %swap3A_249 : i32 to index
    %swap3A_251 = arith.constant 0 : index
    %swap3A_252 = tpu.vector_load %arg7[%swap3A_250, %swap3A_251] {strides = array<i32>} : memref<128x16xf32, #tpu.memory_space<vmem>>, vector<1x16xf32>,
    %swap3A_253 = vector.shape_cast %swap3A_252 : vector<1x16xf32> to vector<16xf32>
    %swap3A_254 = vector.shape_cast %broadcast_in_dim3A_248 : vector<16xf32> to vector<1x16xf32>
    tpu.vector_store %arg7[%swap3A_250, %swap3A_251], %swap3A_254 {strides = array<i32>} : memref<128x16xf32, #tpu.memory_space<vmem>>, vector<1x16xf32>,
    %broadcast_in_dim3A_255 = arith.constant 0.000000e+00 : f32
    %broadcast_in_dim3A_256 = vector.broadcast %broadcast_in_dim3A_255 : f32 to vector<16xf32>
    %swap3A_257 = arith.constant 32 : i32
    %swap3A_258 = arith.index_cast %swap3A_257 : i32 to index
    %swap3A_259 = arith.constant 0 : index
    %swap3A_260 = tpu.vector_load %arg7[%swap3A_258, %swap3A_259] {strides = array<i32>} : memref<128x16xf32, #tpu.memory_space<vmem>>, vector<1x16xf32>,
    %swap3A_261 = vector.shape_cast %swap3A_260 : vector<1x16xf32> to vector<16xf32>
    %swap3A_262 = vector.shape_cast %broadcast_in_dim3A_256 : vector<16xf32> to vector<1x16xf32>
    tpu.vector_store %arg7[%swap3A_258, %swap3A_259], %swap3A_262 {strides = array<i32>} : memref<128x16xf32, #tpu.memory_space<vmem>>, vector<1x16xf32>,
    %broadcast_in_dim3A_263 = arith.constant 0.000000e+00 : f32
    %broadcast_in_dim3A_264 = vector.broadcast %broadcast_in_dim3A_263 : f32 to vector<16xf32>
    %swap3A_265 = arith.constant 33 : i32
    %swap3A_266 = arith.index_cast %swap3A_265 : i32 to index
    %swap3A_267 = arith.constant 0 : index
    %swap3A_268 = tpu.vector_load %arg7[%swap3A_266, %swap3A_267] {strides = array<i32>} : memref<128x16xf32, #tpu.memory_space<vmem>>, vector<1x16xf32>,
    %swap3A_269 = vector.shape_cast %swap3A_268 : vector<1x16xf32> to vector<16xf32>
    %swap3A_270 = vector.shape_cast %broadcast_in_dim3A_264 : vector<16xf32> to vector<1x16xf32>
    tpu.vector_store %arg7[%swap3A_266, %swap3A_267], %swap3A_270 {strides = array<i32>} : memref<128x16xf32, #tpu.memory_space<vmem>>, vector<1x16xf32>,
    %broadcast_in_dim3A_271 = arith.constant 0.000000e+00 : f32
    %broadcast_in_dim3A_272 = vector.broadcast %broadcast_in_dim3A_271 : f32 to vector<16xf32>
    %swap3A_273 = arith.constant 34 : i32
    %swap3A_274 = arith.index_cast %swap3A_273 : i32 to index
    %swap3A_275 = arith.constant 0 : index
    %swap3A_276 = tpu.vector_load %arg7[%swap3A_274, %swap3A_275] {strides = array<i32>} : memref<128x16xf32, #tpu.memory_space<vmem>>, vector<1x16xf32>,
    %swap3A_277 = vector.shape_cast %swap3A_276 : vector<1x16xf32> to vector<16xf32>
    %swap3A_278 = vector.shape_cast %broadcast_in_dim3A_272 : vector<16xf32> to vector<1x16xf32>
    tpu.vector_store %arg7[%swap3A_274, %swap3A_275], %swap3A_278 {strides = array<i32>} : memref<128x16xf32, #tpu.memory_space<vmem>>, vector<1x16xf32>,
    %broadcast_in_dim3A_279 = arith.constant 0.000000e+00 : f32
    %broadcast_in_dim3A_280 = vector.broadcast %broadcast_in_dim3A_279 : f32 to vector<16xf32>
    %swap3A_281 = arith.constant 35 : i32
    %swap3A_282 = arith.index_cast %swap3A_281 : i32 to index
    %swap3A_283 = arith.constant 0 : index
    %swap3A_284 = tpu.vector_load %arg7[%swap3A_282, %swap3A_283] {strides = array<i32>} : memref<128x16xf32, #tpu.memory_space<vmem>>, vector<1x16xf32>,
    %swap3A_285 = vector.shape_cast %swap3A_284 : vector<1x16xf32> to vector<16xf32>
    %swap3A_286 = vector.shape_cast %broadcast_in_dim3A_280 : vector<16xf32> to vector<1x16xf32>
    tpu.vector_store %arg7[%swap3A_282, %swap3A_283], %swap3A_286 {strides = array<i32>} : memref<128x16xf32, #tpu.memory_space<vmem>>, vector<1x16xf32>,
    %broadcast_in_dim3A_287 = arith.constant 0.000000e+00 : f32
    %broadcast_in_dim3A_288 = vector.broadcast %broadcast_in_dim3A_287 : f32 to vector<16xf32>
    %swap3A_289 = arith.constant 36 : i32
    %swap3A_290 = arith.index_cast %swap3A_289 : i32 to index
    %swap3A_291 = arith.constant 0 : index
    %swap3A_292 = tpu.vector_load %arg7[%swap3A_290, %swap3A_291] {strides = array<i32>} : memref<128x16xf32, #tpu.memory_space<vmem>>, vector<1x16xf32>,
    %swap3A_293 = vector.shape_cast %swap3A_292 : vector<1x16xf32> to vector<16xf32>
    %swap3A_294 = vector.shape_cast %broadcast_in_dim3A_288 : vector<16xf32> to vector<1x16xf32>
    tpu.vector_store %arg7[%swap3A_290, %swap3A_291], %swap3A_294 {strides = array<i32>} : memref<128x16xf32, #tpu.memory_space<vmem>>, vector<1x16xf32>,
    %broadcast_in_dim3A_295 = arith.constant 0.000000e+00 : f32
    %broadcast_in_dim3A_296 = vector.broadcast %broadcast_in_dim3A_295 : f32 to vector<16xf32>
    %swap3A_297 = arith.constant 37 : i32
    %swap3A_298 = arith.index_cast %swap3A_297 : i32 to index
    %swap3A_299 = arith.constant 0 : index
    %swap3A_300 = tpu.vector_load %arg7[%swap3A_298, %swap3A_299] {strides = array<i32>} : memref<128x16xf32, #tpu.memory_space<vmem>>, vector<1x16xf32>,
    %swap3A_301 = vector.shape_cast %swap3A_300 : vector<1x16xf32> to vector<16xf32>
    %swap3A_302 = vector.shape_cast %broadcast_in_dim3A_296 : vector<16xf32> to vector<1x16xf32>
    tpu.vector_store %arg7[%swap3A_298, %swap3A_299], %swap3A_302 {strides = array<i32>} : memref<128x16xf32, #tpu.memory_space<vmem>>, vector<1x16xf32>,
    %broadcast_in_dim3A_303 = arith.constant 0.000000e+00 : f32
    %broadcast_in_dim3A_304 = vector.broadcast %broadcast_in_dim3A_303 : f32 to vector<16xf32>
    %swap3A_305 = arith.constant 38 : i32
    %swap3A_306 = arith.index_cast %swap3A_305 : i32 to index
    %swap3A_307 = arith.constant 0 : index
    %swap3A_308 = tpu.vector_load %arg7[%swap3A_306, %swap3A_307] {strides = array<i32>} : memref<128x16xf32, #tpu.memory_space<vmem>>, vector<1x16xf32>,
    %swap3A_309 = vector.shape_cast %swap3A_308 : vector<1x16xf32> to vector<16xf32>
    %swap3A_310 = vector.shape_cast %broadcast_in_dim3A_304 : vector<16xf32> to vector<1x16xf32>
    tpu.vector_store %arg7[%swap3A_306, %swap3A_307], %swap3A_310 {strides = array<i32>} : memref<128x16xf32, #tpu.memory_space<vmem>>, vector<1x16xf32>,
    %broadcast_in_dim3A_311 = arith.constant 0.000000e+00 : f32
    %broadcast_in_dim3A_312 = vector.broadcast %broadcast_in_dim3A_311 : f32 to vector<16xf32>
    %swap3A_313 = arith.constant 39 : i32
    %swap3A_314 = arith.index_cast %swap3A_313 : i32 to index
    %swap3A_315 = arith.constant 0 : index
    %swap3A_316 = tpu.vector_load %arg7[%swap3A_314, %swap3A_315] {strides = array<i32>} : memref<128x16xf32, #tpu.memory_space<vmem>>, vector<1x16xf32>,
    %swap3A_317 = vector.shape_cast %swap3A_316 : vector<1x16xf32> to vector<16xf32>
    %swap3A_318 = vector.shape_cast %broadcast_in_dim3A_312 : vector<16xf32> to vector<1x16xf32>
    tpu.vector_store %arg7[%swap3A_314, %swap3A_315], %swap3A_318 {strides = array<i32>} : memref<128x16xf32, #tpu.memory_space<vmem>>, vector<1x16xf32>,
    %broadcast_in_dim3A_319 = arith.constant 0.000000e+00 : f32
    %broadcast_in_dim3A_320 = vector.broadcast %broadcast_in_dim3A_319 : f32 to vector<16xf32>
    %swap3A_321 = arith.constant 40 : i32
    %swap3A_322 = arith.index_cast %swap3A_321 : i32 to index
    %swap3A_323 = arith.constant 0 : index
    %swap3A_324 = tpu.vector_load %arg7[%swap3A_322, %swap3A_323] {strides = array<i32>} : memref<128x16xf32, #tpu.memory_space<vmem>>, vector<1x16xf32>,
    %swap3A_325 = vector.shape_cast %swap3A_324 : vector<1x16xf32> to vector<16xf32>
    %swap3A_326 = vector.shape_cast %broadcast_in_dim3A_320 : vector<16xf32> to vector<1x16xf32>
    tpu.vector_store %arg7[%swap3A_322, %swap3A_323], %swap3A_326 {strides = array<i32>} : memref<128x16xf32, #tpu.memory_space<vmem>>, vector<1x16xf32>,
    %broadcast_in_dim3A_327 = arith.constant 0.000000e+00 : f32
    %broadcast_in_dim3A_328 = vector.broadcast %broadcast_in_dim3A_327 : f32 to vector<16xf32>
    %swap3A_329 = arith.constant 41 : i32
    %swap3A_330 = arith.index_cast %swap3A_329 : i32 to index
    %swap3A_331 = arith.constant 0 : index
    %swap3A_332 = tpu.vector_load %arg7[%swap3A_330, %swap3A_331] {strides = array<i32>} : memref<128x16xf32, #tpu.memory_space<vmem>>, vector<1x16xf32>,
    %swap3A_333 = vector.shape_cast %swap3A_332 : vector<1x16xf32> to vector<16xf32>
    %swap3A_334 = vector.shape_cast %broadcast_in_dim3A_328 : vector<16xf32> to vector<1x16xf32>
    tpu.vector_store %arg7[%swap3A_330, %swap3A_331], %swap3A_334 {strides = array<i32>} : memref<128x16xf32, #tpu.memory_space<vmem>>, vector<1x16xf32>,
    %broadcast_in_dim3A_335 = arith.constant 0.000000e+00 : f32
    %broadcast_in_dim3A_336 = vector.broadcast %broadcast_in_dim3A_335 : f32 to vector<16xf32>
    %swap3A_337 = arith.constant 42 : i32
    %swap3A_338 = arith.index_cast %swap3A_337 : i32 to index
    %swap3A_339 = arith.constant 0 : index
    %swap3A_340 = tpu.vector_load %arg7[%swap3A_338, %swap3A_339] {strides = array<i32>} : memref<128x16xf32, #tpu.memory_space<vmem>>, vector<1x16xf32>,
    %swap3A_341 = vector.shape_cast %swap3A_340 : vector<1x16xf32> to vector<16xf32>
    %swap3A_342 = vector.shape_cast %broadcast_in_dim3A_336 : vector<16xf32> to vector<1x16xf32>
    tpu.vector_store %arg7[%swap3A_338, %swap3A_339], %swap3A_342 {strides = array<i32>} : memref<128x16xf32, #tpu.memory_space<vmem>>, vector<1x16xf32>,
    %broadcast_in_dim3A_343 = arith.constant 0.000000e+00 : f32
    %broadcast_in_dim3A_344 = vector.broadcast %broadcast_in_dim3A_343 : f32 to vector<16xf32>
    %swap3A_345 = arith.constant 43 : i32
    %swap3A_346 = arith.index_cast %swap3A_345 : i32 to index
    %swap3A_347 = arith.constant 0 : index
    %swap3A_348 = tpu.vector_load %arg7[%swap3A_346, %swap3A_347] {strides = array<i32>} : memref<128x16xf32, #tpu.memory_space<vmem>>, vector<1x16xf32>,
    %swap3A_349 = vector.shape_cast %swap3A_348 : vector<1x16xf32> to vector<16xf32>
    %swap3A_350 = vector.shape_cast %broadcast_in_dim3A_344 : vector<16xf32> to vector<1x16xf32>
    tpu.vector_store %arg7[%swap3A_346, %swap3A_347], %swap3A_350 {strides = array<i32>} : memref<128x16xf32, #tpu.memory_space<vmem>>, vector<1x16xf32>,
    %broadcast_in_dim3A_351 = arith.constant 0.000000e+00 : f32
    %broadcast_in_dim3A_352 = vector.broadcast %broadcast_in_dim3A_351 : f32 to vector<16xf32>
    %swap3A_353 = arith.constant 44 : i32
    %swap3A_354 = arith.index_cast %swap3A_353 : i32 to index
    %swap3A_355 = arith.constant 0 : index
    %swap3A_356 = tpu.vector_load %arg7[%swap3A_354, %swap3A_355] {strides = array<i32>} : memref<128x16xf32, #tpu.memory_space<vmem>>, vector<1x16xf32>,
    %swap3A_357 = vector.shape_cast %swap3A_356 : vector<1x16xf32> to vector<16xf32>
    %swap3A_358 = vector.shape_cast %broadcast_in_dim3A_352 : vector<16xf32> to vector<1x16xf32>
    tpu.vector_store %arg7[%swap3A_354, %swap3A_355], %swap3A_358 {strides = array<i32>} : memref<128x16xf32, #tpu.memory_space<vmem>>, vector<1x16xf32>,
    %broadcast_in_dim3A_359 = arith.constant 0.000000e+00 : f32
    %broadcast_in_dim3A_360 = vector.broadcast %broadcast_in_dim3A_359 : f32 to vector<16xf32>
    %swap3A_361 = arith.constant 45 : i32
    %swap3A_362 = arith.index_cast %swap3A_361 : i32 to index
    %swap3A_363 = arith.constant 0 : index
    %swap3A_364 = tpu.vector_load %arg7[%swap3A_362, %swap3A_363] {strides = array<i32>} : memref<128x16xf32, #tpu.memory_space<vmem>>, vector<1x16xf32>,
    %swap3A_365 = vector.shape_cast %swap3A_364 : vector<1x16xf32> to vector<16xf32>
    %swap3A_366 = vector.shape_cast %broadcast_in_dim3A_360 : vector<16xf32> to vector<1x16xf32>
    tpu.vector_store %arg7[%swap3A_362, %swap3A_363], %swap3A_366 {strides = array<i32>} : memref<128x16xf32, #tpu.memory_space<vmem>>, vector<1x16xf32>,
    %broadcast_in_dim3A_367 = arith.constant 0.000000e+00 : f32
    %broadcast_in_dim3A_368 = vector.broadcast %broadcast_in_dim3A_367 : f32 to vector<16xf32>
    %swap3A_369 = arith.constant 46 : i32
    %swap3A_370 = arith.index_cast %swap3A_369 : i32 to index
    %swap3A_371 = arith.constant 0 : index
    %swap3A_372 = tpu.vector_load %arg7[%swap3A_370, %swap3A_371] {strides = array<i32>} : memref<128x16xf32, #tpu.memory_space<vmem>>, vector<1x16xf32>,
    %swap3A_373 = vector.shape_cast %swap3A_372 : vector<1x16xf32> to vector<16xf32>
    %swap3A_374 = vector.shape_cast %broadcast_in_dim3A_368 : vector<16xf32> to vector<1x16xf32>
    tpu.vector_store %arg7[%swap3A_370, %swap3A_371], %swap3A_374 {strides = array<i32>} : memref<128x16xf32, #tpu.memory_space<vmem>>, vector<1x16xf32>,
    %broadcast_in_dim3A_375 = arith.constant 0.000000e+00 : f32
    %broadcast_in_dim3A_376 = vector.broadcast %broadcast_in_dim3A_375 : f32 to vector<16xf32>
    %swap3A_377 = arith.constant 47 : i32
    %swap3A_378 = arith.index_cast %swap3A_377 : i32 to index
    %swap3A_379 = arith.constant 0 : index
    %swap3A_380 = tpu.vector_load %arg7[%swap3A_378, %swap3A_379] {strides = array<i32>} : memref<128x16xf32, #tpu.memory_space<vmem>>, vector<1x16xf32>,
    %swap3A_381 = vector.shape_cast %swap3A_380 : vector<1x16xf32> to vector<16xf32>
    %swap3A_382 = vector.shape_cast %broadcast_in_dim3A_376 : vector<16xf32> to vector<1x16xf32>
    tpu.vector_store %arg7[%swap3A_378, %swap3A_379], %swap3A_382 {strides = array<i32>} : memref<128x16xf32, #tpu.memory_space<vmem>>, vector<1x16xf32>,
    %broadcast_in_dim3A_383 = arith.constant 0.000000e+00 : f32
    %broadcast_in_dim3A_384 = vector.broadcast %broadcast_in_dim3A_383 : f32 to vector<16xf32>
    %swap3A_385 = arith.constant 48 : i32
    %swap3A_386 = arith.index_cast %swap3A_385 : i32 to index
    %swap3A_387 = arith.constant 0 : index
    %swap3A_388 = tpu.vector_load %arg7[%swap3A_386, %swap3A_387] {strides = array<i32>} : memref<128x16xf32, #tpu.memory_space<vmem>>, vector<1x16xf32>,
    %swap3A_389 = vector.shape_cast %swap3A_388 : vector<1x16xf32> to vector<16xf32>
    %swap3A_390 = vector.shape_cast %broadcast_in_dim3A_384 : vector<16xf32> to vector<1x16xf32>
    tpu.vector_store %arg7[%swap3A_386, %swap3A_387], %swap3A_390 {strides = array<i32>} : memref<128x16xf32, #tpu.memory_space<vmem>>, vector<1x16xf32>,
    %broadcast_in_dim3A_391 = arith.constant 0.000000e+00 : f32
    %broadcast_in_dim3A_392 = vector.broadcast %broadcast_in_dim3A_391 : f32 to vector<16xf32>
    %swap3A_393 = arith.constant 49 : i32
    %swap3A_394 = arith.index_cast %swap3A_393 : i32 to index
    %swap3A_395 = arith.constant 0 : index
    %swap3A_396 = tpu.vector_load %arg7[%swap3A_394, %swap3A_395] {strides = array<i32>} : memref<128x16xf32, #tpu.memory_space<vmem>>, vector<1x16xf32>,
    %swap3A_397 = vector.shape_cast %swap3A_396 : vector<1x16xf32> to vector<16xf32>
    %swap3A_398 = vector.shape_cast %broadcast_in_dim3A_392 : vector<16xf32> to vector<1x16xf32>
    tpu.vector_store %arg7[%swap3A_394, %swap3A_395], %swap3A_398 {strides = array<i32>} : memref<128x16xf32, #tpu.memory_space<vmem>>, vector<1x16xf32>,
    %broadcast_in_dim3A_399 = arith.constant 0.000000e+00 : f32
    %broadcast_in_dim3A_400 = vector.broadcast %broadcast_in_dim3A_399 : f32 to vector<16xf32>
    %swap3A_401 = arith.constant 50 : i32
    %swap3A_402 = arith.index_cast %swap3A_401 : i32 to index
    %swap3A_403 = arith.constant 0 : index
    %swap3A_404 = tpu.vector_load %arg7[%swap3A_402, %swap3A_403] {strides = array<i32>} : memref<128x16xf32, #tpu.memory_space<vmem>>, vector<1x16xf32>,
    %swap3A_405 = vector.shape_cast %swap3A_404 : vector<1x16xf32> to vector<16xf32>
    %swap3A_406 = vector.shape_cast %broadcast_in_dim3A_400 : vector<16xf32> to vector<1x16xf32>
    tpu.vector_store %arg7[%swap3A_402, %swap3A_403], %swap3A_406 {strides = array<i32>} : memref<128x16xf32, #tpu.memory_space<vmem>>, vector<1x16xf32>,
    %broadcast_in_dim3A_407 = arith.constant 0.000000e+00 : f32
    %broadcast_in_dim3A_408 = vector.broadcast %broadcast_in_dim3A_407 : f32 to vector<16xf32>
    %swap3A_409 = arith.constant 51 : i32
    %swap3A_410 = arith.index_cast %swap3A_409 : i32 to index
    %swap3A_411 = arith.constant 0 : index
    %swap3A_412 = tpu.vector_load %arg7[%swap3A_410, %swap3A_411] {strides = array<i32>} : memref<128x16xf32, #tpu.memory_space<vmem>>, vector<1x16xf32>,
    %swap3A_413 = vector.shape_cast %swap3A_412 : vector<1x16xf32> to vector<16xf32>
    %swap3A_414 = vector.shape_cast %broadcast_in_dim3A_408 : vector<16xf32> to vector<1x16xf32>
    tpu.vector_store %arg7[%swap3A_410, %swap3A_411], %swap3A_414 {strides = array<i32>} : memref<128x16xf32, #tpu.memory_space<vmem>>, vector<1x16xf32>,
    %broadcast_in_dim3A_415 = arith.constant 0.000000e+00 : f32
    %broadcast_in_dim3A_416 = vector.broadcast %broadcast_in_dim3A_415 : f32 to vector<16xf32>
    %swap3A_417 = arith.constant 52 : i32
    %swap3A_418 = arith.index_cast %swap3A_417 : i32 to index
    %swap3A_419 = arith.constant 0 : index
    %swap3A_420 = tpu.vector_load %arg7[%swap3A_418, %swap3A_419] {strides = array<i32>} : memref<128x16xf32, #tpu.memory_space<vmem>>, vector<1x16xf32>,
    %swap3A_421 = vector.shape_cast %swap3A_420 : vector<1x16xf32> to vector<16xf32>
    %swap3A_422 = vector.shape_cast %broadcast_in_dim3A_416 : vector<16xf32> to vector<1x16xf32>
    tpu.vector_store %arg7[%swap3A_418, %swap3A_419], %swap3A_422 {strides = array<i32>} : memref<128x16xf32, #tpu.memory_space<vmem>>, vector<1x16xf32>,
    %broadcast_in_dim3A_423 = arith.constant 0.000000e+00 : f32
    %broadcast_in_dim3A_424 = vector.broadcast %broadcast_in_dim3A_423 : f32 to vector<16xf32>
    %swap3A_425 = arith.constant 53 : i32
    %swap3A_426 = arith.index_cast %swap3A_425 : i32 to index
    %swap3A_427 = arith.constant 0 : index
    %swap3A_428 = tpu.vector_load %arg7[%swap3A_426, %swap3A_427] {strides = array<i32>} : memref<128x16xf32, #tpu.memory_space<vmem>>, vector<1x16xf32>,
    %swap3A_429 = vector.shape_cast %swap3A_428 : vector<1x16xf32> to vector<16xf32>
    %swap3A_430 = vector.shape_cast %broadcast_in_dim3A_424 : vector<16xf32> to vector<1x16xf32>
    tpu.vector_store %arg7[%swap3A_426, %swap3A_427], %swap3A_430 {strides = array<i32>} : memref<128x16xf32, #tpu.memory_space<vmem>>, vector<1x16xf32>,
    %broadcast_in_dim3A_431 = arith.constant 0.000000e+00 : f32
    %broadcast_in_dim3A_432 = vector.broadcast %broadcast_in_dim3A_431 : f32 to vector<16xf32>
    %swap3A_433 = arith.constant 54 : i32
    %swap3A_434 = arith.index_cast %swap3A_433 : i32 to index
    %swap3A_435 = arith.constant 0 : index
    %swap3A_436 = tpu.vector_load %arg7[%swap3A_434, %swap3A_435] {strides = array<i32>} : memref<128x16xf32, #tpu.memory_space<vmem>>, vector<1x16xf32>,
    %swap3A_437 = vector.shape_cast %swap3A_436 : vector<1x16xf32> to vector<16xf32>
    %swap3A_438 = vector.shape_cast %broadcast_in_dim3A_432 : vector<16xf32> to vector<1x16xf32>
    tpu.vector_store %arg7[%swap3A_434, %swap3A_435], %swap3A_438 {strides = array<i32>} : memref<128x16xf32, #tpu.memory_space<vmem>>, vector<1x16xf32>,
    %broadcast_in_dim3A_439 = arith.constant 0.000000e+00 : f32
    %broadcast_in_dim3A_440 = vector.broadcast %broadcast_in_dim3A_439 : f32 to vector<16xf32>
    %swap3A_441 = arith.constant 55 : i32
    %swap3A_442 = arith.index_cast %swap3A_441 : i32 to index
    %swap3A_443 = arith.constant 0 : index
    %swap3A_444 = tpu.vector_load %arg7[%swap3A_442, %swap3A_443] {strides = array<i32>} : memref<128x16xf32, #tpu.memory_space<vmem>>, vector<1x16xf32>,
    %swap3A_445 = vector.shape_cast %swap3A_444 : vector<1x16xf32> to vector<16xf32>
    %swap3A_446 = vector.shape_cast %broadcast_in_dim3A_440 : vector<16xf32> to vector<1x16xf32>
    tpu.vector_store %arg7[%swap3A_442, %swap3A_443], %swap3A_446 {strides = array<i32>} : memref<128x16xf32, #tpu.memory_space<vmem>>, vector<1x16xf32>,
    %broadcast_in_dim3A_447 = arith.constant 0.000000e+00 : f32
    %broadcast_in_dim3A_448 = vector.broadcast %broadcast_in_dim3A_447 : f32 to vector<16xf32>
    %swap3A_449 = arith.constant 56 : i32
    %swap3A_450 = arith.index_cast %swap3A_449 : i32 to index
    %swap3A_451 = arith.constant 0 : index
    %swap3A_452 = tpu.vector_load %arg7[%swap3A_450, %swap3A_451] {strides = array<i32>} : memref<128x16xf32, #tpu.memory_space<vmem>>, vector<1x16xf32>,
    %swap3A_453 = vector.shape_cast %swap3A_452 : vector<1x16xf32> to vector<16xf32>
    %swap3A_454 = vector.shape_cast %broadcast_in_dim3A_448 : vector<16xf32> to vector<1x16xf32>
    tpu.vector_store %arg7[%swap3A_450, %swap3A_451], %swap3A_454 {strides = array<i32>} : memref<128x16xf32, #tpu.memory_space<vmem>>, vector<1x16xf32>,
    %broadcast_in_dim3A_455 = arith.constant 0.000000e+00 : f32
    %broadcast_in_dim3A_456 = vector.broadcast %broadcast_in_dim3A_455 : f32 to vector<16xf32>
    %swap3A_457 = arith.constant 57 : i32
    %swap3A_458 = arith.index_cast %swap3A_457 : i32 to index
    %swap3A_459 = arith.constant 0 : index
    %swap3A_460 = tpu.vector_load %arg7[%swap3A_458, %swap3A_459] {strides = array<i32>} : memref<128x16xf32, #tpu.memory_space<vmem>>, vector<1x16xf32>,
    %swap3A_461 = vector.shape_cast %swap3A_460 : vector<1x16xf32> to vector<16xf32>
    %swap3A_462 = vector.shape_cast %broadcast_in_dim3A_456 : vector<16xf32> to vector<1x16xf32>
    tpu.vector_store %arg7[%swap3A_458, %swap3A_459], %swap3A_462 {strides = array<i32>} : memref<128x16xf32, #tpu.memory_space<vmem>>, vector<1x16xf32>,
    %broadcast_in_dim3A_463 = arith.constant 0.000000e+00 : f32
    %broadcast_in_dim3A_464 = vector.broadcast %broadcast_in_dim3A_463 : f32 to vector<16xf32>
    %swap3A_465 = arith.constant 58 : i32
    %swap3A_466 = arith.index_cast %swap3A_465 : i32 to index
    %swap3A_467 = arith.constant 0 : index
    %swap3A_468 = tpu.vector_load %arg7[%swap3A_466, %swap3A_467] {strides = array<i32>} : memref<128x16xf32, #tpu.memory_space<vmem>>, vector<1x16xf32>,
    %swap3A_469 = vector.shape_cast %swap3A_468 : vector<1x16xf32> to vector<16xf32>
    %swap3A_470 = vector.shape_cast %broadcast_in_dim3A_464 : vector<16xf32> to vector<1x16xf32>
    tpu.vector_store %arg7[%swap3A_466, %swap3A_467], %swap3A_470 {strides = array<i32>} : memref<128x16xf32, #tpu.memory_space<vmem>>, vector<1x16xf32>,
    %broadcast_in_dim3A_471 = arith.constant 0.000000e+00 : f32
    %broadcast_in_dim3A_472 = vector.broadcast %broadcast_in_dim3A_471 : f32 to vector<16xf32>
    %swap3A_473 = arith.constant 59 : i32
    %swap3A_474 = arith.index_cast %swap3A_473 : i32 to index
    %swap3A_475 = arith.constant 0 : index
    %swap3A_476 = tpu.vector_load %arg7[%swap3A_474, %swap3A_475] {strides = array<i32>} : memref<128x16xf32, #tpu.memory_space<vmem>>, vector<1x16xf32>,
    %swap3A_477 = vector.shape_cast %swap3A_476 : vector<1x16xf32> to vector<16xf32>
    %swap3A_478 = vector.shape_cast %broadcast_in_dim3A_472 : vector<16xf32> to vector<1x16xf32>
    tpu.vector_store %arg7[%swap3A_474, %swap3A_475], %swap3A_478 {strides = array<i32>} : memref<128x16xf32, #tpu.memory_space<vmem>>, vector<1x16xf32>,
    %broadcast_in_dim3A_479 = arith.constant 0.000000e+00 : f32
    %broadcast_in_dim3A_480 = vector.broadcast %broadcast_in_dim3A_479 : f32 to vector<16xf32>
    %swap3A_481 = arith.constant 60 : i32
    %swap3A_482 = arith.index_cast %swap3A_481 : i32 to index
    %swap3A_483 = arith.constant 0 : index
    %swap3A_484 = tpu.vector_load %arg7[%swap3A_482, %swap3A_483] {strides = array<i32>} : memref<128x16xf32, #tpu.memory_space<vmem>>, vector<1x16xf32>,
    %swap3A_485 = vector.shape_cast %swap3A_484 : vector<1x16xf32> to vector<16xf32>
    %swap3A_486 = vector.shape_cast %broadcast_in_dim3A_480 : vector<16xf32> to vector<1x16xf32>
    tpu.vector_store %arg7[%swap3A_482, %swap3A_483], %swap3A_486 {strides = array<i32>} : memref<128x16xf32, #tpu.memory_space<vmem>>, vector<1x16xf32>,
    %broadcast_in_dim3A_487 = arith.constant 0.000000e+00 : f32
    %broadcast_in_dim3A_488 = vector.broadcast %broadcast_in_dim3A_487 : f32 to vector<16xf32>
    %swap3A_489 = arith.constant 61 : i32
    %swap3A_490 = arith.index_cast %swap3A_489 : i32 to index
    %swap3A_491 = arith.constant 0 : index
    %swap3A_492 = tpu.vector_load %arg7[%swap3A_490, %swap3A_491] {strides = array<i32>} : memref<128x16xf32, #tpu.memory_space<vmem>>, vector<1x16xf32>,
    %swap3A_493 = vector.shape_cast %swap3A_492 : vector<1x16xf32> to vector<16xf32>
    %swap3A_494 = vector.shape_cast %broadcast_in_dim3A_488 : vector<16xf32> to vector<1x16xf32>
    tpu.vector_store %arg7[%swap3A_490, %swap3A_491], %swap3A_494 {strides = array<i32>} : memref<128x16xf32, #tpu.memory_space<vmem>>, vector<1x16xf32>,
    %broadcast_in_dim3A_495 = arith.constant 0.000000e+00 : f32
    %broadcast_in_dim3A_496 = vector.broadcast %broadcast_in_dim3A_495 : f32 to vector<16xf32>
    %swap3A_497 = arith.constant 62 : i32
    %swap3A_498 = arith.index_cast %swap3A_497 : i32 to index
    %swap3A_499 = arith.constant 0 : index
    %swap3A_500 = tpu.vector_load %arg7[%swap3A_498, %swap3A_499] {strides = array<i32>} : memref<128x16xf32, #tpu.memory_space<vmem>>, vector<1x16xf32>,
    %swap3A_501 = vector.shape_cast %swap3A_500 : vector<1x16xf32> to vector<16xf32>
    %swap3A_502 = vector.shape_cast %broadcast_in_dim3A_496 : vector<16xf32> to vector<1x16xf32>
    tpu.vector_store %arg7[%swap3A_498, %swap3A_499], %swap3A_502 {strides = array<i32>} : memref<128x16xf32, #tpu.memory_space<vmem>>, vector<1x16xf32>,
    %broadcast_in_dim3A_503 = arith.constant 0.000000e+00 : f32
    %broadcast_in_dim3A_504 = vector.broadcast %broadcast_in_dim3A_503 : f32 to vector<16xf32>
    %swap3A_505 = arith.constant 63 : i32
    %swap3A_506 = arith.index_cast %swap3A_505 : i32 to index
    %swap3A_507 = arith.constant 0 : index
    %swap3A_508 = tpu.vector_load %arg7[%swap3A_506, %swap3A_507] {strides = array<i32>} : memref<128x16xf32, #tpu.memory_space<vmem>>, vector<1x16xf32>,
    %swap3A_509 = vector.shape_cast %swap3A_508 : vector<1x16xf32> to vector<16xf32>
    %swap3A_510 = vector.shape_cast %broadcast_in_dim3A_504 : vector<16xf32> to vector<1x16xf32>
    tpu.vector_store %arg7[%swap3A_506, %swap3A_507], %swap3A_510 {strides = array<i32>} : memref<128x16xf32, #tpu.memory_space<vmem>>, vector<1x16xf32>,
    %broadcast_in_dim3A_511 = arith.constant 0.000000e+00 : f32
    %broadcast_in_dim3A_512 = vector.broadcast %broadcast_in_dim3A_511 : f32 to vector<16xf32>
    %swap3A_513 = arith.constant 64 : i32
    %swap3A_514 = arith.index_cast %swap3A_513 : i32 to index
    %swap3A_515 = arith.constant 0 : index
    %swap3A_516 = tpu.vector_load %arg7[%swap3A_514, %swap3A_515] {strides = array<i32>} : memref<128x16xf32, #tpu.memory_space<vmem>>, vector<1x16xf32>,
    %swap3A_517 = vector.shape_cast %swap3A_516 : vector<1x16xf32> to vector<16xf32>
    %swap3A_518 = vector.shape_cast %broadcast_in_dim3A_512 : vector<16xf32> to vector<1x16xf32>
    tpu.vector_store %arg7[%swap3A_514, %swap3A_515], %swap3A_518 {strides = array<i32>} : memref<128x16xf32, #tpu.memory_space<vmem>>, vector<1x16xf32>,
    %broadcast_in_dim3A_519 = arith.constant 0.000000e+00 : f32
    %broadcast_in_dim3A_520 = vector.broadcast %broadcast_in_dim3A_519 : f32 to vector<16xf32>
    %swap3A_521 = arith.constant 65 : i32
    %swap3A_522 = arith.index_cast %swap3A_521 : i32 to index
    %swap3A_523 = arith.constant 0 : index
    %swap3A_524 = tpu.vector_load %arg7[%swap3A_522, %swap3A_523] {strides = array<i32>} : memref<128x16xf32, #tpu.memory_space<vmem>>, vector<1x16xf32>,
    %swap3A_525 = vector.shape_cast %swap3A_524 : vector<1x16xf32> to vector<16xf32>
    %swap3A_526 = vector.shape_cast %broadcast_in_dim3A_520 : vector<16xf32> to vector<1x16xf32>
    tpu.vector_store %arg7[%swap3A_522, %swap3A_523], %swap3A_526 {strides = array<i32>} : memref<128x16xf32, #tpu.memory_space<vmem>>, vector<1x16xf32>,
    %broadcast_in_dim3A_527 = arith.constant 0.000000e+00 : f32
    %broadcast_in_dim3A_528 = vector.broadcast %broadcast_in_dim3A_527 : f32 to vector<16xf32>
    %swap3A_529 = arith.constant 66 : i32
    %swap3A_530 = arith.index_cast %swap3A_529 : i32 to index
    %swap3A_531 = arith.constant 0 : index
    %swap3A_532 = tpu.vector_load %arg7[%swap3A_530, %swap3A_531] {strides = array<i32>} : memref<128x16xf32, #tpu.memory_space<vmem>>, vector<1x16xf32>,
    %swap3A_533 = vector.shape_cast %swap3A_532 : vector<1x16xf32> to vector<16xf32>
    %swap3A_534 = vector.shape_cast %broadcast_in_dim3A_528 : vector<16xf32> to vector<1x16xf32>
    tpu.vector_store %arg7[%swap3A_530, %swap3A_531], %swap3A_534 {strides = array<i32>} : memref<128x16xf32, #tpu.memory_space<vmem>>, vector<1x16xf32>,
    %broadcast_in_dim3A_535 = arith.constant 0.000000e+00 : f32
    %broadcast_in_dim3A_536 = vector.broadcast %broadcast_in_dim3A_535 : f32 to vector<16xf32>
    %swap3A_537 = arith.constant 67 : i32
    %swap3A_538 = arith.index_cast %swap3A_537 : i32 to index
    %swap3A_539 = arith.constant 0 : index
    %swap3A_540 = tpu.vector_load %arg7[%swap3A_538, %swap3A_539] {strides = array<i32>} : memref<128x16xf32, #tpu.memory_space<vmem>>, vector<1x16xf32>,
    %swap3A_541 = vector.shape_cast %swap3A_540 : vector<1x16xf32> to vector<16xf32>
    %swap3A_542 = vector.shape_cast %broadcast_in_dim3A_536 : vector<16xf32> to vector<1x16xf32>
    tpu.vector_store %arg7[%swap3A_538, %swap3A_539], %swap3A_542 {strides = array<i32>} : memref<128x16xf32, #tpu.memory_space<vmem>>, vector<1x16xf32>,
    %broadcast_in_dim3A_543 = arith.constant 0.000000e+00 : f32
    %broadcast_in_dim3A_544 = vector.broadcast %broadcast_in_dim3A_543 : f32 to vector<16xf32>
    %swap3A_545 = arith.constant 68 : i32
    %swap3A_546 = arith.index_cast %swap3A_545 : i32 to index
    %swap3A_547 = arith.constant 0 : index
    %swap3A_548 = tpu.vector_load %arg7[%swap3A_546, %swap3A_547] {strides = array<i32>} : memref<128x16xf32, #tpu.memory_space<vmem>>, vector<1x16xf32>,
    %swap3A_549 = vector.shape_cast %swap3A_548 : vector<1x16xf32> to vector<16xf32>
    %swap3A_550 = vector.shape_cast %broadcast_in_dim3A_544 : vector<16xf32> to vector<1x16xf32>
    tpu.vector_store %arg7[%swap3A_546, %swap3A_547], %swap3A_550 {strides = array<i32>} : memref<128x16xf32, #tpu.memory_space<vmem>>, vector<1x16xf32>,
    %broadcast_in_dim3A_551 = arith.constant 0.000000e+00 : f32
    %broadcast_in_dim3A_552 = vector.broadcast %broadcast_in_dim3A_551 : f32 to vector<16xf32>
    %swap3A_553 = arith.constant 69 : i32
    %swap3A_554 = arith.index_cast %swap3A_553 : i32 to index
    %swap3A_555 = arith.constant 0 : index
    %swap3A_556 = tpu.vector_load %arg7[%swap3A_554, %swap3A_555] {strides = array<i32>} : memref<128x16xf32, #tpu.memory_space<vmem>>, vector<1x16xf32>,
    %swap3A_557 = vector.shape_cast %swap3A_556 : vector<1x16xf32> to vector<16xf32>
    %swap3A_558 = vector.shape_cast %broadcast_in_dim3A_552 : vector<16xf32> to vector<1x16xf32>
    tpu.vector_store %arg7[%swap3A_554, %swap3A_555], %swap3A_558 {strides = array<i32>} : memref<128x16xf32, #tpu.memory_space<vmem>>, vector<1x16xf32>,
    %broadcast_in_dim3A_559 = arith.constant 0.000000e+00 : f32
    %broadcast_in_dim3A_560 = vector.broadcast %broadcast_in_dim3A_559 : f32 to vector<16xf32>
    %swap3A_561 = arith.constant 70 : i32
    %swap3A_562 = arith.index_cast %swap3A_561 : i32 to index
    %swap3A_563 = arith.constant 0 : index
    %swap3A_564 = tpu.vector_load %arg7[%swap3A_562, %swap3A_563] {strides = array<i32>} : memref<128x16xf32, #tpu.memory_space<vmem>>, vector<1x16xf32>,
    %swap3A_565 = vector.shape_cast %swap3A_564 : vector<1x16xf32> to vector<16xf32>
    %swap3A_566 = vector.shape_cast %broadcast_in_dim3A_560 : vector<16xf32> to vector<1x16xf32>
    tpu.vector_store %arg7[%swap3A_562, %swap3A_563], %swap3A_566 {strides = array<i32>} : memref<128x16xf32, #tpu.memory_space<vmem>>, vector<1x16xf32>,
    %broadcast_in_dim3A_567 = arith.constant 0.000000e+00 : f32
    %broadcast_in_dim3A_568 = vector.broadcast %broadcast_in_dim3A_567 : f32 to vector<16xf32>
    %swap3A_569 = arith.constant 71 : i32
    %swap3A_570 = arith.index_cast %swap3A_569 : i32 to index
    %swap3A_571 = arith.constant 0 : index
    %swap3A_572 = tpu.vector_load %arg7[%swap3A_570, %swap3A_571] {strides = array<i32>} : memref<128x16xf32, #tpu.memory_space<vmem>>, vector<1x16xf32>,
    %swap3A_573 = vector.shape_cast %swap3A_572 : vector<1x16xf32> to vector<16xf32>
    %swap3A_574 = vector.shape_cast %broadcast_in_dim3A_568 : vector<16xf32> to vector<1x16xf32>
    tpu.vector_store %arg7[%swap3A_570, %swap3A_571], %swap3A_574 {strides = array<i32>} : memref<128x16xf32, #tpu.memory_space<vmem>>, vector<1x16xf32>,
    %broadcast_in_dim3A_575 = arith.constant 0.000000e+00 : f32
    %broadcast_in_dim3A_576 = vector.broadcast %broadcast_in_dim3A_575 : f32 to vector<16xf32>
    %swap3A_577 = arith.constant 72 : i32
    %swap3A_578 = arith.index_cast %swap3A_577 : i32 to index
    %swap3A_579 = arith.constant 0 : index
    %swap3A_580 = tpu.vector_load %arg7[%swap3A_578, %swap3A_579] {strides = array<i32>} : memref<128x16xf32, #tpu.memory_space<vmem>>, vector<1x16xf32>,
    %swap3A_581 = vector.shape_cast %swap3A_580 : vector<1x16xf32> to vector<16xf32>
    %swap3A_582 = vector.shape_cast %broadcast_in_dim3A_576 : vector<16xf32> to vector<1x16xf32>
    tpu.vector_store %arg7[%swap3A_578, %swap3A_579], %swap3A_582 {strides = array<i32>} : memref<128x16xf32, #tpu.memory_space<vmem>>, vector<1x16xf32>,
    %broadcast_in_dim3A_583 = arith.constant 0.000000e+00 : f32
    %broadcast_in_dim3A_584 = vector.broadcast %broadcast_in_dim3A_583 : f32 to vector<16xf32>
    %swap3A_585 = arith.constant 73 : i32
    %swap3A_586 = arith.index_cast %swap3A_585 : i32 to index
    %swap3A_587 = arith.constant 0 : index
    %swap3A_588 = tpu.vector_load %arg7[%swap3A_586, %swap3A_587] {strides = array<i32>} : memref<128x16xf32, #tpu.memory_space<vmem>>, vector<1x16xf32>,
    %swap3A_589 = vector.shape_cast %swap3A_588 : vector<1x16xf32> to vector<16xf32>
    %swap3A_590 = vector.shape_cast %broadcast_in_dim3A_584 : vector<16xf32> to vector<1x16xf32>
    tpu.vector_store %arg7[%swap3A_586, %swap3A_587], %swap3A_590 {strides = array<i32>} : memref<128x16xf32, #tpu.memory_space<vmem>>, vector<1x16xf32>,
    %broadcast_in_dim3A_591 = arith.constant 0.000000e+00 : f32
    %broadcast_in_dim3A_592 = vector.broadcast %broadcast_in_dim3A_591 : f32 to vector<16xf32>
    %swap3A_593 = arith.constant 74 : i32
    %swap3A_594 = arith.index_cast %swap3A_593 : i32 to index
    %swap3A_595 = arith.constant 0 : index
    %swap3A_596 = tpu.vector_load %arg7[%swap3A_594, %swap3A_595] {strides = array<i32>} : memref<128x16xf32, #tpu.memory_space<vmem>>, vector<1x16xf32>,
    %swap3A_597 = vector.shape_cast %swap3A_596 : vector<1x16xf32> to vector<16xf32>
    %swap3A_598 = vector.shape_cast %broadcast_in_dim3A_592 : vector<16xf32> to vector<1x16xf32>
    tpu.vector_store %arg7[%swap3A_594, %swap3A_595], %swap3A_598 {strides = array<i32>} : memref<128x16xf32, #tpu.memory_space<vmem>>, vector<1x16xf32>,
    %broadcast_in_dim3A_599 = arith.constant 0.000000e+00 : f32
    %broadcast_in_dim3A_600 = vector.broadcast %broadcast_in_dim3A_599 : f32 to vector<16xf32>
    %swap3A_601 = arith.constant 75 : i32
    %swap3A_602 = arith.index_cast %swap3A_601 : i32 to index
    %swap3A_603 = arith.constant 0 : index
    %swap3A_604 = tpu.vector_load %arg7[%swap3A_602, %swap3A_603] {strides = array<i32>} : memref<128x16xf32, #tpu.memory_space<vmem>>, vector<1x16xf32>,
    %swap3A_605 = vector.shape_cast %swap3A_604 : vector<1x16xf32> to vector<16xf32>
    %swap3A_606 = vector.shape_cast %broadcast_in_dim3A_600 : vector<16xf32> to vector<1x16xf32>
    tpu.vector_store %arg7[%swap3A_602, %swap3A_603], %swap3A_606 {strides = array<i32>} : memref<128x16xf32, #tpu.memory_space<vmem>>, vector<1x16xf32>,
    %broadcast_in_dim3A_607 = arith.constant 0.000000e+00 : f32
    %broadcast_in_dim3A_608 = vector.broadcast %broadcast_in_dim3A_607 : f32 to vector<16xf32>
    %swap3A_609 = arith.constant 76 : i32
    %swap3A_610 = arith.index_cast %swap3A_609 : i32 to index
    %swap3A_611 = arith.constant 0 : index
    %swap3A_612 = tpu.vector_load %arg7[%swap3A_610, %swap3A_611] {strides = array<i32>} : memref<128x16xf32, #tpu.memory_space<vmem>>, vector<1x16xf32>,
    %swap3A_613 = vector.shape_cast %swap3A_612 : vector<1x16xf32> to vector<16xf32>
    %swap3A_614 = vector.shape_cast %broadcast_in_dim3A_608 : vector<16xf32> to vector<1x16xf32>
    tpu.vector_store %arg7[%swap3A_610, %swap3A_611], %swap3A_614 {strides = array<i32>} : memref<128x16xf32, #tpu.memory_space<vmem>>, vector<1x16xf32>,
    %broadcast_in_dim3A_615 = arith.constant 0.000000e+00 : f32
    %broadcast_in_dim3A_616 = vector.broadcast %broadcast_in_dim3A_615 : f32 to vector<16xf32>
    %swap3A_617 = arith.constant 77 : i32
    %swap3A_618 = arith.index_cast %swap3A_617 : i32 to index
    %swap3A_619 = arith.constant 0 : index
    %swap3A_620 = tpu.vector_load %arg7[%swap3A_618, %swap3A_619] {strides = array<i32>} : memref<128x16xf32, #tpu.memory_space<vmem>>, vector<1x16xf32>,
    %swap3A_621 = vector.shape_cast %swap3A_620 : vector<1x16xf32> to vector<16xf32>
    %swap3A_622 = vector.shape_cast %broadcast_in_dim3A_616 : vector<16xf32> to vector<1x16xf32>
    tpu.vector_store %arg7[%swap3A_618, %swap3A_619], %swap3A_622 {strides = array<i32>} : memref<128x16xf32, #tpu.memory_space<vmem>>, vector<1x16xf32>,
    %broadcast_in_dim3A_623 = arith.constant 0.000000e+00 : f32
    %broadcast_in_dim3A_624 = vector.broadcast %broadcast_in_dim3A_623 : f32 to vector<16xf32>
    %swap3A_625 = arith.constant 78 : i32
    %swap3A_626 = arith.index_cast %swap3A_625 : i32 to index
    %swap3A_627 = arith.constant 0 : index
    %swap3A_628 = tpu.vector_load %arg7[%swap3A_626, %swap3A_627] {strides = array<i32>} : memref<128x16xf32, #tpu.memory_space<vmem>>, vector<1x16xf32>,
    %swap3A_629 = vector.shape_cast %swap3A_628 : vector<1x16xf32> to vector<16xf32>
    %swap3A_630 = vector.shape_cast %broadcast_in_dim3A_624 : vector<16xf32> to vector<1x16xf32>
    tpu.vector_store %arg7[%swap3A_626, %swap3A_627], %swap3A_630 {strides = array<i32>} : memref<128x16xf32, #tpu.memory_space<vmem>>, vector<1x16xf32>,
    %broadcast_in_dim3A_631 = arith.constant 0.000000e+00 : f32
    %broadcast_in_dim3A_632 = vector.broadcast %broadcast_in_dim3A_631 : f32 to vector<16xf32>
    %swap3A_633 = arith.constant 79 : i32
    %swap3A_634 = arith.index_cast %swap3A_633 : i32 to index
    %swap3A_635 = arith.constant 0 : index
    %swap3A_636 = tpu.vector_load %arg7[%swap3A_634, %swap3A_635] {strides = array<i32>} : memref<128x16xf32, #tpu.memory_space<vmem>>, vector<1x16xf32>,
    %swap3A_637 = vector.shape_cast %swap3A_636 : vector<1x16xf32> to vector<16xf32>
    %swap3A_638 = vector.shape_cast %broadcast_in_dim3A_632 : vector<16xf32> to vector<1x16xf32>
    tpu.vector_store %arg7[%swap3A_634, %swap3A_635], %swap3A_638 {strides = array<i32>} : memref<128x16xf32, #tpu.memory_space<vmem>>, vector<1x16xf32>,
    %broadcast_in_dim3A_639 = arith.constant 0.000000e+00 : f32
    %broadcast_in_dim3A_640 = vector.broadcast %broadcast_in_dim3A_639 : f32 to vector<16xf32>
    %swap3A_641 = arith.constant 80 : i32
    %swap3A_642 = arith.index_cast %swap3A_641 : i32 to index
    %swap3A_643 = arith.constant 0 : index
    %swap3A_644 = tpu.vector_load %arg7[%swap3A_642, %swap3A_643] {strides = array<i32>} : memref<128x16xf32, #tpu.memory_space<vmem>>, vector<1x16xf32>,
    %swap3A_645 = vector.shape_cast %swap3A_644 : vector<1x16xf32> to vector<16xf32>
    %swap3A_646 = vector.shape_cast %broadcast_in_dim3A_640 : vector<16xf32> to vector<1x16xf32>
    tpu.vector_store %arg7[%swap3A_642, %swap3A_643], %swap3A_646 {strides = array<i32>} : memref<128x16xf32, #tpu.memory_space<vmem>>, vector<1x16xf32>,
    %broadcast_in_dim3A_647 = arith.constant 0.000000e+00 : f32
    %broadcast_in_dim3A_648 = vector.broadcast %broadcast_in_dim3A_647 : f32 to vector<16xf32>
    %swap3A_649 = arith.constant 81 : i32
    %swap3A_650 = arith.index_cast %swap3A_649 : i32 to index
    %swap3A_651 = arith.constant 0 : index
    %swap3A_652 = tpu.vector_load %arg7[%swap3A_650, %swap3A_651] {strides = array<i32>} : memref<128x16xf32, #tpu.memory_space<vmem>>, vector<1x16xf32>,
    %swap3A_653 = vector.shape_cast %swap3A_652 : vector<1x16xf32> to vector<16xf32>
    %swap3A_654 = vector.shape_cast %broadcast_in_dim3A_648 : vector<16xf32> to vector<1x16xf32>
    tpu.vector_store %arg7[%swap3A_650, %swap3A_651], %swap3A_654 {strides = array<i32>} : memref<128x16xf32, #tpu.memory_space<vmem>>, vector<1x16xf32>,
    %broadcast_in_dim3A_655 = arith.constant 0.000000e+00 : f32
    %broadcast_in_dim3A_656 = vector.broadcast %broadcast_in_dim3A_655 : f32 to vector<16xf32>
    %swap3A_657 = arith.constant 82 : i32
    %swap3A_658 = arith.index_cast %swap3A_657 : i32 to index
    %swap3A_659 = arith.constant 0 : index
    %swap3A_660 = tpu.vector_load %arg7[%swap3A_658, %swap3A_659] {strides = array<i32>} : memref<128x16xf32, #tpu.memory_space<vmem>>, vector<1x16xf32>,
    %swap3A_661 = vector.shape_cast %swap3A_660 : vector<1x16xf32> to vector<16xf32>
    %swap3A_662 = vector.shape_cast %broadcast_in_dim3A_656 : vector<16xf32> to vector<1x16xf32>
    tpu.vector_store %arg7[%swap3A_658, %swap3A_659], %swap3A_662 {strides = array<i32>} : memref<128x16xf32, #tpu.memory_space<vmem>>, vector<1x16xf32>,
    %broadcast_in_dim3A_663 = arith.constant 0.000000e+00 : f32
    %broadcast_in_dim3A_664 = vector.broadcast %broadcast_in_dim3A_663 : f32 to vector<16xf32>
    %swap3A_665 = arith.constant 83 : i32
    %swap3A_666 = arith.index_cast %swap3A_665 : i32 to index
    %swap3A_667 = arith.constant 0 : index
    %swap3A_668 = tpu.vector_load %arg7[%swap3A_666, %swap3A_667] {strides = array<i32>} : memref<128x16xf32, #tpu.memory_space<vmem>>, vector<1x16xf32>,
    %swap3A_669 = vector.shape_cast %swap3A_668 : vector<1x16xf32> to vector<16xf32>
    %swap3A_670 = vector.shape_cast %broadcast_in_dim3A_664 : vector<16xf32> to vector<1x16xf32>
    tpu.vector_store %arg7[%swap3A_666, %swap3A_667], %swap3A_670 {strides = array<i32>} : memref<128x16xf32, #tpu.memory_space<vmem>>, vector<1x16xf32>,
    %broadcast_in_dim3A_671 = arith.constant 0.000000e+00 : f32
    %broadcast_in_dim3A_672 = vector.broadcast %broadcast_in_dim3A_671 : f32 to vector<16xf32>
    %swap3A_673 = arith.constant 84 : i32
    %swap3A_674 = arith.index_cast %swap3A_673 : i32 to index
    %swap3A_675 = arith.constant 0 : index
    %swap3A_676 = tpu.vector_load %arg7[%swap3A_674, %swap3A_675] {strides = array<i32>} : memref<128x16xf32, #tpu.memory_space<vmem>>, vector<1x16xf32>,
    %swap3A_677 = vector.shape_cast %swap3A_676 : vector<1x16xf32> to vector<16xf32>
    %swap3A_678 = vector.shape_cast %broadcast_in_dim3A_672 : vector<16xf32> to vector<1x16xf32>
    tpu.vector_store %arg7[%swap3A_674, %swap3A_675], %swap3A_678 {strides = array<i32>} : memref<128x16xf32, #tpu.memory_space<vmem>>, vector<1x16xf32>,
    %broadcast_in_dim3A_679 = arith.constant 0.000000e+00 : f32
    %broadcast_in_dim3A_680 = vector.broadcast %broadcast_in_dim3A_679 : f32 to vector<16xf32>
    %swap3A_681 = arith.constant 85 : i32
    %swap3A_682 = arith.index_cast %swap3A_681 : i32 to index
    %swap3A_683 = arith.constant 0 : index
    %swap3A_684 = tpu.vector_load %arg7[%swap3A_682, %swap3A_683] {strides = array<i32>} : memref<128x16xf32, #tpu.memory_space<vmem>>, vector<1x16xf32>,
    %swap3A_685 = vector.shape_cast %swap3A_684 : vector<1x16xf32> to vector<16xf32>
    %swap3A_686 = vector.shape_cast %broadcast_in_dim3A_680 : vector<16xf32> to vector<1x16xf32>
    tpu.vector_store %arg7[%swap3A_682, %swap3A_683], %swap3A_686 {strides = array<i32>} : memref<128x16xf32, #tpu.memory_space<vmem>>, vector<1x16xf32>,
    %broadcast_in_dim3A_687 = arith.constant 0.000000e+00 : f32
    %broadcast_in_dim3A_688 = vector.broadcast %broadcast_in_dim3A_687 : f32 to vector<16xf32>
    %swap3A_689 = arith.constant 86 : i32
    %swap3A_690 = arith.index_cast %swap3A_689 : i32 to index
    %swap3A_691 = arith.constant 0 : index
    %swap3A_692 = tpu.vector_load %arg7[%swap3A_690, %swap3A_691] {strides = array<i32>} : memref<128x16xf32, #tpu.memory_space<vmem>>, vector<1x16xf32>,
    %swap3A_693 = vector.shape_cast %swap3A_692 : vector<1x16xf32> to vector<16xf32>
    %swap3A_694 = vector.shape_cast %broadcast_in_dim3A_688 : vector<16xf32> to vector<1x16xf32>
    tpu.vector_store %arg7[%swap3A_690, %swap3A_691], %swap3A_694 {strides = array<i32>} : memref<128x16xf32, #tpu.memory_space<vmem>>, vector<1x16xf32>,
    %broadcast_in_dim3A_695 = arith.constant 0.000000e+00 : f32
    %broadcast_in_dim3A_696 = vector.broadcast %broadcast_in_dim3A_695 : f32 to vector<16xf32>
    %swap3A_697 = arith.constant 87 : i32
    %swap3A_698 = arith.index_cast %swap3A_697 : i32 to index
    %swap3A_699 = arith.constant 0 : index
    %swap3A_700 = tpu.vector_load %arg7[%swap3A_698, %swap3A_699] {strides = array<i32>} : memref<128x16xf32, #tpu.memory_space<vmem>>, vector<1x16xf32>,
    %swap3A_701 = vector.shape_cast %swap3A_700 : vector<1x16xf32> to vector<16xf32>
    %swap3A_702 = vector.shape_cast %broadcast_in_dim3A_696 : vector<16xf32> to vector<1x16xf32>
    tpu.vector_store %arg7[%swap3A_698, %swap3A_699], %swap3A_702 {strides = array<i32>} : memref<128x16xf32, #tpu.memory_space<vmem>>, vector<1x16xf32>,
    %broadcast_in_dim3A_703 = arith.constant 0.000000e+00 : f32
    %broadcast_in_dim3A_704 = vector.broadcast %broadcast_in_dim3A_703 : f32 to vector<16xf32>
    %swap3A_705 = arith.constant 88 : i32
    %swap3A_706 = arith.index_cast %swap3A_705 : i32 to index
    %swap3A_707 = arith.constant 0 : index
    %swap3A_708 = tpu.vector_load %arg7[%swap3A_706, %swap3A_707] {strides = array<i32>} : memref<128x16xf32, #tpu.memory_space<vmem>>, vector<1x16xf32>,
    %swap3A_709 = vector.shape_cast %swap3A_708 : vector<1x16xf32> to vector<16xf32>
    %swap3A_710 = vector.shape_cast %broadcast_in_dim3A_704 : vector<16xf32> to vector<1x16xf32>
    tpu.vector_store %arg7[%swap3A_706, %swap3A_707], %swap3A_710 {strides = array<i32>} : memref<128x16xf32, #tpu.memory_space<vmem>>, vector<1x16xf32>,
    %broadcast_in_dim3A_711 = arith.constant 0.000000e+00 : f32
    %broadcast_in_dim3A_712 = vector.broadcast %broadcast_in_dim3A_711 : f32 to vector<16xf32>
    %swap3A_713 = arith.constant 89 : i32
    %swap3A_714 = arith.index_cast %swap3A_713 : i32 to index
    %swap3A_715 = arith.constant 0 : index
    %swap3A_716 = tpu.vector_load %arg7[%swap3A_714, %swap3A_715] {strides = array<i32>} : memref<128x16xf32, #tpu.memory_space<vmem>>, vector<1x16xf32>,
    %swap3A_717 = vector.shape_cast %swap3A_716 : vector<1x16xf32> to vector<16xf32>
    %swap3A_718 = vector.shape_cast %broadcast_in_dim3A_712 : vector<16xf32> to vector<1x16xf32>
    tpu.vector_store %arg7[%swap3A_714, %swap3A_715], %swap3A_718 {strides = array<i32>} : memref<128x16xf32, #tpu.memory_space<vmem>>, vector<1x16xf32>,
    %broadcast_in_dim3A_719 = arith.constant 0.000000e+00 : f32
    %broadcast_in_dim3A_720 = vector.broadcast %broadcast_in_dim3A_719 : f32 to vector<16xf32>
    %swap3A_721 = arith.constant 90 : i32
    %swap3A_722 = arith.index_cast %swap3A_721 : i32 to index
    %swap3A_723 = arith.constant 0 : index
    %swap3A_724 = tpu.vector_load %arg7[%swap3A_722, %swap3A_723] {strides = array<i32>} : memref<128x16xf32, #tpu.memory_space<vmem>>, vector<1x16xf32>,
    %swap3A_725 = vector.shape_cast %swap3A_724 : vector<1x16xf32> to vector<16xf32>
    %swap3A_726 = vector.shape_cast %broadcast_in_dim3A_720 : vector<16xf32> to vector<1x16xf32>
    tpu.vector_store %arg7[%swap3A_722, %swap3A_723], %swap3A_726 {strides = array<i32>} : memref<128x16xf32, #tpu.memory_space<vmem>>, vector<1x16xf32>,
    %broadcast_in_dim3A_727 = arith.constant 0.000000e+00 : f32
    %broadcast_in_dim3A_728 = vector.broadcast %broadcast_in_dim3A_727 : f32 to vector<16xf32>
    %swap3A_729 = arith.constant 91 : i32
    %swap3A_730 = arith.index_cast %swap3A_729 : i32 to index
    %swap3A_731 = arith.constant 0 : index
    %swap3A_732 = tpu.vector_load %arg7[%swap3A_730, %swap3A_731] {strides = array<i32>} : memref<128x16xf32, #tpu.memory_space<vmem>>, vector<1x16xf32>,
    %swap3A_733 = vector.shape_cast %swap3A_732 : vector<1x16xf32> to vector<16xf32>
    %swap3A_734 = vector.shape_cast %broadcast_in_dim3A_728 : vector<16xf32> to vector<1x16xf32>
    tpu.vector_store %arg7[%swap3A_730, %swap3A_731], %swap3A_734 {strides = array<i32>} : memref<128x16xf32, #tpu.memory_space<vmem>>, vector<1x16xf32>,
    %broadcast_in_dim3A_735 = arith.constant 0.000000e+00 : f32
    %broadcast_in_dim3A_736 = vector.broadcast %broadcast_in_dim3A_735 : f32 to vector<16xf32>
    %swap3A_737 = arith.constant 92 : i32
    %swap3A_738 = arith.index_cast %swap3A_737 : i32 to index
    %swap3A_739 = arith.constant 0 : index
    %swap3A_740 = tpu.vector_load %arg7[%swap3A_738, %swap3A_739] {strides = array<i32>} : memref<128x16xf32, #tpu.memory_space<vmem>>, vector<1x16xf32>,
    %swap3A_741 = vector.shape_cast %swap3A_740 : vector<1x16xf32> to vector<16xf32>
    %swap3A_742 = vector.shape_cast %broadcast_in_dim3A_736 : vector<16xf32> to vector<1x16xf32>
    tpu.vector_store %arg7[%swap3A_738, %swap3A_739], %swap3A_742 {strides = array<i32>} : memref<128x16xf32, #tpu.memory_space<vmem>>, vector<1x16xf32>,
    %broadcast_in_dim3A_743 = arith.constant 0.000000e+00 : f32
    %broadcast_in_dim3A_744 = vector.broadcast %broadcast_in_dim3A_743 : f32 to vector<16xf32>
    %swap3A_745 = arith.constant 93 : i32
    %swap3A_746 = arith.index_cast %swap3A_745 : i32 to index
    %swap3A_747 = arith.constant 0 : index
    %swap3A_748 = tpu.vector_load %arg7[%swap3A_746, %swap3A_747] {strides = array<i32>} : memref<128x16xf32, #tpu.memory_space<vmem>>, vector<1x16xf32>,
    %swap3A_749 = vector.shape_cast %swap3A_748 : vector<1x16xf32> to vector<16xf32>
    %swap3A_750 = vector.shape_cast %broadcast_in_dim3A_744 : vector<16xf32> to vector<1x16xf32>
    tpu.vector_store %arg7[%swap3A_746, %swap3A_747], %swap3A_750 {strides = array<i32>} : memref<128x16xf32, #tpu.memory_space<vmem>>, vector<1x16xf32>,
    %broadcast_in_dim3A_751 = arith.constant 0.000000e+00 : f32
    %broadcast_in_dim3A_752 = vector.broadcast %broadcast_in_dim3A_751 : f32 to vector<16xf32>
    %swap3A_753 = arith.constant 94 : i32
    %swap3A_754 = arith.index_cast %swap3A_753 : i32 to index
    %swap3A_755 = arith.constant 0 : index
    %swap3A_756 = tpu.vector_load %arg7[%swap3A_754, %swap3A_755] {strides = array<i32>} : memref<128x16xf32, #tpu.memory_space<vmem>>, vector<1x16xf32>,
    %swap3A_757 = vector.shape_cast %swap3A_756 : vector<1x16xf32> to vector<16xf32>
    %swap3A_758 = vector.shape_cast %broadcast_in_dim3A_752 : vector<16xf32> to vector<1x16xf32>
    tpu.vector_store %arg7[%swap3A_754, %swap3A_755], %swap3A_758 {strides = array<i32>} : memref<128x16xf32, #tpu.memory_space<vmem>>, vector<1x16xf32>,
    %broadcast_in_dim3A_759 = arith.constant 0.000000e+00 : f32
    %broadcast_in_dim3A_760 = vector.broadcast %broadcast_in_dim3A_759 : f32 to vector<16xf32>
    %swap3A_761 = arith.constant 95 : i32
    %swap3A_762 = arith.index_cast %swap3A_761 : i32 to index
    %swap3A_763 = arith.constant 0 : index
    %swap3A_764 = tpu.vector_load %arg7[%swap3A_762, %swap3A_763] {strides = array<i32>} : memref<128x16xf32, #tpu.memory_space<vmem>>, vector<1x16xf32>,
    %swap3A_765 = vector.shape_cast %swap3A_764 : vector<1x16xf32> to vector<16xf32>
    %swap3A_766 = vector.shape_cast %broadcast_in_dim3A_760 : vector<16xf32> to vector<1x16xf32>
    tpu.vector_store %arg7[%swap3A_762, %swap3A_763], %swap3A_766 {strides = array<i32>} : memref<128x16xf32, #tpu.memory_space<vmem>>, vector<1x16xf32>,
    %broadcast_in_dim3A_767 = arith.constant 0.000000e+00 : f32
    %broadcast_in_dim3A_768 = vector.broadcast %broadcast_in_dim3A_767 : f32 to vector<16xf32>
    %swap3A_769 = arith.constant 96 : i32
    %swap3A_770 = arith.index_cast %swap3A_769 : i32 to index
    %swap3A_771 = arith.constant 0 : index
    %swap3A_772 = tpu.vector_load %arg7[%swap3A_770, %swap3A_771] {strides = array<i32>} : memref<128x16xf32, #tpu.memory_space<vmem>>, vector<1x16xf32>,
    %swap3A_773 = vector.shape_cast %swap3A_772 : vector<1x16xf32> to vector<16xf32>
    %swap3A_774 = vector.shape_cast %broadcast_in_dim3A_768 : vector<16xf32> to vector<1x16xf32>
    tpu.vector_store %arg7[%swap3A_770, %swap3A_771], %swap3A_774 {strides = array<i32>} : memref<128x16xf32, #tpu.memory_space<vmem>>, vector<1x16xf32>,
    %broadcast_in_dim3A_775 = arith.constant 0.000000e+00 : f32
    %broadcast_in_dim3A_776 = vector.broadcast %broadcast_in_dim3A_775 : f32 to vector<16xf32>
    %swap3A_777 = arith.constant 97 : i32
    %swap3A_778 = arith.index_cast %swap3A_777 : i32 to index
    %swap3A_779 = arith.constant 0 : index
    %swap3A_780 = tpu.vector_load %arg7[%swap3A_778, %swap3A_779] {strides = array<i32>} : memref<128x16xf32, #tpu.memory_space<vmem>>, vector<1x16xf32>,
    %swap3A_781 = vector.shape_cast %swap3A_780 : vector<1x16xf32> to vector<16xf32>
    %swap3A_782 = vector.shape_cast %broadcast_in_dim3A_776 : vector<16xf32> to vector<1x16xf32>
    tpu.vector_store %arg7[%swap3A_778, %swap3A_779], %swap3A_782 {strides = array<i32>} : memref<128x16xf32, #tpu.memory_space<vmem>>, vector<1x16xf32>,
    %broadcast_in_dim3A_783 = arith.constant 0.000000e+00 : f32
    %broadcast_in_dim3A_784 = vector.broadcast %broadcast_in_dim3A_783 : f32 to vector<16xf32>
    %swap3A_785 = arith.constant 98 : i32
    %swap3A_786 = arith.index_cast %swap3A_785 : i32 to index
    %swap3A_787 = arith.constant 0 : index
    %swap3A_788 = tpu.vector_load %arg7[%swap3A_786, %swap3A_787] {strides = array<i32>} : memref<128x16xf32, #tpu.memory_space<vmem>>, vector<1x16xf32>,
    %swap3A_789 = vector.shape_cast %swap3A_788 : vector<1x16xf32> to vector<16xf32>
    %swap3A_790 = vector.shape_cast %broadcast_in_dim3A_784 : vector<16xf32> to vector<1x16xf32>
    tpu.vector_store %arg7[%swap3A_786, %swap3A_787], %swap3A_790 {strides = array<i32>} : memref<128x16xf32, #tpu.memory_space<vmem>>, vector<1x16xf32>,
    %broadcast_in_dim3A_791 = arith.constant 0.000000e+00 : f32
    %broadcast_in_dim3A_792 = vector.broadcast %broadcast_in_dim3A_791 : f32 to vector<16xf32>
    %swap3A_793 = arith.constant 99 : i32
    %swap3A_794 = arith.index_cast %swap3A_793 : i32 to index
    %swap3A_795 = arith.constant 0 : index
    %swap3A_796 = tpu.vector_load %arg7[%swap3A_794, %swap3A_795] {strides = array<i32>} : memref<128x16xf32, #tpu.memory_space<vmem>>, vector<1x16xf32>,
    %swap3A_797 = vector.shape_cast %swap3A_796 : vector<1x16xf32> to vector<16xf32>
    %swap3A_798 = vector.shape_cast %broadcast_in_dim3A_792 : vector<16xf32> to vector<1x16xf32>
    tpu.vector_store %arg7[%swap3A_794, %swap3A_795], %swap3A_798 {strides = array<i32>} : memref<128x16xf32, #tpu.memory_space<vmem>>, vector<1x16xf32>,
    %broadcast_in_dim3A_799 = arith.constant 0.000000e+00 : f32
    %broadcast_in_dim3A_800 = vector.broadcast %broadcast_in_dim3A_799 : f32 to vector<16xf32>
    %swap3A_801 = arith.constant 100 : i32
    %swap3A_802 = arith.index_cast %swap3A_801 : i32 to index
    %swap3A_803 = arith.constant 0 : index
    %swap3A_804 = tpu.vector_load %arg7[%swap3A_802, %swap3A_803] {strides = array<i32>} : memref<128x16xf32, #tpu.memory_space<vmem>>, vector<1x16xf32>,
    %swap3A_805 = vector.shape_cast %swap3A_804 : vector<1x16xf32> to vector<16xf32>
    %swap3A_806 = vector.shape_cast %broadcast_in_dim3A_800 : vector<16xf32> to vector<1x16xf32>
    tpu.vector_store %arg7[%swap3A_802, %swap3A_803], %swap3A_806 {strides = array<i32>} : memref<128x16xf32, #tpu.memory_space<vmem>>, vector<1x16xf32>,
    %broadcast_in_dim3A_807 = arith.constant 0.000000e+00 : f32
    %broadcast_in_dim3A_808 = vector.broadcast %broadcast_in_dim3A_807 : f32 to vector<16xf32>
    %swap3A_809 = arith.constant 101 : i32
    %swap3A_810 = arith.index_cast %swap3A_809 : i32 to index
    %swap3A_811 = arith.constant 0 : index
    %swap3A_812 = tpu.vector_load %arg7[%swap3A_810, %swap3A_811] {strides = array<i32>} : memref<128x16xf32, #tpu.memory_space<vmem>>, vector<1x16xf32>,
    %swap3A_813 = vector.shape_cast %swap3A_812 : vector<1x16xf32> to vector<16xf32>
    %swap3A_814 = vector.shape_cast %broadcast_in_dim3A_808 : vector<16xf32> to vector<1x16xf32>
    tpu.vector_store %arg7[%swap3A_810, %swap3A_811], %swap3A_814 {strides = array<i32>} : memref<128x16xf32, #tpu.memory_space<vmem>>, vector<1x16xf32>,
    %broadcast_in_dim3A_815 = arith.constant 0.000000e+00 : f32
    %broadcast_in_dim3A_816 = vector.broadcast %broadcast_in_dim3A_815 : f32 to vector<16xf32>
    %swap3A_817 = arith.constant 102 : i32
    %swap3A_818 = arith.index_cast %swap3A_817 : i32 to index
    %swap3A_819 = arith.constant 0 : index
    %swap3A_820 = tpu.vector_load %arg7[%swap3A_818, %swap3A_819] {strides = array<i32>} : memref<128x16xf32, #tpu.memory_space<vmem>>, vector<1x16xf32>,
    %swap3A_821 = vector.shape_cast %swap3A_820 : vector<1x16xf32> to vector<16xf32>
    %swap3A_822 = vector.shape_cast %broadcast_in_dim3A_816 : vector<16xf32> to vector<1x16xf32>
    tpu.vector_store %arg7[%swap3A_818, %swap3A_819], %swap3A_822 {strides = array<i32>} : memref<128x16xf32, #tpu.memory_space<vmem>>, vector<1x16xf32>,
    %broadcast_in_dim3A_823 = arith.constant 0.000000e+00 : f32
    %broadcast_in_dim3A_824 = vector.broadcast %broadcast_in_dim3A_823 : f32 to vector<16xf32>
    %swap3A_825 = arith.constant 103 : i32
    %swap3A_826 = arith.index_cast %swap3A_825 : i32 to index
    %swap3A_827 = arith.constant 0 : index
    %swap3A_828 = tpu.vector_load %arg7[%swap3A_826, %swap3A_827] {strides = array<i32>} : memref<128x16xf32, #tpu.memory_space<vmem>>, vector<1x16xf32>,
    %swap3A_829 = vector.shape_cast %swap3A_828 : vector<1x16xf32> to vector<16xf32>
    %swap3A_830 = vector.shape_cast %broadcast_in_dim3A_824 : vector<16xf32> to vector<1x16xf32>
    tpu.vector_store %arg7[%swap3A_826, %swap3A_827], %swap3A_830 {strides = array<i32>} : memref<128x16xf32, #tpu.memory_space<vmem>>, vector<1x16xf32>,
    %broadcast_in_dim3A_831 = arith.constant 0.000000e+00 : f32
    %broadcast_in_dim3A_832 = vector.broadcast %broadcast_in_dim3A_831 : f32 to vector<16xf32>
    %swap3A_833 = arith.constant 104 : i32
    %swap3A_834 = arith.index_cast %swap3A_833 : i32 to index
    %swap3A_835 = arith.constant 0 : index
    %swap3A_836 = tpu.vector_load %arg7[%swap3A_834, %swap3A_835] {strides = array<i32>} : memref<128x16xf32, #tpu.memory_space<vmem>>, vector<1x16xf32>,
    %swap3A_837 = vector.shape_cast %swap3A_836 : vector<1x16xf32> to vector<16xf32>
    %swap3A_838 = vector.shape_cast %broadcast_in_dim3A_832 : vector<16xf32> to vector<1x16xf32>
    tpu.vector_store %arg7[%swap3A_834, %swap3A_835], %swap3A_838 {strides = array<i32>} : memref<128x16xf32, #tpu.memory_space<vmem>>, vector<1x16xf32>,
    %broadcast_in_dim3A_839 = arith.constant 0.000000e+00 : f32
    %broadcast_in_dim3A_840 = vector.broadcast %broadcast_in_dim3A_839 : f32 to vector<16xf32>
    %swap3A_841 = arith.constant 105 : i32
    %swap3A_842 = arith.index_cast %swap3A_841 : i32 to index
    %swap3A_843 = arith.constant 0 : index
    %swap3A_844 = tpu.vector_load %arg7[%swap3A_842, %swap3A_843] {strides = array<i32>} : memref<128x16xf32, #tpu.memory_space<vmem>>, vector<1x16xf32>,
    %swap3A_845 = vector.shape_cast %swap3A_844 : vector<1x16xf32> to vector<16xf32>
    %swap3A_846 = vector.shape_cast %broadcast_in_dim3A_840 : vector<16xf32> to vector<1x16xf32>
    tpu.vector_store %arg7[%swap3A_842, %swap3A_843], %swap3A_846 {strides = array<i32>} : memref<128x16xf32, #tpu.memory_space<vmem>>, vector<1x16xf32>,
    %broadcast_in_dim3A_847 = arith.constant 0.000000e+00 : f32
    %broadcast_in_dim3A_848 = vector.broadcast %broadcast_in_dim3A_847 : f32 to vector<16xf32>
    %swap3A_849 = arith.constant 106 : i32
    %swap3A_850 = arith.index_cast %swap3A_849 : i32 to index
    %swap3A_851 = arith.constant 0 : index
    %swap3A_852 = tpu.vector_load %arg7[%swap3A_850, %swap3A_851] {strides = array<i32>} : memref<128x16xf32, #tpu.memory_space<vmem>>, vector<1x16xf32>,
    %swap3A_853 = vector.shape_cast %swap3A_852 : vector<1x16xf32> to vector<16xf32>
    %swap3A_854 = vector.shape_cast %broadcast_in_dim3A_848 : vector<16xf32> to vector<1x16xf32>
    tpu.vector_store %arg7[%swap3A_850, %swap3A_851], %swap3A_854 {strides = array<i32>} : memref<128x16xf32, #tpu.memory_space<vmem>>, vector<1x16xf32>,
    %broadcast_in_dim3A_855 = arith.constant 0.000000e+00 : f32
    %broadcast_in_dim3A_856 = vector.broadcast %broadcast_in_dim3A_855 : f32 to vector<16xf32>
    %swap3A_857 = arith.constant 107 : i32
    %swap3A_858 = arith.index_cast %swap3A_857 : i32 to index
    %swap3A_859 = arith.constant 0 : index
    %swap3A_860 = tpu.vector_load %arg7[%swap3A_858, %swap3A_859] {strides = array<i32>} : memref<128x16xf32, #tpu.memory_space<vmem>>, vector<1x16xf32>,
    %swap3A_861 = vector.shape_cast %swap3A_860 : vector<1x16xf32> to vector<16xf32>
    %swap3A_862 = vector.shape_cast %broadcast_in_dim3A_856 : vector<16xf32> to vector<1x16xf32>
    tpu.vector_store %arg7[%swap3A_858, %swap3A_859], %swap3A_862 {strides = array<i32>} : memref<128x16xf32, #tpu.memory_space<vmem>>, vector<1x16xf32>,
    %broadcast_in_dim3A_863 = arith.constant 0.000000e+00 : f32
    %broadcast_in_dim3A_864 = vector.broadcast %broadcast_in_dim3A_863 : f32 to vector<16xf32>
    %swap3A_865 = arith.constant 108 : i32
    %swap3A_866 = arith.index_cast %swap3A_865 : i32 to index
    %swap3A_867 = arith.constant 0 : index
    %swap3A_868 = tpu.vector_load %arg7[%swap3A_866, %swap3A_867] {strides = array<i32>} : memref<128x16xf32, #tpu.memory_space<vmem>>, vector<1x16xf32>,
    %swap3A_869 = vector.shape_cast %swap3A_868 : vector<1x16xf32> to vector<16xf32>
    %swap3A_870 = vector.shape_cast %broadcast_in_dim3A_864 : vector<16xf32> to vector<1x16xf32>
    tpu.vector_store %arg7[%swap3A_866, %swap3A_867], %swap3A_870 {strides = array<i32>} : memref<128x16xf32, #tpu.memory_space<vmem>>, vector<1x16xf32>,
    %broadcast_in_dim3A_871 = arith.constant 0.000000e+00 : f32
    %broadcast_in_dim3A_872 = vector.broadcast %broadcast_in_dim3A_871 : f32 to vector<16xf32>
    %swap3A_873 = arith.constant 109 : i32
    %swap3A_874 = arith.index_cast %swap3A_873 : i32 to index
    %swap3A_875 = arith.constant 0 : index
    %swap3A_876 = tpu.vector_load %arg7[%swap3A_874, %swap3A_875] {strides = array<i32>} : memref<128x16xf32, #tpu.memory_space<vmem>>, vector<1x16xf32>,
    %swap3A_877 = vector.shape_cast %swap3A_876 : vector<1x16xf32> to vector<16xf32>
    %swap3A_878 = vector.shape_cast %broadcast_in_dim3A_872 : vector<16xf32> to vector<1x16xf32>
    tpu.vector_store %arg7[%swap3A_874, %swap3A_875], %swap3A_878 {strides = array<i32>} : memref<128x16xf32, #tpu.memory_space<vmem>>, vector<1x16xf32>,
    %broadcast_in_dim3A_879 = arith.constant 0.000000e+00 : f32
    %broadcast_in_dim3A_880 = vector.broadcast %broadcast_in_dim3A_879 : f32 to vector<16xf32>
    %swap3A_881 = arith.constant 110 : i32
    %swap3A_882 = arith.index_cast %swap3A_881 : i32 to index
    %swap3A_883 = arith.constant 0 : index
    %swap3A_884 = tpu.vector_load %arg7[%swap3A_882, %swap3A_883] {strides = array<i32>} : memref<128x16xf32, #tpu.memory_space<vmem>>, vector<1x16xf32>,
    %swap3A_885 = vector.shape_cast %swap3A_884 : vector<1x16xf32> to vector<16xf32>
    %swap3A_886 = vector.shape_cast %broadcast_in_dim3A_880 : vector<16xf32> to vector<1x16xf32>
    tpu.vector_store %arg7[%swap3A_882, %swap3A_883], %swap3A_886 {strides = array<i32>} : memref<128x16xf32, #tpu.memory_space<vmem>>, vector<1x16xf32>,
    %broadcast_in_dim3A_887 = arith.constant 0.000000e+00 : f32
    %broadcast_in_dim3A_888 = vector.broadcast %broadcast_in_dim3A_887 : f32 to vector<16xf32>
    %swap3A_889 = arith.constant 111 : i32
    %swap3A_890 = arith.index_cast %swap3A_889 : i32 to index
    %swap3A_891 = arith.constant 0 : index
    %swap3A_892 = tpu.vector_load %arg7[%swap3A_890, %swap3A_891] {strides = array<i32>} : memref<128x16xf32, #tpu.memory_space<vmem>>, vector<1x16xf32>,
    %swap3A_893 = vector.shape_cast %swap3A_892 : vector<1x16xf32> to vector<16xf32>
    %swap3A_894 = vector.shape_cast %broadcast_in_dim3A_888 : vector<16xf32> to vector<1x16xf32>
    tpu.vector_store %arg7[%swap3A_890, %swap3A_891], %swap3A_894 {strides = array<i32>} : memref<128x16xf32, #tpu.memory_space<vmem>>, vector<1x16xf32>,
    %broadcast_in_dim3A_895 = arith.constant 0.000000e+00 : f32
    %broadcast_in_dim3A_896 = vector.broadcast %broadcast_in_dim3A_895 : f32 to vector<16xf32>
    %swap3A_897 = arith.constant 112 : i32
    %swap3A_898 = arith.index_cast %swap3A_897 : i32 to index
    %swap3A_899 = arith.constant 0 : index
    %swap3A_900 = tpu.vector_load %arg7[%swap3A_898, %swap3A_899] {strides = array<i32>} : memref<128x16xf32, #tpu.memory_space<vmem>>, vector<1x16xf32>,
    %swap3A_901 = vector.shape_cast %swap3A_900 : vector<1x16xf32> to vector<16xf32>
    %swap3A_902 = vector.shape_cast %broadcast_in_dim3A_896 : vector<16xf32> to vector<1x16xf32>
    tpu.vector_store %arg7[%swap3A_898, %swap3A_899], %swap3A_902 {strides = array<i32>} : memref<128x16xf32, #tpu.memory_space<vmem>>, vector<1x16xf32>,
    %broadcast_in_dim3A_903 = arith.constant 0.000000e+00 : f32
    %broadcast_in_dim3A_904 = vector.broadcast %broadcast_in_dim3A_903 : f32 to vector<16xf32>
    %swap3A_905 = arith.constant 113 : i32
    %swap3A_906 = arith.index_cast %swap3A_905 : i32 to index
    %swap3A_907 = arith.constant 0 : index
    %swap3A_908 = tpu.vector_load %arg7[%swap3A_906, %swap3A_907] {strides = array<i32>} : memref<128x16xf32, #tpu.memory_space<vmem>>, vector<1x16xf32>,
    %swap3A_909 = vector.shape_cast %swap3A_908 : vector<1x16xf32> to vector<16xf32>
    %swap3A_910 = vector.shape_cast %broadcast_in_dim3A_904 : vector<16xf32> to vector<1x16xf32>
    tpu.vector_store %arg7[%swap3A_906, %swap3A_907], %swap3A_910 {strides = array<i32>} : memref<128x16xf32, #tpu.memory_space<vmem>>, vector<1x16xf32>,
    %broadcast_in_dim3A_911 = arith.constant 0.000000e+00 : f32
    %broadcast_in_dim3A_912 = vector.broadcast %broadcast_in_dim3A_911 : f32 to vector<16xf32>
    %swap3A_913 = arith.constant 114 : i32
    %swap3A_914 = arith.index_cast %swap3A_913 : i32 to index
    %swap3A_915 = arith.constant 0 : index
    %swap3A_916 = tpu.vector_load %arg7[%swap3A_914, %swap3A_915] {strides = array<i32>} : memref<128x16xf32, #tpu.memory_space<vmem>>, vector<1x16xf32>,
    %swap3A_917 = vector.shape_cast %swap3A_916 : vector<1x16xf32> to vector<16xf32>
    %swap3A_918 = vector.shape_cast %broadcast_in_dim3A_912 : vector<16xf32> to vector<1x16xf32>
    tpu.vector_store %arg7[%swap3A_914, %swap3A_915], %swap3A_918 {strides = array<i32>} : memref<128x16xf32, #tpu.memory_space<vmem>>, vector<1x16xf32>,
    %broadcast_in_dim3A_919 = arith.constant 0.000000e+00 : f32
    %broadcast_in_dim3A_920 = vector.broadcast %broadcast_in_dim3A_919 : f32 to vector<16xf32>
    %swap3A_921 = arith.constant 115 : i32
    %swap3A_922 = arith.index_cast %swap3A_921 : i32 to index
    %swap3A_923 = arith.constant 0 : index
    %swap3A_924 = tpu.vector_load %arg7[%swap3A_922, %swap3A_923] {strides = array<i32>} : memref<128x16xf32, #tpu.memory_space<vmem>>, vector<1x16xf32>,
    %swap3A_925 = vector.shape_cast %swap3A_924 : vector<1x16xf32> to vector<16xf32>
    %swap3A_926 = vector.shape_cast %broadcast_in_dim3A_920 : vector<16xf32> to vector<1x16xf32>
    tpu.vector_store %arg7[%swap3A_922, %swap3A_923], %swap3A_926 {strides = array<i32>} : memref<128x16xf32, #tpu.memory_space<vmem>>, vector<1x16xf32>,
    %broadcast_in_dim3A_927 = arith.constant 0.000000e+00 : f32
    %broadcast_in_dim3A_928 = vector.broadcast %broadcast_in_dim3A_927 : f32 to vector<16xf32>
    %swap3A_929 = arith.constant 116 : i32
    %swap3A_930 = arith.index_cast %swap3A_929 : i32 to index
    %swap3A_931 = arith.constant 0 : index
    %swap3A_932 = tpu.vector_load %arg7[%swap3A_930, %swap3A_931] {strides = array<i32>} : memref<128x16xf32, #tpu.memory_space<vmem>>, vector<1x16xf32>,
    %swap3A_933 = vector.shape_cast %swap3A_932 : vector<1x16xf32> to vector<16xf32>
    %swap3A_934 = vector.shape_cast %broadcast_in_dim3A_928 : vector<16xf32> to vector<1x16xf32>
    tpu.vector_store %arg7[%swap3A_930, %swap3A_931], %swap3A_934 {strides = array<i32>} : memref<128x16xf32, #tpu.memory_space<vmem>>, vector<1x16xf32>,
    %broadcast_in_dim3A_935 = arith.constant 0.000000e+00 : f32
    %broadcast_in_dim3A_936 = vector.broadcast %broadcast_in_dim3A_935 : f32 to vector<16xf32>
    %swap3A_937 = arith.constant 117 : i32
    %swap3A_938 = arith.index_cast %swap3A_937 : i32 to index
    %swap3A_939 = arith.constant 0 : index
    %swap3A_940 = tpu.vector_load %arg7[%swap3A_938, %swap3A_939] {strides = array<i32>} : memref<128x16xf32, #tpu.memory_space<vmem>>, vector<1x16xf32>,
    %swap3A_941 = vector.shape_cast %swap3A_940 : vector<1x16xf32> to vector<16xf32>
    %swap3A_942 = vector.shape_cast %broadcast_in_dim3A_936 : vector<16xf32> to vector<1x16xf32>
    tpu.vector_store %arg7[%swap3A_938, %swap3A_939], %swap3A_942 {strides = array<i32>} : memref<128x16xf32, #tpu.memory_space<vmem>>, vector<1x16xf32>,
    %broadcast_in_dim3A_943 = arith.constant 0.000000e+00 : f32
    %broadcast_in_dim3A_944 = vector.broadcast %broadcast_in_dim3A_943 : f32 to vector<16xf32>
    %swap3A_945 = arith.constant 118 : i32
    %swap3A_946 = arith.index_cast %swap3A_945 : i32 to index
    %swap3A_947 = arith.constant 0 : index
    %swap3A_948 = tpu.vector_load %arg7[%swap3A_946, %swap3A_947] {strides = array<i32>} : memref<128x16xf32, #tpu.memory_space<vmem>>, vector<1x16xf32>,
    %swap3A_949 = vector.shape_cast %swap3A_948 : vector<1x16xf32> to vector<16xf32>
    %swap3A_950 = vector.shape_cast %broadcast_in_dim3A_944 : vector<16xf32> to vector<1x16xf32>
    tpu.vector_store %arg7[%swap3A_946, %swap3A_947], %swap3A_950 {strides = array<i32>} : memref<128x16xf32, #tpu.memory_space<vmem>>, vector<1x16xf32>,
    %broadcast_in_dim3A_951 = arith.constant 0.000000e+00 : f32
    %broadcast_in_dim3A_952 = vector.broadcast %broadcast_in_dim3A_951 : f32 to vector<16xf32>
    %swap3A_953 = arith.constant 119 : i32
    %swap3A_954 = arith.index_cast %swap3A_953 : i32 to index
    %swap3A_955 = arith.constant 0 : index
    %swap3A_956 = tpu.vector_load %arg7[%swap3A_954, %swap3A_955] {strides = array<i32>} : memref<128x16xf32, #tpu.memory_space<vmem>>, vector<1x16xf32>,
    %swap3A_957 = vector.shape_cast %swap3A_956 : vector<1x16xf32> to vector<16xf32>
    %swap3A_958 = vector.shape_cast %broadcast_in_dim3A_952 : vector<16xf32> to vector<1x16xf32>
    tpu.vector_store %arg7[%swap3A_954, %swap3A_955], %swap3A_958 {strides = array<i32>} : memref<128x16xf32, #tpu.memory_space<vmem>>, vector<1x16xf32>,
    %broadcast_in_dim3A_959 = arith.constant 0.000000e+00 : f32
    %broadcast_in_dim3A_960 = vector.broadcast %broadcast_in_dim3A_959 : f32 to vector<16xf32>
    %swap3A_961 = arith.constant 120 : i32
    %swap3A_962 = arith.index_cast %swap3A_961 : i32 to index
    %swap3A_963 = arith.constant 0 : index
    %swap3A_964 = tpu.vector_load %arg7[%swap3A_962, %swap3A_963] {strides = array<i32>} : memref<128x16xf32, #tpu.memory_space<vmem>>, vector<1x16xf32>,
    %swap3A_965 = vector.shape_cast %swap3A_964 : vector<1x16xf32> to vector<16xf32>
    %swap3A_966 = vector.shape_cast %broadcast_in_dim3A_960 : vector<16xf32> to vector<1x16xf32>
    tpu.vector_store %arg7[%swap3A_962, %swap3A_963], %swap3A_966 {strides = array<i32>} : memref<128x16xf32, #tpu.memory_space<vmem>>, vector<1x16xf32>,
    %broadcast_in_dim3A_967 = arith.constant 0.000000e+00 : f32
    %broadcast_in_dim3A_968 = vector.broadcast %broadcast_in_dim3A_967 : f32 to vector<16xf32>
    %swap3A_969 = arith.constant 121 : i32
    %swap3A_970 = arith.index_cast %swap3A_969 : i32 to index
    %swap3A_971 = arith.constant 0 : index
    %swap3A_972 = tpu.vector_load %arg7[%swap3A_970, %swap3A_971] {strides = array<i32>} : memref<128x16xf32, #tpu.memory_space<vmem>>, vector<1x16xf32>,
    %swap3A_973 = vector.shape_cast %swap3A_972 : vector<1x16xf32> to vector<16xf32>
    %swap3A_974 = vector.shape_cast %broadcast_in_dim3A_968 : vector<16xf32> to vector<1x16xf32>
    tpu.vector_store %arg7[%swap3A_970, %swap3A_971], %swap3A_974 {strides = array<i32>} : memref<128x16xf32, #tpu.memory_space<vmem>>, vector<1x16xf32>,
    %broadcast_in_dim3A_975 = arith.constant 0.000000e+00 : f32
    %broadcast_in_dim3A_976 = vector.broadcast %broadcast_in_dim3A_975 : f32 to vector<16xf32>
    %swap3A_977 = arith.constant 122 : i32
    %swap3A_978 = arith.index_cast %swap3A_977 : i32 to index
    %swap3A_979 = arith.constant 0 : index
    %swap3A_980 = tpu.vector_load %arg7[%swap3A_978, %swap3A_979] {strides = array<i32>} : memref<128x16xf32, #tpu.memory_space<vmem>>, vector<1x16xf32>,
    %swap3A_981 = vector.shape_cast %swap3A_980 : vector<1x16xf32> to vector<16xf32>
    %swap3A_982 = vector.shape_cast %broadcast_in_dim3A_976 : vector<16xf32> to vector<1x16xf32>
    tpu.vector_store %arg7[%swap3A_978, %swap3A_979], %swap3A_982 {strides = array<i32>} : memref<128x16xf32, #tpu.memory_space<vmem>>, vector<1x16xf32>,
    %broadcast_in_dim3A_983 = arith.constant 0.000000e+00 : f32
    %broadcast_in_dim3A_984 = vector.broadcast %broadcast_in_dim3A_983 : f32 to vector<16xf32>
    %swap3A_985 = arith.constant 123 : i32
    %swap3A_986 = arith.index_cast %swap3A_985 : i32 to index
    %swap3A_987 = arith.constant 0 : index
    %swap3A_988 = tpu.vector_load %arg7[%swap3A_986, %swap3A_987] {strides = array<i32>} : memref<128x16xf32, #tpu.memory_space<vmem>>, vector<1x16xf32>,
    %swap3A_989 = vector.shape_cast %swap3A_988 : vector<1x16xf32> to vector<16xf32>
    %swap3A_990 = vector.shape_cast %broadcast_in_dim3A_984 : vector<16xf32> to vector<1x16xf32>
    tpu.vector_store %arg7[%swap3A_986, %swap3A_987], %swap3A_990 {strides = array<i32>} : memref<128x16xf32, #tpu.memory_space<vmem>>, vector<1x16xf32>,
    %broadcast_in_dim3A_991 = arith.constant 0.000000e+00 : f32
    %broadcast_in_dim3A_992 = vector.broadcast %broadcast_in_dim3A_991 : f32 to vector<16xf32>
    %swap3A_993 = arith.constant 124 : i32
    %swap3A_994 = arith.index_cast %swap3A_993 : i32 to index
    %swap3A_995 = arith.constant 0 : index
    %swap3A_996 = tpu.vector_load %arg7[%swap3A_994, %swap3A_995] {strides = array<i32>} : memref<128x16xf32, #tpu.memory_space<vmem>>, vector<1x16xf32>,
    %swap3A_997 = vector.shape_cast %swap3A_996 : vector<1x16xf32> to vector<16xf32>
    %swap3A_998 = vector.shape_cast %broadcast_in_dim3A_992 : vector<16xf32> to vector<1x16xf32>
    tpu.vector_store %arg7[%swap3A_994, %swap3A_995], %swap3A_998 {strides = array<i32>} : memref<128x16xf32, #tpu.memory_space<vmem>>, vector<1x16xf32>,
    %broadcast_in_dim3A_999 = arith.constant 0.000000e+00 : f32
    %broadcast_in_dim3A_1000 = vector.broadcast %broadcast_in_dim3A_999 : f32 to vector<16xf32>
    %swap3A_1001 = arith.constant 125 : i32
    %swap3A_1002 = arith.index_cast %swap3A_1001 : i32 to index
    %swap3A_1003 = arith.constant 0 : index
    %swap3A_1004 = tpu.vector_load %arg7[%swap3A_1002, %swap3A_1003] {strides = array<i32>} : memref<128x16xf32, #tpu.memory_space<vmem>>, vector<1x16xf32>,
    %swap3A_1005 = vector.shape_cast %swap3A_1004 : vector<1x16xf32> to vector<16xf32>
    %swap3A_1006 = vector.shape_cast %broadcast_in_dim3A_1000 : vector<16xf32> to vector<1x16xf32>
    tpu.vector_store %arg7[%swap3A_1002, %swap3A_1003], %swap3A_1006 {strides = array<i32>} : memref<128x16xf32, #tpu.memory_space<vmem>>, vector<1x16xf32>,
    %broadcast_in_dim3A_1007 = arith.constant 0.000000e+00 : f32
    %broadcast_in_dim3A_1008 = vector.broadcast %broadcast_in_dim3A_1007 : f32 to vector<16xf32>
    %swap3A_1009 = arith.constant 126 : i32
    %swap3A_1010 = arith.index_cast %swap3A_1009 : i32 to index
    %swap3A_1011 = arith.constant 0 : index
    %swap3A_1012 = tpu.vector_load %arg7[%swap3A_1010, %swap3A_1011] {strides = array<i32>} : memref<128x16xf32, #tpu.memory_space<vmem>>, vector<1x16xf32>,
    %swap3A_1013 = vector.shape_cast %swap3A_1012 : vector<1x16xf32> to vector<16xf32>
    %swap3A_1014 = vector.shape_cast %broadcast_in_dim3A_1008 : vector<16xf32> to vector<1x16xf32>
    tpu.vector_store %arg7[%swap3A_1010, %swap3A_1011], %swap3A_1014 {strides = array<i32>} : memref<128x16xf32, #tpu.memory_space<vmem>>, vector<1x16xf32>,
    %broadcast_in_dim3A_1015 = arith.constant 0.000000e+00 : f32
    %broadcast_in_dim3A_1016 = vector.broadcast %broadcast_in_dim3A_1015 : f32 to vector<16xf32>
    %swap3A_1017 = arith.constant 127 : i32
    %swap3A_1018 = arith.index_cast %swap3A_1017 : i32 to index
    %swap3A_1019 = arith.constant 0 : index
    %swap3A_1020 = tpu.vector_load %arg7[%swap3A_1018, %swap3A_1019] {strides = array<i32>} : memref<128x16xf32, #tpu.memory_space<vmem>>, vector<1x16xf32>,
    %swap3A_1021 = vector.shape_cast %swap3A_1020 : vector<1x16xf32> to vector<16xf32>
    %swap3A_1022 = vector.shape_cast %broadcast_in_dim3A_1016 : vector<16xf32> to vector<1x16xf32>
    tpu.vector_store %arg7[%swap3A_1018, %swap3A_1019], %swap3A_1022 {strides = array<i32>} : memref<128x16xf32, #tpu.memory_space<vmem>>, vector<1x16xf32>,
    %mul3A_1023 = arith.constant 3328 : i32
    %mul3A_1024 = arith.muli %arg1, %mul3A_1023 : i32
    %add3A_1025 = arith.constant 0 : i32
    %add3A_1026 = arith.addi %mul3A_1024, %add3A_1025 : i32
    "tpu.region"() ({
      %run_scoped3A_1234 = tpu.sem_alloc : memref<!tpu.dma_semaphore, #tpu.memory_space<semaphore_mem>>
      %dma_start3A_1235 = arith.constant 0 : i32
      %dma_start3A_1236 = tpu.memref_slice %arg14[%add3A_1026, %dma_start3A_1235] : memref<53248x16xf32, #tpu.memory_space<vmem_shared>> -> memref<128x16xf32, #tpu.memory_space<vmem_shared>>
      %dma_start3A_1237 = arith.constant 0 : i32
      %dma_start3A_1238 = tpu.memref_slice %arg14[%add3A_1026, %dma_start3A_1237] : memref<53248x16xf32, #tpu.memory_space<vmem_shared>> -> memref<128x16xf32, #tpu.memory_space<vmem_shared>>
      tpu.enqueue_dma source(%arg7 : memref<128x16xf32, #tpu.memory_space<vmem>>) target(%dma_start3A_1238 : memref<128x16xf32, #tpu.memory_space<vmem_shared>>) target_semaphore(%run_scoped3A_1234 : memref<!tpu.dma_semaphore, #tpu.memory_space<semaphore_mem>>)
      %dma_wait3A_1239 = arith.constant 0 : i32
      %dma_wait3A_1240 = tpu.memref_slice %arg14[%add3A_1026, %dma_wait3A_1239] : memref<53248x16xf32, #tpu.memory_space<vmem_shared>> -> memref<128x16xf32, #tpu.memory_space<vmem_shared>>
      %dma_wait3A_1241 = arith.constant 0 : i32
      %dma_wait3A_1242 = tpu.memref_slice %arg14[%add3A_1026, %dma_wait3A_1241] : memref<53248x16xf32, #tpu.memory_space<vmem_shared>> -> memref<128x16xf32, #tpu.memory_space<vmem_shared>>
      tpu.wait_dma2 semaphore(%run_scoped3A_1234 : memref<!tpu.dma_semaphore, #tpu.memory_space<semaphore_mem>>) src(%arg7 : memref<128x16xf32, #tpu.memory_space<vmem>>) dst(%dma_wait3A_1242 : memref<128x16xf32, #tpu.memory_space<vmem_shared>>)
      tpu.yield
    }) : () -> ()
    %mul3A_1027 = arith.constant 3328 : i32
    %mul3A_1028 = arith.muli %arg1, %mul3A_1027 : i32
    %add3A_1029 = arith.constant 128 : i32
    %add3A_1030 = arith.addi %mul3A_1028, %add3A_1029 : i32
    "tpu.region"() ({
      %run_scoped3A_1234 = tpu.sem_alloc : memref<!tpu.dma_semaphore, #tpu.memory_space<semaphore_mem>>
      %dma_start3A_1235 = arith.constant 0 : i32
      %dma_start3A_1236 = tpu.memref_slice %arg14[%add3A_1030, %dma_start3A_1235] : memref<53248x16xf32, #tpu.memory_space<vmem_shared>> -> memref<128x16xf32, #tpu.memory_space<vmem_shared>>
      %dma_start3A_1237 = arith.constant 0 : i32
      %dma_start3A_1238 = tpu.memref_slice %arg14[%add3A_1030, %dma_start3A_1237] : memref<53248x16xf32, #tpu.memory_space<vmem_shared>> -> memref<128x16xf32, #tpu.memory_space<vmem_shared>>
      tpu.enqueue_dma source(%arg7 : memref<128x16xf32, #tpu.memory_space<vmem>>) target(%dma_start3A_1238 : memref<128x16xf32, #tpu.memory_space<vmem_shared>>) target_semaphore(%run_scoped3A_1234 : memref<!tpu.dma_semaphore, #tpu.memory_space<semaphore_mem>>)
      %dma_wait3A_1239 = arith.constant 0 : i32
      %dma_wait3A_1240 = tpu.memref_slice %arg14[%add3A_1030, %dma_wait3A_1239] : memref<53248x16xf32, #tpu.memory_space<vmem_shared>> -> memref<128x16xf32, #tpu.memory_space<vmem_shared>>
      %dma_wait3A_1241 = arith.constant 0 : i32
      %dma_wait3A_1242 = tpu.memref_slice %arg14[%add3A_1030, %dma_wait3A_1241] : memref<53248x16xf32, #tpu.memory_space<vmem_shared>> -> memref<128x16xf32, #tpu.memory_space<vmem_shared>>
      tpu.wait_dma2 semaphore(%run_scoped3A_1234 : memref<!tpu.dma_semaphore, #tpu.memory_space<semaphore_mem>>) src(%arg7 : memref<128x16xf32, #tpu.memory_space<vmem>>) dst(%dma_wait3A_1242 : memref<128x16xf32, #tpu.memory_space<vmem_shared>>)
      tpu.yield
    }) : () -> ()
    %mul3A_1031 = arith.constant 3328 : i32
    %mul3A_1032 = arith.muli %arg1, %mul3A_1031 : i32
    %add3A_1033 = arith.constant 256 : i32
    %add3A_1034 = arith.addi %mul3A_1032, %add3A_1033 : i32
    "tpu.region"() ({
      %run_scoped3A_1234 = tpu.sem_alloc : memref<!tpu.dma_semaphore, #tpu.memory_space<semaphore_mem>>
      %dma_start3A_1235 = arith.constant 0 : i32
      %dma_start3A_1236 = tpu.memref_slice %arg14[%add3A_1034, %dma_start3A_1235] : memref<53248x16xf32, #tpu.memory_space<vmem_shared>> -> memref<128x16xf32, #tpu.memory_space<vmem_shared>>
      %dma_start3A_1237 = arith.constant 0 : i32
      %dma_start3A_1238 = tpu.memref_slice %arg14[%add3A_1034, %dma_start3A_1237] : memref<53248x16xf32, #tpu.memory_space<vmem_shared>> -> memref<128x16xf32, #tpu.memory_space<vmem_shared>>
      tpu.enqueue_dma source(%arg7 : memref<128x16xf32, #tpu.memory_space<vmem>>) target(%dma_start3A_1238 : memref<128x16xf32, #tpu.memory_space<vmem_shared>>) target_semaphore(%run_scoped3A_1234 : memref<!tpu.dma_semaphore, #tpu.memory_space<semaphore_mem>>)
      %dma_wait3A_1239 = arith.constant 0 : i32
      %dma_wait3A_1240 = tpu.memref_slice %arg14[%add3A_1034, %dma_wait3A_1239] : memref<53248x16xf32, #tpu.memory_space<vmem_shared>> -> memref<128x16xf32, #tpu.memory_space<vmem_shared>>
      %dma_wait3A_1241 = arith.constant 0 : i32
      %dma_wait3A_1242 = tpu.memref_slice %arg14[%add3A_1034, %dma_wait3A_1241] : memref<53248x16xf32, #tpu.memory_space<vmem_shared>> -> memref<128x16xf32, #tpu.memory_space<vmem_shared>>
      tpu.wait_dma2 semaphore(%run_scoped3A_1234 : memref<!tpu.dma_semaphore, #tpu.memory_space<semaphore_mem>>) src(%arg7 : memref<128x16xf32, #tpu.memory_space<vmem>>) dst(%dma_wait3A_1242 : memref<128x16xf32, #tpu.memory_space<vmem_shared>>)
      tpu.yield
    }) : () -> ()
    %mul3A_1035 = arith.constant 3328 : i32
    %mul3A_1036 = arith.muli %arg1, %mul3A_1035 : i32
    %add3A_1037 = arith.constant 384 : i32
    %add3A_1038 = arith.addi %mul3A_1036, %add3A_1037 : i32
    "tpu.region"() ({
      %run_scoped3A_1234 = tpu.sem_alloc : memref<!tpu.dma_semaphore, #tpu.memory_space<semaphore_mem>>
      %dma_start3A_1235 = arith.constant 0 : i32
      %dma_start3A_1236 = tpu.memref_slice %arg14[%add3A_1038, %dma_start3A_1235] : memref<53248x16xf32, #tpu.memory_space<vmem_shared>> -> memref<128x16xf32, #tpu.memory_space<vmem_shared>>
      %dma_start3A_1237 = arith.constant 0 : i32
      %dma_start3A_1238 = tpu.memref_slice %arg14[%add3A_1038, %dma_start3A_1237] : memref<53248x16xf32, #tpu.memory_space<vmem_shared>> -> memref<128x16xf32, #tpu.memory_space<vmem_shared>>
      tpu.enqueue_dma source(%arg7 : memref<128x16xf32, #tpu.memory_space<vmem>>) target(%dma_start3A_1238 : memref<128x16xf32, #tpu.memory_space<vmem_shared>>) target_semaphore(%run_scoped3A_1234 : memref<!tpu.dma_semaphore, #tpu.memory_space<semaphore_mem>>)
      %dma_wait3A_1239 = arith.constant 0 : i32
      %dma_wait3A_1240 = tpu.memref_slice %arg14[%add3A_1038, %dma_wait3A_1239] : memref<53248x16xf32, #tpu.memory_space<vmem_shared>> -> memref<128x16xf32, #tpu.memory_space<vmem_shared>>
      %dma_wait3A_1241 = arith.constant 0 : i32
      %dma_wait3A_1242 = tpu.memref_slice %arg14[%add3A_1038, %dma_wait3A_1241] : memref<53248x16xf32, #tpu.memory_space<vmem_shared>> -> memref<128x16xf32, #tpu.memory_space<vmem_shared>>
      tpu.wait_dma2 semaphore(%run_scoped3A_1234 : memref<!tpu.dma_semaphore, #tpu.memory_space<semaphore_mem>>) src(%arg7 : memref<128x16xf32, #tpu.memory_space<vmem>>) dst(%dma_wait3A_1242 : memref<128x16xf32, #tpu.memory_space<vmem_shared>>)
      tpu.yield
    }) : () -> ()
    %mul3A_1039 = arith.constant 3328 : i32
    %mul3A_1040 = arith.muli %arg1, %mul3A_1039 : i32
    %add3A_1041 = arith.constant 512 : i32
    %add3A_1042 = arith.addi %mul3A_1040, %add3A_1041 : i32
    "tpu.region"() ({
      %run_scoped3A_1234 = tpu.sem_alloc : memref<!tpu.dma_semaphore, #tpu.memory_space<semaphore_mem>>
      %dma_start3A_1235 = arith.constant 0 : i32
      %dma_start3A_1236 = tpu.memref_slice %arg14[%add3A_1042, %dma_start3A_1235] : memref<53248x16xf32, #tpu.memory_space<vmem_shared>> -> memref<128x16xf32, #tpu.memory_space<vmem_shared>>
      %dma_start3A_1237 = arith.constant 0 : i32
      %dma_start3A_1238 = tpu.memref_slice %arg14[%add3A_1042, %dma_start3A_1237] : memref<53248x16xf32, #tpu.memory_space<vmem_shared>> -> memref<128x16xf32, #tpu.memory_space<vmem_shared>>
      tpu.enqueue_dma source(%arg7 : memref<128x16xf32, #tpu.memory_space<vmem>>) target(%dma_start3A_1238 : memref<128x16xf32, #tpu.memory_space<vmem_shared>>) target_semaphore(%run_scoped3A_1234 : memref<!tpu.dma_semaphore, #tpu.memory_space<semaphore_mem>>)
      %dma_wait3A_1239 = arith.constant 0 : i32
      %dma_wait3A_1240 = tpu.memref_slice %arg14[%add3A_1042, %dma_wait3A_1239] : memref<53248x16xf32, #tpu.memory_space<vmem_shared>> -> memref<128x16xf32, #tpu.memory_space<vmem_shared>>
      %dma_wait3A_1241 = arith.constant 0 : i32
      %dma_wait3A_1242 = tpu.memref_slice %arg14[%add3A_1042, %dma_wait3A_1241] : memref<53248x16xf32, #tpu.memory_space<vmem_shared>> -> memref<128x16xf32, #tpu.memory_space<vmem_shared>>
      tpu.wait_dma2 semaphore(%run_scoped3A_1234 : memref<!tpu.dma_semaphore, #tpu.memory_space<semaphore_mem>>) src(%arg7 : memref<128x16xf32, #tpu.memory_space<vmem>>) dst(%dma_wait3A_1242 : memref<128x16xf32, #tpu.memory_space<vmem_shared>>)
      tpu.yield
    }) : () -> ()
    %mul3A_1043 = arith.constant 3328 : i32
    %mul3A_1044 = arith.muli %arg1, %mul3A_1043 : i32
    %add3A_1045 = arith.constant 640 : i32
    %add3A_1046 = arith.addi %mul3A_1044, %add3A_1045 : i32
    "tpu.region"() ({
      %run_scoped3A_1234 = tpu.sem_alloc : memref<!tpu.dma_semaphore, #tpu.memory_space<semaphore_mem>>
      %dma_start3A_1235 = arith.constant 0 : i32
      %dma_start3A_1236 = tpu.memref_slice %arg14[%add3A_1046, %dma_start3A_1235] : memref<53248x16xf32, #tpu.memory_space<vmem_shared>> -> memref<128x16xf32, #tpu.memory_space<vmem_shared>>
      %dma_start3A_1237 = arith.constant 0 : i32
      %dma_start3A_1238 = tpu.memref_slice %arg14[%add3A_1046, %dma_start3A_1237] : memref<53248x16xf32, #tpu.memory_space<vmem_shared>> -> memref<128x16xf32, #tpu.memory_space<vmem_shared>>
      tpu.enqueue_dma source(%arg7 : memref<128x16xf32, #tpu.memory_space<vmem>>) target(%dma_start3A_1238 : memref<128x16xf32, #tpu.memory_space<vmem_shared>>) target_semaphore(%run_scoped3A_1234 : memref<!tpu.dma_semaphore, #tpu.memory_space<semaphore_mem>>)
      %dma_wait3A_1239 = arith.constant 0 : i32
      %dma_wait3A_1240 = tpu.memref_slice %arg14[%add3A_1046, %dma_wait3A_1239] : memref<53248x16xf32, #tpu.memory_space<vmem_shared>> -> memref<128x16xf32, #tpu.memory_space<vmem_shared>>
      %dma_wait3A_1241 = arith.constant 0 : i32
      %dma_wait3A_1242 = tpu.memref_slice %arg14[%add3A_1046, %dma_wait3A_1241] : memref<53248x16xf32, #tpu.memory_space<vmem_shared>> -> memref<128x16xf32, #tpu.memory_space<vmem_shared>>
      tpu.wait_dma2 semaphore(%run_scoped3A_1234 : memref<!tpu.dma_semaphore, #tpu.memory_space<semaphore_mem>>) src(%arg7 : memref<128x16xf32, #tpu.memory_space<vmem>>) dst(%dma_wait3A_1242 : memref<128x16xf32, #tpu.memory_space<vmem_shared>>)
      tpu.yield
    }) : () -> ()
    %mul3A_1047 = arith.constant 3328 : i32
    %mul3A_1048 = arith.muli %arg1, %mul3A_1047 : i32
    %add3A_1049 = arith.constant 768 : i32
    %add3A_1050 = arith.addi %mul3A_1048, %add3A_1049 : i32
    "tpu.region"() ({
      %run_scoped3A_1234 = tpu.sem_alloc : memref<!tpu.dma_semaphore, #tpu.memory_space<semaphore_mem>>
      %dma_start3A_1235 = arith.constant 0 : i32
      %dma_start3A_1236 = tpu.memref_slice %arg14[%add3A_1050, %dma_start3A_1235] : memref<53248x16xf32, #tpu.memory_space<vmem_shared>> -> memref<128x16xf32, #tpu.memory_space<vmem_shared>>
      %dma_start3A_1237 = arith.constant 0 : i32
      %dma_start3A_1238 = tpu.memref_slice %arg14[%add3A_1050, %dma_start3A_1237] : memref<53248x16xf32, #tpu.memory_space<vmem_shared>> -> memref<128x16xf32, #tpu.memory_space<vmem_shared>>
      tpu.enqueue_dma source(%arg7 : memref<128x16xf32, #tpu.memory_space<vmem>>) target(%dma_start3A_1238 : memref<128x16xf32, #tpu.memory_space<vmem_shared>>) target_semaphore(%run_scoped3A_1234 : memref<!tpu.dma_semaphore, #tpu.memory_space<semaphore_mem>>)
      %dma_wait3A_1239 = arith.constant 0 : i32
      %dma_wait3A_1240 = tpu.memref_slice %arg14[%add3A_1050, %dma_wait3A_1239] : memref<53248x16xf32, #tpu.memory_space<vmem_shared>> -> memref<128x16xf32, #tpu.memory_space<vmem_shared>>
      %dma_wait3A_1241 = arith.constant 0 : i32
      %dma_wait3A_1242 = tpu.memref_slice %arg14[%add3A_1050, %dma_wait3A_1241] : memref<53248x16xf32, #tpu.memory_space<vmem_shared>> -> memref<128x16xf32, #tpu.memory_space<vmem_shared>>
      tpu.wait_dma2 semaphore(%run_scoped3A_1234 : memref<!tpu.dma_semaphore, #tpu.memory_space<semaphore_mem>>) src(%arg7 : memref<128x16xf32, #tpu.memory_space<vmem>>) dst(%dma_wait3A_1242 : memref<128x16xf32, #tpu.memory_space<vmem_shared>>)
      tpu.yield
    }) : () -> ()
    %mul3A_1051 = arith.constant 3328 : i32
    %mul3A_1052 = arith.muli %arg1, %mul3A_1051 : i32
    %add3A_1053 = arith.constant 896 : i32
    %add3A_1054 = arith.addi %mul3A_1052, %add3A_1053 : i32
    "tpu.region"() ({
      %run_scoped3A_1234 = tpu.sem_alloc : memref<!tpu.dma_semaphore, #tpu.memory_space<semaphore_mem>>
      %dma_start3A_1235 = arith.constant 0 : i32
      %dma_start3A_1236 = tpu.memref_slice %arg14[%add3A_1054, %dma_start3A_1235] : memref<53248x16xf32, #tpu.memory_space<vmem_shared>> -> memref<128x16xf32, #tpu.memory_space<vmem_shared>>
      %dma_start3A_1237 = arith.constant 0 : i32
      %dma_start3A_1238 = tpu.memref_slice %arg14[%add3A_1054, %dma_start3A_1237] : memref<53248x16xf32, #tpu.memory_space<vmem_shared>> -> memref<128x16xf32, #tpu.memory_space<vmem_shared>>
      tpu.enqueue_dma source(%arg7 : memref<128x16xf32, #tpu.memory_space<vmem>>) target(%dma_start3A_1238 : memref<128x16xf32, #tpu.memory_space<vmem_shared>>) target_semaphore(%run_scoped3A_1234 : memref<!tpu.dma_semaphore, #tpu.memory_space<semaphore_mem>>)
      %dma_wait3A_1239 = arith.constant 0 : i32
      %dma_wait3A_1240 = tpu.memref_slice %arg14[%add3A_1054, %dma_wait3A_1239] : memref<53248x16xf32, #tpu.memory_space<vmem_shared>> -> memref<128x16xf32, #tpu.memory_space<vmem_shared>>
      %dma_wait3A_1241 = arith.constant 0 : i32
      %dma_wait3A_1242 = tpu.memref_slice %arg14[%add3A_1054, %dma_wait3A_1241] : memref<53248x16xf32, #tpu.memory_space<vmem_shared>> -> memref<128x16xf32, #tpu.memory_space<vmem_shared>>
      tpu.wait_dma2 semaphore(%run_scoped3A_1234 : memref<!tpu.dma_semaphore, #tpu.memory_space<semaphore_mem>>) src(%arg7 : memref<128x16xf32, #tpu.memory_space<vmem>>) dst(%dma_wait3A_1242 : memref<128x16xf32, #tpu.memory_space<vmem_shared>>)
      tpu.yield
    }) : () -> ()
    %mul3A_1055 = arith.constant 3328 : i32
    %mul3A_1056 = arith.muli %arg1, %mul3A_1055 : i32
    %add3A_1057 = arith.constant 1024 : i32
    %add3A_1058 = arith.addi %mul3A_1056, %add3A_1057 : i32
    "tpu.region"() ({
      %run_scoped3A_1234 = tpu.sem_alloc : memref<!tpu.dma_semaphore, #tpu.memory_space<semaphore_mem>>
      %dma_start3A_1235 = arith.constant 0 : i32
      %dma_start3A_1236 = tpu.memref_slice %arg14[%add3A_1058, %dma_start3A_1235] : memref<53248x16xf32, #tpu.memory_space<vmem_shared>> -> memref<128x16xf32, #tpu.memory_space<vmem_shared>>
      %dma_start3A_1237 = arith.constant 0 : i32
      %dma_start3A_1238 = tpu.memref_slice %arg14[%add3A_1058, %dma_start3A_1237] : memref<53248x16xf32, #tpu.memory_space<vmem_shared>> -> memref<128x16xf32, #tpu.memory_space<vmem_shared>>
      tpu.enqueue_dma source(%arg7 : memref<128x16xf32, #tpu.memory_space<vmem>>) target(%dma_start3A_1238 : memref<128x16xf32, #tpu.memory_space<vmem_shared>>) target_semaphore(%run_scoped3A_1234 : memref<!tpu.dma_semaphore, #tpu.memory_space<semaphore_mem>>)
      %dma_wait3A_1239 = arith.constant 0 : i32
      %dma_wait3A_1240 = tpu.memref_slice %arg14[%add3A_1058, %dma_wait3A_1239] : memref<53248x16xf32, #tpu.memory_space<vmem_shared>> -> memref<128x16xf32, #tpu.memory_space<vmem_shared>>
      %dma_wait3A_1241 = arith.constant 0 : i32
      %dma_wait3A_1242 = tpu.memref_slice %arg14[%add3A_1058, %dma_wait3A_1241] : memref<53248x16xf32, #tpu.memory_space<vmem_shared>> -> memref<128x16xf32, #tpu.memory_space<vmem_shared>>
      tpu.wait_dma2 semaphore(%run_scoped3A_1234 : memref<!tpu.dma_semaphore, #tpu.memory_space<semaphore_mem>>) src(%arg7 : memref<128x16xf32, #tpu.memory_space<vmem>>) dst(%dma_wait3A_1242 : memref<128x16xf32, #tpu.memory_space<vmem_shared>>)
      tpu.yield
    }) : () -> ()
    %mul3A_1059 = arith.constant 3328 : i32
    %mul3A_1060 = arith.muli %arg1, %mul3A_1059 : i32
    %add3A_1061 = arith.constant 1152 : i32
    %add3A_1062 = arith.addi %mul3A_1060, %add3A_1061 : i32
    "tpu.region"() ({
      %run_scoped3A_1234 = tpu.sem_alloc : memref<!tpu.dma_semaphore, #tpu.memory_space<semaphore_mem>>
      %dma_start3A_1235 = arith.constant 0 : i32
      %dma_start3A_1236 = tpu.memref_slice %arg14[%add3A_1062, %dma_start3A_1235] : memref<53248x16xf32, #tpu.memory_space<vmem_shared>> -> memref<128x16xf32, #tpu.memory_space<vmem_shared>>
      %dma_start3A_1237 = arith.constant 0 : i32
      %dma_start3A_1238 = tpu.memref_slice %arg14[%add3A_1062, %dma_start3A_1237] : memref<53248x16xf32, #tpu.memory_space<vmem_shared>> -> memref<128x16xf32, #tpu.memory_space<vmem_shared>>
      tpu.enqueue_dma source(%arg7 : memref<128x16xf32, #tpu.memory_space<vmem>>) target(%dma_start3A_1238 : memref<128x16xf32, #tpu.memory_space<vmem_shared>>) target_semaphore(%run_scoped3A_1234 : memref<!tpu.dma_semaphore, #tpu.memory_space<semaphore_mem>>)
      %dma_wait3A_1239 = arith.constant 0 : i32
      %dma_wait3A_1240 = tpu.memref_slice %arg14[%add3A_1062, %dma_wait3A_1239] : memref<53248x16xf32, #tpu.memory_space<vmem_shared>> -> memref<128x16xf32, #tpu.memory_space<vmem_shared>>
      %dma_wait3A_1241 = arith.constant 0 : i32
      %dma_wait3A_1242 = tpu.memref_slice %arg14[%add3A_1062, %dma_wait3A_1241] : memref<53248x16xf32, #tpu.memory_space<vmem_shared>> -> memref<128x16xf32, #tpu.memory_space<vmem_shared>>
      tpu.wait_dma2 semaphore(%run_scoped3A_1234 : memref<!tpu.dma_semaphore, #tpu.memory_space<semaphore_mem>>) src(%arg7 : memref<128x16xf32, #tpu.memory_space<vmem>>) dst(%dma_wait3A_1242 : memref<128x16xf32, #tpu.memory_space<vmem_shared>>)
      tpu.yield
    }) : () -> ()
    %mul3A_1063 = arith.constant 3328 : i32
    %mul3A_1064 = arith.muli %arg1, %mul3A_1063 : i32
    %add3A_1065 = arith.constant 1280 : i32
    %add3A_1066 = arith.addi %mul3A_1064, %add3A_1065 : i32
    "tpu.region"() ({
      %run_scoped3A_1234 = tpu.sem_alloc : memref<!tpu.dma_semaphore, #tpu.memory_space<semaphore_mem>>
      %dma_start3A_1235 = arith.constant 0 : i32
      %dma_start3A_1236 = tpu.memref_slice %arg14[%add3A_1066, %dma_start3A_1235] : memref<53248x16xf32, #tpu.memory_space<vmem_shared>> -> memref<128x16xf32, #tpu.memory_space<vmem_shared>>
      %dma_start3A_1237 = arith.constant 0 : i32
      %dma_start3A_1238 = tpu.memref_slice %arg14[%add3A_1066, %dma_start3A_1237] : memref<53248x16xf32, #tpu.memory_space<vmem_shared>> -> memref<128x16xf32, #tpu.memory_space<vmem_shared>>
      tpu.enqueue_dma source(%arg7 : memref<128x16xf32, #tpu.memory_space<vmem>>) target(%dma_start3A_1238 : memref<128x16xf32, #tpu.memory_space<vmem_shared>>) target_semaphore(%run_scoped3A_1234 : memref<!tpu.dma_semaphore, #tpu.memory_space<semaphore_mem>>)
      %dma_wait3A_1239 = arith.constant 0 : i32
      %dma_wait3A_1240 = tpu.memref_slice %arg14[%add3A_1066, %dma_wait3A_1239] : memref<53248x16xf32, #tpu.memory_space<vmem_shared>> -> memref<128x16xf32, #tpu.memory_space<vmem_shared>>
      %dma_wait3A_1241 = arith.constant 0 : i32
      %dma_wait3A_1242 = tpu.memref_slice %arg14[%add3A_1066, %dma_wait3A_1241] : memref<53248x16xf32, #tpu.memory_space<vmem_shared>> -> memref<128x16xf32, #tpu.memory_space<vmem_shared>>
      tpu.wait_dma2 semaphore(%run_scoped3A_1234 : memref<!tpu.dma_semaphore, #tpu.memory_space<semaphore_mem>>) src(%arg7 : memref<128x16xf32, #tpu.memory_space<vmem>>) dst(%dma_wait3A_1242 : memref<128x16xf32, #tpu.memory_space<vmem_shared>>)
      tpu.yield
    }) : () -> ()
    %mul3A_1067 = arith.constant 3328 : i32
    %mul3A_1068 = arith.muli %arg1, %mul3A_1067 : i32
    %add3A_1069 = arith.constant 1408 : i32
    %add3A_1070 = arith.addi %mul3A_1068, %add3A_1069 : i32
    "tpu.region"() ({
      %run_scoped3A_1234 = tpu.sem_alloc : memref<!tpu.dma_semaphore, #tpu.memory_space<semaphore_mem>>
      %dma_start3A_1235 = arith.constant 0 : i32
      %dma_start3A_1236 = tpu.memref_slice %arg14[%add3A_1070, %dma_start3A_1235] : memref<53248x16xf32, #tpu.memory_space<vmem_shared>> -> memref<128x16xf32, #tpu.memory_space<vmem_shared>>
      %dma_start3A_1237 = arith.constant 0 : i32
      %dma_start3A_1238 = tpu.memref_slice %arg14[%add3A_1070, %dma_start3A_1237] : memref<53248x16xf32, #tpu.memory_space<vmem_shared>> -> memref<128x16xf32, #tpu.memory_space<vmem_shared>>
      tpu.enqueue_dma source(%arg7 : memref<128x16xf32, #tpu.memory_space<vmem>>) target(%dma_start3A_1238 : memref<128x16xf32, #tpu.memory_space<vmem_shared>>) target_semaphore(%run_scoped3A_1234 : memref<!tpu.dma_semaphore, #tpu.memory_space<semaphore_mem>>)
      %dma_wait3A_1239 = arith.constant 0 : i32
      %dma_wait3A_1240 = tpu.memref_slice %arg14[%add3A_1070, %dma_wait3A_1239] : memref<53248x16xf32, #tpu.memory_space<vmem_shared>> -> memref<128x16xf32, #tpu.memory_space<vmem_shared>>
      %dma_wait3A_1241 = arith.constant 0 : i32
      %dma_wait3A_1242 = tpu.memref_slice %arg14[%add3A_1070, %dma_wait3A_1241] : memref<53248x16xf32, #tpu.memory_space<vmem_shared>> -> memref<128x16xf32, #tpu.memory_space<vmem_shared>>
      tpu.wait_dma2 semaphore(%run_scoped3A_1234 : memref<!tpu.dma_semaphore, #tpu.memory_space<semaphore_mem>>) src(%arg7 : memref<128x16xf32, #tpu.memory_space<vmem>>) dst(%dma_wait3A_1242 : memref<128x16xf32, #tpu.memory_space<vmem_shared>>)
      tpu.yield
    }) : () -> ()
    %mul3A_1071 = arith.constant 3328 : i32
    %mul3A_1072 = arith.muli %arg1, %mul3A_1071 : i32
    %add3A_1073 = arith.constant 1536 : i32
    %add3A_1074 = arith.addi %mul3A_1072, %add3A_1073 : i32
    "tpu.region"() ({
      %run_scoped3A_1234 = tpu.sem_alloc : memref<!tpu.dma_semaphore, #tpu.memory_space<semaphore_mem>>
      %dma_start3A_1235 = arith.constant 0 : i32
      %dma_start3A_1236 = tpu.memref_slice %arg14[%add3A_1074, %dma_start3A_1235] : memref<53248x16xf32, #tpu.memory_space<vmem_shared>> -> memref<128x16xf32, #tpu.memory_space<vmem_shared>>
      %dma_start3A_1237 = arith.constant 0 : i32
      %dma_start3A_1238 = tpu.memref_slice %arg14[%add3A_1074, %dma_start3A_1237] : memref<53248x16xf32, #tpu.memory_space<vmem_shared>> -> memref<128x16xf32, #tpu.memory_space<vmem_shared>>
      tpu.enqueue_dma source(%arg7 : memref<128x16xf32, #tpu.memory_space<vmem>>) target(%dma_start3A_1238 : memref<128x16xf32, #tpu.memory_space<vmem_shared>>) target_semaphore(%run_scoped3A_1234 : memref<!tpu.dma_semaphore, #tpu.memory_space<semaphore_mem>>)
      %dma_wait3A_1239 = arith.constant 0 : i32
      %dma_wait3A_1240 = tpu.memref_slice %arg14[%add3A_1074, %dma_wait3A_1239] : memref<53248x16xf32, #tpu.memory_space<vmem_shared>> -> memref<128x16xf32, #tpu.memory_space<vmem_shared>>
      %dma_wait3A_1241 = arith.constant 0 : i32
      %dma_wait3A_1242 = tpu.memref_slice %arg14[%add3A_1074, %dma_wait3A_1241] : memref<53248x16xf32, #tpu.memory_space<vmem_shared>> -> memref<128x16xf32, #tpu.memory_space<vmem_shared>>
      tpu.wait_dma2 semaphore(%run_scoped3A_1234 : memref<!tpu.dma_semaphore, #tpu.memory_space<semaphore_mem>>) src(%arg7 : memref<128x16xf32, #tpu.memory_space<vmem>>) dst(%dma_wait3A_1242 : memref<128x16xf32, #tpu.memory_space<vmem_shared>>)
      tpu.yield
    }) : () -> ()
    %mul3A_1075 = arith.constant 3328 : i32
    %mul3A_1076 = arith.muli %arg1, %mul3A_1075 : i32
    %add3A_1077 = arith.constant 1664 : i32
    %add3A_1078 = arith.addi %mul3A_1076, %add3A_1077 : i32
    "tpu.region"() ({
      %run_scoped3A_1234 = tpu.sem_alloc : memref<!tpu.dma_semaphore, #tpu.memory_space<semaphore_mem>>
      %dma_start3A_1235 = arith.constant 0 : i32
      %dma_start3A_1236 = tpu.memref_slice %arg14[%add3A_1078, %dma_start3A_1235] : memref<53248x16xf32, #tpu.memory_space<vmem_shared>> -> memref<128x16xf32, #tpu.memory_space<vmem_shared>>
      %dma_start3A_1237 = arith.constant 0 : i32
      %dma_start3A_1238 = tpu.memref_slice %arg14[%add3A_1078, %dma_start3A_1237] : memref<53248x16xf32, #tpu.memory_space<vmem_shared>> -> memref<128x16xf32, #tpu.memory_space<vmem_shared>>
      tpu.enqueue_dma source(%arg7 : memref<128x16xf32, #tpu.memory_space<vmem>>) target(%dma_start3A_1238 : memref<128x16xf32, #tpu.memory_space<vmem_shared>>) target_semaphore(%run_scoped3A_1234 : memref<!tpu.dma_semaphore, #tpu.memory_space<semaphore_mem>>)
      %dma_wait3A_1239 = arith.constant 0 : i32
      %dma_wait3A_1240 = tpu.memref_slice %arg14[%add3A_1078, %dma_wait3A_1239] : memref<53248x16xf32, #tpu.memory_space<vmem_shared>> -> memref<128x16xf32, #tpu.memory_space<vmem_shared>>
      %dma_wait3A_1241 = arith.constant 0 : i32
      %dma_wait3A_1242 = tpu.memref_slice %arg14[%add3A_1078, %dma_wait3A_1241] : memref<53248x16xf32, #tpu.memory_space<vmem_shared>> -> memref<128x16xf32, #tpu.memory_space<vmem_shared>>
      tpu.wait_dma2 semaphore(%run_scoped3A_1234 : memref<!tpu.dma_semaphore, #tpu.memory_space<semaphore_mem>>) src(%arg7 : memref<128x16xf32, #tpu.memory_space<vmem>>) dst(%dma_wait3A_1242 : memref<128x16xf32, #tpu.memory_space<vmem_shared>>)
      tpu.yield
    }) : () -> ()
    %mul3A_1079 = arith.constant 3328 : i32
    %mul3A_1080 = arith.muli %arg1, %mul3A_1079 : i32
    %add3A_1081 = arith.constant 1792 : i32
    %add3A_1082 = arith.addi %mul3A_1080, %add3A_1081 : i32
    "tpu.region"() ({
      %run_scoped3A_1234 = tpu.sem_alloc : memref<!tpu.dma_semaphore, #tpu.memory_space<semaphore_mem>>
      %dma_start3A_1235 = arith.constant 0 : i32
      %dma_start3A_1236 = tpu.memref_slice %arg14[%add3A_1082, %dma_start3A_1235] : memref<53248x16xf32, #tpu.memory_space<vmem_shared>> -> memref<128x16xf32, #tpu.memory_space<vmem_shared>>
      %dma_start3A_1237 = arith.constant 0 : i32
      %dma_start3A_1238 = tpu.memref_slice %arg14[%add3A_1082, %dma_start3A_1237] : memref<53248x16xf32, #tpu.memory_space<vmem_shared>> -> memref<128x16xf32, #tpu.memory_space<vmem_shared>>
      tpu.enqueue_dma source(%arg7 : memref<128x16xf32, #tpu.memory_space<vmem>>) target(%dma_start3A_1238 : memref<128x16xf32, #tpu.memory_space<vmem_shared>>) target_semaphore(%run_scoped3A_1234 : memref<!tpu.dma_semaphore, #tpu.memory_space<semaphore_mem>>)
      %dma_wait3A_1239 = arith.constant 0 : i32
      %dma_wait3A_1240 = tpu.memref_slice %arg14[%add3A_1082, %dma_wait3A_1239] : memref<53248x16xf32, #tpu.memory_space<vmem_shared>> -> memref<128x16xf32, #tpu.memory_space<vmem_shared>>
      %dma_wait3A_1241 = arith.constant 0 : i32
      %dma_wait3A_1242 = tpu.memref_slice %arg14[%add3A_1082, %dma_wait3A_1241] : memref<53248x16xf32, #tpu.memory_space<vmem_shared>> -> memref<128x16xf32, #tpu.memory_space<vmem_shared>>
      tpu.wait_dma2 semaphore(%run_scoped3A_1234 : memref<!tpu.dma_semaphore, #tpu.memory_space<semaphore_mem>>) src(%arg7 : memref<128x16xf32, #tpu.memory_space<vmem>>) dst(%dma_wait3A_1242 : memref<128x16xf32, #tpu.memory_space<vmem_shared>>)
      tpu.yield
    }) : () -> ()
    %mul3A_1083 = arith.constant 3328 : i32
    %mul3A_1084 = arith.muli %arg1, %mul3A_1083 : i32
    %add3A_1085 = arith.constant 1920 : i32
    %add3A_1086 = arith.addi %mul3A_1084, %add3A_1085 : i32
    "tpu.region"() ({
      %run_scoped3A_1234 = tpu.sem_alloc : memref<!tpu.dma_semaphore, #tpu.memory_space<semaphore_mem>>
      %dma_start3A_1235 = arith.constant 0 : i32
      %dma_start3A_1236 = tpu.memref_slice %arg14[%add3A_1086, %dma_start3A_1235] : memref<53248x16xf32, #tpu.memory_space<vmem_shared>> -> memref<128x16xf32, #tpu.memory_space<vmem_shared>>
      %dma_start3A_1237 = arith.constant 0 : i32
      %dma_start3A_1238 = tpu.memref_slice %arg14[%add3A_1086, %dma_start3A_1237] : memref<53248x16xf32, #tpu.memory_space<vmem_shared>> -> memref<128x16xf32, #tpu.memory_space<vmem_shared>>
      tpu.enqueue_dma source(%arg7 : memref<128x16xf32, #tpu.memory_space<vmem>>) target(%dma_start3A_1238 : memref<128x16xf32, #tpu.memory_space<vmem_shared>>) target_semaphore(%run_scoped3A_1234 : memref<!tpu.dma_semaphore, #tpu.memory_space<semaphore_mem>>)
      %dma_wait3A_1239 = arith.constant 0 : i32
      %dma_wait3A_1240 = tpu.memref_slice %arg14[%add3A_1086, %dma_wait3A_1239] : memref<53248x16xf32, #tpu.memory_space<vmem_shared>> -> memref<128x16xf32, #tpu.memory_space<vmem_shared>>
      %dma_wait3A_1241 = arith.constant 0 : i32
      %dma_wait3A_1242 = tpu.memref_slice %arg14[%add3A_1086, %dma_wait3A_1241] : memref<53248x16xf32, #tpu.memory_space<vmem_shared>> -> memref<128x16xf32, #tpu.memory_space<vmem_shared>>
      tpu.wait_dma2 semaphore(%run_scoped3A_1234 : memref<!tpu.dma_semaphore, #tpu.memory_space<semaphore_mem>>) src(%arg7 : memref<128x16xf32, #tpu.memory_space<vmem>>) dst(%dma_wait3A_1242 : memref<128x16xf32, #tpu.memory_space<vmem_shared>>)
      tpu.yield
    }) : () -> ()
    %mul3A_1087 = arith.constant 3328 : i32
    %mul3A_1088 = arith.muli %arg1, %mul3A_1087 : i32
    %add3A_1089 = arith.constant 2048 : i32
    %add3A_1090 = arith.addi %mul3A_1088, %add3A_1089 : i32
    "tpu.region"() ({
      %run_scoped3A_1234 = tpu.sem_alloc : memref<!tpu.dma_semaphore, #tpu.memory_space<semaphore_mem>>
      %dma_start3A_1235 = arith.constant 0 : i32
      %dma_start3A_1236 = tpu.memref_slice %arg14[%add3A_1090, %dma_start3A_1235] : memref<53248x16xf32, #tpu.memory_space<vmem_shared>> -> memref<128x16xf32, #tpu.memory_space<vmem_shared>>
      %dma_start3A_1237 = arith.constant 0 : i32
      %dma_start3A_1238 = tpu.memref_slice %arg14[%add3A_1090, %dma_start3A_1237] : memref<53248x16xf32, #tpu.memory_space<vmem_shared>> -> memref<128x16xf32, #tpu.memory_space<vmem_shared>>
      tpu.enqueue_dma source(%arg7 : memref<128x16xf32, #tpu.memory_space<vmem>>) target(%dma_start3A_1238 : memref<128x16xf32, #tpu.memory_space<vmem_shared>>) target_semaphore(%run_scoped3A_1234 : memref<!tpu.dma_semaphore, #tpu.memory_space<semaphore_mem>>)
      %dma_wait3A_1239 = arith.constant 0 : i32
      %dma_wait3A_1240 = tpu.memref_slice %arg14[%add3A_1090, %dma_wait3A_1239] : memref<53248x16xf32, #tpu.memory_space<vmem_shared>> -> memref<128x16xf32, #tpu.memory_space<vmem_shared>>
      %dma_wait3A_1241 = arith.constant 0 : i32
      %dma_wait3A_1242 = tpu.memref_slice %arg14[%add3A_1090, %dma_wait3A_1241] : memref<53248x16xf32, #tpu.memory_space<vmem_shared>> -> memref<128x16xf32, #tpu.memory_space<vmem_shared>>
      tpu.wait_dma2 semaphore(%run_scoped3A_1234 : memref<!tpu.dma_semaphore, #tpu.memory_space<semaphore_mem>>) src(%arg7 : memref<128x16xf32, #tpu.memory_space<vmem>>) dst(%dma_wait3A_1242 : memref<128x16xf32, #tpu.memory_space<vmem_shared>>)
      tpu.yield
    }) : () -> ()
    %mul3A_1091 = arith.constant 3328 : i32
    %mul3A_1092 = arith.muli %arg1, %mul3A_1091 : i32
    %add3A_1093 = arith.constant 2176 : i32
    %add3A_1094 = arith.addi %mul3A_1092, %add3A_1093 : i32
    "tpu.region"() ({
      %run_scoped3A_1234 = tpu.sem_alloc : memref<!tpu.dma_semaphore, #tpu.memory_space<semaphore_mem>>
      %dma_start3A_1235 = arith.constant 0 : i32
      %dma_start3A_1236 = tpu.memref_slice %arg14[%add3A_1094, %dma_start3A_1235] : memref<53248x16xf32, #tpu.memory_space<vmem_shared>> -> memref<128x16xf32, #tpu.memory_space<vmem_shared>>
      %dma_start3A_1237 = arith.constant 0 : i32
      %dma_start3A_1238 = tpu.memref_slice %arg14[%add3A_1094, %dma_start3A_1237] : memref<53248x16xf32, #tpu.memory_space<vmem_shared>> -> memref<128x16xf32, #tpu.memory_space<vmem_shared>>
      tpu.enqueue_dma source(%arg7 : memref<128x16xf32, #tpu.memory_space<vmem>>) target(%dma_start3A_1238 : memref<128x16xf32, #tpu.memory_space<vmem_shared>>) target_semaphore(%run_scoped3A_1234 : memref<!tpu.dma_semaphore, #tpu.memory_space<semaphore_mem>>)
      %dma_wait3A_1239 = arith.constant 0 : i32
      %dma_wait3A_1240 = tpu.memref_slice %arg14[%add3A_1094, %dma_wait3A_1239] : memref<53248x16xf32, #tpu.memory_space<vmem_shared>> -> memref<128x16xf32, #tpu.memory_space<vmem_shared>>
      %dma_wait3A_1241 = arith.constant 0 : i32
      %dma_wait3A_1242 = tpu.memref_slice %arg14[%add3A_1094, %dma_wait3A_1241] : memref<53248x16xf32, #tpu.memory_space<vmem_shared>> -> memref<128x16xf32, #tpu.memory_space<vmem_shared>>
      tpu.wait_dma2 semaphore(%run_scoped3A_1234 : memref<!tpu.dma_semaphore, #tpu.memory_space<semaphore_mem>>) src(%arg7 : memref<128x16xf32, #tpu.memory_space<vmem>>) dst(%dma_wait3A_1242 : memref<128x16xf32, #tpu.memory_space<vmem_shared>>)
      tpu.yield
    }) : () -> ()
    %mul3A_1095 = arith.constant 3328 : i32
    %mul3A_1096 = arith.muli %arg1, %mul3A_1095 : i32
    %add3A_1097 = arith.constant 2304 : i32
    %add3A_1098 = arith.addi %mul3A_1096, %add3A_1097 : i32
    "tpu.region"() ({
      %run_scoped3A_1234 = tpu.sem_alloc : memref<!tpu.dma_semaphore, #tpu.memory_space<semaphore_mem>>
      %dma_start3A_1235 = arith.constant 0 : i32
      %dma_start3A_1236 = tpu.memref_slice %arg14[%add3A_1098, %dma_start3A_1235] : memref<53248x16xf32, #tpu.memory_space<vmem_shared>> -> memref<128x16xf32, #tpu.memory_space<vmem_shared>>
      %dma_start3A_1237 = arith.constant 0 : i32
      %dma_start3A_1238 = tpu.memref_slice %arg14[%add3A_1098, %dma_start3A_1237] : memref<53248x16xf32, #tpu.memory_space<vmem_shared>> -> memref<128x16xf32, #tpu.memory_space<vmem_shared>>
      tpu.enqueue_dma source(%arg7 : memref<128x16xf32, #tpu.memory_space<vmem>>) target(%dma_start3A_1238 : memref<128x16xf32, #tpu.memory_space<vmem_shared>>) target_semaphore(%run_scoped3A_1234 : memref<!tpu.dma_semaphore, #tpu.memory_space<semaphore_mem>>)
      %dma_wait3A_1239 = arith.constant 0 : i32
      %dma_wait3A_1240 = tpu.memref_slice %arg14[%add3A_1098, %dma_wait3A_1239] : memref<53248x16xf32, #tpu.memory_space<vmem_shared>> -> memref<128x16xf32, #tpu.memory_space<vmem_shared>>
      %dma_wait3A_1241 = arith.constant 0 : i32
      %dma_wait3A_1242 = tpu.memref_slice %arg14[%add3A_1098, %dma_wait3A_1241] : memref<53248x16xf32, #tpu.memory_space<vmem_shared>> -> memref<128x16xf32, #tpu.memory_space<vmem_shared>>
      tpu.wait_dma2 semaphore(%run_scoped3A_1234 : memref<!tpu.dma_semaphore, #tpu.memory_space<semaphore_mem>>) src(%arg7 : memref<128x16xf32, #tpu.memory_space<vmem>>) dst(%dma_wait3A_1242 : memref<128x16xf32, #tpu.memory_space<vmem_shared>>)
      tpu.yield
    }) : () -> ()
    %mul3A_1099 = arith.constant 3328 : i32
    %mul3A_1100 = arith.muli %arg1, %mul3A_1099 : i32
    %add3A_1101 = arith.constant 2432 : i32
    %add3A_1102 = arith.addi %mul3A_1100, %add3A_1101 : i32
    "tpu.region"() ({
      %run_scoped3A_1234 = tpu.sem_alloc : memref<!tpu.dma_semaphore, #tpu.memory_space<semaphore_mem>>
      %dma_start3A_1235 = arith.constant 0 : i32
      %dma_start3A_1236 = tpu.memref_slice %arg14[%add3A_1102, %dma_start3A_1235] : memref<53248x16xf32, #tpu.memory_space<vmem_shared>> -> memref<128x16xf32, #tpu.memory_space<vmem_shared>>
      %dma_start3A_1237 = arith.constant 0 : i32
      %dma_start3A_1238 = tpu.memref_slice %arg14[%add3A_1102, %dma_start3A_1237] : memref<53248x16xf32, #tpu.memory_space<vmem_shared>> -> memref<128x16xf32, #tpu.memory_space<vmem_shared>>
      tpu.enqueue_dma source(%arg7 : memref<128x16xf32, #tpu.memory_space<vmem>>) target(%dma_start3A_1238 : memref<128x16xf32, #tpu.memory_space<vmem_shared>>) target_semaphore(%run_scoped3A_1234 : memref<!tpu.dma_semaphore, #tpu.memory_space<semaphore_mem>>)
      %dma_wait3A_1239 = arith.constant 0 : i32
      %dma_wait3A_1240 = tpu.memref_slice %arg14[%add3A_1102, %dma_wait3A_1239] : memref<53248x16xf32, #tpu.memory_space<vmem_shared>> -> memref<128x16xf32, #tpu.memory_space<vmem_shared>>
      %dma_wait3A_1241 = arith.constant 0 : i32
      %dma_wait3A_1242 = tpu.memref_slice %arg14[%add3A_1102, %dma_wait3A_1241] : memref<53248x16xf32, #tpu.memory_space<vmem_shared>> -> memref<128x16xf32, #tpu.memory_space<vmem_shared>>
      tpu.wait_dma2 semaphore(%run_scoped3A_1234 : memref<!tpu.dma_semaphore, #tpu.memory_space<semaphore_mem>>) src(%arg7 : memref<128x16xf32, #tpu.memory_space<vmem>>) dst(%dma_wait3A_1242 : memref<128x16xf32, #tpu.memory_space<vmem_shared>>)
      tpu.yield
    }) : () -> ()
    %mul3A_1103 = arith.constant 3328 : i32
    %mul3A_1104 = arith.muli %arg1, %mul3A_1103 : i32
    %add3A_1105 = arith.constant 2560 : i32
    %add3A_1106 = arith.addi %mul3A_1104, %add3A_1105 : i32
    "tpu.region"() ({
      %run_scoped3A_1234 = tpu.sem_alloc : memref<!tpu.dma_semaphore, #tpu.memory_space<semaphore_mem>>
      %dma_start3A_1235 = arith.constant 0 : i32
      %dma_start3A_1236 = tpu.memref_slice %arg14[%add3A_1106, %dma_start3A_1235] : memref<53248x16xf32, #tpu.memory_space<vmem_shared>> -> memref<128x16xf32, #tpu.memory_space<vmem_shared>>
      %dma_start3A_1237 = arith.constant 0 : i32
      %dma_start3A_1238 = tpu.memref_slice %arg14[%add3A_1106, %dma_start3A_1237] : memref<53248x16xf32, #tpu.memory_space<vmem_shared>> -> memref<128x16xf32, #tpu.memory_space<vmem_shared>>
      tpu.enqueue_dma source(%arg7 : memref<128x16xf32, #tpu.memory_space<vmem>>) target(%dma_start3A_1238 : memref<128x16xf32, #tpu.memory_space<vmem_shared>>) target_semaphore(%run_scoped3A_1234 : memref<!tpu.dma_semaphore, #tpu.memory_space<semaphore_mem>>)
      %dma_wait3A_1239 = arith.constant 0 : i32
      %dma_wait3A_1240 = tpu.memref_slice %arg14[%add3A_1106, %dma_wait3A_1239] : memref<53248x16xf32, #tpu.memory_space<vmem_shared>> -> memref<128x16xf32, #tpu.memory_space<vmem_shared>>
      %dma_wait3A_1241 = arith.constant 0 : i32
      %dma_wait3A_1242 = tpu.memref_slice %arg14[%add3A_1106, %dma_wait3A_1241] : memref<53248x16xf32, #tpu.memory_space<vmem_shared>> -> memref<128x16xf32, #tpu.memory_space<vmem_shared>>
      tpu.wait_dma2 semaphore(%run_scoped3A_1234 : memref<!tpu.dma_semaphore, #tpu.memory_space<semaphore_mem>>) src(%arg7 : memref<128x16xf32, #tpu.memory_space<vmem>>) dst(%dma_wait3A_1242 : memref<128x16xf32, #tpu.memory_space<vmem_shared>>)
      tpu.yield
    }) : () -> ()
    %mul3A_1107 = arith.constant 3328 : i32
    %mul3A_1108 = arith.muli %arg1, %mul3A_1107 : i32
    %add3A_1109 = arith.constant 2688 : i32
    %add3A_1110 = arith.addi %mul3A_1108, %add3A_1109 : i32
    "tpu.region"() ({
      %run_scoped3A_1234 = tpu.sem_alloc : memref<!tpu.dma_semaphore, #tpu.memory_space<semaphore_mem>>
      %dma_start3A_1235 = arith.constant 0 : i32
      %dma_start3A_1236 = tpu.memref_slice %arg14[%add3A_1110, %dma_start3A_1235] : memref<53248x16xf32, #tpu.memory_space<vmem_shared>> -> memref<128x16xf32, #tpu.memory_space<vmem_shared>>
      %dma_start3A_1237 = arith.constant 0 : i32
      %dma_start3A_1238 = tpu.memref_slice %arg14[%add3A_1110, %dma_start3A_1237] : memref<53248x16xf32, #tpu.memory_space<vmem_shared>> -> memref<128x16xf32, #tpu.memory_space<vmem_shared>>
      tpu.enqueue_dma source(%arg7 : memref<128x16xf32, #tpu.memory_space<vmem>>) target(%dma_start3A_1238 : memref<128x16xf32, #tpu.memory_space<vmem_shared>>) target_semaphore(%run_scoped3A_1234 : memref<!tpu.dma_semaphore, #tpu.memory_space<semaphore_mem>>)
      %dma_wait3A_1239 = arith.constant 0 : i32
      %dma_wait3A_1240 = tpu.memref_slice %arg14[%add3A_1110, %dma_wait3A_1239] : memref<53248x16xf32, #tpu.memory_space<vmem_shared>> -> memref<128x16xf32, #tpu.memory_space<vmem_shared>>
      %dma_wait3A_1241 = arith.constant 0 : i32
      %dma_wait3A_1242 = tpu.memref_slice %arg14[%add3A_1110, %dma_wait3A_1241] : memref<53248x16xf32, #tpu.memory_space<vmem_shared>> -> memref<128x16xf32, #tpu.memory_space<vmem_shared>>
      tpu.wait_dma2 semaphore(%run_scoped3A_1234 : memref<!tpu.dma_semaphore, #tpu.memory_space<semaphore_mem>>) src(%arg7 : memref<128x16xf32, #tpu.memory_space<vmem>>) dst(%dma_wait3A_1242 : memref<128x16xf32, #tpu.memory_space<vmem_shared>>)
      tpu.yield
    }) : () -> ()
    %mul3A_1111 = arith.constant 3328 : i32
    %mul3A_1112 = arith.muli %arg1, %mul3A_1111 : i32
    %add3A_1113 = arith.constant 2816 : i32
    %add3A_1114 = arith.addi %mul3A_1112, %add3A_1113 : i32
    "tpu.region"() ({
      %run_scoped3A_1234 = tpu.sem_alloc : memref<!tpu.dma_semaphore, #tpu.memory_space<semaphore_mem>>
      %dma_start3A_1235 = arith.constant 0 : i32
      %dma_start3A_1236 = tpu.memref_slice %arg14[%add3A_1114, %dma_start3A_1235] : memref<53248x16xf32, #tpu.memory_space<vmem_shared>> -> memref<128x16xf32, #tpu.memory_space<vmem_shared>>
      %dma_start3A_1237 = arith.constant 0 : i32
      %dma_start3A_1238 = tpu.memref_slice %arg14[%add3A_1114, %dma_start3A_1237] : memref<53248x16xf32, #tpu.memory_space<vmem_shared>> -> memref<128x16xf32, #tpu.memory_space<vmem_shared>>
      tpu.enqueue_dma source(%arg7 : memref<128x16xf32, #tpu.memory_space<vmem>>) target(%dma_start3A_1238 : memref<128x16xf32, #tpu.memory_space<vmem_shared>>) target_semaphore(%run_scoped3A_1234 : memref<!tpu.dma_semaphore, #tpu.memory_space<semaphore_mem>>)
      %dma_wait3A_1239 = arith.constant 0 : i32
      %dma_wait3A_1240 = tpu.memref_slice %arg14[%add3A_1114, %dma_wait3A_1239] : memref<53248x16xf32, #tpu.memory_space<vmem_shared>> -> memref<128x16xf32, #tpu.memory_space<vmem_shared>>
      %dma_wait3A_1241 = arith.constant 0 : i32
      %dma_wait3A_1242 = tpu.memref_slice %arg14[%add3A_1114, %dma_wait3A_1241] : memref<53248x16xf32, #tpu.memory_space<vmem_shared>> -> memref<128x16xf32, #tpu.memory_space<vmem_shared>>
      tpu.wait_dma2 semaphore(%run_scoped3A_1234 : memref<!tpu.dma_semaphore, #tpu.memory_space<semaphore_mem>>) src(%arg7 : memref<128x16xf32, #tpu.memory_space<vmem>>) dst(%dma_wait3A_1242 : memref<128x16xf32, #tpu.memory_space<vmem_shared>>)
      tpu.yield
    }) : () -> ()
    %mul3A_1115 = arith.constant 3328 : i32
    %mul3A_1116 = arith.muli %arg1, %mul3A_1115 : i32
    %add3A_1117 = arith.constant 2944 : i32
    %add3A_1118 = arith.addi %mul3A_1116, %add3A_1117 : i32
    "tpu.region"() ({
      %run_scoped3A_1234 = tpu.sem_alloc : memref<!tpu.dma_semaphore, #tpu.memory_space<semaphore_mem>>
      %dma_start3A_1235 = arith.constant 0 : i32
      %dma_start3A_1236 = tpu.memref_slice %arg14[%add3A_1118, %dma_start3A_1235] : memref<53248x16xf32, #tpu.memory_space<vmem_shared>> -> memref<128x16xf32, #tpu.memory_space<vmem_shared>>
      %dma_start3A_1237 = arith.constant 0 : i32
      %dma_start3A_1238 = tpu.memref_slice %arg14[%add3A_1118, %dma_start3A_1237] : memref<53248x16xf32, #tpu.memory_space<vmem_shared>> -> memref<128x16xf32, #tpu.memory_space<vmem_shared>>
      tpu.enqueue_dma source(%arg7 : memref<128x16xf32, #tpu.memory_space<vmem>>) target(%dma_start3A_1238 : memref<128x16xf32, #tpu.memory_space<vmem_shared>>) target_semaphore(%run_scoped3A_1234 : memref<!tpu.dma_semaphore, #tpu.memory_space<semaphore_mem>>)
      %dma_wait3A_1239 = arith.constant 0 : i32
      %dma_wait3A_1240 = tpu.memref_slice %arg14[%add3A_1118, %dma_wait3A_1239] : memref<53248x16xf32, #tpu.memory_space<vmem_shared>> -> memref<128x16xf32, #tpu.memory_space<vmem_shared>>
      %dma_wait3A_1241 = arith.constant 0 : i32
      %dma_wait3A_1242 = tpu.memref_slice %arg14[%add3A_1118, %dma_wait3A_1241] : memref<53248x16xf32, #tpu.memory_space<vmem_shared>> -> memref<128x16xf32, #tpu.memory_space<vmem_shared>>
      tpu.wait_dma2 semaphore(%run_scoped3A_1234 : memref<!tpu.dma_semaphore, #tpu.memory_space<semaphore_mem>>) src(%arg7 : memref<128x16xf32, #tpu.memory_space<vmem>>) dst(%dma_wait3A_1242 : memref<128x16xf32, #tpu.memory_space<vmem_shared>>)
      tpu.yield
    }) : () -> ()
    %mul3A_1119 = arith.constant 3328 : i32
    %mul3A_1120 = arith.muli %arg1, %mul3A_1119 : i32
    %add3A_1121 = arith.constant 3072 : i32
    %add3A_1122 = arith.addi %mul3A_1120, %add3A_1121 : i32
    "tpu.region"() ({
      %run_scoped3A_1234 = tpu.sem_alloc : memref<!tpu.dma_semaphore, #tpu.memory_space<semaphore_mem>>
      %dma_start3A_1235 = arith.constant 0 : i32
      %dma_start3A_1236 = tpu.memref_slice %arg14[%add3A_1122, %dma_start3A_1235] : memref<53248x16xf32, #tpu.memory_space<vmem_shared>> -> memref<128x16xf32, #tpu.memory_space<vmem_shared>>
      %dma_start3A_1237 = arith.constant 0 : i32
      %dma_start3A_1238 = tpu.memref_slice %arg14[%add3A_1122, %dma_start3A_1237] : memref<53248x16xf32, #tpu.memory_space<vmem_shared>> -> memref<128x16xf32, #tpu.memory_space<vmem_shared>>
      tpu.enqueue_dma source(%arg7 : memref<128x16xf32, #tpu.memory_space<vmem>>) target(%dma_start3A_1238 : memref<128x16xf32, #tpu.memory_space<vmem_shared>>) target_semaphore(%run_scoped3A_1234 : memref<!tpu.dma_semaphore, #tpu.memory_space<semaphore_mem>>)
      %dma_wait3A_1239 = arith.constant 0 : i32
      %dma_wait3A_1240 = tpu.memref_slice %arg14[%add3A_1122, %dma_wait3A_1239] : memref<53248x16xf32, #tpu.memory_space<vmem_shared>> -> memref<128x16xf32, #tpu.memory_space<vmem_shared>>
      %dma_wait3A_1241 = arith.constant 0 : i32
      %dma_wait3A_1242 = tpu.memref_slice %arg14[%add3A_1122, %dma_wait3A_1241] : memref<53248x16xf32, #tpu.memory_space<vmem_shared>> -> memref<128x16xf32, #tpu.memory_space<vmem_shared>>
      tpu.wait_dma2 semaphore(%run_scoped3A_1234 : memref<!tpu.dma_semaphore, #tpu.memory_space<semaphore_mem>>) src(%arg7 : memref<128x16xf32, #tpu.memory_space<vmem>>) dst(%dma_wait3A_1242 : memref<128x16xf32, #tpu.memory_space<vmem_shared>>)
      tpu.yield
    }) : () -> ()
    %mul3A_1123 = arith.constant 3328 : i32
    %mul3A_1124 = arith.muli %arg1, %mul3A_1123 : i32
    %add3A_1125 = arith.constant 3200 : i32
    %add3A_1126 = arith.addi %mul3A_1124, %add3A_1125 : i32
    "tpu.region"() ({
      %run_scoped3A_1234 = tpu.sem_alloc : memref<!tpu.dma_semaphore, #tpu.memory_space<semaphore_mem>>
      %dma_start3A_1235 = arith.constant 0 : i32
      %dma_start3A_1236 = tpu.memref_slice %arg14[%add3A_1126, %dma_start3A_1235] : memref<53248x16xf32, #tpu.memory_space<vmem_shared>> -> memref<128x16xf32, #tpu.memory_space<vmem_shared>>
      %dma_start3A_1237 = arith.constant 0 : i32
      %dma_start3A_1238 = tpu.memref_slice %arg14[%add3A_1126, %dma_start3A_1237] : memref<53248x16xf32, #tpu.memory_space<vmem_shared>> -> memref<128x16xf32, #tpu.memory_space<vmem_shared>>
      tpu.enqueue_dma source(%arg7 : memref<128x16xf32, #tpu.memory_space<vmem>>) target(%dma_start3A_1238 : memref<128x16xf32, #tpu.memory_space<vmem_shared>>) target_semaphore(%run_scoped3A_1234 : memref<!tpu.dma_semaphore, #tpu.memory_space<semaphore_mem>>)
      %dma_wait3A_1239 = arith.constant 0 : i32
      %dma_wait3A_1240 = tpu.memref_slice %arg14[%add3A_1126, %dma_wait3A_1239] : memref<53248x16xf32, #tpu.memory_space<vmem_shared>> -> memref<128x16xf32, #tpu.memory_space<vmem_shared>>
      %dma_wait3A_1241 = arith.constant 0 : i32
      %dma_wait3A_1242 = tpu.memref_slice %arg14[%add3A_1126, %dma_wait3A_1241] : memref<53248x16xf32, #tpu.memory_space<vmem_shared>> -> memref<128x16xf32, #tpu.memory_space<vmem_shared>>
      tpu.wait_dma2 semaphore(%run_scoped3A_1234 : memref<!tpu.dma_semaphore, #tpu.memory_space<semaphore_mem>>) src(%arg7 : memref<128x16xf32, #tpu.memory_space<vmem>>) dst(%dma_wait3A_1242 : memref<128x16xf32, #tpu.memory_space<vmem_shared>>)
      tpu.yield
    }) : () -> ()
    %barrier3A = arith.constant 0 : index
    tpu.barrier barrier_id(%barrier3A)
    %run_scoped3A = arith.constant 0 : i32
    "tpu.region"() ({
      %run_scoped3A_1234 = tpu.sem_alloc : memref<!tpu.dma_semaphore, #tpu.memory_space<semaphore_mem>>
      %dma_start3A_1235 = arith.constant 0 : i32
      %dma_start3A_1236 = arith.constant 0 : i32
      %dma_start3A_1237 = tpu.memref_slice %arg3[%run_scoped3A, %add3A, %dma_start3A_1235, %dma_start3A_1236] : memref<2x32x196x128xi32, #tpu.memory_space<hbm>> -> memref<1x1x196x128xi32, #tpu.memory_space<hbm>>
      %dma_start3A_1238 = tpu.memref_squeeze %dma_start3A_1237 : memref<1x1x196x128xi32, #tpu.memory_space<hbm>> -> memref<196x128xi32, #tpu.memory_space<hbm>>
      %dma_start3A_1239 = arith.constant 0 : i32
      %dma_start3A_1240 = arith.constant 0 : i32
      %dma_start3A_1241 = tpu.memref_slice %arg3[%run_scoped3A, %add3A, %dma_start3A_1239, %dma_start3A_1240] : memref<2x32x196x128xi32, #tpu.memory_space<hbm>> -> memref<1x1x196x128xi32, #tpu.memory_space<hbm>>
      %dma_start3A_1242 = tpu.memref_squeeze %dma_start3A_1241 : memref<1x1x196x128xi32, #tpu.memory_space<hbm>> -> memref<196x128xi32, #tpu.memory_space<hbm>>
      tpu.enqueue_dma source(%dma_start3A_1242 : memref<196x128xi32, #tpu.memory_space<hbm>>) target(%arg5 : memref<196x128xi32, #tpu.memory_space<vmem>>) target_semaphore(%run_scoped3A_1234 : memref<!tpu.dma_semaphore, #tpu.memory_space<semaphore_mem>>)
      %dma_wait3A_1243 = arith.constant 0 : i32
      %dma_wait3A_1244 = arith.constant 0 : i32
      %dma_wait3A_1245 = tpu.memref_slice %arg3[%run_scoped3A, %add3A, %dma_wait3A_1243, %dma_wait3A_1244] : memref<2x32x196x128xi32, #tpu.memory_space<hbm>> -> memref<1x1x196x128xi32, #tpu.memory_space<hbm>>
      %dma_wait3A_1246 = tpu.memref_squeeze %dma_wait3A_1245 : memref<1x1x196x128xi32, #tpu.memory_space<hbm>> -> memref<196x128xi32, #tpu.memory_space<hbm>>
      %dma_wait3A_1247 = arith.constant 0 : i32
      %dma_wait3A_1248 = arith.constant 0 : i32
      %dma_wait3A_1249 = tpu.memref_slice %arg3[%run_scoped3A, %add3A, %dma_wait3A_1247, %dma_wait3A_1248] : memref<2x32x196x128xi32, #tpu.memory_space<hbm>> -> memref<1x1x196x128xi32, #tpu.memory_space<hbm>>
      %dma_wait3A_1250 = tpu.memref_squeeze %dma_wait3A_1249 : memref<1x1x196x128xi32, #tpu.memory_space<hbm>> -> memref<196x128xi32, #tpu.memory_space<hbm>>
      tpu.wait_dma2 semaphore(%run_scoped3A_1234 : memref<!tpu.dma_semaphore, #tpu.memory_space<semaphore_mem>>) src(%dma_wait3A_1250 : memref<196x128xi32, #tpu.memory_space<hbm>>) dst(%arg5 : memref<196x128xi32, #tpu.memory_space<vmem>>)
      tpu.yield
    }) : () -> ()
    %run_scoped3A_1127 = arith.constant 1 : i32
    "tpu.region"() ({
      %run_scoped3A_1234 = tpu.sem_alloc : memref<!tpu.dma_semaphore, #tpu.memory_space<semaphore_mem>>
      %dma_start3A_1235 = arith.constant 0 : i32
      %dma_start3A_1236 = arith.constant 0 : i32
      %dma_start3A_1237 = tpu.memref_slice %arg3[%run_scoped3A_1127, %add3A, %dma_start3A_1235, %dma_start3A_1236] : memref<2x32x196x128xi32, #tpu.memory_space<hbm>> -> memref<1x1x196x128xi32, #tpu.memory_space<hbm>>
      %dma_start3A_1238 = tpu.memref_squeeze %dma_start3A_1237 : memref<1x1x196x128xi32, #tpu.memory_space<hbm>> -> memref<196x128xi32, #tpu.memory_space<hbm>>
      %dma_start3A_1239 = arith.constant 0 : i32
      %dma_start3A_1240 = arith.constant 0 : i32
      %dma_start3A_1241 = tpu.memref_slice %arg3[%run_scoped3A_1127, %add3A, %dma_start3A_1239, %dma_start3A_1240] : memref<2x32x196x128xi32, #tpu.memory_space<hbm>> -> memref<1x1x196x128xi32, #tpu.memory_space<hbm>>
      %dma_start3A_1242 = tpu.memref_squeeze %dma_start3A_1241 : memref<1x1x196x128xi32, #tpu.memory_space<hbm>> -> memref<196x128xi32, #tpu.memory_space<hbm>>
      tpu.enqueue_dma source(%dma_start3A_1242 : memref<196x128xi32, #tpu.memory_space<hbm>>) target(%arg6 : memref<196x128xi32, #tpu.memory_space<vmem>>) target_semaphore(%run_scoped3A_1234 : memref<!tpu.dma_semaphore, #tpu.memory_space<semaphore_mem>>)
      %dma_wait3A_1243 = arith.constant 0 : i32
      %dma_wait3A_1244 = arith.constant 0 : i32
      %dma_wait3A_1245 = tpu.memref_slice %arg3[%run_scoped3A_1127, %add3A, %dma_wait3A_1243, %dma_wait3A_1244] : memref<2x32x196x128xi32, #tpu.memory_space<hbm>> -> memref<1x1x196x128xi32, #tpu.memory_space<hbm>>
      %dma_wait3A_1246 = tpu.memref_squeeze %dma_wait3A_1245 : memref<1x1x196x128xi32, #tpu.memory_space<hbm>> -> memref<196x128xi32, #tpu.memory_space<hbm>>
      %dma_wait3A_1247 = arith.constant 0 : i32
      %dma_wait3A_1248 = arith.constant 0 : i32
      %dma_wait3A_1249 = tpu.memref_slice %arg3[%run_scoped3A_1127, %add3A, %dma_wait3A_1247, %dma_wait3A_1248] : memref<2x32x196x128xi32, #tpu.memory_space<hbm>> -> memref<1x1x196x128xi32, #tpu.memory_space<hbm>>
      %dma_wait3A_1250 = tpu.memref_squeeze %dma_wait3A_1249 : memref<1x1x196x128xi32, #tpu.memory_space<hbm>> -> memref<196x128xi32, #tpu.memory_space<hbm>>
      tpu.wait_dma2 semaphore(%run_scoped3A_1234 : memref<!tpu.dma_semaphore, #tpu.memory_space<semaphore_mem>>) src(%dma_wait3A_1250 : memref<196x128xi32, #tpu.memory_space<hbm>>) dst(%arg6 : memref<196x128xi32, #tpu.memory_space<vmem>>)
      tpu.yield
    }) : () -> ()
    %dma_start3A = arith.constant 0 : i32
    %dma_start3A_1128 = arith.constant 0 : i32
    %dma_start3A_1129 = tpu.memref_slice %arg5[%dma_start3A, %dma_start3A_1128] : memref<196x128xi32, #tpu.memory_space<vmem>> -> memref<1x128xi32, #tpu.memory_space<vmem>>
    %dma_start3A_1130 = tpu.memref_squeeze %dma_start3A_1129 : memref<1x128xi32, #tpu.memory_space<vmem>> -> memref<128xi32, #tpu.memory_space<vmem>>
    %dma_start3A_1131 = arith.constant 0 : i32
    %dma_start3A_1132 = arith.constant 0 : i32
    %dma_start3A_1133 = tpu.memref_slice %arg2[%dma_start3A_1131, %dma_start3A_1132] : memref<50000x16xf32, #tpu.memory_space<hbm>> -> memref<50000x16xf32, #tpu.memory_space<hbm>>
    tpu.enqueue_indirect_dma source(%dma_start3A_1133 : memref<50000x16xf32, #tpu.memory_space<hbm>>) target(%arg7 : memref<128x16xf32, #tpu.memory_space<vmem>>) offsets(%dma_start3A_1130 : memref<128xi32, #tpu.memory_space<vmem>>) semaphore(%arg15 : memref<!tpu.dma_semaphore, #tpu.memory_space<semaphore_mem>>)
    %dma_start3A_1134 = arith.constant 1 : i32
    %dma_start3A_1135 = arith.constant 0 : i32
    %dma_start3A_1136 = tpu.memref_slice %arg5[%dma_start3A_1134, %dma_start3A_1135] : memref<196x128xi32, #tpu.memory_space<vmem>> -> memref<1x128xi32, #tpu.memory_space<vmem>>
    %dma_start3A_1137 = tpu.memref_squeeze %dma_start3A_1136 : memref<1x128xi32, #tpu.memory_space<vmem>> -> memref<128xi32, #tpu.memory_space<vmem>>
    %dma_start3A_1138 = arith.constant 0 : i32
    %dma_start3A_1139 = arith.constant 0 : i32
    %dma_start3A_1140 = tpu.memref_slice %arg2[%dma_start3A_1138, %dma_start3A_1139] : memref<50000x16xf32, #tpu.memory_space<hbm>> -> memref<50000x16xf32, #tpu.memory_space<hbm>>
    tpu.enqueue_indirect_dma source(%dma_start3A_1140 : memref<50000x16xf32, #tpu.memory_space<hbm>>) target(%arg8 : memref<128x16xf32, #tpu.memory_space<vmem>>) offsets(%dma_start3A_1137 : memref<128xi32, #tpu.memory_space<vmem>>) semaphore(%arg16 : memref<!tpu.dma_semaphore, #tpu.memory_space<semaphore_mem>>)
    %dma_start3A_1141 = arith.constant 2 : i32
    %dma_start3A_1142 = arith.constant 0 : i32
    %dma_start3A_1143 = tpu.memref_slice %arg5[%dma_start3A_1141, %dma_start3A_1142] : memref<196x128xi32, #tpu.memory_space<vmem>> -> memref<1x128xi32, #tpu.memory_space<vmem>>
    %dma_start3A_1144 = tpu.memref_squeeze %dma_start3A_1143 : memref<1x128xi32, #tpu.memory_space<vmem>> -> memref<128xi32, #tpu.memory_space<vmem>>
    %dma_start3A_1145 = arith.constant 0 : i32
    %dma_start3A_1146 = arith.constant 0 : i32
    %dma_start3A_1147 = tpu.memref_slice %arg2[%dma_start3A_1145, %dma_start3A_1146] : memref<50000x16xf32, #tpu.memory_space<hbm>> -> memref<50000x16xf32, #tpu.memory_space<hbm>>
    tpu.enqueue_indirect_dma source(%dma_start3A_1147 : memref<50000x16xf32, #tpu.memory_space<hbm>>) target(%arg9 : memref<128x16xf32, #tpu.memory_space<vmem>>) offsets(%dma_start3A_1144 : memref<128xi32, #tpu.memory_space<vmem>>) semaphore(%arg17 : memref<!tpu.dma_semaphore, #tpu.memory_space<semaphore_mem>>)
    %dma_start3A_1148 = arith.constant 3 : i32
    %dma_start3A_1149 = arith.constant 0 : i32
    %dma_start3A_1150 = tpu.memref_slice %arg5[%dma_start3A_1148, %dma_start3A_1149] : memref<196x128xi32, #tpu.memory_space<vmem>> -> memref<1x128xi32, #tpu.memory_space<vmem>>
    %dma_start3A_1151 = tpu.memref_squeeze %dma_start3A_1150 : memref<1x128xi32, #tpu.memory_space<vmem>> -> memref<128xi32, #tpu.memory_space<vmem>>
    %dma_start3A_1152 = arith.constant 0 : i32
    %dma_start3A_1153 = arith.constant 0 : i32
    %dma_start3A_1154 = tpu.memref_slice %arg2[%dma_start3A_1152, %dma_start3A_1153] : memref<50000x16xf32, #tpu.memory_space<hbm>> -> memref<50000x16xf32, #tpu.memory_space<hbm>>
    tpu.enqueue_indirect_dma source(%dma_start3A_1154 : memref<50000x16xf32, #tpu.memory_space<hbm>>) target(%arg10 : memref<128x16xf32, #tpu.memory_space<vmem>>) offsets(%dma_start3A_1151 : memref<128xi32, #tpu.memory_space<vmem>>) semaphore(%arg18 : memref<!tpu.dma_semaphore, #tpu.memory_space<semaphore_mem>>)
    %dma_start3A_1155 = arith.constant 4 : i32
    %dma_start3A_1156 = arith.constant 0 : i32
    %dma_start3A_1157 = tpu.memref_slice %arg5[%dma_start3A_1155, %dma_start3A_1156] : memref<196x128xi32, #tpu.memory_space<vmem>> -> memref<1x128xi32, #tpu.memory_space<vmem>>
    %dma_start3A_1158 = tpu.memref_squeeze %dma_start3A_1157 : memref<1x128xi32, #tpu.memory_space<vmem>> -> memref<128xi32, #tpu.memory_space<vmem>>
    %dma_start3A_1159 = arith.constant 0 : i32
    %dma_start3A_1160 = arith.constant 0 : i32
    %dma_start3A_1161 = tpu.memref_slice %arg2[%dma_start3A_1159, %dma_start3A_1160] : memref<50000x16xf32, #tpu.memory_space<hbm>> -> memref<50000x16xf32, #tpu.memory_space<hbm>>
    tpu.enqueue_indirect_dma source(%dma_start3A_1161 : memref<50000x16xf32, #tpu.memory_space<hbm>>) target(%arg11 : memref<128x16xf32, #tpu.memory_space<vmem>>) offsets(%dma_start3A_1158 : memref<128xi32, #tpu.memory_space<vmem>>) semaphore(%arg19 : memref<!tpu.dma_semaphore, #tpu.memory_space<semaphore_mem>>)
    %dma_start3A_1162 = arith.constant 5 : i32
    %dma_start3A_1163 = arith.constant 0 : i32
    %dma_start3A_1164 = tpu.memref_slice %arg5[%dma_start3A_1162, %dma_start3A_1163] : memref<196x128xi32, #tpu.memory_space<vmem>> -> memref<1x128xi32, #tpu.memory_space<vmem>>
    %dma_start3A_1165 = tpu.memref_squeeze %dma_start3A_1164 : memref<1x128xi32, #tpu.memory_space<vmem>> -> memref<128xi32, #tpu.memory_space<vmem>>
    %dma_start3A_1166 = arith.constant 0 : i32
    %dma_start3A_1167 = arith.constant 0 : i32
    %dma_start3A_1168 = tpu.memref_slice %arg2[%dma_start3A_1166, %dma_start3A_1167] : memref<50000x16xf32, #tpu.memory_space<hbm>> -> memref<50000x16xf32, #tpu.memory_space<hbm>>
    tpu.enqueue_indirect_dma source(%dma_start3A_1168 : memref<50000x16xf32, #tpu.memory_space<hbm>>) target(%arg12 : memref<128x16xf32, #tpu.memory_space<vmem>>) offsets(%dma_start3A_1165 : memref<128xi32, #tpu.memory_space<vmem>>) semaphore(%arg20 : memref<!tpu.dma_semaphore, #tpu.memory_space<semaphore_mem>>)
    %dma_start3A_1169 = arith.constant 6 : i32
    %dma_start3A_1170 = arith.constant 0 : i32
    %dma_start3A_1171 = tpu.memref_slice %arg5[%dma_start3A_1169, %dma_start3A_1170] : memref<196x128xi32, #tpu.memory_space<vmem>> -> memref<1x128xi32, #tpu.memory_space<vmem>>
    %dma_start3A_1172 = tpu.memref_squeeze %dma_start3A_1171 : memref<1x128xi32, #tpu.memory_space<vmem>> -> memref<128xi32, #tpu.memory_space<vmem>>
    %dma_start3A_1173 = arith.constant 0 : i32
    %dma_start3A_1174 = arith.constant 0 : i32
    %dma_start3A_1175 = tpu.memref_slice %arg2[%dma_start3A_1173, %dma_start3A_1174] : memref<50000x16xf32, #tpu.memory_space<hbm>> -> memref<50000x16xf32, #tpu.memory_space<hbm>>
    tpu.enqueue_indirect_dma source(%dma_start3A_1175 : memref<50000x16xf32, #tpu.memory_space<hbm>>) target(%arg13 : memref<128x16xf32, #tpu.memory_space<vmem>>) offsets(%dma_start3A_1172 : memref<128xi32, #tpu.memory_space<vmem>>) semaphore(%arg21 : memref<!tpu.dma_semaphore, #tpu.memory_space<semaphore_mem>>)
    %scan3A = arith.constant 0 : i32
    %scan3A_1176 = arith.constant 0 : i32
    %scan3A_1177 = arith.constant 28 : i32
    %scan3A_1178 = arith.addi %scan3A_1176, %scan3A_1177 : i32
    %scan3A_1179 = arith.constant 1 : i32
    scf.for %scan3A_1234 = %scan3A_1176 to %scan3A_1178 step %scan3A_1179  : i32 {
      %mul3A_1235 = arith.constant 7 : i32
      %mul3A_1236 = arith.muli %scan3A_1234, %mul3A_1235 : i32
      %add3A_1237 = arith.constant 0 : i32
      %add3A_1238 = arith.addi %mul3A_1236, %add3A_1237 : i32
      %dma_wait3A_1239 = arith.constant 0 : i32
      %dma_wait3A_1240 = tpu.memref_slice %arg5[%add3A_1238, %dma_wait3A_1239] : memref<196x128xi32, #tpu.memory_space<vmem>> -> memref<1x128xi32, #tpu.memory_space<vmem>>
      %dma_wait3A_1241 = tpu.memref_squeeze %dma_wait3A_1240 : memref<1x128xi32, #tpu.memory_space<vmem>> -> memref<128xi32, #tpu.memory_space<vmem>>
      %dma_wait3A_1242 = arith.constant 0 : i32
      %dma_wait3A_1243 = arith.constant 0 : i32
      %dma_wait3A_1244 = tpu.memref_slice %arg2[%dma_wait3A_1242, %dma_wait3A_1243] : memref<50000x16xf32, #tpu.memory_space<hbm>> -> memref<50000x16xf32, #tpu.memory_space<hbm>>
      tpu.wait_indirect_dma semaphore(%arg15 : memref<!tpu.dma_semaphore, #tpu.memory_space<semaphore_mem>>) src(%dma_wait3A_1244 : memref<50000x16xf32, #tpu.memory_space<hbm>>) dst(%arg7 : memref<128x16xf32, #tpu.memory_space<vmem>>)
      %dma_start3A_1245 = arith.constant 0 : i32
      %dma_start3A_1246 = tpu.memref_slice %arg6[%add3A_1238, %dma_start3A_1245] : memref<196x128xi32, #tpu.memory_space<vmem>> -> memref<1x128xi32, #tpu.memory_space<vmem>>
      %dma_start3A_1247 = tpu.memref_squeeze %dma_start3A_1246 : memref<1x128xi32, #tpu.memory_space<vmem>> -> memref<128xi32, #tpu.memory_space<vmem>>
      %dma_start3A_1248 = arith.constant 0 : i32
      %dma_start3A_1249 = arith.constant 0 : i32
      %dma_start3A_1250 = tpu.memref_slice %arg14[%dma_start3A_1248, %dma_start3A_1249] : memref<53248x16xf32, #tpu.memory_space<vmem_shared>> -> memref<53248x16xf32, #tpu.memory_space<vmem_shared>>
      tpu.enqueue_indirect_dma source(%arg7 : memref<128x16xf32, #tpu.memory_space<vmem>>) target(%dma_start3A_1250 : memref<53248x16xf32, #tpu.memory_space<vmem_shared>>) offsets(%dma_start3A_1247 : memref<128xi32, #tpu.memory_space<vmem>>) semaphore(%arg22 : memref<!tpu.dma_semaphore, #tpu.memory_space<semaphore_mem>>) {add = true}
      %add3A_1251 = arith.constant 1 : i32
      %add3A_1252 = arith.addi %mul3A_1236, %add3A_1251 : i32
      %dma_wait3A_1253 = arith.constant 0 : i32
      %dma_wait3A_1254 = tpu.memref_slice %arg5[%add3A_1252, %dma_wait3A_1253] : memref<196x128xi32, #tpu.memory_space<vmem>> -> memref<1x128xi32, #tpu.memory_space<vmem>>
      %dma_wait3A_1255 = tpu.memref_squeeze %dma_wait3A_1254 : memref<1x128xi32, #tpu.memory_space<vmem>> -> memref<128xi32, #tpu.memory_space<vmem>>
      %dma_wait3A_1256 = arith.constant 0 : i32
      %dma_wait3A_1257 = arith.constant 0 : i32
      %dma_wait3A_1258 = tpu.memref_slice %arg2[%dma_wait3A_1256, %dma_wait3A_1257] : memref<50000x16xf32, #tpu.memory_space<hbm>> -> memref<50000x16xf32, #tpu.memory_space<hbm>>
      tpu.wait_indirect_dma semaphore(%arg16 : memref<!tpu.dma_semaphore, #tpu.memory_space<semaphore_mem>>) src(%dma_wait3A_1258 : memref<50000x16xf32, #tpu.memory_space<hbm>>) dst(%arg8 : memref<128x16xf32, #tpu.memory_space<vmem>>)
      %dma_start3A_1259 = arith.constant 0 : i32
      %dma_start3A_1260 = tpu.memref_slice %arg6[%add3A_1252, %dma_start3A_1259] : memref<196x128xi32, #tpu.memory_space<vmem>> -> memref<1x128xi32, #tpu.memory_space<vmem>>
      %dma_start3A_1261 = tpu.memref_squeeze %dma_start3A_1260 : memref<1x128xi32, #tpu.memory_space<vmem>> -> memref<128xi32, #tpu.memory_space<vmem>>
      %dma_start3A_1262 = arith.constant 0 : i32
      %dma_start3A_1263 = arith.constant 0 : i32
      %dma_start3A_1264 = tpu.memref_slice %arg14[%dma_start3A_1262, %dma_start3A_1263] : memref<53248x16xf32, #tpu.memory_space<vmem_shared>> -> memref<53248x16xf32, #tpu.memory_space<vmem_shared>>
      tpu.enqueue_indirect_dma source(%arg8 : memref<128x16xf32, #tpu.memory_space<vmem>>) target(%dma_start3A_1264 : memref<53248x16xf32, #tpu.memory_space<vmem_shared>>) offsets(%dma_start3A_1261 : memref<128xi32, #tpu.memory_space<vmem>>) semaphore(%arg23 : memref<!tpu.dma_semaphore, #tpu.memory_space<semaphore_mem>>) {add = true}
      %add3A_1265 = arith.constant 2 : i32
      %add3A_1266 = arith.addi %mul3A_1236, %add3A_1265 : i32
      %dma_wait3A_1267 = arith.constant 0 : i32
      %dma_wait3A_1268 = tpu.memref_slice %arg5[%add3A_1266, %dma_wait3A_1267] : memref<196x128xi32, #tpu.memory_space<vmem>> -> memref<1x128xi32, #tpu.memory_space<vmem>>
      %dma_wait3A_1269 = tpu.memref_squeeze %dma_wait3A_1268 : memref<1x128xi32, #tpu.memory_space<vmem>> -> memref<128xi32, #tpu.memory_space<vmem>>
      %dma_wait3A_1270 = arith.constant 0 : i32
      %dma_wait3A_1271 = arith.constant 0 : i32
      %dma_wait3A_1272 = tpu.memref_slice %arg2[%dma_wait3A_1270, %dma_wait3A_1271] : memref<50000x16xf32, #tpu.memory_space<hbm>> -> memref<50000x16xf32, #tpu.memory_space<hbm>>
      tpu.wait_indirect_dma semaphore(%arg17 : memref<!tpu.dma_semaphore, #tpu.memory_space<semaphore_mem>>) src(%dma_wait3A_1272 : memref<50000x16xf32, #tpu.memory_space<hbm>>) dst(%arg9 : memref<128x16xf32, #tpu.memory_space<vmem>>)
      %dma_start3A_1273 = arith.constant 0 : i32
      %dma_start3A_1274 = tpu.memref_slice %arg6[%add3A_1266, %dma_start3A_1273] : memref<196x128xi32, #tpu.memory_space<vmem>> -> memref<1x128xi32, #tpu.memory_space<vmem>>
      %dma_start3A_1275 = tpu.memref_squeeze %dma_start3A_1274 : memref<1x128xi32, #tpu.memory_space<vmem>> -> memref<128xi32, #tpu.memory_space<vmem>>
      %dma_start3A_1276 = arith.constant 0 : i32
      %dma_start3A_1277 = arith.constant 0 : i32
      %dma_start3A_1278 = tpu.memref_slice %arg14[%dma_start3A_1276, %dma_start3A_1277] : memref<53248x16xf32, #tpu.memory_space<vmem_shared>> -> memref<53248x16xf32, #tpu.memory_space<vmem_shared>>
      tpu.enqueue_indirect_dma source(%arg9 : memref<128x16xf32, #tpu.memory_space<vmem>>) target(%dma_start3A_1278 : memref<53248x16xf32, #tpu.memory_space<vmem_shared>>) offsets(%dma_start3A_1275 : memref<128xi32, #tpu.memory_space<vmem>>) semaphore(%arg24 : memref<!tpu.dma_semaphore, #tpu.memory_space<semaphore_mem>>) {add = true}
      %add3A_1279 = arith.constant 3 : i32
      %add3A_1280 = arith.addi %mul3A_1236, %add3A_1279 : i32
      %dma_wait3A_1281 = arith.constant 0 : i32
      %dma_wait3A_1282 = tpu.memref_slice %arg5[%add3A_1280, %dma_wait3A_1281] : memref<196x128xi32, #tpu.memory_space<vmem>> -> memref<1x128xi32, #tpu.memory_space<vmem>>
      %dma_wait3A_1283 = tpu.memref_squeeze %dma_wait3A_1282 : memref<1x128xi32, #tpu.memory_space<vmem>> -> memref<128xi32, #tpu.memory_space<vmem>>
      %dma_wait3A_1284 = arith.constant 0 : i32
      %dma_wait3A_1285 = arith.constant 0 : i32
      %dma_wait3A_1286 = tpu.memref_slice %arg2[%dma_wait3A_1284, %dma_wait3A_1285] : memref<50000x16xf32, #tpu.memory_space<hbm>> -> memref<50000x16xf32, #tpu.memory_space<hbm>>
      tpu.wait_indirect_dma semaphore(%arg18 : memref<!tpu.dma_semaphore, #tpu.memory_space<semaphore_mem>>) src(%dma_wait3A_1286 : memref<50000x16xf32, #tpu.memory_space<hbm>>) dst(%arg10 : memref<128x16xf32, #tpu.memory_space<vmem>>)
      %dma_start3A_1287 = arith.constant 0 : i32
      %dma_start3A_1288 = tpu.memref_slice %arg6[%add3A_1280, %dma_start3A_1287] : memref<196x128xi32, #tpu.memory_space<vmem>> -> memref<1x128xi32, #tpu.memory_space<vmem>>
      %dma_start3A_1289 = tpu.memref_squeeze %dma_start3A_1288 : memref<1x128xi32, #tpu.memory_space<vmem>> -> memref<128xi32, #tpu.memory_space<vmem>>
      %dma_start3A_1290 = arith.constant 0 : i32
      %dma_start3A_1291 = arith.constant 0 : i32
      %dma_start3A_1292 = tpu.memref_slice %arg14[%dma_start3A_1290, %dma_start3A_1291] : memref<53248x16xf32, #tpu.memory_space<vmem_shared>> -> memref<53248x16xf32, #tpu.memory_space<vmem_shared>>
      tpu.enqueue_indirect_dma source(%arg10 : memref<128x16xf32, #tpu.memory_space<vmem>>) target(%dma_start3A_1292 : memref<53248x16xf32, #tpu.memory_space<vmem_shared>>) offsets(%dma_start3A_1289 : memref<128xi32, #tpu.memory_space<vmem>>) semaphore(%arg25 : memref<!tpu.dma_semaphore, #tpu.memory_space<semaphore_mem>>) {add = true}
      %add3A_1293 = arith.constant 4 : i32
      %add3A_1294 = arith.addi %mul3A_1236, %add3A_1293 : i32
      %dma_wait3A_1295 = arith.constant 0 : i32
      %dma_wait3A_1296 = tpu.memref_slice %arg5[%add3A_1294, %dma_wait3A_1295] : memref<196x128xi32, #tpu.memory_space<vmem>> -> memref<1x128xi32, #tpu.memory_space<vmem>>
      %dma_wait3A_1297 = tpu.memref_squeeze %dma_wait3A_1296 : memref<1x128xi32, #tpu.memory_space<vmem>> -> memref<128xi32, #tpu.memory_space<vmem>>
      %dma_wait3A_1298 = arith.constant 0 : i32
      %dma_wait3A_1299 = arith.constant 0 : i32
      %dma_wait3A_1300 = tpu.memref_slice %arg2[%dma_wait3A_1298, %dma_wait3A_1299] : memref<50000x16xf32, #tpu.memory_space<hbm>> -> memref<50000x16xf32, #tpu.memory_space<hbm>>
      tpu.wait_indirect_dma semaphore(%arg19 : memref<!tpu.dma_semaphore, #tpu.memory_space<semaphore_mem>>) src(%dma_wait3A_1300 : memref<50000x16xf32, #tpu.memory_space<hbm>>) dst(%arg11 : memref<128x16xf32, #tpu.memory_space<vmem>>)
      %dma_start3A_1301 = arith.constant 0 : i32
      %dma_start3A_1302 = tpu.memref_slice %arg6[%add3A_1294, %dma_start3A_1301] : memref<196x128xi32, #tpu.memory_space<vmem>> -> memref<1x128xi32, #tpu.memory_space<vmem>>
      %dma_start3A_1303 = tpu.memref_squeeze %dma_start3A_1302 : memref<1x128xi32, #tpu.memory_space<vmem>> -> memref<128xi32, #tpu.memory_space<vmem>>
      %dma_start3A_1304 = arith.constant 0 : i32
      %dma_start3A_1305 = arith.constant 0 : i32
      %dma_start3A_1306 = tpu.memref_slice %arg14[%dma_start3A_1304, %dma_start3A_1305] : memref<53248x16xf32, #tpu.memory_space<vmem_shared>> -> memref<53248x16xf32, #tpu.memory_space<vmem_shared>>
      tpu.enqueue_indirect_dma source(%arg11 : memref<128x16xf32, #tpu.memory_space<vmem>>) target(%dma_start3A_1306 : memref<53248x16xf32, #tpu.memory_space<vmem_shared>>) offsets(%dma_start3A_1303 : memref<128xi32, #tpu.memory_space<vmem>>) semaphore(%arg26 : memref<!tpu.dma_semaphore, #tpu.memory_space<semaphore_mem>>) {add = true}
      %add3A_1307 = arith.constant 5 : i32
      %add3A_1308 = arith.addi %mul3A_1236, %add3A_1307 : i32
      %dma_wait3A_1309 = arith.constant 0 : i32
      %dma_wait3A_1310 = tpu.memref_slice %arg5[%add3A_1308, %dma_wait3A_1309] : memref<196x128xi32, #tpu.memory_space<vmem>> -> memref<1x128xi32, #tpu.memory_space<vmem>>
      %dma_wait3A_1311 = tpu.memref_squeeze %dma_wait3A_1310 : memref<1x128xi32, #tpu.memory_space<vmem>> -> memref<128xi32, #tpu.memory_space<vmem>>
      %dma_wait3A_1312 = arith.constant 0 : i32
      %dma_wait3A_1313 = arith.constant 0 : i32
      %dma_wait3A_1314 = tpu.memref_slice %arg2[%dma_wait3A_1312, %dma_wait3A_1313] : memref<50000x16xf32, #tpu.memory_space<hbm>> -> memref<50000x16xf32, #tpu.memory_space<hbm>>
      tpu.wait_indirect_dma semaphore(%arg20 : memref<!tpu.dma_semaphore, #tpu.memory_space<semaphore_mem>>) src(%dma_wait3A_1314 : memref<50000x16xf32, #tpu.memory_space<hbm>>) dst(%arg12 : memref<128x16xf32, #tpu.memory_space<vmem>>)
      %dma_start3A_1315 = arith.constant 0 : i32
      %dma_start3A_1316 = tpu.memref_slice %arg6[%add3A_1308, %dma_start3A_1315] : memref<196x128xi32, #tpu.memory_space<vmem>> -> memref<1x128xi32, #tpu.memory_space<vmem>>
      %dma_start3A_1317 = tpu.memref_squeeze %dma_start3A_1316 : memref<1x128xi32, #tpu.memory_space<vmem>> -> memref<128xi32, #tpu.memory_space<vmem>>
      %dma_start3A_1318 = arith.constant 0 : i32
      %dma_start3A_1319 = arith.constant 0 : i32
      %dma_start3A_1320 = tpu.memref_slice %arg14[%dma_start3A_1318, %dma_start3A_1319] : memref<53248x16xf32, #tpu.memory_space<vmem_shared>> -> memref<53248x16xf32, #tpu.memory_space<vmem_shared>>
      tpu.enqueue_indirect_dma source(%arg12 : memref<128x16xf32, #tpu.memory_space<vmem>>) target(%dma_start3A_1320 : memref<53248x16xf32, #tpu.memory_space<vmem_shared>>) offsets(%dma_start3A_1317 : memref<128xi32, #tpu.memory_space<vmem>>) semaphore(%arg27 : memref<!tpu.dma_semaphore, #tpu.memory_space<semaphore_mem>>) {add = true}
      %add3A_1321 = arith.constant 6 : i32
      %add3A_1322 = arith.addi %mul3A_1236, %add3A_1321 : i32
      %dma_wait3A_1323 = arith.constant 0 : i32
      %dma_wait3A_1324 = tpu.memref_slice %arg5[%add3A_1322, %dma_wait3A_1323] : memref<196x128xi32, #tpu.memory_space<vmem>> -> memref<1x128xi32, #tpu.memory_space<vmem>>
      %dma_wait3A_1325 = tpu.memref_squeeze %dma_wait3A_1324 : memref<1x128xi32, #tpu.memory_space<vmem>> -> memref<128xi32, #tpu.memory_space<vmem>>
      %dma_wait3A_1326 = arith.constant 0 : i32
      %dma_wait3A_1327 = arith.constant 0 : i32
      %dma_wait3A_1328 = tpu.memref_slice %arg2[%dma_wait3A_1326, %dma_wait3A_1327] : memref<50000x16xf32, #tpu.memory_space<hbm>> -> memref<50000x16xf32, #tpu.memory_space<hbm>>
      tpu.wait_indirect_dma semaphore(%arg21 : memref<!tpu.dma_semaphore, #tpu.memory_space<semaphore_mem>>) src(%dma_wait3A_1328 : memref<50000x16xf32, #tpu.memory_space<hbm>>) dst(%arg13 : memref<128x16xf32, #tpu.memory_space<vmem>>)
      %dma_start3A_1329 = arith.constant 0 : i32
      %dma_start3A_1330 = tpu.memref_slice %arg6[%add3A_1322, %dma_start3A_1329] : memref<196x128xi32, #tpu.memory_space<vmem>> -> memref<1x128xi32, #tpu.memory_space<vmem>>
      %dma_start3A_1331 = tpu.memref_squeeze %dma_start3A_1330 : memref<1x128xi32, #tpu.memory_space<vmem>> -> memref<128xi32, #tpu.memory_space<vmem>>
      %dma_start3A_1332 = arith.constant 0 : i32
      %dma_start3A_1333 = arith.constant 0 : i32
      %dma_start3A_1334 = tpu.memref_slice %arg14[%dma_start3A_1332, %dma_start3A_1333] : memref<53248x16xf32, #tpu.memory_space<vmem_shared>> -> memref<53248x16xf32, #tpu.memory_space<vmem_shared>>
      tpu.enqueue_indirect_dma source(%arg13 : memref<128x16xf32, #tpu.memory_space<vmem>>) target(%dma_start3A_1334 : memref<53248x16xf32, #tpu.memory_space<vmem_shared>>) offsets(%dma_start3A_1331 : memref<128xi32, #tpu.memory_space<vmem>>) semaphore(%arg28 : memref<!tpu.dma_semaphore, #tpu.memory_space<semaphore_mem>>) {add = true}
      %add3A_1335 = arith.constant 0 : i32
      %add3A_1336 = arith.addi %mul3A_1236, %add3A_1335 : i32
      %add3A_1337 = arith.constant 7 : i32
      %add3A_1338 = arith.addi %add3A_1336, %add3A_1337 : i32
      %lt3A = arith.constant 196 : i32
      %lt3A_1339 = arith.cmpi slt, %add3A_1338, %lt3A : i32
      %convert_element_type3A = arith.extui %lt3A_1339 : i1 to i32
      %cond3A = arith.constant 0 : i32
      %cond3A_1340 = arith.cmpi ne, %convert_element_type3A, %cond3A : i32
      scf.if %cond3A_1340 {
        %dma_wait3A_1395 = arith.constant 0 : i32
        %dma_wait3A_1396 = tpu.memref_slice %arg6[%add3A_1336, %dma_wait3A_1395] : memref<196x128xi32, #tpu.memory_space<vmem>> -> memref<1x128xi32, #tpu.memory_space<vmem>>
        %dma_wait3A_1397 = tpu.memref_squeeze %dma_wait3A_1396 : memref<1x128xi32, #tpu.memory_space<vmem>> -> memref<128xi32, #tpu.memory_space<vmem>>
        %dma_wait3A_1398 = arith.constant 0 : i32
        %dma_wait3A_1399 = arith.constant 0 : i32
        %dma_wait3A_1400 = tpu.memref_slice %arg14[%dma_wait3A_1398, %dma_wait3A_1399] : memref<53248x16xf32, #tpu.memory_space<vmem_shared>> -> memref<53248x16xf32, #tpu.memory_space<vmem_shared>>
        tpu.wait_indirect_dma semaphore(%arg22 : memref<!tpu.dma_semaphore, #tpu.memory_space<semaphore_mem>>) src(%arg7 : memref<128x16xf32, #tpu.memory_space<vmem>>) dst(%dma_wait3A_1400 : memref<53248x16xf32, #tpu.memory_space<vmem_shared>>)
        %add3A_1401 = arith.constant 7 : i32
        %add3A_1402 = arith.addi %add3A_1336, %add3A_1401 : i32
        %dma_start3A_1403 = arith.constant 0 : i32
        %dma_start3A_1404 = tpu.memref_slice %arg5[%add3A_1402, %dma_start3A_1403] : memref<196x128xi32, #tpu.memory_space<vmem>> -> memref<1x128xi32, #tpu.memory_space<vmem>>
        %dma_start3A_1405 = tpu.memref_squeeze %dma_start3A_1404 : memref<1x128xi32, #tpu.memory_space<vmem>> -> memref<128xi32, #tpu.memory_space<vmem>>
        %dma_start3A_1406 = arith.constant 0 : i32
        %dma_start3A_1407 = arith.constant 0 : i32
        %dma_start3A_1408 = tpu.memref_slice %arg2[%dma_start3A_1406, %dma_start3A_1407] : memref<50000x16xf32, #tpu.memory_space<hbm>> -> memref<50000x16xf32, #tpu.memory_space<hbm>>
        tpu.enqueue_indirect_dma source(%dma_start3A_1408 : memref<50000x16xf32, #tpu.memory_space<hbm>>) target(%arg7 : memref<128x16xf32, #tpu.memory_space<vmem>>) offsets(%dma_start3A_1405 : memref<128xi32, #tpu.memory_space<vmem>>) semaphore(%arg15 : memref<!tpu.dma_semaphore, #tpu.memory_space<semaphore_mem>>)
      } else {
      }
      %add3A_1341 = arith.constant 1 : i32
      %add3A_1342 = arith.addi %mul3A_1236, %add3A_1341 : i32
      %add3A_1343 = arith.constant 7 : i32
      %add3A_1344 = arith.addi %add3A_1342, %add3A_1343 : i32
      %lt3A_1345 = arith.constant 196 : i32
      %lt3A_1346 = arith.cmpi slt, %add3A_1344, %lt3A_1345 : i32
      %convert_element_type3A_1347 = arith.extui %lt3A_1346 : i1 to i32
      %cond3A_1348 = arith.constant 0 : i32
      %cond3A_1349 = arith.cmpi ne, %convert_element_type3A_1347, %cond3A_1348 : i32
      scf.if %cond3A_1349 {
        %dma_wait3A_1395 = arith.constant 0 : i32
        %dma_wait3A_1396 = tpu.memref_slice %arg6[%add3A_1342, %dma_wait3A_1395] : memref<196x128xi32, #tpu.memory_space<vmem>> -> memref<1x128xi32, #tpu.memory_space<vmem>>
        %dma_wait3A_1397 = tpu.memref_squeeze %dma_wait3A_1396 : memref<1x128xi32, #tpu.memory_space<vmem>> -> memref<128xi32, #tpu.memory_space<vmem>>
        %dma_wait3A_1398 = arith.constant 0 : i32
        %dma_wait3A_1399 = arith.constant 0 : i32
        %dma_wait3A_1400 = tpu.memref_slice %arg14[%dma_wait3A_1398, %dma_wait3A_1399] : memref<53248x16xf32, #tpu.memory_space<vmem_shared>> -> memref<53248x16xf32, #tpu.memory_space<vmem_shared>>
        tpu.wait_indirect_dma semaphore(%arg23 : memref<!tpu.dma_semaphore, #tpu.memory_space<semaphore_mem>>) src(%arg8 : memref<128x16xf32, #tpu.memory_space<vmem>>) dst(%dma_wait3A_1400 : memref<53248x16xf32, #tpu.memory_space<vmem_shared>>)
        %add3A_1401 = arith.constant 7 : i32
        %add3A_1402 = arith.addi %add3A_1342, %add3A_1401 : i32
        %dma_start3A_1403 = arith.constant 0 : i32
        %dma_start3A_1404 = tpu.memref_slice %arg5[%add3A_1402, %dma_start3A_1403] : memref<196x128xi32, #tpu.memory_space<vmem>> -> memref<1x128xi32, #tpu.memory_space<vmem>>
        %dma_start3A_1405 = tpu.memref_squeeze %dma_start3A_1404 : memref<1x128xi32, #tpu.memory_space<vmem>> -> memref<128xi32, #tpu.memory_space<vmem>>
        %dma_start3A_1406 = arith.constant 0 : i32
        %dma_start3A_1407 = arith.constant 0 : i32
        %dma_start3A_1408 = tpu.memref_slice %arg2[%dma_start3A_1406, %dma_start3A_1407] : memref<50000x16xf32, #tpu.memory_space<hbm>> -> memref<50000x16xf32, #tpu.memory_space<hbm>>
        tpu.enqueue_indirect_dma source(%dma_start3A_1408 : memref<50000x16xf32, #tpu.memory_space<hbm>>) target(%arg8 : memref<128x16xf32, #tpu.memory_space<vmem>>) offsets(%dma_start3A_1405 : memref<128xi32, #tpu.memory_space<vmem>>) semaphore(%arg16 : memref<!tpu.dma_semaphore, #tpu.memory_space<semaphore_mem>>)
      } else {
      }
      %add3A_1350 = arith.constant 2 : i32
      %add3A_1351 = arith.addi %mul3A_1236, %add3A_1350 : i32
      %add3A_1352 = arith.constant 7 : i32
      %add3A_1353 = arith.addi %add3A_1351, %add3A_1352 : i32
      %lt3A_1354 = arith.constant 196 : i32
      %lt3A_1355 = arith.cmpi slt, %add3A_1353, %lt3A_1354 : i32
      %convert_element_type3A_1356 = arith.extui %lt3A_1355 : i1 to i32
      %cond3A_1357 = arith.constant 0 : i32
      %cond3A_1358 = arith.cmpi ne, %convert_element_type3A_1356, %cond3A_1357 : i32
      scf.if %cond3A_1358 {
        %dma_wait3A_1395 = arith.constant 0 : i32
        %dma_wait3A_1396 = tpu.memref_slice %arg6[%add3A_1351, %dma_wait3A_1395] : memref<196x128xi32, #tpu.memory_space<vmem>> -> memref<1x128xi32, #tpu.memory_space<vmem>>
        %dma_wait3A_1397 = tpu.memref_squeeze %dma_wait3A_1396 : memref<1x128xi32, #tpu.memory_space<vmem>> -> memref<128xi32, #tpu.memory_space<vmem>>
        %dma_wait3A_1398 = arith.constant 0 : i32
        %dma_wait3A_1399 = arith.constant 0 : i32
        %dma_wait3A_1400 = tpu.memref_slice %arg14[%dma_wait3A_1398, %dma_wait3A_1399] : memref<53248x16xf32, #tpu.memory_space<vmem_shared>> -> memref<53248x16xf32, #tpu.memory_space<vmem_shared>>
        tpu.wait_indirect_dma semaphore(%arg24 : memref<!tpu.dma_semaphore, #tpu.memory_space<semaphore_mem>>) src(%arg9 : memref<128x16xf32, #tpu.memory_space<vmem>>) dst(%dma_wait3A_1400 : memref<53248x16xf32, #tpu.memory_space<vmem_shared>>)
        %add3A_1401 = arith.constant 7 : i32
        %add3A_1402 = arith.addi %add3A_1351, %add3A_1401 : i32
        %dma_start3A_1403 = arith.constant 0 : i32
        %dma_start3A_1404 = tpu.memref_slice %arg5[%add3A_1402, %dma_start3A_1403] : memref<196x128xi32, #tpu.memory_space<vmem>> -> memref<1x128xi32, #tpu.memory_space<vmem>>
        %dma_start3A_1405 = tpu.memref_squeeze %dma_start3A_1404 : memref<1x128xi32, #tpu.memory_space<vmem>> -> memref<128xi32, #tpu.memory_space<vmem>>
        %dma_start3A_1406 = arith.constant 0 : i32
        %dma_start3A_1407 = arith.constant 0 : i32
        %dma_start3A_1408 = tpu.memref_slice %arg2[%dma_start3A_1406, %dma_start3A_1407] : memref<50000x16xf32, #tpu.memory_space<hbm>> -> memref<50000x16xf32, #tpu.memory_space<hbm>>
        tpu.enqueue_indirect_dma source(%dma_start3A_1408 : memref<50000x16xf32, #tpu.memory_space<hbm>>) target(%arg9 : memref<128x16xf32, #tpu.memory_space<vmem>>) offsets(%dma_start3A_1405 : memref<128xi32, #tpu.memory_space<vmem>>) semaphore(%arg17 : memref<!tpu.dma_semaphore, #tpu.memory_space<semaphore_mem>>)
      } else {
      }
      %add3A_1359 = arith.constant 3 : i32
      %add3A_1360 = arith.addi %mul3A_1236, %add3A_1359 : i32
      %add3A_1361 = arith.constant 7 : i32
      %add3A_1362 = arith.addi %add3A_1360, %add3A_1361 : i32
      %lt3A_1363 = arith.constant 196 : i32
      %lt3A_1364 = arith.cmpi slt, %add3A_1362, %lt3A_1363 : i32
      %convert_element_type3A_1365 = arith.extui %lt3A_1364 : i1 to i32
      %cond3A_1366 = arith.constant 0 : i32
      %cond3A_1367 = arith.cmpi ne, %convert_element_type3A_1365, %cond3A_1366 : i32
      scf.if %cond3A_1367 {
        %dma_wait3A_1395 = arith.constant 0 : i32
        %dma_wait3A_1396 = tpu.memref_slice %arg6[%add3A_1360, %dma_wait3A_1395] : memref<196x128xi32, #tpu.memory_space<vmem>> -> memref<1x128xi32, #tpu.memory_space<vmem>>
        %dma_wait3A_1397 = tpu.memref_squeeze %dma_wait3A_1396 : memref<1x128xi32, #tpu.memory_space<vmem>> -> memref<128xi32, #tpu.memory_space<vmem>>
        %dma_wait3A_1398 = arith.constant 0 : i32
        %dma_wait3A_1399 = arith.constant 0 : i32
        %dma_wait3A_1400 = tpu.memref_slice %arg14[%dma_wait3A_1398, %dma_wait3A_1399] : memref<53248x16xf32, #tpu.memory_space<vmem_shared>> -> memref<53248x16xf32, #tpu.memory_space<vmem_shared>>
        tpu.wait_indirect_dma semaphore(%arg25 : memref<!tpu.dma_semaphore, #tpu.memory_space<semaphore_mem>>) src(%arg10 : memref<128x16xf32, #tpu.memory_space<vmem>>) dst(%dma_wait3A_1400 : memref<53248x16xf32, #tpu.memory_space<vmem_shared>>)
        %add3A_1401 = arith.constant 7 : i32
        %add3A_1402 = arith.addi %add3A_1360, %add3A_1401 : i32
        %dma_start3A_1403 = arith.constant 0 : i32
        %dma_start3A_1404 = tpu.memref_slice %arg5[%add3A_1402, %dma_start3A_1403] : memref<196x128xi32, #tpu.memory_space<vmem>> -> memref<1x128xi32, #tpu.memory_space<vmem>>
        %dma_start3A_1405 = tpu.memref_squeeze %dma_start3A_1404 : memref<1x128xi32, #tpu.memory_space<vmem>> -> memref<128xi32, #tpu.memory_space<vmem>>
        %dma_start3A_1406 = arith.constant 0 : i32
        %dma_start3A_1407 = arith.constant 0 : i32
        %dma_start3A_1408 = tpu.memref_slice %arg2[%dma_start3A_1406, %dma_start3A_1407] : memref<50000x16xf32, #tpu.memory_space<hbm>> -> memref<50000x16xf32, #tpu.memory_space<hbm>>
        tpu.enqueue_indirect_dma source(%dma_start3A_1408 : memref<50000x16xf32, #tpu.memory_space<hbm>>) target(%arg10 : memref<128x16xf32, #tpu.memory_space<vmem>>) offsets(%dma_start3A_1405 : memref<128xi32, #tpu.memory_space<vmem>>) semaphore(%arg18 : memref<!tpu.dma_semaphore, #tpu.memory_space<semaphore_mem>>)
      } else {
      }
      %add3A_1368 = arith.constant 4 : i32
      %add3A_1369 = arith.addi %mul3A_1236, %add3A_1368 : i32
      %add3A_1370 = arith.constant 7 : i32
      %add3A_1371 = arith.addi %add3A_1369, %add3A_1370 : i32
      %lt3A_1372 = arith.constant 196 : i32
      %lt3A_1373 = arith.cmpi slt, %add3A_1371, %lt3A_1372 : i32
      %convert_element_type3A_1374 = arith.extui %lt3A_1373 : i1 to i32
      %cond3A_1375 = arith.constant 0 : i32
      %cond3A_1376 = arith.cmpi ne, %convert_element_type3A_1374, %cond3A_1375 : i32
      scf.if %cond3A_1376 {
        %dma_wait3A_1395 = arith.constant 0 : i32
        %dma_wait3A_1396 = tpu.memref_slice %arg6[%add3A_1369, %dma_wait3A_1395] : memref<196x128xi32, #tpu.memory_space<vmem>> -> memref<1x128xi32, #tpu.memory_space<vmem>>
        %dma_wait3A_1397 = tpu.memref_squeeze %dma_wait3A_1396 : memref<1x128xi32, #tpu.memory_space<vmem>> -> memref<128xi32, #tpu.memory_space<vmem>>
        %dma_wait3A_1398 = arith.constant 0 : i32
        %dma_wait3A_1399 = arith.constant 0 : i32
        %dma_wait3A_1400 = tpu.memref_slice %arg14[%dma_wait3A_1398, %dma_wait3A_1399] : memref<53248x16xf32, #tpu.memory_space<vmem_shared>> -> memref<53248x16xf32, #tpu.memory_space<vmem_shared>>
        tpu.wait_indirect_dma semaphore(%arg26 : memref<!tpu.dma_semaphore, #tpu.memory_space<semaphore_mem>>) src(%arg11 : memref<128x16xf32, #tpu.memory_space<vmem>>) dst(%dma_wait3A_1400 : memref<53248x16xf32, #tpu.memory_space<vmem_shared>>)
        %add3A_1401 = arith.constant 7 : i32
        %add3A_1402 = arith.addi %add3A_1369, %add3A_1401 : i32
        %dma_start3A_1403 = arith.constant 0 : i32
        %dma_start3A_1404 = tpu.memref_slice %arg5[%add3A_1402, %dma_start3A_1403] : memref<196x128xi32, #tpu.memory_space<vmem>> -> memref<1x128xi32, #tpu.memory_space<vmem>>
        %dma_start3A_1405 = tpu.memref_squeeze %dma_start3A_1404 : memref<1x128xi32, #tpu.memory_space<vmem>> -> memref<128xi32, #tpu.memory_space<vmem>>
        %dma_start3A_1406 = arith.constant 0 : i32
        %dma_start3A_1407 = arith.constant 0 : i32
        %dma_start3A_1408 = tpu.memref_slice %arg2[%dma_start3A_1406, %dma_start3A_1407] : memref<50000x16xf32, #tpu.memory_space<hbm>> -> memref<50000x16xf32, #tpu.memory_space<hbm>>
        tpu.enqueue_indirect_dma source(%dma_start3A_1408 : memref<50000x16xf32, #tpu.memory_space<hbm>>) target(%arg11 : memref<128x16xf32, #tpu.memory_space<vmem>>) offsets(%dma_start3A_1405 : memref<128xi32, #tpu.memory_space<vmem>>) semaphore(%arg19 : memref<!tpu.dma_semaphore, #tpu.memory_space<semaphore_mem>>)
      } else {
      }
      %add3A_1377 = arith.constant 5 : i32
      %add3A_1378 = arith.addi %mul3A_1236, %add3A_1377 : i32
      %add3A_1379 = arith.constant 7 : i32
      %add3A_1380 = arith.addi %add3A_1378, %add3A_1379 : i32
      %lt3A_1381 = arith.constant 196 : i32
      %lt3A_1382 = arith.cmpi slt, %add3A_1380, %lt3A_1381 : i32
      %convert_element_type3A_1383 = arith.extui %lt3A_1382 : i1 to i32
      %cond3A_1384 = arith.constant 0 : i32
      %cond3A_1385 = arith.cmpi ne, %convert_element_type3A_1383, %cond3A_1384 : i32
      scf.if %cond3A_1385 {
        %dma_wait3A_1395 = arith.constant 0 : i32
        %dma_wait3A_1396 = tpu.memref_slice %arg6[%add3A_1378, %dma_wait3A_1395] : memref<196x128xi32, #tpu.memory_space<vmem>> -> memref<1x128xi32, #tpu.memory_space<vmem>>
        %dma_wait3A_1397 = tpu.memref_squeeze %dma_wait3A_1396 : memref<1x128xi32, #tpu.memory_space<vmem>> -> memref<128xi32, #tpu.memory_space<vmem>>
        %dma_wait3A_1398 = arith.constant 0 : i32
        %dma_wait3A_1399 = arith.constant 0 : i32
        %dma_wait3A_1400 = tpu.memref_slice %arg14[%dma_wait3A_1398, %dma_wait3A_1399] : memref<53248x16xf32, #tpu.memory_space<vmem_shared>> -> memref<53248x16xf32, #tpu.memory_space<vmem_shared>>
        tpu.wait_indirect_dma semaphore(%arg27 : memref<!tpu.dma_semaphore, #tpu.memory_space<semaphore_mem>>) src(%arg12 : memref<128x16xf32, #tpu.memory_space<vmem>>) dst(%dma_wait3A_1400 : memref<53248x16xf32, #tpu.memory_space<vmem_shared>>)
        %add3A_1401 = arith.constant 7 : i32
        %add3A_1402 = arith.addi %add3A_1378, %add3A_1401 : i32
        %dma_start3A_1403 = arith.constant 0 : i32
        %dma_start3A_1404 = tpu.memref_slice %arg5[%add3A_1402, %dma_start3A_1403] : memref<196x128xi32, #tpu.memory_space<vmem>> -> memref<1x128xi32, #tpu.memory_space<vmem>>
        %dma_start3A_1405 = tpu.memref_squeeze %dma_start3A_1404 : memref<1x128xi32, #tpu.memory_space<vmem>> -> memref<128xi32, #tpu.memory_space<vmem>>
        %dma_start3A_1406 = arith.constant 0 : i32
        %dma_start3A_1407 = arith.constant 0 : i32
        %dma_start3A_1408 = tpu.memref_slice %arg2[%dma_start3A_1406, %dma_start3A_1407] : memref<50000x16xf32, #tpu.memory_space<hbm>> -> memref<50000x16xf32, #tpu.memory_space<hbm>>
        tpu.enqueue_indirect_dma source(%dma_start3A_1408 : memref<50000x16xf32, #tpu.memory_space<hbm>>) target(%arg12 : memref<128x16xf32, #tpu.memory_space<vmem>>) offsets(%dma_start3A_1405 : memref<128xi32, #tpu.memory_space<vmem>>) semaphore(%arg20 : memref<!tpu.dma_semaphore, #tpu.memory_space<semaphore_mem>>)
      } else {
      }
      %add3A_1386 = arith.constant 6 : i32
      %add3A_1387 = arith.addi %mul3A_1236, %add3A_1386 : i32
      %add3A_1388 = arith.constant 7 : i32
      %add3A_1389 = arith.addi %add3A_1387, %add3A_1388 : i32
      %lt3A_1390 = arith.constant 196 : i32
      %lt3A_1391 = arith.cmpi slt, %add3A_1389, %lt3A_1390 : i32
      %convert_element_type3A_1392 = arith.extui %lt3A_1391 : i1 to i32
      %cond3A_1393 = arith.constant 0 : i32
      %cond3A_1394 = arith.cmpi ne, %convert_element_type3A_1392, %cond3A_1393 : i32
      scf.if %cond3A_1394 {
        %dma_wait3A_1395 = arith.constant 0 : i32
        %dma_wait3A_1396 = tpu.memref_slice %arg6[%add3A_1387, %dma_wait3A_1395] : memref<196x128xi32, #tpu.memory_space<vmem>> -> memref<1x128xi32, #tpu.memory_space<vmem>>
        %dma_wait3A_1397 = tpu.memref_squeeze %dma_wait3A_1396 : memref<1x128xi32, #tpu.memory_space<vmem>> -> memref<128xi32, #tpu.memory_space<vmem>>
        %dma_wait3A_1398 = arith.constant 0 : i32
        %dma_wait3A_1399 = arith.constant 0 : i32
        %dma_wait3A_1400 = tpu.memref_slice %arg14[%dma_wait3A_1398, %dma_wait3A_1399] : memref<53248x16xf32, #tpu.memory_space<vmem_shared>> -> memref<53248x16xf32, #tpu.memory_space<vmem_shared>>
        tpu.wait_indirect_dma semaphore(%arg28 : memref<!tpu.dma_semaphore, #tpu.memory_space<semaphore_mem>>) src(%arg13 : memref<128x16xf32, #tpu.memory_space<vmem>>) dst(%dma_wait3A_1400 : memref<53248x16xf32, #tpu.memory_space<vmem_shared>>)
        %add3A_1401 = arith.constant 7 : i32
        %add3A_1402 = arith.addi %add3A_1387, %add3A_1401 : i32
        %dma_start3A_1403 = arith.constant 0 : i32
        %dma_start3A_1404 = tpu.memref_slice %arg5[%add3A_1402, %dma_start3A_1403] : memref<196x128xi32, #tpu.memory_space<vmem>> -> memref<1x128xi32, #tpu.memory_space<vmem>>
        %dma_start3A_1405 = tpu.memref_squeeze %dma_start3A_1404 : memref<1x128xi32, #tpu.memory_space<vmem>> -> memref<128xi32, #tpu.memory_space<vmem>>
        %dma_start3A_1406 = arith.constant 0 : i32
        %dma_start3A_1407 = arith.constant 0 : i32
        %dma_start3A_1408 = tpu.memref_slice %arg2[%dma_start3A_1406, %dma_start3A_1407] : memref<50000x16xf32, #tpu.memory_space<hbm>> -> memref<50000x16xf32, #tpu.memory_space<hbm>>
        tpu.enqueue_indirect_dma source(%dma_start3A_1408 : memref<50000x16xf32, #tpu.memory_space<hbm>>) target(%arg13 : memref<128x16xf32, #tpu.memory_space<vmem>>) offsets(%dma_start3A_1405 : memref<128xi32, #tpu.memory_space<vmem>>) semaphore(%arg21 : memref<!tpu.dma_semaphore, #tpu.memory_space<semaphore_mem>>)
      } else {
      }
    }
    %scan3A_1180 = arith.constant 28 : i32
    %dma_wait3A = arith.constant 189 : i32
    %dma_wait3A_1181 = arith.constant 0 : i32
    %dma_wait3A_1182 = tpu.memref_slice %arg6[%dma_wait3A, %dma_wait3A_1181] : memref<196x128xi32, #tpu.memory_space<vmem>> -> memref<1x128xi32, #tpu.memory_space<vmem>>
    %dma_wait3A_1183 = tpu.memref_squeeze %dma_wait3A_1182 : memref<1x128xi32, #tpu.memory_space<vmem>> -> memref<128xi32, #tpu.memory_space<vmem>>
    %dma_wait3A_1184 = arith.constant 0 : i32
    %dma_wait3A_1185 = arith.constant 0 : i32
    %dma_wait3A_1186 = tpu.memref_slice %arg14[%dma_wait3A_1184, %dma_wait3A_1185] : memref<53248x16xf32, #tpu.memory_space<vmem_shared>> -> memref<53248x16xf32, #tpu.memory_space<vmem_shared>>
    tpu.wait_indirect_dma semaphore(%arg22 : memref<!tpu.dma_semaphore, #tpu.memory_space<semaphore_mem>>) src(%arg7 : memref<128x16xf32, #tpu.memory_space<vmem>>) dst(%dma_wait3A_1186 : memref<53248x16xf32, #tpu.memory_space<vmem_shared>>)
    %dma_wait3A_1187 = arith.constant 190 : i32
    %dma_wait3A_1188 = arith.constant 0 : i32
    %dma_wait3A_1189 = tpu.memref_slice %arg6[%dma_wait3A_1187, %dma_wait3A_1188] : memref<196x128xi32, #tpu.memory_space<vmem>> -> memref<1x128xi32, #tpu.memory_space<vmem>>
    %dma_wait3A_1190 = tpu.memref_squeeze %dma_wait3A_1189 : memref<1x128xi32, #tpu.memory_space<vmem>> -> memref<128xi32, #tpu.memory_space<vmem>>
    %dma_wait3A_1191 = arith.constant 0 : i32
    %dma_wait3A_1192 = arith.constant 0 : i32
    %dma_wait3A_1193 = tpu.memref_slice %arg14[%dma_wait3A_1191, %dma_wait3A_1192] : memref<53248x16xf32, #tpu.memory_space<vmem_shared>> -> memref<53248x16xf32, #tpu.memory_space<vmem_shared>>
    tpu.wait_indirect_dma semaphore(%arg23 : memref<!tpu.dma_semaphore, #tpu.memory_space<semaphore_mem>>) src(%arg8 : memref<128x16xf32, #tpu.memory_space<vmem>>) dst(%dma_wait3A_1193 : memref<53248x16xf32, #tpu.memory_space<vmem_shared>>)
    %dma_wait3A_1194 = arith.constant 191 : i32
    %dma_wait3A_1195 = arith.constant 0 : i32
    %dma_wait3A_1196 = tpu.memref_slice %arg6[%dma_wait3A_1194, %dma_wait3A_1195] : memref<196x128xi32, #tpu.memory_space<vmem>> -> memref<1x128xi32, #tpu.memory_space<vmem>>
    %dma_wait3A_1197 = tpu.memref_squeeze %dma_wait3A_1196 : memref<1x128xi32, #tpu.memory_space<vmem>> -> memref<128xi32, #tpu.memory_space<vmem>>
    %dma_wait3A_1198 = arith.constant 0 : i32
    %dma_wait3A_1199 = arith.constant 0 : i32
    %dma_wait3A_1200 = tpu.memref_slice %arg14[%dma_wait3A_1198, %dma_wait3A_1199] : memref<53248x16xf32, #tpu.memory_space<vmem_shared>> -> memref<53248x16xf32, #tpu.memory_space<vmem_shared>>
    tpu.wait_indirect_dma semaphore(%arg24 : memref<!tpu.dma_semaphore, #tpu.memory_space<semaphore_mem>>) src(%arg9 : memref<128x16xf32, #tpu.memory_space<vmem>>) dst(%dma_wait3A_1200 : memref<53248x16xf32, #tpu.memory_space<vmem_shared>>)
    %dma_wait3A_1201 = arith.constant 192 : i32
    %dma_wait3A_1202 = arith.constant 0 : i32
    %dma_wait3A_1203 = tpu.memref_slice %arg6[%dma_wait3A_1201, %dma_wait3A_1202] : memref<196x128xi32, #tpu.memory_space<vmem>> -> memref<1x128xi32, #tpu.memory_space<vmem>>
    %dma_wait3A_1204 = tpu.memref_squeeze %dma_wait3A_1203 : memref<1x128xi32, #tpu.memory_space<vmem>> -> memref<128xi32, #tpu.memory_space<vmem>>
    %dma_wait3A_1205 = arith.constant 0 : i32
    %dma_wait3A_1206 = arith.constant 0 : i32
    %dma_wait3A_1207 = tpu.memref_slice %arg14[%dma_wait3A_1205, %dma_wait3A_1206] : memref<53248x16xf32, #tpu.memory_space<vmem_shared>> -> memref<53248x16xf32, #tpu.memory_space<vmem_shared>>
    tpu.wait_indirect_dma semaphore(%arg25 : memref<!tpu.dma_semaphore, #tpu.memory_space<semaphore_mem>>) src(%arg10 : memref<128x16xf32, #tpu.memory_space<vmem>>) dst(%dma_wait3A_1207 : memref<53248x16xf32, #tpu.memory_space<vmem_shared>>)
    %dma_wait3A_1208 = arith.constant 193 : i32
    %dma_wait3A_1209 = arith.constant 0 : i32
    %dma_wait3A_1210 = tpu.memref_slice %arg6[%dma_wait3A_1208, %dma_wait3A_1209] : memref<196x128xi32, #tpu.memory_space<vmem>> -> memref<1x128xi32, #tpu.memory_space<vmem>>
    %dma_wait3A_1211 = tpu.memref_squeeze %dma_wait3A_1210 : memref<1x128xi32, #tpu.memory_space<vmem>> -> memref<128xi32, #tpu.memory_space<vmem>>
    %dma_wait3A_1212 = arith.constant 0 : i32
    %dma_wait3A_1213 = arith.constant 0 : i32
    %dma_wait3A_1214 = tpu.memref_slice %arg14[%dma_wait3A_1212, %dma_wait3A_1213] : memref<53248x16xf32, #tpu.memory_space<vmem_shared>> -> memref<53248x16xf32, #tpu.memory_space<vmem_shared>>
    tpu.wait_indirect_dma semaphore(%arg26 : memref<!tpu.dma_semaphore, #tpu.memory_space<semaphore_mem>>) src(%arg11 : memref<128x16xf32, #tpu.memory_space<vmem>>) dst(%dma_wait3A_1214 : memref<53248x16xf32, #tpu.memory_space<vmem_shared>>)
    %dma_wait3A_1215 = arith.constant 194 : i32
    %dma_wait3A_1216 = arith.constant 0 : i32
    %dma_wait3A_1217 = tpu.memref_slice %arg6[%dma_wait3A_1215, %dma_wait3A_1216] : memref<196x128xi32, #tpu.memory_space<vmem>> -> memref<1x128xi32, #tpu.memory_space<vmem>>
    %dma_wait3A_1218 = tpu.memref_squeeze %dma_wait3A_1217 : memref<1x128xi32, #tpu.memory_space<vmem>> -> memref<128xi32, #tpu.memory_space<vmem>>
    %dma_wait3A_1219 = arith.constant 0 : i32
    %dma_wait3A_1220 = arith.constant 0 : i32
    %dma_wait3A_1221 = tpu.memref_slice %arg14[%dma_wait3A_1219, %dma_wait3A_1220] : memref<53248x16xf32, #tpu.memory_space<vmem_shared>> -> memref<53248x16xf32, #tpu.memory_space<vmem_shared>>
    tpu.wait_indirect_dma semaphore(%arg27 : memref<!tpu.dma_semaphore, #tpu.memory_space<semaphore_mem>>) src(%arg12 : memref<128x16xf32, #tpu.memory_space<vmem>>) dst(%dma_wait3A_1221 : memref<53248x16xf32, #tpu.memory_space<vmem_shared>>)
    %dma_wait3A_1222 = arith.constant 195 : i32
    %dma_wait3A_1223 = arith.constant 0 : i32
    %dma_wait3A_1224 = tpu.memref_slice %arg6[%dma_wait3A_1222, %dma_wait3A_1223] : memref<196x128xi32, #tpu.memory_space<vmem>> -> memref<1x128xi32, #tpu.memory_space<vmem>>
    %dma_wait3A_1225 = tpu.memref_squeeze %dma_wait3A_1224 : memref<1x128xi32, #tpu.memory_space<vmem>> -> memref<128xi32, #tpu.memory_space<vmem>>
    %dma_wait3A_1226 = arith.constant 0 : i32
    %dma_wait3A_1227 = arith.constant 0 : i32
    %dma_wait3A_1228 = tpu.memref_slice %arg14[%dma_wait3A_1226, %dma_wait3A_1227] : memref<53248x16xf32, #tpu.memory_space<vmem_shared>> -> memref<53248x16xf32, #tpu.memory_space<vmem_shared>>
    tpu.wait_indirect_dma semaphore(%arg28 : memref<!tpu.dma_semaphore, #tpu.memory_space<semaphore_mem>>) src(%arg13 : memref<128x16xf32, #tpu.memory_space<vmem>>) dst(%dma_wait3A_1228 : memref<53248x16xf32, #tpu.memory_space<vmem_shared>>)
    %barrier3A_1229 = arith.constant 0 : index
    tpu.barrier barrier_id(%barrier3A_1229)
    %mul3A_1230 = arith.constant 3328 : i32
    %mul3A_1231 = arith.muli %arg1, %mul3A_1230 : i32
    %mul3A_1232 = arith.constant 3328 : i32
    %mul3A_1233 = arith.muli %arg1, %mul3A_1232 : i32
    "tpu.region"() ({
      %run_scoped3A_1234 = tpu.sem_alloc : memref<!tpu.dma_semaphore, #tpu.memory_space<semaphore_mem>>
      %dma_start3A_1235 = arith.constant 0 : i32
      %dma_start3A_1236 = tpu.memref_slice %arg4[%arg0, %mul3A_1233, %dma_start3A_1235] : memref<2x53248x16xf32, #tpu.memory_space<hbm>> -> memref<1x3328x16xf32, #tpu.memory_space<hbm>>
      %dma_start3A_1237 = tpu.memref_squeeze %dma_start3A_1236 : memref<1x3328x16xf32, #tpu.memory_space<hbm>> -> memref<3328x16xf32, #tpu.memory_space<hbm>>
      %dma_start3A_1238 = arith.constant 0 : i32
      %dma_start3A_1239 = tpu.memref_slice %arg14[%mul3A_1231, %dma_start3A_1238] : memref<53248x16xf32, #tpu.memory_space<vmem_shared>> -> memref<3328x16xf32, #tpu.memory_space<vmem_shared>>
      tpu.enqueue_dma source(%dma_start3A_1239 : memref<3328x16xf32, #tpu.memory_space<vmem_shared>>) target(%dma_start3A_1237 : memref<3328x16xf32, #tpu.memory_space<hbm>>) target_semaphore(%run_scoped3A_1234 : memref<!tpu.dma_semaphore, #tpu.memory_space<semaphore_mem>>)
      %dma_wait3A_1240 = arith.constant 0 : i32
      %dma_wait3A_1241 = tpu.memref_slice %arg4[%arg0, %mul3A_1233, %dma_wait3A_1240] : memref<2x53248x16xf32, #tpu.memory_space<hbm>> -> memref<1x3328x16xf32, #tpu.memory_space<hbm>>
      %dma_wait3A_1242 = tpu.memref_squeeze %dma_wait3A_1241 : memref<1x3328x16xf32, #tpu.memory_space<hbm>> -> memref<3328x16xf32, #tpu.memory_space<hbm>>
      %dma_wait3A_1243 = arith.constant 0 : i32
      %dma_wait3A_1244 = tpu.memref_slice %arg14[%mul3A_1231, %dma_wait3A_1243] : memref<53248x16xf32, #tpu.memory_space<vmem_shared>> -> memref<3328x16xf32, #tpu.memory_space<vmem_shared>>
      tpu.wait_dma2 semaphore(%run_scoped3A_1234 : memref<!tpu.dma_semaphore, #tpu.memory_space<semaphore_mem>>) src(%dma_wait3A_1244 : memref<3328x16xf32, #tpu.memory_space<vmem_shared>>) dst(%dma_wait3A_1242 : memref<3328x16xf32, #tpu.memory_space<hbm>>)
      tpu.yield
    }) : () -> ()
    return
  }
}

#map = affine_map<(d0, d1) -> (0, 0)>
#map1 = affine_map<(d0, d1) -> (0, 0, 0, 0)>
#map2 = affine_map<(d0, d1) -> (0, 0, 0)>
module attributes {stable_mosaic.version = 14 : i64} {
  func.func @k(%arg0: i32, %arg1: i32, %arg2: memref<50000x16xf32, #tpu.memory_space<hbm>>, %arg3: memref<2x32x196x128xi32, #tpu.memory_space<hbm>>, %arg4: memref<2x53248x16xf32, #tpu.memory_space<hbm>>, %arg5: memref<196x128xi32, #tpu.memory_space<vmem>>, %arg6: memref<196x128xi32, #tpu.memory_space<vmem>>, %arg7: memref<128x16xf32, #tpu.memory_space<vmem>>, %arg8: memref<128x16xf32, #tpu.memory_space<vmem>>, %arg9: memref<128x16xf32, #tpu.memory_space<vmem>>, %arg10: memref<128x16xf32, #tpu.memory_space<vmem>>, %arg11: memref<128x16xf32, #tpu.memory_space<vmem>>, %arg12: memref<128x16xf32, #tpu.memory_space<vmem>>, %arg13: memref<128x16xf32, #tpu.memory_space<vmem>>, %arg14: memref<53248x16xf32, #tpu.memory_space<vmem_shared>>, %arg15: memref<!tpu.dma_semaphore, #tpu.memory_space<semaphore_mem>>, %arg16: memref<!tpu.dma_semaphore, #tpu.memory_space<semaphore_mem>>, %arg17: memref<!tpu.dma_semaphore, #tpu.memory_space<semaphore_mem>>, %arg18: memref<!tpu.dma_semaphore, #tpu.memory_space<semaphore_mem>>, %arg19: memref<!tpu.dma_semaphore, #tpu.memory_space<semaphore_mem>>, %arg20: memref<!tpu.dma_semaphore, #tpu.memory_space<semaphore_mem>>, %arg21: memref<!tpu.dma_semaphore, #tpu.memory_space<semaphore_mem>>, %arg22: memref<!tpu.dma_semaphore, #tpu.memory_space<semaphore_mem>>, %arg23: memref<!tpu.dma_semaphore, #tpu.memory_space<semaphore_mem>>, %arg24: memref<!tpu.dma_semaphore, #tpu.memory_space<semaphore_mem>>, %arg25: memref<!tpu.dma_semaphore, #tpu.memory_space<semaphore_mem>>, %arg26: memref<!tpu.dma_semaphore, #tpu.memory_space<semaphore_mem>>, %arg27: memref<!tpu.dma_semaphore, #tpu.memory_space<semaphore_mem>>, %arg28: memref<!tpu.dma_semaphore, #tpu.memory_space<semaphore_mem>>) attributes {dimension_semantics = [#tpu.dimension_semantics<core_parallel>, #tpu.dimension_semantics<subcore_parallel>], iteration_bounds = array<i64: 2, 16>, scalar_prefetch = 0 : i64, scratch_operands = 24 : i64, tpu.core_type = #tpu.core_type<sc_vector_subcore>, window_params = [{transform_indices = #map}, {transform_indices = #map1}, {transform_indices = #map2}]} {
    %mul3A = arith.constant 2 : i32
    %mul3A_0 = arith.muli %arg1, %mul3A : i32
    %add3A = arith.addi %mul3A_0, %arg0 : i32
    %broadcast_in_dim3A = arith.constant 0.000000e+00 : f32
    %broadcast_in_dim3A_1 = vector.broadcast %broadcast_in_dim3A : f32 to vector<16xf32>
    %swap3A = arith.constant 0 : i32
    %swap3A_2 = arith.index_cast %swap3A : i32 to index
    %swap3A_3 = arith.constant 0 : index
    %swap3A_4 = tpu.vector_load %arg7[%swap3A_2, %swap3A_3] {strides = array<i32>} : memref<128x16xf32, #tpu.memory_space<vmem>>, vector<1x16xf32>,
    %swap3A_5 = vector.shape_cast %swap3A_4 : vector<1x16xf32> to vector<16xf32>
    %swap3A_6 = vector.shape_cast %broadcast_in_dim3A_1 : vector<16xf32> to vector<1x16xf32>
    tpu.vector_store %arg7[%swap3A_2, %swap3A_3], %swap3A_6 {strides = array<i32>} : memref<128x16xf32, #tpu.memory_space<vmem>>, vector<1x16xf32>,
    %broadcast_in_dim3A_7 = arith.constant 0.000000e+00 : f32
    %broadcast_in_dim3A_8 = vector.broadcast %broadcast_in_dim3A_7 : f32 to vector<16xf32>
    %swap3A_9 = arith.constant 1 : i32
    %swap3A_10 = arith.index_cast %swap3A_9 : i32 to index
    %swap3A_11 = arith.constant 0 : index
    %swap3A_12 = tpu.vector_load %arg7[%swap3A_10, %swap3A_11] {strides = array<i32>} : memref<128x16xf32, #tpu.memory_space<vmem>>, vector<1x16xf32>,
    %swap3A_13 = vector.shape_cast %swap3A_12 : vector<1x16xf32> to vector<16xf32>
    %swap3A_14 = vector.shape_cast %broadcast_in_dim3A_8 : vector<16xf32> to vector<1x16xf32>
    tpu.vector_store %arg7[%swap3A_10, %swap3A_11], %swap3A_14 {strides = array<i32>} : memref<128x16xf32, #tpu.memory_space<vmem>>, vector<1x16xf32>,
    %broadcast_in_dim3A_15 = arith.constant 0.000000e+00 : f32
    %broadcast_in_dim3A_16 = vector.broadcast %broadcast_in_dim3A_15 : f32 to vector<16xf32>
    %swap3A_17 = arith.constant 2 : i32
    %swap3A_18 = arith.index_cast %swap3A_17 : i32 to index
    %swap3A_19 = arith.constant 0 : index
    %swap3A_20 = tpu.vector_load %arg7[%swap3A_18, %swap3A_19] {strides = array<i32>} : memref<128x16xf32, #tpu.memory_space<vmem>>, vector<1x16xf32>,
    %swap3A_21 = vector.shape_cast %swap3A_20 : vector<1x16xf32> to vector<16xf32>
    %swap3A_22 = vector.shape_cast %broadcast_in_dim3A_16 : vector<16xf32> to vector<1x16xf32>
    tpu.vector_store %arg7[%swap3A_18, %swap3A_19], %swap3A_22 {strides = array<i32>} : memref<128x16xf32, #tpu.memory_space<vmem>>, vector<1x16xf32>,
    %broadcast_in_dim3A_23 = arith.constant 0.000000e+00 : f32
    %broadcast_in_dim3A_24 = vector.broadcast %broadcast_in_dim3A_23 : f32 to vector<16xf32>
    %swap3A_25 = arith.constant 3 : i32
    %swap3A_26 = arith.index_cast %swap3A_25 : i32 to index
    %swap3A_27 = arith.constant 0 : index
    %swap3A_28 = tpu.vector_load %arg7[%swap3A_26, %swap3A_27] {strides = array<i32>} : memref<128x16xf32, #tpu.memory_space<vmem>>, vector<1x16xf32>,
    %swap3A_29 = vector.shape_cast %swap3A_28 : vector<1x16xf32> to vector<16xf32>
    %swap3A_30 = vector.shape_cast %broadcast_in_dim3A_24 : vector<16xf32> to vector<1x16xf32>
    tpu.vector_store %arg7[%swap3A_26, %swap3A_27], %swap3A_30 {strides = array<i32>} : memref<128x16xf32, #tpu.memory_space<vmem>>, vector<1x16xf32>,
    %broadcast_in_dim3A_31 = arith.constant 0.000000e+00 : f32
    %broadcast_in_dim3A_32 = vector.broadcast %broadcast_in_dim3A_31 : f32 to vector<16xf32>
    %swap3A_33 = arith.constant 4 : i32
    %swap3A_34 = arith.index_cast %swap3A_33 : i32 to index
    %swap3A_35 = arith.constant 0 : index
    %swap3A_36 = tpu.vector_load %arg7[%swap3A_34, %swap3A_35] {strides = array<i32>} : memref<128x16xf32, #tpu.memory_space<vmem>>, vector<1x16xf32>,
    %swap3A_37 = vector.shape_cast %swap3A_36 : vector<1x16xf32> to vector<16xf32>
    %swap3A_38 = vector.shape_cast %broadcast_in_dim3A_32 : vector<16xf32> to vector<1x16xf32>
    tpu.vector_store %arg7[%swap3A_34, %swap3A_35], %swap3A_38 {strides = array<i32>} : memref<128x16xf32, #tpu.memory_space<vmem>>, vector<1x16xf32>,
    %broadcast_in_dim3A_39 = arith.constant 0.000000e+00 : f32
    %broadcast_in_dim3A_40 = vector.broadcast %broadcast_in_dim3A_39 : f32 to vector<16xf32>
    %swap3A_41 = arith.constant 5 : i32
    %swap3A_42 = arith.index_cast %swap3A_41 : i32 to index
    %swap3A_43 = arith.constant 0 : index
    %swap3A_44 = tpu.vector_load %arg7[%swap3A_42, %swap3A_43] {strides = array<i32>} : memref<128x16xf32, #tpu.memory_space<vmem>>, vector<1x16xf32>,
    %swap3A_45 = vector.shape_cast %swap3A_44 : vector<1x16xf32> to vector<16xf32>
    %swap3A_46 = vector.shape_cast %broadcast_in_dim3A_40 : vector<16xf32> to vector<1x16xf32>
    tpu.vector_store %arg7[%swap3A_42, %swap3A_43], %swap3A_46 {strides = array<i32>} : memref<128x16xf32, #tpu.memory_space<vmem>>, vector<1x16xf32>,
    %broadcast_in_dim3A_47 = arith.constant 0.000000e+00 : f32
    %broadcast_in_dim3A_48 = vector.broadcast %broadcast_in_dim3A_47 : f32 to vector<16xf32>
    %swap3A_49 = arith.constant 6 : i32
    %swap3A_50 = arith.index_cast %swap3A_49 : i32 to index
    %swap3A_51 = arith.constant 0 : index
    %swap3A_52 = tpu.vector_load %arg7[%swap3A_50, %swap3A_51] {strides = array<i32>} : memref<128x16xf32, #tpu.memory_space<vmem>>, vector<1x16xf32>,
    %swap3A_53 = vector.shape_cast %swap3A_52 : vector<1x16xf32> to vector<16xf32>
    %swap3A_54 = vector.shape_cast %broadcast_in_dim3A_48 : vector<16xf32> to vector<1x16xf32>
    tpu.vector_store %arg7[%swap3A_50, %swap3A_51], %swap3A_54 {strides = array<i32>} : memref<128x16xf32, #tpu.memory_space<vmem>>, vector<1x16xf32>,
    %broadcast_in_dim3A_55 = arith.constant 0.000000e+00 : f32
    %broadcast_in_dim3A_56 = vector.broadcast %broadcast_in_dim3A_55 : f32 to vector<16xf32>
    %swap3A_57 = arith.constant 7 : i32
    %swap3A_58 = arith.index_cast %swap3A_57 : i32 to index
    %swap3A_59 = arith.constant 0 : index
    %swap3A_60 = tpu.vector_load %arg7[%swap3A_58, %swap3A_59] {strides = array<i32>} : memref<128x16xf32, #tpu.memory_space<vmem>>, vector<1x16xf32>,
    %swap3A_61 = vector.shape_cast %swap3A_60 : vector<1x16xf32> to vector<16xf32>
    %swap3A_62 = vector.shape_cast %broadcast_in_dim3A_56 : vector<16xf32> to vector<1x16xf32>
    tpu.vector_store %arg7[%swap3A_58, %swap3A_59], %swap3A_62 {strides = array<i32>} : memref<128x16xf32, #tpu.memory_space<vmem>>, vector<1x16xf32>,
    %broadcast_in_dim3A_63 = arith.constant 0.000000e+00 : f32
    %broadcast_in_dim3A_64 = vector.broadcast %broadcast_in_dim3A_63 : f32 to vector<16xf32>
    %swap3A_65 = arith.constant 8 : i32
    %swap3A_66 = arith.index_cast %swap3A_65 : i32 to index
    %swap3A_67 = arith.constant 0 : index
    %swap3A_68 = tpu.vector_load %arg7[%swap3A_66, %swap3A_67] {strides = array<i32>} : memref<128x16xf32, #tpu.memory_space<vmem>>, vector<1x16xf32>,
    %swap3A_69 = vector.shape_cast %swap3A_68 : vector<1x16xf32> to vector<16xf32>
    %swap3A_70 = vector.shape_cast %broadcast_in_dim3A_64 : vector<16xf32> to vector<1x16xf32>
    tpu.vector_store %arg7[%swap3A_66, %swap3A_67], %swap3A_70 {strides = array<i32>} : memref<128x16xf32, #tpu.memory_space<vmem>>, vector<1x16xf32>,
    %broadcast_in_dim3A_71 = arith.constant 0.000000e+00 : f32
    %broadcast_in_dim3A_72 = vector.broadcast %broadcast_in_dim3A_71 : f32 to vector<16xf32>
    %swap3A_73 = arith.constant 9 : i32
    %swap3A_74 = arith.index_cast %swap3A_73 : i32 to index
    %swap3A_75 = arith.constant 0 : index
    %swap3A_76 = tpu.vector_load %arg7[%swap3A_74, %swap3A_75] {strides = array<i32>} : memref<128x16xf32, #tpu.memory_space<vmem>>, vector<1x16xf32>,
    %swap3A_77 = vector.shape_cast %swap3A_76 : vector<1x16xf32> to vector<16xf32>
    %swap3A_78 = vector.shape_cast %broadcast_in_dim3A_72 : vector<16xf32> to vector<1x16xf32>
    tpu.vector_store %arg7[%swap3A_74, %swap3A_75], %swap3A_78 {strides = array<i32>} : memref<128x16xf32, #tpu.memory_space<vmem>>, vector<1x16xf32>,
    %broadcast_in_dim3A_79 = arith.constant 0.000000e+00 : f32
    %broadcast_in_dim3A_80 = vector.broadcast %broadcast_in_dim3A_79 : f32 to vector<16xf32>
    %swap3A_81 = arith.constant 10 : i32
    %swap3A_82 = arith.index_cast %swap3A_81 : i32 to index
    %swap3A_83 = arith.constant 0 : index
    %swap3A_84 = tpu.vector_load %arg7[%swap3A_82, %swap3A_83] {strides = array<i32>} : memref<128x16xf32, #tpu.memory_space<vmem>>, vector<1x16xf32>,
    %swap3A_85 = vector.shape_cast %swap3A_84 : vector<1x16xf32> to vector<16xf32>
    %swap3A_86 = vector.shape_cast %broadcast_in_dim3A_80 : vector<16xf32> to vector<1x16xf32>
    tpu.vector_store %arg7[%swap3A_82, %swap3A_83], %swap3A_86 {strides = array<i32>} : memref<128x16xf32, #tpu.memory_space<vmem>>, vector<1x16xf32>,
    %broadcast_in_dim3A_87 = arith.constant 0.000000e+00 : f32
    %broadcast_in_dim3A_88 = vector.broadcast %broadcast_in_dim3A_87 : f32 to vector<16xf32>
    %swap3A_89 = arith.constant 11 : i32
    %swap3A_90 = arith.index_cast %swap3A_89 : i32 to index
    %swap3A_91 = arith.constant 0 : index
    %swap3A_92 = tpu.vector_load %arg7[%swap3A_90, %swap3A_91] {strides = array<i32>} : memref<128x16xf32, #tpu.memory_space<vmem>>, vector<1x16xf32>,
    %swap3A_93 = vector.shape_cast %swap3A_92 : vector<1x16xf32> to vector<16xf32>
    %swap3A_94 = vector.shape_cast %broadcast_in_dim3A_88 : vector<16xf32> to vector<1x16xf32>
    tpu.vector_store %arg7[%swap3A_90, %swap3A_91], %swap3A_94 {strides = array<i32>} : memref<128x16xf32, #tpu.memory_space<vmem>>, vector<1x16xf32>,
    %broadcast_in_dim3A_95 = arith.constant 0.000000e+00 : f32
    %broadcast_in_dim3A_96 = vector.broadcast %broadcast_in_dim3A_95 : f32 to vector<16xf32>
    %swap3A_97 = arith.constant 12 : i32
    %swap3A_98 = arith.index_cast %swap3A_97 : i32 to index
    %swap3A_99 = arith.constant 0 : index
    %swap3A_100 = tpu.vector_load %arg7[%swap3A_98, %swap3A_99] {strides = array<i32>} : memref<128x16xf32, #tpu.memory_space<vmem>>, vector<1x16xf32>,
    %swap3A_101 = vector.shape_cast %swap3A_100 : vector<1x16xf32> to vector<16xf32>
    %swap3A_102 = vector.shape_cast %broadcast_in_dim3A_96 : vector<16xf32> to vector<1x16xf32>
    tpu.vector_store %arg7[%swap3A_98, %swap3A_99], %swap3A_102 {strides = array<i32>} : memref<128x16xf32, #tpu.memory_space<vmem>>, vector<1x16xf32>,
    %broadcast_in_dim3A_103 = arith.constant 0.000000e+00 : f32
    %broadcast_in_dim3A_104 = vector.broadcast %broadcast_in_dim3A_103 : f32 to vector<16xf32>
    %swap3A_105 = arith.constant 13 : i32
    %swap3A_106 = arith.index_cast %swap3A_105 : i32 to index
    %swap3A_107 = arith.constant 0 : index
    %swap3A_108 = tpu.vector_load %arg7[%swap3A_106, %swap3A_107] {strides = array<i32>} : memref<128x16xf32, #tpu.memory_space<vmem>>, vector<1x16xf32>,
    %swap3A_109 = vector.shape_cast %swap3A_108 : vector<1x16xf32> to vector<16xf32>
    %swap3A_110 = vector.shape_cast %broadcast_in_dim3A_104 : vector<16xf32> to vector<1x16xf32>
    tpu.vector_store %arg7[%swap3A_106, %swap3A_107], %swap3A_110 {strides = array<i32>} : memref<128x16xf32, #tpu.memory_space<vmem>>, vector<1x16xf32>,
    %broadcast_in_dim3A_111 = arith.constant 0.000000e+00 : f32
    %broadcast_in_dim3A_112 = vector.broadcast %broadcast_in_dim3A_111 : f32 to vector<16xf32>
    %swap3A_113 = arith.constant 14 : i32
    %swap3A_114 = arith.index_cast %swap3A_113 : i32 to index
    %swap3A_115 = arith.constant 0 : index
    %swap3A_116 = tpu.vector_load %arg7[%swap3A_114, %swap3A_115] {strides = array<i32>} : memref<128x16xf32, #tpu.memory_space<vmem>>, vector<1x16xf32>,
    %swap3A_117 = vector.shape_cast %swap3A_116 : vector<1x16xf32> to vector<16xf32>
    %swap3A_118 = vector.shape_cast %broadcast_in_dim3A_112 : vector<16xf32> to vector<1x16xf32>
    tpu.vector_store %arg7[%swap3A_114, %swap3A_115], %swap3A_118 {strides = array<i32>} : memref<128x16xf32, #tpu.memory_space<vmem>>, vector<1x16xf32>,
    %broadcast_in_dim3A_119 = arith.constant 0.000000e+00 : f32
    %broadcast_in_dim3A_120 = vector.broadcast %broadcast_in_dim3A_119 : f32 to vector<16xf32>
    %swap3A_121 = arith.constant 15 : i32
    %swap3A_122 = arith.index_cast %swap3A_121 : i32 to index
    %swap3A_123 = arith.constant 0 : index
    %swap3A_124 = tpu.vector_load %arg7[%swap3A_122, %swap3A_123] {strides = array<i32>} : memref<128x16xf32, #tpu.memory_space<vmem>>, vector<1x16xf32>,
    %swap3A_125 = vector.shape_cast %swap3A_124 : vector<1x16xf32> to vector<16xf32>
    %swap3A_126 = vector.shape_cast %broadcast_in_dim3A_120 : vector<16xf32> to vector<1x16xf32>
    tpu.vector_store %arg7[%swap3A_122, %swap3A_123], %swap3A_126 {strides = array<i32>} : memref<128x16xf32, #tpu.memory_space<vmem>>, vector<1x16xf32>,
    %broadcast_in_dim3A_127 = arith.constant 0.000000e+00 : f32
    %broadcast_in_dim3A_128 = vector.broadcast %broadcast_in_dim3A_127 : f32 to vector<16xf32>
    %swap3A_129 = arith.constant 16 : i32
    %swap3A_130 = arith.index_cast %swap3A_129 : i32 to index
    %swap3A_131 = arith.constant 0 : index
    %swap3A_132 = tpu.vector_load %arg7[%swap3A_130, %swap3A_131] {strides = array<i32>} : memref<128x16xf32, #tpu.memory_space<vmem>>, vector<1x16xf32>,
    %swap3A_133 = vector.shape_cast %swap3A_132 : vector<1x16xf32> to vector<16xf32>
    %swap3A_134 = vector.shape_cast %broadcast_in_dim3A_128 : vector<16xf32> to vector<1x16xf32>
    tpu.vector_store %arg7[%swap3A_130, %swap3A_131], %swap3A_134 {strides = array<i32>} : memref<128x16xf32, #tpu.memory_space<vmem>>, vector<1x16xf32>,
    %broadcast_in_dim3A_135 = arith.constant 0.000000e+00 : f32
    %broadcast_in_dim3A_136 = vector.broadcast %broadcast_in_dim3A_135 : f32 to vector<16xf32>
    %swap3A_137 = arith.constant 17 : i32
    %swap3A_138 = arith.index_cast %swap3A_137 : i32 to index
    %swap3A_139 = arith.constant 0 : index
    %swap3A_140 = tpu.vector_load %arg7[%swap3A_138, %swap3A_139] {strides = array<i32>} : memref<128x16xf32, #tpu.memory_space<vmem>>, vector<1x16xf32>,
    %swap3A_141 = vector.shape_cast %swap3A_140 : vector<1x16xf32> to vector<16xf32>
    %swap3A_142 = vector.shape_cast %broadcast_in_dim3A_136 : vector<16xf32> to vector<1x16xf32>
    tpu.vector_store %arg7[%swap3A_138, %swap3A_139], %swap3A_142 {strides = array<i32>} : memref<128x16xf32, #tpu.memory_space<vmem>>, vector<1x16xf32>,
    %broadcast_in_dim3A_143 = arith.constant 0.000000e+00 : f32
    %broadcast_in_dim3A_144 = vector.broadcast %broadcast_in_dim3A_143 : f32 to vector<16xf32>
    %swap3A_145 = arith.constant 18 : i32
    %swap3A_146 = arith.index_cast %swap3A_145 : i32 to index
    %swap3A_147 = arith.constant 0 : index
    %swap3A_148 = tpu.vector_load %arg7[%swap3A_146, %swap3A_147] {strides = array<i32>} : memref<128x16xf32, #tpu.memory_space<vmem>>, vector<1x16xf32>,
    %swap3A_149 = vector.shape_cast %swap3A_148 : vector<1x16xf32> to vector<16xf32>
    %swap3A_150 = vector.shape_cast %broadcast_in_dim3A_144 : vector<16xf32> to vector<1x16xf32>
    tpu.vector_store %arg7[%swap3A_146, %swap3A_147], %swap3A_150 {strides = array<i32>} : memref<128x16xf32, #tpu.memory_space<vmem>>, vector<1x16xf32>,
    %broadcast_in_dim3A_151 = arith.constant 0.000000e+00 : f32
    %broadcast_in_dim3A_152 = vector.broadcast %broadcast_in_dim3A_151 : f32 to vector<16xf32>
    %swap3A_153 = arith.constant 19 : i32
    %swap3A_154 = arith.index_cast %swap3A_153 : i32 to index
    %swap3A_155 = arith.constant 0 : index
    %swap3A_156 = tpu.vector_load %arg7[%swap3A_154, %swap3A_155] {strides = array<i32>} : memref<128x16xf32, #tpu.memory_space<vmem>>, vector<1x16xf32>,
    %swap3A_157 = vector.shape_cast %swap3A_156 : vector<1x16xf32> to vector<16xf32>
    %swap3A_158 = vector.shape_cast %broadcast_in_dim3A_152 : vector<16xf32> to vector<1x16xf32>
    tpu.vector_store %arg7[%swap3A_154, %swap3A_155], %swap3A_158 {strides = array<i32>} : memref<128x16xf32, #tpu.memory_space<vmem>>, vector<1x16xf32>,
    %broadcast_in_dim3A_159 = arith.constant 0.000000e+00 : f32
    %broadcast_in_dim3A_160 = vector.broadcast %broadcast_in_dim3A_159 : f32 to vector<16xf32>
    %swap3A_161 = arith.constant 20 : i32
    %swap3A_162 = arith.index_cast %swap3A_161 : i32 to index
    %swap3A_163 = arith.constant 0 : index
    %swap3A_164 = tpu.vector_load %arg7[%swap3A_162, %swap3A_163] {strides = array<i32>} : memref<128x16xf32, #tpu.memory_space<vmem>>, vector<1x16xf32>,
    %swap3A_165 = vector.shape_cast %swap3A_164 : vector<1x16xf32> to vector<16xf32>
    %swap3A_166 = vector.shape_cast %broadcast_in_dim3A_160 : vector<16xf32> to vector<1x16xf32>
    tpu.vector_store %arg7[%swap3A_162, %swap3A_163], %swap3A_166 {strides = array<i32>} : memref<128x16xf32, #tpu.memory_space<vmem>>, vector<1x16xf32>,
    %broadcast_in_dim3A_167 = arith.constant 0.000000e+00 : f32
    %broadcast_in_dim3A_168 = vector.broadcast %broadcast_in_dim3A_167 : f32 to vector<16xf32>
    %swap3A_169 = arith.constant 21 : i32
    %swap3A_170 = arith.index_cast %swap3A_169 : i32 to index
    %swap3A_171 = arith.constant 0 : index
    %swap3A_172 = tpu.vector_load %arg7[%swap3A_170, %swap3A_171] {strides = array<i32>} : memref<128x16xf32, #tpu.memory_space<vmem>>, vector<1x16xf32>,
    %swap3A_173 = vector.shape_cast %swap3A_172 : vector<1x16xf32> to vector<16xf32>
    %swap3A_174 = vector.shape_cast %broadcast_in_dim3A_168 : vector<16xf32> to vector<1x16xf32>
    tpu.vector_store %arg7[%swap3A_170, %swap3A_171], %swap3A_174 {strides = array<i32>} : memref<128x16xf32, #tpu.memory_space<vmem>>, vector<1x16xf32>,
    %broadcast_in_dim3A_175 = arith.constant 0.000000e+00 : f32
    %broadcast_in_dim3A_176 = vector.broadcast %broadcast_in_dim3A_175 : f32 to vector<16xf32>
    %swap3A_177 = arith.constant 22 : i32
    %swap3A_178 = arith.index_cast %swap3A_177 : i32 to index
    %swap3A_179 = arith.constant 0 : index
    %swap3A_180 = tpu.vector_load %arg7[%swap3A_178, %swap3A_179] {strides = array<i32>} : memref<128x16xf32, #tpu.memory_space<vmem>>, vector<1x16xf32>,
    %swap3A_181 = vector.shape_cast %swap3A_180 : vector<1x16xf32> to vector<16xf32>
    %swap3A_182 = vector.shape_cast %broadcast_in_dim3A_176 : vector<16xf32> to vector<1x16xf32>
    tpu.vector_store %arg7[%swap3A_178, %swap3A_179], %swap3A_182 {strides = array<i32>} : memref<128x16xf32, #tpu.memory_space<vmem>>, vector<1x16xf32>,
    %broadcast_in_dim3A_183 = arith.constant 0.000000e+00 : f32
    %broadcast_in_dim3A_184 = vector.broadcast %broadcast_in_dim3A_183 : f32 to vector<16xf32>
    %swap3A_185 = arith.constant 23 : i32
    %swap3A_186 = arith.index_cast %swap3A_185 : i32 to index
    %swap3A_187 = arith.constant 0 : index
    %swap3A_188 = tpu.vector_load %arg7[%swap3A_186, %swap3A_187] {strides = array<i32>} : memref<128x16xf32, #tpu.memory_space<vmem>>, vector<1x16xf32>,
    %swap3A_189 = vector.shape_cast %swap3A_188 : vector<1x16xf32> to vector<16xf32>
    %swap3A_190 = vector.shape_cast %broadcast_in_dim3A_184 : vector<16xf32> to vector<1x16xf32>
    tpu.vector_store %arg7[%swap3A_186, %swap3A_187], %swap3A_190 {strides = array<i32>} : memref<128x16xf32, #tpu.memory_space<vmem>>, vector<1x16xf32>,
    %broadcast_in_dim3A_191 = arith.constant 0.000000e+00 : f32
    %broadcast_in_dim3A_192 = vector.broadcast %broadcast_in_dim3A_191 : f32 to vector<16xf32>
    %swap3A_193 = arith.constant 24 : i32
    %swap3A_194 = arith.index_cast %swap3A_193 : i32 to index
    %swap3A_195 = arith.constant 0 : index
    %swap3A_196 = tpu.vector_load %arg7[%swap3A_194, %swap3A_195] {strides = array<i32>} : memref<128x16xf32, #tpu.memory_space<vmem>>, vector<1x16xf32>,
    %swap3A_197 = vector.shape_cast %swap3A_196 : vector<1x16xf32> to vector<16xf32>
    %swap3A_198 = vector.shape_cast %broadcast_in_dim3A_192 : vector<16xf32> to vector<1x16xf32>
    tpu.vector_store %arg7[%swap3A_194, %swap3A_195], %swap3A_198 {strides = array<i32>} : memref<128x16xf32, #tpu.memory_space<vmem>>, vector<1x16xf32>,
    %broadcast_in_dim3A_199 = arith.constant 0.000000e+00 : f32
    %broadcast_in_dim3A_200 = vector.broadcast %broadcast_in_dim3A_199 : f32 to vector<16xf32>
    %swap3A_201 = arith.constant 25 : i32
    %swap3A_202 = arith.index_cast %swap3A_201 : i32 to index
    %swap3A_203 = arith.constant 0 : index
    %swap3A_204 = tpu.vector_load %arg7[%swap3A_202, %swap3A_203] {strides = array<i32>} : memref<128x16xf32, #tpu.memory_space<vmem>>, vector<1x16xf32>,
    %swap3A_205 = vector.shape_cast %swap3A_204 : vector<1x16xf32> to vector<16xf32>
    %swap3A_206 = vector.shape_cast %broadcast_in_dim3A_200 : vector<16xf32> to vector<1x16xf32>
    tpu.vector_store %arg7[%swap3A_202, %swap3A_203], %swap3A_206 {strides = array<i32>} : memref<128x16xf32, #tpu.memory_space<vmem>>, vector<1x16xf32>,
    %broadcast_in_dim3A_207 = arith.constant 0.000000e+00 : f32
    %broadcast_in_dim3A_208 = vector.broadcast %broadcast_in_dim3A_207 : f32 to vector<16xf32>
    %swap3A_209 = arith.constant 26 : i32
    %swap3A_210 = arith.index_cast %swap3A_209 : i32 to index
    %swap3A_211 = arith.constant 0 : index
    %swap3A_212 = tpu.vector_load %arg7[%swap3A_210, %swap3A_211] {strides = array<i32>} : memref<128x16xf32, #tpu.memory_space<vmem>>, vector<1x16xf32>,
    %swap3A_213 = vector.shape_cast %swap3A_212 : vector<1x16xf32> to vector<16xf32>
    %swap3A_214 = vector.shape_cast %broadcast_in_dim3A_208 : vector<16xf32> to vector<1x16xf32>
    tpu.vector_store %arg7[%swap3A_210, %swap3A_211], %swap3A_214 {strides = array<i32>} : memref<128x16xf32, #tpu.memory_space<vmem>>, vector<1x16xf32>,
    %broadcast_in_dim3A_215 = arith.constant 0.000000e+00 : f32
    %broadcast_in_dim3A_216 = vector.broadcast %broadcast_in_dim3A_215 : f32 to vector<16xf32>
    %swap3A_217 = arith.constant 27 : i32
    %swap3A_218 = arith.index_cast %swap3A_217 : i32 to index
    %swap3A_219 = arith.constant 0 : index
    %swap3A_220 = tpu.vector_load %arg7[%swap3A_218, %swap3A_219] {strides = array<i32>} : memref<128x16xf32, #tpu.memory_space<vmem>>, vector<1x16xf32>,
    %swap3A_221 = vector.shape_cast %swap3A_220 : vector<1x16xf32> to vector<16xf32>
    %swap3A_222 = vector.shape_cast %broadcast_in_dim3A_216 : vector<16xf32> to vector<1x16xf32>
    tpu.vector_store %arg7[%swap3A_218, %swap3A_219], %swap3A_222 {strides = array<i32>} : memref<128x16xf32, #tpu.memory_space<vmem>>, vector<1x16xf32>,
    %broadcast_in_dim3A_223 = arith.constant 0.000000e+00 : f32
    %broadcast_in_dim3A_224 = vector.broadcast %broadcast_in_dim3A_223 : f32 to vector<16xf32>
    %swap3A_225 = arith.constant 28 : i32
    %swap3A_226 = arith.index_cast %swap3A_225 : i32 to index
    %swap3A_227 = arith.constant 0 : index
    %swap3A_228 = tpu.vector_load %arg7[%swap3A_226, %swap3A_227] {strides = array<i32>} : memref<128x16xf32, #tpu.memory_space<vmem>>, vector<1x16xf32>,
    %swap3A_229 = vector.shape_cast %swap3A_228 : vector<1x16xf32> to vector<16xf32>
    %swap3A_230 = vector.shape_cast %broadcast_in_dim3A_224 : vector<16xf32> to vector<1x16xf32>
    tpu.vector_store %arg7[%swap3A_226, %swap3A_227], %swap3A_230 {strides = array<i32>} : memref<128x16xf32, #tpu.memory_space<vmem>>, vector<1x16xf32>,
    %broadcast_in_dim3A_231 = arith.constant 0.000000e+00 : f32
    %broadcast_in_dim3A_232 = vector.broadcast %broadcast_in_dim3A_231 : f32 to vector<16xf32>
    %swap3A_233 = arith.constant 29 : i32
    %swap3A_234 = arith.index_cast %swap3A_233 : i32 to index
    %swap3A_235 = arith.constant 0 : index
    %swap3A_236 = tpu.vector_load %arg7[%swap3A_234, %swap3A_235] {strides = array<i32>} : memref<128x16xf32, #tpu.memory_space<vmem>>, vector<1x16xf32>,
    %swap3A_237 = vector.shape_cast %swap3A_236 : vector<1x16xf32> to vector<16xf32>
    %swap3A_238 = vector.shape_cast %broadcast_in_dim3A_232 : vector<16xf32> to vector<1x16xf32>
    tpu.vector_store %arg7[%swap3A_234, %swap3A_235], %swap3A_238 {strides = array<i32>} : memref<128x16xf32, #tpu.memory_space<vmem>>, vector<1x16xf32>,
    %broadcast_in_dim3A_239 = arith.constant 0.000000e+00 : f32
    %broadcast_in_dim3A_240 = vector.broadcast %broadcast_in_dim3A_239 : f32 to vector<16xf32>
    %swap3A_241 = arith.constant 30 : i32
    %swap3A_242 = arith.index_cast %swap3A_241 : i32 to index
    %swap3A_243 = arith.constant 0 : index
    %swap3A_244 = tpu.vector_load %arg7[%swap3A_242, %swap3A_243] {strides = array<i32>} : memref<128x16xf32, #tpu.memory_space<vmem>>, vector<1x16xf32>,
    %swap3A_245 = vector.shape_cast %swap3A_244 : vector<1x16xf32> to vector<16xf32>
    %swap3A_246 = vector.shape_cast %broadcast_in_dim3A_240 : vector<16xf32> to vector<1x16xf32>
    tpu.vector_store %arg7[%swap3A_242, %swap3A_243], %swap3A_246 {strides = array<i32>} : memref<128x16xf32, #tpu.memory_space<vmem>>, vector<1x16xf32>,
    %broadcast_in_dim3A_247 = arith.constant 0.000000e+00 : f32
    %broadcast_in_dim3A_248 = vector.broadcast %broadcast_in_dim3A_247 : f32 to vector<16xf32>
    %swap3A_249 = arith.constant 31 : i32
    %swap3A_250 = arith.index_cast %swap3A_249 : i32 to index
    %swap3A_251 = arith.constant 0 : index
    %swap3A_252 = tpu.vector_load %arg7[%swap3A_250, %swap3A_251] {strides = array<i32>} : memref<128x16xf32, #tpu.memory_space<vmem>>, vector<1x16xf32>,
    %swap3A_253 = vector.shape_cast %swap3A_252 : vector<1x16xf32> to vector<16xf32>
    %swap3A_254 = vector.shape_cast %broadcast_in_dim3A_248 : vector<16xf32> to vector<1x16xf32>
    tpu.vector_store %arg7[%swap3A_250, %swap3A_251], %swap3A_254 {strides = array<i32>} : memref<128x16xf32, #tpu.memory_space<vmem>>, vector<1x16xf32>,
    %broadcast_in_dim3A_255 = arith.constant 0.000000e+00 : f32
    %broadcast_in_dim3A_256 = vector.broadcast %broadcast_in_dim3A_255 : f32 to vector<16xf32>
    %swap3A_257 = arith.constant 32 : i32
    %swap3A_258 = arith.index_cast %swap3A_257 : i32 to index
    %swap3A_259 = arith.constant 0 : index
    %swap3A_260 = tpu.vector_load %arg7[%swap3A_258, %swap3A_259] {strides = array<i32>} : memref<128x16xf32, #tpu.memory_space<vmem>>, vector<1x16xf32>,
    %swap3A_261 = vector.shape_cast %swap3A_260 : vector<1x16xf32> to vector<16xf32>
    %swap3A_262 = vector.shape_cast %broadcast_in_dim3A_256 : vector<16xf32> to vector<1x16xf32>
    tpu.vector_store %arg7[%swap3A_258, %swap3A_259], %swap3A_262 {strides = array<i32>} : memref<128x16xf32, #tpu.memory_space<vmem>>, vector<1x16xf32>,
    %broadcast_in_dim3A_263 = arith.constant 0.000000e+00 : f32
    %broadcast_in_dim3A_264 = vector.broadcast %broadcast_in_dim3A_263 : f32 to vector<16xf32>
    %swap3A_265 = arith.constant 33 : i32
    %swap3A_266 = arith.index_cast %swap3A_265 : i32 to index
    %swap3A_267 = arith.constant 0 : index
    %swap3A_268 = tpu.vector_load %arg7[%swap3A_266, %swap3A_267] {strides = array<i32>} : memref<128x16xf32, #tpu.memory_space<vmem>>, vector<1x16xf32>,
    %swap3A_269 = vector.shape_cast %swap3A_268 : vector<1x16xf32> to vector<16xf32>
    %swap3A_270 = vector.shape_cast %broadcast_in_dim3A_264 : vector<16xf32> to vector<1x16xf32>
    tpu.vector_store %arg7[%swap3A_266, %swap3A_267], %swap3A_270 {strides = array<i32>} : memref<128x16xf32, #tpu.memory_space<vmem>>, vector<1x16xf32>,
    %broadcast_in_dim3A_271 = arith.constant 0.000000e+00 : f32
    %broadcast_in_dim3A_272 = vector.broadcast %broadcast_in_dim3A_271 : f32 to vector<16xf32>
    %swap3A_273 = arith.constant 34 : i32
    %swap3A_274 = arith.index_cast %swap3A_273 : i32 to index
    %swap3A_275 = arith.constant 0 : index
    %swap3A_276 = tpu.vector_load %arg7[%swap3A_274, %swap3A_275] {strides = array<i32>} : memref<128x16xf32, #tpu.memory_space<vmem>>, vector<1x16xf32>,
    %swap3A_277 = vector.shape_cast %swap3A_276 : vector<1x16xf32> to vector<16xf32>
    %swap3A_278 = vector.shape_cast %broadcast_in_dim3A_272 : vector<16xf32> to vector<1x16xf32>
    tpu.vector_store %arg7[%swap3A_274, %swap3A_275], %swap3A_278 {strides = array<i32>} : memref<128x16xf32, #tpu.memory_space<vmem>>, vector<1x16xf32>,
    %broadcast_in_dim3A_279 = arith.constant 0.000000e+00 : f32
    %broadcast_in_dim3A_280 = vector.broadcast %broadcast_in_dim3A_279 : f32 to vector<16xf32>
    %swap3A_281 = arith.constant 35 : i32
    %swap3A_282 = arith.index_cast %swap3A_281 : i32 to index
    %swap3A_283 = arith.constant 0 : index
    %swap3A_284 = tpu.vector_load %arg7[%swap3A_282, %swap3A_283] {strides = array<i32>} : memref<128x16xf32, #tpu.memory_space<vmem>>, vector<1x16xf32>,
    %swap3A_285 = vector.shape_cast %swap3A_284 : vector<1x16xf32> to vector<16xf32>
    %swap3A_286 = vector.shape_cast %broadcast_in_dim3A_280 : vector<16xf32> to vector<1x16xf32>
    tpu.vector_store %arg7[%swap3A_282, %swap3A_283], %swap3A_286 {strides = array<i32>} : memref<128x16xf32, #tpu.memory_space<vmem>>, vector<1x16xf32>,
    %broadcast_in_dim3A_287 = arith.constant 0.000000e+00 : f32
    %broadcast_in_dim3A_288 = vector.broadcast %broadcast_in_dim3A_287 : f32 to vector<16xf32>
    %swap3A_289 = arith.constant 36 : i32
    %swap3A_290 = arith.index_cast %swap3A_289 : i32 to index
    %swap3A_291 = arith.constant 0 : index
    %swap3A_292 = tpu.vector_load %arg7[%swap3A_290, %swap3A_291] {strides = array<i32>} : memref<128x16xf32, #tpu.memory_space<vmem>>, vector<1x16xf32>,
    %swap3A_293 = vector.shape_cast %swap3A_292 : vector<1x16xf32> to vector<16xf32>
    %swap3A_294 = vector.shape_cast %broadcast_in_dim3A_288 : vector<16xf32> to vector<1x16xf32>
    tpu.vector_store %arg7[%swap3A_290, %swap3A_291], %swap3A_294 {strides = array<i32>} : memref<128x16xf32, #tpu.memory_space<vmem>>, vector<1x16xf32>,
    %broadcast_in_dim3A_295 = arith.constant 0.000000e+00 : f32
    %broadcast_in_dim3A_296 = vector.broadcast %broadcast_in_dim3A_295 : f32 to vector<16xf32>
    %swap3A_297 = arith.constant 37 : i32
    %swap3A_298 = arith.index_cast %swap3A_297 : i32 to index
    %swap3A_299 = arith.constant 0 : index
    %swap3A_300 = tpu.vector_load %arg7[%swap3A_298, %swap3A_299] {strides = array<i32>} : memref<128x16xf32, #tpu.memory_space<vmem>>, vector<1x16xf32>,
    %swap3A_301 = vector.shape_cast %swap3A_300 : vector<1x16xf32> to vector<16xf32>
    %swap3A_302 = vector.shape_cast %broadcast_in_dim3A_296 : vector<16xf32> to vector<1x16xf32>
    tpu.vector_store %arg7[%swap3A_298, %swap3A_299], %swap3A_302 {strides = array<i32>} : memref<128x16xf32, #tpu.memory_space<vmem>>, vector<1x16xf32>,
    %broadcast_in_dim3A_303 = arith.constant 0.000000e+00 : f32
    %broadcast_in_dim3A_304 = vector.broadcast %broadcast_in_dim3A_303 : f32 to vector<16xf32>
    %swap3A_305 = arith.constant 38 : i32
    %swap3A_306 = arith.index_cast %swap3A_305 : i32 to index
    %swap3A_307 = arith.constant 0 : index
    %swap3A_308 = tpu.vector_load %arg7[%swap3A_306, %swap3A_307] {strides = array<i32>} : memref<128x16xf32, #tpu.memory_space<vmem>>, vector<1x16xf32>,
    %swap3A_309 = vector.shape_cast %swap3A_308 : vector<1x16xf32> to vector<16xf32>
    %swap3A_310 = vector.shape_cast %broadcast_in_dim3A_304 : vector<16xf32> to vector<1x16xf32>
    tpu.vector_store %arg7[%swap3A_306, %swap3A_307], %swap3A_310 {strides = array<i32>} : memref<128x16xf32, #tpu.memory_space<vmem>>, vector<1x16xf32>,
    %broadcast_in_dim3A_311 = arith.constant 0.000000e+00 : f32
    %broadcast_in_dim3A_312 = vector.broadcast %broadcast_in_dim3A_311 : f32 to vector<16xf32>
    %swap3A_313 = arith.constant 39 : i32
    %swap3A_314 = arith.index_cast %swap3A_313 : i32 to index
    %swap3A_315 = arith.constant 0 : index
    %swap3A_316 = tpu.vector_load %arg7[%swap3A_314, %swap3A_315] {strides = array<i32>} : memref<128x16xf32, #tpu.memory_space<vmem>>, vector<1x16xf32>,
    %swap3A_317 = vector.shape_cast %swap3A_316 : vector<1x16xf32> to vector<16xf32>
    %swap3A_318 = vector.shape_cast %broadcast_in_dim3A_312 : vector<16xf32> to vector<1x16xf32>
    tpu.vector_store %arg7[%swap3A_314, %swap3A_315], %swap3A_318 {strides = array<i32>} : memref<128x16xf32, #tpu.memory_space<vmem>>, vector<1x16xf32>,
    %broadcast_in_dim3A_319 = arith.constant 0.000000e+00 : f32
    %broadcast_in_dim3A_320 = vector.broadcast %broadcast_in_dim3A_319 : f32 to vector<16xf32>
    %swap3A_321 = arith.constant 40 : i32
    %swap3A_322 = arith.index_cast %swap3A_321 : i32 to index
    %swap3A_323 = arith.constant 0 : index
    %swap3A_324 = tpu.vector_load %arg7[%swap3A_322, %swap3A_323] {strides = array<i32>} : memref<128x16xf32, #tpu.memory_space<vmem>>, vector<1x16xf32>,
    %swap3A_325 = vector.shape_cast %swap3A_324 : vector<1x16xf32> to vector<16xf32>
    %swap3A_326 = vector.shape_cast %broadcast_in_dim3A_320 : vector<16xf32> to vector<1x16xf32>
    tpu.vector_store %arg7[%swap3A_322, %swap3A_323], %swap3A_326 {strides = array<i32>} : memref<128x16xf32, #tpu.memory_space<vmem>>, vector<1x16xf32>,
    %broadcast_in_dim3A_327 = arith.constant 0.000000e+00 : f32
    %broadcast_in_dim3A_328 = vector.broadcast %broadcast_in_dim3A_327 : f32 to vector<16xf32>
    %swap3A_329 = arith.constant 41 : i32
    %swap3A_330 = arith.index_cast %swap3A_329 : i32 to index
    %swap3A_331 = arith.constant 0 : index
    %swap3A_332 = tpu.vector_load %arg7[%swap3A_330, %swap3A_331] {strides = array<i32>} : memref<128x16xf32, #tpu.memory_space<vmem>>, vector<1x16xf32>,
    %swap3A_333 = vector.shape_cast %swap3A_332 : vector<1x16xf32> to vector<16xf32>
    %swap3A_334 = vector.shape_cast %broadcast_in_dim3A_328 : vector<16xf32> to vector<1x16xf32>
    tpu.vector_store %arg7[%swap3A_330, %swap3A_331], %swap3A_334 {strides = array<i32>} : memref<128x16xf32, #tpu.memory_space<vmem>>, vector<1x16xf32>,
    %broadcast_in_dim3A_335 = arith.constant 0.000000e+00 : f32
    %broadcast_in_dim3A_336 = vector.broadcast %broadcast_in_dim3A_335 : f32 to vector<16xf32>
    %swap3A_337 = arith.constant 42 : i32
    %swap3A_338 = arith.index_cast %swap3A_337 : i32 to index
    %swap3A_339 = arith.constant 0 : index
    %swap3A_340 = tpu.vector_load %arg7[%swap3A_338, %swap3A_339] {strides = array<i32>} : memref<128x16xf32, #tpu.memory_space<vmem>>, vector<1x16xf32>,
    %swap3A_341 = vector.shape_cast %swap3A_340 : vector<1x16xf32> to vector<16xf32>
    %swap3A_342 = vector.shape_cast %broadcast_in_dim3A_336 : vector<16xf32> to vector<1x16xf32>
    tpu.vector_store %arg7[%swap3A_338, %swap3A_339], %swap3A_342 {strides = array<i32>} : memref<128x16xf32, #tpu.memory_space<vmem>>, vector<1x16xf32>,
    %broadcast_in_dim3A_343 = arith.constant 0.000000e+00 : f32
    %broadcast_in_dim3A_344 = vector.broadcast %broadcast_in_dim3A_343 : f32 to vector<16xf32>
    %swap3A_345 = arith.constant 43 : i32
    %swap3A_346 = arith.index_cast %swap3A_345 : i32 to index
    %swap3A_347 = arith.constant 0 : index
    %swap3A_348 = tpu.vector_load %arg7[%swap3A_346, %swap3A_347] {strides = array<i32>} : memref<128x16xf32, #tpu.memory_space<vmem>>, vector<1x16xf32>,
    %swap3A_349 = vector.shape_cast %swap3A_348 : vector<1x16xf32> to vector<16xf32>
    %swap3A_350 = vector.shape_cast %broadcast_in_dim3A_344 : vector<16xf32> to vector<1x16xf32>
    tpu.vector_store %arg7[%swap3A_346, %swap3A_347], %swap3A_350 {strides = array<i32>} : memref<128x16xf32, #tpu.memory_space<vmem>>, vector<1x16xf32>,
    %broadcast_in_dim3A_351 = arith.constant 0.000000e+00 : f32
    %broadcast_in_dim3A_352 = vector.broadcast %broadcast_in_dim3A_351 : f32 to vector<16xf32>
    %swap3A_353 = arith.constant 44 : i32
    %swap3A_354 = arith.index_cast %swap3A_353 : i32 to index
    %swap3A_355 = arith.constant 0 : index
    %swap3A_356 = tpu.vector_load %arg7[%swap3A_354, %swap3A_355] {strides = array<i32>} : memref<128x16xf32, #tpu.memory_space<vmem>>, vector<1x16xf32>,
    %swap3A_357 = vector.shape_cast %swap3A_356 : vector<1x16xf32> to vector<16xf32>
    %swap3A_358 = vector.shape_cast %broadcast_in_dim3A_352 : vector<16xf32> to vector<1x16xf32>
    tpu.vector_store %arg7[%swap3A_354, %swap3A_355], %swap3A_358 {strides = array<i32>} : memref<128x16xf32, #tpu.memory_space<vmem>>, vector<1x16xf32>,
    %broadcast_in_dim3A_359 = arith.constant 0.000000e+00 : f32
    %broadcast_in_dim3A_360 = vector.broadcast %broadcast_in_dim3A_359 : f32 to vector<16xf32>
    %swap3A_361 = arith.constant 45 : i32
    %swap3A_362 = arith.index_cast %swap3A_361 : i32 to index
    %swap3A_363 = arith.constant 0 : index
    %swap3A_364 = tpu.vector_load %arg7[%swap3A_362, %swap3A_363] {strides = array<i32>} : memref<128x16xf32, #tpu.memory_space<vmem>>, vector<1x16xf32>,
    %swap3A_365 = vector.shape_cast %swap3A_364 : vector<1x16xf32> to vector<16xf32>
    %swap3A_366 = vector.shape_cast %broadcast_in_dim3A_360 : vector<16xf32> to vector<1x16xf32>
    tpu.vector_store %arg7[%swap3A_362, %swap3A_363], %swap3A_366 {strides = array<i32>} : memref<128x16xf32, #tpu.memory_space<vmem>>, vector<1x16xf32>,
    %broadcast_in_dim3A_367 = arith.constant 0.000000e+00 : f32
    %broadcast_in_dim3A_368 = vector.broadcast %broadcast_in_dim3A_367 : f32 to vector<16xf32>
    %swap3A_369 = arith.constant 46 : i32
    %swap3A_370 = arith.index_cast %swap3A_369 : i32 to index
    %swap3A_371 = arith.constant 0 : index
    %swap3A_372 = tpu.vector_load %arg7[%swap3A_370, %swap3A_371] {strides = array<i32>} : memref<128x16xf32, #tpu.memory_space<vmem>>, vector<1x16xf32>,
    %swap3A_373 = vector.shape_cast %swap3A_372 : vector<1x16xf32> to vector<16xf32>
    %swap3A_374 = vector.shape_cast %broadcast_in_dim3A_368 : vector<16xf32> to vector<1x16xf32>
    tpu.vector_store %arg7[%swap3A_370, %swap3A_371], %swap3A_374 {strides = array<i32>} : memref<128x16xf32, #tpu.memory_space<vmem>>, vector<1x16xf32>,
    %broadcast_in_dim3A_375 = arith.constant 0.000000e+00 : f32
    %broadcast_in_dim3A_376 = vector.broadcast %broadcast_in_dim3A_375 : f32 to vector<16xf32>
    %swap3A_377 = arith.constant 47 : i32
    %swap3A_378 = arith.index_cast %swap3A_377 : i32 to index
    %swap3A_379 = arith.constant 0 : index
    %swap3A_380 = tpu.vector_load %arg7[%swap3A_378, %swap3A_379] {strides = array<i32>} : memref<128x16xf32, #tpu.memory_space<vmem>>, vector<1x16xf32>,
    %swap3A_381 = vector.shape_cast %swap3A_380 : vector<1x16xf32> to vector<16xf32>
    %swap3A_382 = vector.shape_cast %broadcast_in_dim3A_376 : vector<16xf32> to vector<1x16xf32>
    tpu.vector_store %arg7[%swap3A_378, %swap3A_379], %swap3A_382 {strides = array<i32>} : memref<128x16xf32, #tpu.memory_space<vmem>>, vector<1x16xf32>,
    %broadcast_in_dim3A_383 = arith.constant 0.000000e+00 : f32
    %broadcast_in_dim3A_384 = vector.broadcast %broadcast_in_dim3A_383 : f32 to vector<16xf32>
    %swap3A_385 = arith.constant 48 : i32
    %swap3A_386 = arith.index_cast %swap3A_385 : i32 to index
    %swap3A_387 = arith.constant 0 : index
    %swap3A_388 = tpu.vector_load %arg7[%swap3A_386, %swap3A_387] {strides = array<i32>} : memref<128x16xf32, #tpu.memory_space<vmem>>, vector<1x16xf32>,
    %swap3A_389 = vector.shape_cast %swap3A_388 : vector<1x16xf32> to vector<16xf32>
    %swap3A_390 = vector.shape_cast %broadcast_in_dim3A_384 : vector<16xf32> to vector<1x16xf32>
    tpu.vector_store %arg7[%swap3A_386, %swap3A_387], %swap3A_390 {strides = array<i32>} : memref<128x16xf32, #tpu.memory_space<vmem>>, vector<1x16xf32>,
    %broadcast_in_dim3A_391 = arith.constant 0.000000e+00 : f32
    %broadcast_in_dim3A_392 = vector.broadcast %broadcast_in_dim3A_391 : f32 to vector<16xf32>
    %swap3A_393 = arith.constant 49 : i32
    %swap3A_394 = arith.index_cast %swap3A_393 : i32 to index
    %swap3A_395 = arith.constant 0 : index
    %swap3A_396 = tpu.vector_load %arg7[%swap3A_394, %swap3A_395] {strides = array<i32>} : memref<128x16xf32, #tpu.memory_space<vmem>>, vector<1x16xf32>,
    %swap3A_397 = vector.shape_cast %swap3A_396 : vector<1x16xf32> to vector<16xf32>
    %swap3A_398 = vector.shape_cast %broadcast_in_dim3A_392 : vector<16xf32> to vector<1x16xf32>
    tpu.vector_store %arg7[%swap3A_394, %swap3A_395], %swap3A_398 {strides = array<i32>} : memref<128x16xf32, #tpu.memory_space<vmem>>, vector<1x16xf32>,
    %broadcast_in_dim3A_399 = arith.constant 0.000000e+00 : f32
    %broadcast_in_dim3A_400 = vector.broadcast %broadcast_in_dim3A_399 : f32 to vector<16xf32>
    %swap3A_401 = arith.constant 50 : i32
    %swap3A_402 = arith.index_cast %swap3A_401 : i32 to index
    %swap3A_403 = arith.constant 0 : index
    %swap3A_404 = tpu.vector_load %arg7[%swap3A_402, %swap3A_403] {strides = array<i32>} : memref<128x16xf32, #tpu.memory_space<vmem>>, vector<1x16xf32>,
    %swap3A_405 = vector.shape_cast %swap3A_404 : vector<1x16xf32> to vector<16xf32>
    %swap3A_406 = vector.shape_cast %broadcast_in_dim3A_400 : vector<16xf32> to vector<1x16xf32>
    tpu.vector_store %arg7[%swap3A_402, %swap3A_403], %swap3A_406 {strides = array<i32>} : memref<128x16xf32, #tpu.memory_space<vmem>>, vector<1x16xf32>,
    %broadcast_in_dim3A_407 = arith.constant 0.000000e+00 : f32
    %broadcast_in_dim3A_408 = vector.broadcast %broadcast_in_dim3A_407 : f32 to vector<16xf32>
    %swap3A_409 = arith.constant 51 : i32
    %swap3A_410 = arith.index_cast %swap3A_409 : i32 to index
    %swap3A_411 = arith.constant 0 : index
    %swap3A_412 = tpu.vector_load %arg7[%swap3A_410, %swap3A_411] {strides = array<i32>} : memref<128x16xf32, #tpu.memory_space<vmem>>, vector<1x16xf32>,
    %swap3A_413 = vector.shape_cast %swap3A_412 : vector<1x16xf32> to vector<16xf32>
    %swap3A_414 = vector.shape_cast %broadcast_in_dim3A_408 : vector<16xf32> to vector<1x16xf32>
    tpu.vector_store %arg7[%swap3A_410, %swap3A_411], %swap3A_414 {strides = array<i32>} : memref<128x16xf32, #tpu.memory_space<vmem>>, vector<1x16xf32>,
    %broadcast_in_dim3A_415 = arith.constant 0.000000e+00 : f32
    %broadcast_in_dim3A_416 = vector.broadcast %broadcast_in_dim3A_415 : f32 to vector<16xf32>
    %swap3A_417 = arith.constant 52 : i32
    %swap3A_418 = arith.index_cast %swap3A_417 : i32 to index
    %swap3A_419 = arith.constant 0 : index
    %swap3A_420 = tpu.vector_load %arg7[%swap3A_418, %swap3A_419] {strides = array<i32>} : memref<128x16xf32, #tpu.memory_space<vmem>>, vector<1x16xf32>,
    %swap3A_421 = vector.shape_cast %swap3A_420 : vector<1x16xf32> to vector<16xf32>
    %swap3A_422 = vector.shape_cast %broadcast_in_dim3A_416 : vector<16xf32> to vector<1x16xf32>
    tpu.vector_store %arg7[%swap3A_418, %swap3A_419], %swap3A_422 {strides = array<i32>} : memref<128x16xf32, #tpu.memory_space<vmem>>, vector<1x16xf32>,
    %broadcast_in_dim3A_423 = arith.constant 0.000000e+00 : f32
    %broadcast_in_dim3A_424 = vector.broadcast %broadcast_in_dim3A_423 : f32 to vector<16xf32>
    %swap3A_425 = arith.constant 53 : i32
    %swap3A_426 = arith.index_cast %swap3A_425 : i32 to index
    %swap3A_427 = arith.constant 0 : index
    %swap3A_428 = tpu.vector_load %arg7[%swap3A_426, %swap3A_427] {strides = array<i32>} : memref<128x16xf32, #tpu.memory_space<vmem>>, vector<1x16xf32>,
    %swap3A_429 = vector.shape_cast %swap3A_428 : vector<1x16xf32> to vector<16xf32>
    %swap3A_430 = vector.shape_cast %broadcast_in_dim3A_424 : vector<16xf32> to vector<1x16xf32>
    tpu.vector_store %arg7[%swap3A_426, %swap3A_427], %swap3A_430 {strides = array<i32>} : memref<128x16xf32, #tpu.memory_space<vmem>>, vector<1x16xf32>,
    %broadcast_in_dim3A_431 = arith.constant 0.000000e+00 : f32
    %broadcast_in_dim3A_432 = vector.broadcast %broadcast_in_dim3A_431 : f32 to vector<16xf32>
    %swap3A_433 = arith.constant 54 : i32
    %swap3A_434 = arith.index_cast %swap3A_433 : i32 to index
    %swap3A_435 = arith.constant 0 : index
    %swap3A_436 = tpu.vector_load %arg7[%swap3A_434, %swap3A_435] {strides = array<i32>} : memref<128x16xf32, #tpu.memory_space<vmem>>, vector<1x16xf32>,
    %swap3A_437 = vector.shape_cast %swap3A_436 : vector<1x16xf32> to vector<16xf32>
    %swap3A_438 = vector.shape_cast %broadcast_in_dim3A_432 : vector<16xf32> to vector<1x16xf32>
    tpu.vector_store %arg7[%swap3A_434, %swap3A_435], %swap3A_438 {strides = array<i32>} : memref<128x16xf32, #tpu.memory_space<vmem>>, vector<1x16xf32>,
    %broadcast_in_dim3A_439 = arith.constant 0.000000e+00 : f32
    %broadcast_in_dim3A_440 = vector.broadcast %broadcast_in_dim3A_439 : f32 to vector<16xf32>
    %swap3A_441 = arith.constant 55 : i32
    %swap3A_442 = arith.index_cast %swap3A_441 : i32 to index
    %swap3A_443 = arith.constant 0 : index
    %swap3A_444 = tpu.vector_load %arg7[%swap3A_442, %swap3A_443] {strides = array<i32>} : memref<128x16xf32, #tpu.memory_space<vmem>>, vector<1x16xf32>,
    %swap3A_445 = vector.shape_cast %swap3A_444 : vector<1x16xf32> to vector<16xf32>
    %swap3A_446 = vector.shape_cast %broadcast_in_dim3A_440 : vector<16xf32> to vector<1x16xf32>
    tpu.vector_store %arg7[%swap3A_442, %swap3A_443], %swap3A_446 {strides = array<i32>} : memref<128x16xf32, #tpu.memory_space<vmem>>, vector<1x16xf32>,
    %broadcast_in_dim3A_447 = arith.constant 0.000000e+00 : f32
    %broadcast_in_dim3A_448 = vector.broadcast %broadcast_in_dim3A_447 : f32 to vector<16xf32>
    %swap3A_449 = arith.constant 56 : i32
    %swap3A_450 = arith.index_cast %swap3A_449 : i32 to index
    %swap3A_451 = arith.constant 0 : index
    %swap3A_452 = tpu.vector_load %arg7[%swap3A_450, %swap3A_451] {strides = array<i32>} : memref<128x16xf32, #tpu.memory_space<vmem>>, vector<1x16xf32>,
    %swap3A_453 = vector.shape_cast %swap3A_452 : vector<1x16xf32> to vector<16xf32>
    %swap3A_454 = vector.shape_cast %broadcast_in_dim3A_448 : vector<16xf32> to vector<1x16xf32>
    tpu.vector_store %arg7[%swap3A_450, %swap3A_451], %swap3A_454 {strides = array<i32>} : memref<128x16xf32, #tpu.memory_space<vmem>>, vector<1x16xf32>,
    %broadcast_in_dim3A_455 = arith.constant 0.000000e+00 : f32
    %broadcast_in_dim3A_456 = vector.broadcast %broadcast_in_dim3A_455 : f32 to vector<16xf32>
    %swap3A_457 = arith.constant 57 : i32
    %swap3A_458 = arith.index_cast %swap3A_457 : i32 to index
    %swap3A_459 = arith.constant 0 : index
    %swap3A_460 = tpu.vector_load %arg7[%swap3A_458, %swap3A_459] {strides = array<i32>} : memref<128x16xf32, #tpu.memory_space<vmem>>, vector<1x16xf32>,
    %swap3A_461 = vector.shape_cast %swap3A_460 : vector<1x16xf32> to vector<16xf32>
    %swap3A_462 = vector.shape_cast %broadcast_in_dim3A_456 : vector<16xf32> to vector<1x16xf32>
    tpu.vector_store %arg7[%swap3A_458, %swap3A_459], %swap3A_462 {strides = array<i32>} : memref<128x16xf32, #tpu.memory_space<vmem>>, vector<1x16xf32>,
    %broadcast_in_dim3A_463 = arith.constant 0.000000e+00 : f32
    %broadcast_in_dim3A_464 = vector.broadcast %broadcast_in_dim3A_463 : f32 to vector<16xf32>
    %swap3A_465 = arith.constant 58 : i32
    %swap3A_466 = arith.index_cast %swap3A_465 : i32 to index
    %swap3A_467 = arith.constant 0 : index
    %swap3A_468 = tpu.vector_load %arg7[%swap3A_466, %swap3A_467] {strides = array<i32>} : memref<128x16xf32, #tpu.memory_space<vmem>>, vector<1x16xf32>,
    %swap3A_469 = vector.shape_cast %swap3A_468 : vector<1x16xf32> to vector<16xf32>
    %swap3A_470 = vector.shape_cast %broadcast_in_dim3A_464 : vector<16xf32> to vector<1x16xf32>
    tpu.vector_store %arg7[%swap3A_466, %swap3A_467], %swap3A_470 {strides = array<i32>} : memref<128x16xf32, #tpu.memory_space<vmem>>, vector<1x16xf32>,
    %broadcast_in_dim3A_471 = arith.constant 0.000000e+00 : f32
    %broadcast_in_dim3A_472 = vector.broadcast %broadcast_in_dim3A_471 : f32 to vector<16xf32>
    %swap3A_473 = arith.constant 59 : i32
    %swap3A_474 = arith.index_cast %swap3A_473 : i32 to index
    %swap3A_475 = arith.constant 0 : index
    %swap3A_476 = tpu.vector_load %arg7[%swap3A_474, %swap3A_475] {strides = array<i32>} : memref<128x16xf32, #tpu.memory_space<vmem>>, vector<1x16xf32>,
    %swap3A_477 = vector.shape_cast %swap3A_476 : vector<1x16xf32> to vector<16xf32>
    %swap3A_478 = vector.shape_cast %broadcast_in_dim3A_472 : vector<16xf32> to vector<1x16xf32>
    tpu.vector_store %arg7[%swap3A_474, %swap3A_475], %swap3A_478 {strides = array<i32>} : memref<128x16xf32, #tpu.memory_space<vmem>>, vector<1x16xf32>,
    %broadcast_in_dim3A_479 = arith.constant 0.000000e+00 : f32
    %broadcast_in_dim3A_480 = vector.broadcast %broadcast_in_dim3A_479 : f32 to vector<16xf32>
    %swap3A_481 = arith.constant 60 : i32
    %swap3A_482 = arith.index_cast %swap3A_481 : i32 to index
    %swap3A_483 = arith.constant 0 : index
    %swap3A_484 = tpu.vector_load %arg7[%swap3A_482, %swap3A_483] {strides = array<i32>} : memref<128x16xf32, #tpu.memory_space<vmem>>, vector<1x16xf32>,
    %swap3A_485 = vector.shape_cast %swap3A_484 : vector<1x16xf32> to vector<16xf32>
    %swap3A_486 = vector.shape_cast %broadcast_in_dim3A_480 : vector<16xf32> to vector<1x16xf32>
    tpu.vector_store %arg7[%swap3A_482, %swap3A_483], %swap3A_486 {strides = array<i32>} : memref<128x16xf32, #tpu.memory_space<vmem>>, vector<1x16xf32>,
    %broadcast_in_dim3A_487 = arith.constant 0.000000e+00 : f32
    %broadcast_in_dim3A_488 = vector.broadcast %broadcast_in_dim3A_487 : f32 to vector<16xf32>
    %swap3A_489 = arith.constant 61 : i32
    %swap3A_490 = arith.index_cast %swap3A_489 : i32 to index
    %swap3A_491 = arith.constant 0 : index
    %swap3A_492 = tpu.vector_load %arg7[%swap3A_490, %swap3A_491] {strides = array<i32>} : memref<128x16xf32, #tpu.memory_space<vmem>>, vector<1x16xf32>,
    %swap3A_493 = vector.shape_cast %swap3A_492 : vector<1x16xf32> to vector<16xf32>
    %swap3A_494 = vector.shape_cast %broadcast_in_dim3A_488 : vector<16xf32> to vector<1x16xf32>
    tpu.vector_store %arg7[%swap3A_490, %swap3A_491], %swap3A_494 {strides = array<i32>} : memref<128x16xf32, #tpu.memory_space<vmem>>, vector<1x16xf32>,
    %broadcast_in_dim3A_495 = arith.constant 0.000000e+00 : f32
    %broadcast_in_dim3A_496 = vector.broadcast %broadcast_in_dim3A_495 : f32 to vector<16xf32>
    %swap3A_497 = arith.constant 62 : i32
    %swap3A_498 = arith.index_cast %swap3A_497 : i32 to index
    %swap3A_499 = arith.constant 0 : index
    %swap3A_500 = tpu.vector_load %arg7[%swap3A_498, %swap3A_499] {strides = array<i32>} : memref<128x16xf32, #tpu.memory_space<vmem>>, vector<1x16xf32>,
    %swap3A_501 = vector.shape_cast %swap3A_500 : vector<1x16xf32> to vector<16xf32>
    %swap3A_502 = vector.shape_cast %broadcast_in_dim3A_496 : vector<16xf32> to vector<1x16xf32>
    tpu.vector_store %arg7[%swap3A_498, %swap3A_499], %swap3A_502 {strides = array<i32>} : memref<128x16xf32, #tpu.memory_space<vmem>>, vector<1x16xf32>,
    %broadcast_in_dim3A_503 = arith.constant 0.000000e+00 : f32
    %broadcast_in_dim3A_504 = vector.broadcast %broadcast_in_dim3A_503 : f32 to vector<16xf32>
    %swap3A_505 = arith.constant 63 : i32
    %swap3A_506 = arith.index_cast %swap3A_505 : i32 to index
    %swap3A_507 = arith.constant 0 : index
    %swap3A_508 = tpu.vector_load %arg7[%swap3A_506, %swap3A_507] {strides = array<i32>} : memref<128x16xf32, #tpu.memory_space<vmem>>, vector<1x16xf32>,
    %swap3A_509 = vector.shape_cast %swap3A_508 : vector<1x16xf32> to vector<16xf32>
    %swap3A_510 = vector.shape_cast %broadcast_in_dim3A_504 : vector<16xf32> to vector<1x16xf32>
    tpu.vector_store %arg7[%swap3A_506, %swap3A_507], %swap3A_510 {strides = array<i32>} : memref<128x16xf32, #tpu.memory_space<vmem>>, vector<1x16xf32>,
    %broadcast_in_dim3A_511 = arith.constant 0.000000e+00 : f32
    %broadcast_in_dim3A_512 = vector.broadcast %broadcast_in_dim3A_511 : f32 to vector<16xf32>
    %swap3A_513 = arith.constant 64 : i32
    %swap3A_514 = arith.index_cast %swap3A_513 : i32 to index
    %swap3A_515 = arith.constant 0 : index
    %swap3A_516 = tpu.vector_load %arg7[%swap3A_514, %swap3A_515] {strides = array<i32>} : memref<128x16xf32, #tpu.memory_space<vmem>>, vector<1x16xf32>,
    %swap3A_517 = vector.shape_cast %swap3A_516 : vector<1x16xf32> to vector<16xf32>
    %swap3A_518 = vector.shape_cast %broadcast_in_dim3A_512 : vector<16xf32> to vector<1x16xf32>
    tpu.vector_store %arg7[%swap3A_514, %swap3A_515], %swap3A_518 {strides = array<i32>} : memref<128x16xf32, #tpu.memory_space<vmem>>, vector<1x16xf32>,
    %broadcast_in_dim3A_519 = arith.constant 0.000000e+00 : f32
    %broadcast_in_dim3A_520 = vector.broadcast %broadcast_in_dim3A_519 : f32 to vector<16xf32>
    %swap3A_521 = arith.constant 65 : i32
    %swap3A_522 = arith.index_cast %swap3A_521 : i32 to index
    %swap3A_523 = arith.constant 0 : index
    %swap3A_524 = tpu.vector_load %arg7[%swap3A_522, %swap3A_523] {strides = array<i32>} : memref<128x16xf32, #tpu.memory_space<vmem>>, vector<1x16xf32>,
    %swap3A_525 = vector.shape_cast %swap3A_524 : vector<1x16xf32> to vector<16xf32>
    %swap3A_526 = vector.shape_cast %broadcast_in_dim3A_520 : vector<16xf32> to vector<1x16xf32>
    tpu.vector_store %arg7[%swap3A_522, %swap3A_523], %swap3A_526 {strides = array<i32>} : memref<128x16xf32, #tpu.memory_space<vmem>>, vector<1x16xf32>,
    %broadcast_in_dim3A_527 = arith.constant 0.000000e+00 : f32
    %broadcast_in_dim3A_528 = vector.broadcast %broadcast_in_dim3A_527 : f32 to vector<16xf32>
    %swap3A_529 = arith.constant 66 : i32
    %swap3A_530 = arith.index_cast %swap3A_529 : i32 to index
    %swap3A_531 = arith.constant 0 : index
    %swap3A_532 = tpu.vector_load %arg7[%swap3A_530, %swap3A_531] {strides = array<i32>} : memref<128x16xf32, #tpu.memory_space<vmem>>, vector<1x16xf32>,
    %swap3A_533 = vector.shape_cast %swap3A_532 : vector<1x16xf32> to vector<16xf32>
    %swap3A_534 = vector.shape_cast %broadcast_in_dim3A_528 : vector<16xf32> to vector<1x16xf32>
    tpu.vector_store %arg7[%swap3A_530, %swap3A_531], %swap3A_534 {strides = array<i32>} : memref<128x16xf32, #tpu.memory_space<vmem>>, vector<1x16xf32>,
    %broadcast_in_dim3A_535 = arith.constant 0.000000e+00 : f32
    %broadcast_in_dim3A_536 = vector.broadcast %broadcast_in_dim3A_535 : f32 to vector<16xf32>
    %swap3A_537 = arith.constant 67 : i32
    %swap3A_538 = arith.index_cast %swap3A_537 : i32 to index
    %swap3A_539 = arith.constant 0 : index
    %swap3A_540 = tpu.vector_load %arg7[%swap3A_538, %swap3A_539] {strides = array<i32>} : memref<128x16xf32, #tpu.memory_space<vmem>>, vector<1x16xf32>,
    %swap3A_541 = vector.shape_cast %swap3A_540 : vector<1x16xf32> to vector<16xf32>
    %swap3A_542 = vector.shape_cast %broadcast_in_dim3A_536 : vector<16xf32> to vector<1x16xf32>
    tpu.vector_store %arg7[%swap3A_538, %swap3A_539], %swap3A_542 {strides = array<i32>} : memref<128x16xf32, #tpu.memory_space<vmem>>, vector<1x16xf32>,
    %broadcast_in_dim3A_543 = arith.constant 0.000000e+00 : f32
    %broadcast_in_dim3A_544 = vector.broadcast %broadcast_in_dim3A_543 : f32 to vector<16xf32>
    %swap3A_545 = arith.constant 68 : i32
    %swap3A_546 = arith.index_cast %swap3A_545 : i32 to index
    %swap3A_547 = arith.constant 0 : index
    %swap3A_548 = tpu.vector_load %arg7[%swap3A_546, %swap3A_547] {strides = array<i32>} : memref<128x16xf32, #tpu.memory_space<vmem>>, vector<1x16xf32>,
    %swap3A_549 = vector.shape_cast %swap3A_548 : vector<1x16xf32> to vector<16xf32>
    %swap3A_550 = vector.shape_cast %broadcast_in_dim3A_544 : vector<16xf32> to vector<1x16xf32>
    tpu.vector_store %arg7[%swap3A_546, %swap3A_547], %swap3A_550 {strides = array<i32>} : memref<128x16xf32, #tpu.memory_space<vmem>>, vector<1x16xf32>,
    %broadcast_in_dim3A_551 = arith.constant 0.000000e+00 : f32
    %broadcast_in_dim3A_552 = vector.broadcast %broadcast_in_dim3A_551 : f32 to vector<16xf32>
    %swap3A_553 = arith.constant 69 : i32
    %swap3A_554 = arith.index_cast %swap3A_553 : i32 to index
    %swap3A_555 = arith.constant 0 : index
    %swap3A_556 = tpu.vector_load %arg7[%swap3A_554, %swap3A_555] {strides = array<i32>} : memref<128x16xf32, #tpu.memory_space<vmem>>, vector<1x16xf32>,
    %swap3A_557 = vector.shape_cast %swap3A_556 : vector<1x16xf32> to vector<16xf32>
    %swap3A_558 = vector.shape_cast %broadcast_in_dim3A_552 : vector<16xf32> to vector<1x16xf32>
    tpu.vector_store %arg7[%swap3A_554, %swap3A_555], %swap3A_558 {strides = array<i32>} : memref<128x16xf32, #tpu.memory_space<vmem>>, vector<1x16xf32>,
    %broadcast_in_dim3A_559 = arith.constant 0.000000e+00 : f32
    %broadcast_in_dim3A_560 = vector.broadcast %broadcast_in_dim3A_559 : f32 to vector<16xf32>
    %swap3A_561 = arith.constant 70 : i32
    %swap3A_562 = arith.index_cast %swap3A_561 : i32 to index
    %swap3A_563 = arith.constant 0 : index
    %swap3A_564 = tpu.vector_load %arg7[%swap3A_562, %swap3A_563] {strides = array<i32>} : memref<128x16xf32, #tpu.memory_space<vmem>>, vector<1x16xf32>,
    %swap3A_565 = vector.shape_cast %swap3A_564 : vector<1x16xf32> to vector<16xf32>
    %swap3A_566 = vector.shape_cast %broadcast_in_dim3A_560 : vector<16xf32> to vector<1x16xf32>
    tpu.vector_store %arg7[%swap3A_562, %swap3A_563], %swap3A_566 {strides = array<i32>} : memref<128x16xf32, #tpu.memory_space<vmem>>, vector<1x16xf32>,
    %broadcast_in_dim3A_567 = arith.constant 0.000000e+00 : f32
    %broadcast_in_dim3A_568 = vector.broadcast %broadcast_in_dim3A_567 : f32 to vector<16xf32>
    %swap3A_569 = arith.constant 71 : i32
    %swap3A_570 = arith.index_cast %swap3A_569 : i32 to index
    %swap3A_571 = arith.constant 0 : index
    %swap3A_572 = tpu.vector_load %arg7[%swap3A_570, %swap3A_571] {strides = array<i32>} : memref<128x16xf32, #tpu.memory_space<vmem>>, vector<1x16xf32>,
    %swap3A_573 = vector.shape_cast %swap3A_572 : vector<1x16xf32> to vector<16xf32>
    %swap3A_574 = vector.shape_cast %broadcast_in_dim3A_568 : vector<16xf32> to vector<1x16xf32>
    tpu.vector_store %arg7[%swap3A_570, %swap3A_571], %swap3A_574 {strides = array<i32>} : memref<128x16xf32, #tpu.memory_space<vmem>>, vector<1x16xf32>,
    %broadcast_in_dim3A_575 = arith.constant 0.000000e+00 : f32
    %broadcast_in_dim3A_576 = vector.broadcast %broadcast_in_dim3A_575 : f32 to vector<16xf32>
    %swap3A_577 = arith.constant 72 : i32
    %swap3A_578 = arith.index_cast %swap3A_577 : i32 to index
    %swap3A_579 = arith.constant 0 : index
    %swap3A_580 = tpu.vector_load %arg7[%swap3A_578, %swap3A_579] {strides = array<i32>} : memref<128x16xf32, #tpu.memory_space<vmem>>, vector<1x16xf32>,
    %swap3A_581 = vector.shape_cast %swap3A_580 : vector<1x16xf32> to vector<16xf32>
    %swap3A_582 = vector.shape_cast %broadcast_in_dim3A_576 : vector<16xf32> to vector<1x16xf32>
    tpu.vector_store %arg7[%swap3A_578, %swap3A_579], %swap3A_582 {strides = array<i32>} : memref<128x16xf32, #tpu.memory_space<vmem>>, vector<1x16xf32>,
    %broadcast_in_dim3A_583 = arith.constant 0.000000e+00 : f32
    %broadcast_in_dim3A_584 = vector.broadcast %broadcast_in_dim3A_583 : f32 to vector<16xf32>
    %swap3A_585 = arith.constant 73 : i32
    %swap3A_586 = arith.index_cast %swap3A_585 : i32 to index
    %swap3A_587 = arith.constant 0 : index
    %swap3A_588 = tpu.vector_load %arg7[%swap3A_586, %swap3A_587] {strides = array<i32>} : memref<128x16xf32, #tpu.memory_space<vmem>>, vector<1x16xf32>,
    %swap3A_589 = vector.shape_cast %swap3A_588 : vector<1x16xf32> to vector<16xf32>
    %swap3A_590 = vector.shape_cast %broadcast_in_dim3A_584 : vector<16xf32> to vector<1x16xf32>
    tpu.vector_store %arg7[%swap3A_586, %swap3A_587], %swap3A_590 {strides = array<i32>} : memref<128x16xf32, #tpu.memory_space<vmem>>, vector<1x16xf32>,
    %broadcast_in_dim3A_591 = arith.constant 0.000000e+00 : f32
    %broadcast_in_dim3A_592 = vector.broadcast %broadcast_in_dim3A_591 : f32 to vector<16xf32>
    %swap3A_593 = arith.constant 74 : i32
    %swap3A_594 = arith.index_cast %swap3A_593 : i32 to index
    %swap3A_595 = arith.constant 0 : index
    %swap3A_596 = tpu.vector_load %arg7[%swap3A_594, %swap3A_595] {strides = array<i32>} : memref<128x16xf32, #tpu.memory_space<vmem>>, vector<1x16xf32>,
    %swap3A_597 = vector.shape_cast %swap3A_596 : vector<1x16xf32> to vector<16xf32>
    %swap3A_598 = vector.shape_cast %broadcast_in_dim3A_592 : vector<16xf32> to vector<1x16xf32>
    tpu.vector_store %arg7[%swap3A_594, %swap3A_595], %swap3A_598 {strides = array<i32>} : memref<128x16xf32, #tpu.memory_space<vmem>>, vector<1x16xf32>,
    %broadcast_in_dim3A_599 = arith.constant 0.000000e+00 : f32
    %broadcast_in_dim3A_600 = vector.broadcast %broadcast_in_dim3A_599 : f32 to vector<16xf32>
    %swap3A_601 = arith.constant 75 : i32
    %swap3A_602 = arith.index_cast %swap3A_601 : i32 to index
    %swap3A_603 = arith.constant 0 : index
    %swap3A_604 = tpu.vector_load %arg7[%swap3A_602, %swap3A_603] {strides = array<i32>} : memref<128x16xf32, #tpu.memory_space<vmem>>, vector<1x16xf32>,
    %swap3A_605 = vector.shape_cast %swap3A_604 : vector<1x16xf32> to vector<16xf32>
    %swap3A_606 = vector.shape_cast %broadcast_in_dim3A_600 : vector<16xf32> to vector<1x16xf32>
    tpu.vector_store %arg7[%swap3A_602, %swap3A_603], %swap3A_606 {strides = array<i32>} : memref<128x16xf32, #tpu.memory_space<vmem>>, vector<1x16xf32>,
    %broadcast_in_dim3A_607 = arith.constant 0.000000e+00 : f32
    %broadcast_in_dim3A_608 = vector.broadcast %broadcast_in_dim3A_607 : f32 to vector<16xf32>
    %swap3A_609 = arith.constant 76 : i32
    %swap3A_610 = arith.index_cast %swap3A_609 : i32 to index
    %swap3A_611 = arith.constant 0 : index
    %swap3A_612 = tpu.vector_load %arg7[%swap3A_610, %swap3A_611] {strides = array<i32>} : memref<128x16xf32, #tpu.memory_space<vmem>>, vector<1x16xf32>,
    %swap3A_613 = vector.shape_cast %swap3A_612 : vector<1x16xf32> to vector<16xf32>
    %swap3A_614 = vector.shape_cast %broadcast_in_dim3A_608 : vector<16xf32> to vector<1x16xf32>
    tpu.vector_store %arg7[%swap3A_610, %swap3A_611], %swap3A_614 {strides = array<i32>} : memref<128x16xf32, #tpu.memory_space<vmem>>, vector<1x16xf32>,
    %broadcast_in_dim3A_615 = arith.constant 0.000000e+00 : f32
    %broadcast_in_dim3A_616 = vector.broadcast %broadcast_in_dim3A_615 : f32 to vector<16xf32>
    %swap3A_617 = arith.constant 77 : i32
    %swap3A_618 = arith.index_cast %swap3A_617 : i32 to index
    %swap3A_619 = arith.constant 0 : index
    %swap3A_620 = tpu.vector_load %arg7[%swap3A_618, %swap3A_619] {strides = array<i32>} : memref<128x16xf32, #tpu.memory_space<vmem>>, vector<1x16xf32>,
    %swap3A_621 = vector.shape_cast %swap3A_620 : vector<1x16xf32> to vector<16xf32>
    %swap3A_622 = vector.shape_cast %broadcast_in_dim3A_616 : vector<16xf32> to vector<1x16xf32>
    tpu.vector_store %arg7[%swap3A_618, %swap3A_619], %swap3A_622 {strides = array<i32>} : memref<128x16xf32, #tpu.memory_space<vmem>>, vector<1x16xf32>,
    %broadcast_in_dim3A_623 = arith.constant 0.000000e+00 : f32
    %broadcast_in_dim3A_624 = vector.broadcast %broadcast_in_dim3A_623 : f32 to vector<16xf32>
    %swap3A_625 = arith.constant 78 : i32
    %swap3A_626 = arith.index_cast %swap3A_625 : i32 to index
    %swap3A_627 = arith.constant 0 : index
    %swap3A_628 = tpu.vector_load %arg7[%swap3A_626, %swap3A_627] {strides = array<i32>} : memref<128x16xf32, #tpu.memory_space<vmem>>, vector<1x16xf32>,
    %swap3A_629 = vector.shape_cast %swap3A_628 : vector<1x16xf32> to vector<16xf32>
    %swap3A_630 = vector.shape_cast %broadcast_in_dim3A_624 : vector<16xf32> to vector<1x16xf32>
    tpu.vector_store %arg7[%swap3A_626, %swap3A_627], %swap3A_630 {strides = array<i32>} : memref<128x16xf32, #tpu.memory_space<vmem>>, vector<1x16xf32>,
    %broadcast_in_dim3A_631 = arith.constant 0.000000e+00 : f32
    %broadcast_in_dim3A_632 = vector.broadcast %broadcast_in_dim3A_631 : f32 to vector<16xf32>
    %swap3A_633 = arith.constant 79 : i32
    %swap3A_634 = arith.index_cast %swap3A_633 : i32 to index
    %swap3A_635 = arith.constant 0 : index
    %swap3A_636 = tpu.vector_load %arg7[%swap3A_634, %swap3A_635] {strides = array<i32>} : memref<128x16xf32, #tpu.memory_space<vmem>>, vector<1x16xf32>,
    %swap3A_637 = vector.shape_cast %swap3A_636 : vector<1x16xf32> to vector<16xf32>
    %swap3A_638 = vector.shape_cast %broadcast_in_dim3A_632 : vector<16xf32> to vector<1x16xf32>
    tpu.vector_store %arg7[%swap3A_634, %swap3A_635], %swap3A_638 {strides = array<i32>} : memref<128x16xf32, #tpu.memory_space<vmem>>, vector<1x16xf32>,
    %broadcast_in_dim3A_639 = arith.constant 0.000000e+00 : f32
    %broadcast_in_dim3A_640 = vector.broadcast %broadcast_in_dim3A_639 : f32 to vector<16xf32>
    %swap3A_641 = arith.constant 80 : i32
    %swap3A_642 = arith.index_cast %swap3A_641 : i32 to index
    %swap3A_643 = arith.constant 0 : index
    %swap3A_644 = tpu.vector_load %arg7[%swap3A_642, %swap3A_643] {strides = array<i32>} : memref<128x16xf32, #tpu.memory_space<vmem>>, vector<1x16xf32>,
    %swap3A_645 = vector.shape_cast %swap3A_644 : vector<1x16xf32> to vector<16xf32>
    %swap3A_646 = vector.shape_cast %broadcast_in_dim3A_640 : vector<16xf32> to vector<1x16xf32>
    tpu.vector_store %arg7[%swap3A_642, %swap3A_643], %swap3A_646 {strides = array<i32>} : memref<128x16xf32, #tpu.memory_space<vmem>>, vector<1x16xf32>,
    %broadcast_in_dim3A_647 = arith.constant 0.000000e+00 : f32
    %broadcast_in_dim3A_648 = vector.broadcast %broadcast_in_dim3A_647 : f32 to vector<16xf32>
    %swap3A_649 = arith.constant 81 : i32
    %swap3A_650 = arith.index_cast %swap3A_649 : i32 to index
    %swap3A_651 = arith.constant 0 : index
    %swap3A_652 = tpu.vector_load %arg7[%swap3A_650, %swap3A_651] {strides = array<i32>} : memref<128x16xf32, #tpu.memory_space<vmem>>, vector<1x16xf32>,
    %swap3A_653 = vector.shape_cast %swap3A_652 : vector<1x16xf32> to vector<16xf32>
    %swap3A_654 = vector.shape_cast %broadcast_in_dim3A_648 : vector<16xf32> to vector<1x16xf32>
    tpu.vector_store %arg7[%swap3A_650, %swap3A_651], %swap3A_654 {strides = array<i32>} : memref<128x16xf32, #tpu.memory_space<vmem>>, vector<1x16xf32>,
    %broadcast_in_dim3A_655 = arith.constant 0.000000e+00 : f32
    %broadcast_in_dim3A_656 = vector.broadcast %broadcast_in_dim3A_655 : f32 to vector<16xf32>
    %swap3A_657 = arith.constant 82 : i32
    %swap3A_658 = arith.index_cast %swap3A_657 : i32 to index
    %swap3A_659 = arith.constant 0 : index
    %swap3A_660 = tpu.vector_load %arg7[%swap3A_658, %swap3A_659] {strides = array<i32>} : memref<128x16xf32, #tpu.memory_space<vmem>>, vector<1x16xf32>,
    %swap3A_661 = vector.shape_cast %swap3A_660 : vector<1x16xf32> to vector<16xf32>
    %swap3A_662 = vector.shape_cast %broadcast_in_dim3A_656 : vector<16xf32> to vector<1x16xf32>
    tpu.vector_store %arg7[%swap3A_658, %swap3A_659], %swap3A_662 {strides = array<i32>} : memref<128x16xf32, #tpu.memory_space<vmem>>, vector<1x16xf32>,
    %broadcast_in_dim3A_663 = arith.constant 0.000000e+00 : f32
    %broadcast_in_dim3A_664 = vector.broadcast %broadcast_in_dim3A_663 : f32 to vector<16xf32>
    %swap3A_665 = arith.constant 83 : i32
    %swap3A_666 = arith.index_cast %swap3A_665 : i32 to index
    %swap3A_667 = arith.constant 0 : index
    %swap3A_668 = tpu.vector_load %arg7[%swap3A_666, %swap3A_667] {strides = array<i32>} : memref<128x16xf32, #tpu.memory_space<vmem>>, vector<1x16xf32>,
    %swap3A_669 = vector.shape_cast %swap3A_668 : vector<1x16xf32> to vector<16xf32>
    %swap3A_670 = vector.shape_cast %broadcast_in_dim3A_664 : vector<16xf32> to vector<1x16xf32>
    tpu.vector_store %arg7[%swap3A_666, %swap3A_667], %swap3A_670 {strides = array<i32>} : memref<128x16xf32, #tpu.memory_space<vmem>>, vector<1x16xf32>,
    %broadcast_in_dim3A_671 = arith.constant 0.000000e+00 : f32
    %broadcast_in_dim3A_672 = vector.broadcast %broadcast_in_dim3A_671 : f32 to vector<16xf32>
    %swap3A_673 = arith.constant 84 : i32
    %swap3A_674 = arith.index_cast %swap3A_673 : i32 to index
    %swap3A_675 = arith.constant 0 : index
    %swap3A_676 = tpu.vector_load %arg7[%swap3A_674, %swap3A_675] {strides = array<i32>} : memref<128x16xf32, #tpu.memory_space<vmem>>, vector<1x16xf32>,
    %swap3A_677 = vector.shape_cast %swap3A_676 : vector<1x16xf32> to vector<16xf32>
    %swap3A_678 = vector.shape_cast %broadcast_in_dim3A_672 : vector<16xf32> to vector<1x16xf32>
    tpu.vector_store %arg7[%swap3A_674, %swap3A_675], %swap3A_678 {strides = array<i32>} : memref<128x16xf32, #tpu.memory_space<vmem>>, vector<1x16xf32>,
    %broadcast_in_dim3A_679 = arith.constant 0.000000e+00 : f32
    %broadcast_in_dim3A_680 = vector.broadcast %broadcast_in_dim3A_679 : f32 to vector<16xf32>
    %swap3A_681 = arith.constant 85 : i32
    %swap3A_682 = arith.index_cast %swap3A_681 : i32 to index
    %swap3A_683 = arith.constant 0 : index
    %swap3A_684 = tpu.vector_load %arg7[%swap3A_682, %swap3A_683] {strides = array<i32>} : memref<128x16xf32, #tpu.memory_space<vmem>>, vector<1x16xf32>,
    %swap3A_685 = vector.shape_cast %swap3A_684 : vector<1x16xf32> to vector<16xf32>
    %swap3A_686 = vector.shape_cast %broadcast_in_dim3A_680 : vector<16xf32> to vector<1x16xf32>
    tpu.vector_store %arg7[%swap3A_682, %swap3A_683], %swap3A_686 {strides = array<i32>} : memref<128x16xf32, #tpu.memory_space<vmem>>, vector<1x16xf32>,
    %broadcast_in_dim3A_687 = arith.constant 0.000000e+00 : f32
    %broadcast_in_dim3A_688 = vector.broadcast %broadcast_in_dim3A_687 : f32 to vector<16xf32>
    %swap3A_689 = arith.constant 86 : i32
    %swap3A_690 = arith.index_cast %swap3A_689 : i32 to index
    %swap3A_691 = arith.constant 0 : index
    %swap3A_692 = tpu.vector_load %arg7[%swap3A_690, %swap3A_691] {strides = array<i32>} : memref<128x16xf32, #tpu.memory_space<vmem>>, vector<1x16xf32>,
    %swap3A_693 = vector.shape_cast %swap3A_692 : vector<1x16xf32> to vector<16xf32>
    %swap3A_694 = vector.shape_cast %broadcast_in_dim3A_688 : vector<16xf32> to vector<1x16xf32>
    tpu.vector_store %arg7[%swap3A_690, %swap3A_691], %swap3A_694 {strides = array<i32>} : memref<128x16xf32, #tpu.memory_space<vmem>>, vector<1x16xf32>,
    %broadcast_in_dim3A_695 = arith.constant 0.000000e+00 : f32
    %broadcast_in_dim3A_696 = vector.broadcast %broadcast_in_dim3A_695 : f32 to vector<16xf32>
    %swap3A_697 = arith.constant 87 : i32
    %swap3A_698 = arith.index_cast %swap3A_697 : i32 to index
    %swap3A_699 = arith.constant 0 : index
    %swap3A_700 = tpu.vector_load %arg7[%swap3A_698, %swap3A_699] {strides = array<i32>} : memref<128x16xf32, #tpu.memory_space<vmem>>, vector<1x16xf32>,
    %swap3A_701 = vector.shape_cast %swap3A_700 : vector<1x16xf32> to vector<16xf32>
    %swap3A_702 = vector.shape_cast %broadcast_in_dim3A_696 : vector<16xf32> to vector<1x16xf32>
    tpu.vector_store %arg7[%swap3A_698, %swap3A_699], %swap3A_702 {strides = array<i32>} : memref<128x16xf32, #tpu.memory_space<vmem>>, vector<1x16xf32>,
    %broadcast_in_dim3A_703 = arith.constant 0.000000e+00 : f32
    %broadcast_in_dim3A_704 = vector.broadcast %broadcast_in_dim3A_703 : f32 to vector<16xf32>
    %swap3A_705 = arith.constant 88 : i32
    %swap3A_706 = arith.index_cast %swap3A_705 : i32 to index
    %swap3A_707 = arith.constant 0 : index
    %swap3A_708 = tpu.vector_load %arg7[%swap3A_706, %swap3A_707] {strides = array<i32>} : memref<128x16xf32, #tpu.memory_space<vmem>>, vector<1x16xf32>,
    %swap3A_709 = vector.shape_cast %swap3A_708 : vector<1x16xf32> to vector<16xf32>
    %swap3A_710 = vector.shape_cast %broadcast_in_dim3A_704 : vector<16xf32> to vector<1x16xf32>
    tpu.vector_store %arg7[%swap3A_706, %swap3A_707], %swap3A_710 {strides = array<i32>} : memref<128x16xf32, #tpu.memory_space<vmem>>, vector<1x16xf32>,
    %broadcast_in_dim3A_711 = arith.constant 0.000000e+00 : f32
    %broadcast_in_dim3A_712 = vector.broadcast %broadcast_in_dim3A_711 : f32 to vector<16xf32>
    %swap3A_713 = arith.constant 89 : i32
    %swap3A_714 = arith.index_cast %swap3A_713 : i32 to index
    %swap3A_715 = arith.constant 0 : index
    %swap3A_716 = tpu.vector_load %arg7[%swap3A_714, %swap3A_715] {strides = array<i32>} : memref<128x16xf32, #tpu.memory_space<vmem>>, vector<1x16xf32>,
    %swap3A_717 = vector.shape_cast %swap3A_716 : vector<1x16xf32> to vector<16xf32>
    %swap3A_718 = vector.shape_cast %broadcast_in_dim3A_712 : vector<16xf32> to vector<1x16xf32>
    tpu.vector_store %arg7[%swap3A_714, %swap3A_715], %swap3A_718 {strides = array<i32>} : memref<128x16xf32, #tpu.memory_space<vmem>>, vector<1x16xf32>,
    %broadcast_in_dim3A_719 = arith.constant 0.000000e+00 : f32
    %broadcast_in_dim3A_720 = vector.broadcast %broadcast_in_dim3A_719 : f32 to vector<16xf32>
    %swap3A_721 = arith.constant 90 : i32
    %swap3A_722 = arith.index_cast %swap3A_721 : i32 to index
    %swap3A_723 = arith.constant 0 : index
    %swap3A_724 = tpu.vector_load %arg7[%swap3A_722, %swap3A_723] {strides = array<i32>} : memref<128x16xf32, #tpu.memory_space<vmem>>, vector<1x16xf32>,
    %swap3A_725 = vector.shape_cast %swap3A_724 : vector<1x16xf32> to vector<16xf32>
    %swap3A_726 = vector.shape_cast %broadcast_in_dim3A_720 : vector<16xf32> to vector<1x16xf32>
    tpu.vector_store %arg7[%swap3A_722, %swap3A_723], %swap3A_726 {strides = array<i32>} : memref<128x16xf32, #tpu.memory_space<vmem>>, vector<1x16xf32>,
    %broadcast_in_dim3A_727 = arith.constant 0.000000e+00 : f32
    %broadcast_in_dim3A_728 = vector.broadcast %broadcast_in_dim3A_727 : f32 to vector<16xf32>
    %swap3A_729 = arith.constant 91 : i32
    %swap3A_730 = arith.index_cast %swap3A_729 : i32 to index
    %swap3A_731 = arith.constant 0 : index
    %swap3A_732 = tpu.vector_load %arg7[%swap3A_730, %swap3A_731] {strides = array<i32>} : memref<128x16xf32, #tpu.memory_space<vmem>>, vector<1x16xf32>,
    %swap3A_733 = vector.shape_cast %swap3A_732 : vector<1x16xf32> to vector<16xf32>
    %swap3A_734 = vector.shape_cast %broadcast_in_dim3A_728 : vector<16xf32> to vector<1x16xf32>
    tpu.vector_store %arg7[%swap3A_730, %swap3A_731], %swap3A_734 {strides = array<i32>} : memref<128x16xf32, #tpu.memory_space<vmem>>, vector<1x16xf32>,
    %broadcast_in_dim3A_735 = arith.constant 0.000000e+00 : f32
    %broadcast_in_dim3A_736 = vector.broadcast %broadcast_in_dim3A_735 : f32 to vector<16xf32>
    %swap3A_737 = arith.constant 92 : i32
    %swap3A_738 = arith.index_cast %swap3A_737 : i32 to index
    %swap3A_739 = arith.constant 0 : index
    %swap3A_740 = tpu.vector_load %arg7[%swap3A_738, %swap3A_739] {strides = array<i32>} : memref<128x16xf32, #tpu.memory_space<vmem>>, vector<1x16xf32>,
    %swap3A_741 = vector.shape_cast %swap3A_740 : vector<1x16xf32> to vector<16xf32>
    %swap3A_742 = vector.shape_cast %broadcast_in_dim3A_736 : vector<16xf32> to vector<1x16xf32>
    tpu.vector_store %arg7[%swap3A_738, %swap3A_739], %swap3A_742 {strides = array<i32>} : memref<128x16xf32, #tpu.memory_space<vmem>>, vector<1x16xf32>,
    %broadcast_in_dim3A_743 = arith.constant 0.000000e+00 : f32
    %broadcast_in_dim3A_744 = vector.broadcast %broadcast_in_dim3A_743 : f32 to vector<16xf32>
    %swap3A_745 = arith.constant 93 : i32
    %swap3A_746 = arith.index_cast %swap3A_745 : i32 to index
    %swap3A_747 = arith.constant 0 : index
    %swap3A_748 = tpu.vector_load %arg7[%swap3A_746, %swap3A_747] {strides = array<i32>} : memref<128x16xf32, #tpu.memory_space<vmem>>, vector<1x16xf32>,
    %swap3A_749 = vector.shape_cast %swap3A_748 : vector<1x16xf32> to vector<16xf32>
    %swap3A_750 = vector.shape_cast %broadcast_in_dim3A_744 : vector<16xf32> to vector<1x16xf32>
    tpu.vector_store %arg7[%swap3A_746, %swap3A_747], %swap3A_750 {strides = array<i32>} : memref<128x16xf32, #tpu.memory_space<vmem>>, vector<1x16xf32>,
    %broadcast_in_dim3A_751 = arith.constant 0.000000e+00 : f32
    %broadcast_in_dim3A_752 = vector.broadcast %broadcast_in_dim3A_751 : f32 to vector<16xf32>
    %swap3A_753 = arith.constant 94 : i32
    %swap3A_754 = arith.index_cast %swap3A_753 : i32 to index
    %swap3A_755 = arith.constant 0 : index
    %swap3A_756 = tpu.vector_load %arg7[%swap3A_754, %swap3A_755] {strides = array<i32>} : memref<128x16xf32, #tpu.memory_space<vmem>>, vector<1x16xf32>,
    %swap3A_757 = vector.shape_cast %swap3A_756 : vector<1x16xf32> to vector<16xf32>
    %swap3A_758 = vector.shape_cast %broadcast_in_dim3A_752 : vector<16xf32> to vector<1x16xf32>
    tpu.vector_store %arg7[%swap3A_754, %swap3A_755], %swap3A_758 {strides = array<i32>} : memref<128x16xf32, #tpu.memory_space<vmem>>, vector<1x16xf32>,
    %broadcast_in_dim3A_759 = arith.constant 0.000000e+00 : f32
    %broadcast_in_dim3A_760 = vector.broadcast %broadcast_in_dim3A_759 : f32 to vector<16xf32>
    %swap3A_761 = arith.constant 95 : i32
    %swap3A_762 = arith.index_cast %swap3A_761 : i32 to index
    %swap3A_763 = arith.constant 0 : index
    %swap3A_764 = tpu.vector_load %arg7[%swap3A_762, %swap3A_763] {strides = array<i32>} : memref<128x16xf32, #tpu.memory_space<vmem>>, vector<1x16xf32>,
    %swap3A_765 = vector.shape_cast %swap3A_764 : vector<1x16xf32> to vector<16xf32>
    %swap3A_766 = vector.shape_cast %broadcast_in_dim3A_760 : vector<16xf32> to vector<1x16xf32>
    tpu.vector_store %arg7[%swap3A_762, %swap3A_763], %swap3A_766 {strides = array<i32>} : memref<128x16xf32, #tpu.memory_space<vmem>>, vector<1x16xf32>,
    %broadcast_in_dim3A_767 = arith.constant 0.000000e+00 : f32
    %broadcast_in_dim3A_768 = vector.broadcast %broadcast_in_dim3A_767 : f32 to vector<16xf32>
    %swap3A_769 = arith.constant 96 : i32
    %swap3A_770 = arith.index_cast %swap3A_769 : i32 to index
    %swap3A_771 = arith.constant 0 : index
    %swap3A_772 = tpu.vector_load %arg7[%swap3A_770, %swap3A_771] {strides = array<i32>} : memref<128x16xf32, #tpu.memory_space<vmem>>, vector<1x16xf32>,
    %swap3A_773 = vector.shape_cast %swap3A_772 : vector<1x16xf32> to vector<16xf32>
    %swap3A_774 = vector.shape_cast %broadcast_in_dim3A_768 : vector<16xf32> to vector<1x16xf32>
    tpu.vector_store %arg7[%swap3A_770, %swap3A_771], %swap3A_774 {strides = array<i32>} : memref<128x16xf32, #tpu.memory_space<vmem>>, vector<1x16xf32>,
    %broadcast_in_dim3A_775 = arith.constant 0.000000e+00 : f32
    %broadcast_in_dim3A_776 = vector.broadcast %broadcast_in_dim3A_775 : f32 to vector<16xf32>
    %swap3A_777 = arith.constant 97 : i32
    %swap3A_778 = arith.index_cast %swap3A_777 : i32 to index
    %swap3A_779 = arith.constant 0 : index
    %swap3A_780 = tpu.vector_load %arg7[%swap3A_778, %swap3A_779] {strides = array<i32>} : memref<128x16xf32, #tpu.memory_space<vmem>>, vector<1x16xf32>,
    %swap3A_781 = vector.shape_cast %swap3A_780 : vector<1x16xf32> to vector<16xf32>
    %swap3A_782 = vector.shape_cast %broadcast_in_dim3A_776 : vector<16xf32> to vector<1x16xf32>
    tpu.vector_store %arg7[%swap3A_778, %swap3A_779], %swap3A_782 {strides = array<i32>} : memref<128x16xf32, #tpu.memory_space<vmem>>, vector<1x16xf32>,
    %broadcast_in_dim3A_783 = arith.constant 0.000000e+00 : f32
    %broadcast_in_dim3A_784 = vector.broadcast %broadcast_in_dim3A_783 : f32 to vector<16xf32>
    %swap3A_785 = arith.constant 98 : i32
    %swap3A_786 = arith.index_cast %swap3A_785 : i32 to index
    %swap3A_787 = arith.constant 0 : index
    %swap3A_788 = tpu.vector_load %arg7[%swap3A_786, %swap3A_787] {strides = array<i32>} : memref<128x16xf32, #tpu.memory_space<vmem>>, vector<1x16xf32>,
    %swap3A_789 = vector.shape_cast %swap3A_788 : vector<1x16xf32> to vector<16xf32>
    %swap3A_790 = vector.shape_cast %broadcast_in_dim3A_784 : vector<16xf32> to vector<1x16xf32>
    tpu.vector_store %arg7[%swap3A_786, %swap3A_787], %swap3A_790 {strides = array<i32>} : memref<128x16xf32, #tpu.memory_space<vmem>>, vector<1x16xf32>,
    %broadcast_in_dim3A_791 = arith.constant 0.000000e+00 : f32
    %broadcast_in_dim3A_792 = vector.broadcast %broadcast_in_dim3A_791 : f32 to vector<16xf32>
    %swap3A_793 = arith.constant 99 : i32
    %swap3A_794 = arith.index_cast %swap3A_793 : i32 to index
    %swap3A_795 = arith.constant 0 : index
    %swap3A_796 = tpu.vector_load %arg7[%swap3A_794, %swap3A_795] {strides = array<i32>} : memref<128x16xf32, #tpu.memory_space<vmem>>, vector<1x16xf32>,
    %swap3A_797 = vector.shape_cast %swap3A_796 : vector<1x16xf32> to vector<16xf32>
    %swap3A_798 = vector.shape_cast %broadcast_in_dim3A_792 : vector<16xf32> to vector<1x16xf32>
    tpu.vector_store %arg7[%swap3A_794, %swap3A_795], %swap3A_798 {strides = array<i32>} : memref<128x16xf32, #tpu.memory_space<vmem>>, vector<1x16xf32>,
    %broadcast_in_dim3A_799 = arith.constant 0.000000e+00 : f32
    %broadcast_in_dim3A_800 = vector.broadcast %broadcast_in_dim3A_799 : f32 to vector<16xf32>
    %swap3A_801 = arith.constant 100 : i32
    %swap3A_802 = arith.index_cast %swap3A_801 : i32 to index
    %swap3A_803 = arith.constant 0 : index
    %swap3A_804 = tpu.vector_load %arg7[%swap3A_802, %swap3A_803] {strides = array<i32>} : memref<128x16xf32, #tpu.memory_space<vmem>>, vector<1x16xf32>,
    %swap3A_805 = vector.shape_cast %swap3A_804 : vector<1x16xf32> to vector<16xf32>
    %swap3A_806 = vector.shape_cast %broadcast_in_dim3A_800 : vector<16xf32> to vector<1x16xf32>
    tpu.vector_store %arg7[%swap3A_802, %swap3A_803], %swap3A_806 {strides = array<i32>} : memref<128x16xf32, #tpu.memory_space<vmem>>, vector<1x16xf32>,
    %broadcast_in_dim3A_807 = arith.constant 0.000000e+00 : f32
    %broadcast_in_dim3A_808 = vector.broadcast %broadcast_in_dim3A_807 : f32 to vector<16xf32>
    %swap3A_809 = arith.constant 101 : i32
    %swap3A_810 = arith.index_cast %swap3A_809 : i32 to index
    %swap3A_811 = arith.constant 0 : index
    %swap3A_812 = tpu.vector_load %arg7[%swap3A_810, %swap3A_811] {strides = array<i32>} : memref<128x16xf32, #tpu.memory_space<vmem>>, vector<1x16xf32>,
    %swap3A_813 = vector.shape_cast %swap3A_812 : vector<1x16xf32> to vector<16xf32>
    %swap3A_814 = vector.shape_cast %broadcast_in_dim3A_808 : vector<16xf32> to vector<1x16xf32>
    tpu.vector_store %arg7[%swap3A_810, %swap3A_811], %swap3A_814 {strides = array<i32>} : memref<128x16xf32, #tpu.memory_space<vmem>>, vector<1x16xf32>,
    %broadcast_in_dim3A_815 = arith.constant 0.000000e+00 : f32
    %broadcast_in_dim3A_816 = vector.broadcast %broadcast_in_dim3A_815 : f32 to vector<16xf32>
    %swap3A_817 = arith.constant 102 : i32
    %swap3A_818 = arith.index_cast %swap3A_817 : i32 to index
    %swap3A_819 = arith.constant 0 : index
    %swap3A_820 = tpu.vector_load %arg7[%swap3A_818, %swap3A_819] {strides = array<i32>} : memref<128x16xf32, #tpu.memory_space<vmem>>, vector<1x16xf32>,
    %swap3A_821 = vector.shape_cast %swap3A_820 : vector<1x16xf32> to vector<16xf32>
    %swap3A_822 = vector.shape_cast %broadcast_in_dim3A_816 : vector<16xf32> to vector<1x16xf32>
    tpu.vector_store %arg7[%swap3A_818, %swap3A_819], %swap3A_822 {strides = array<i32>} : memref<128x16xf32, #tpu.memory_space<vmem>>, vector<1x16xf32>,
    %broadcast_in_dim3A_823 = arith.constant 0.000000e+00 : f32
    %broadcast_in_dim3A_824 = vector.broadcast %broadcast_in_dim3A_823 : f32 to vector<16xf32>
    %swap3A_825 = arith.constant 103 : i32
    %swap3A_826 = arith.index_cast %swap3A_825 : i32 to index
    %swap3A_827 = arith.constant 0 : index
    %swap3A_828 = tpu.vector_load %arg7[%swap3A_826, %swap3A_827] {strides = array<i32>} : memref<128x16xf32, #tpu.memory_space<vmem>>, vector<1x16xf32>,
    %swap3A_829 = vector.shape_cast %swap3A_828 : vector<1x16xf32> to vector<16xf32>
    %swap3A_830 = vector.shape_cast %broadcast_in_dim3A_824 : vector<16xf32> to vector<1x16xf32>
    tpu.vector_store %arg7[%swap3A_826, %swap3A_827], %swap3A_830 {strides = array<i32>} : memref<128x16xf32, #tpu.memory_space<vmem>>, vector<1x16xf32>,
    %broadcast_in_dim3A_831 = arith.constant 0.000000e+00 : f32
    %broadcast_in_dim3A_832 = vector.broadcast %broadcast_in_dim3A_831 : f32 to vector<16xf32>
    %swap3A_833 = arith.constant 104 : i32
    %swap3A_834 = arith.index_cast %swap3A_833 : i32 to index
    %swap3A_835 = arith.constant 0 : index
    %swap3A_836 = tpu.vector_load %arg7[%swap3A_834, %swap3A_835] {strides = array<i32>} : memref<128x16xf32, #tpu.memory_space<vmem>>, vector<1x16xf32>,
    %swap3A_837 = vector.shape_cast %swap3A_836 : vector<1x16xf32> to vector<16xf32>
    %swap3A_838 = vector.shape_cast %broadcast_in_dim3A_832 : vector<16xf32> to vector<1x16xf32>
    tpu.vector_store %arg7[%swap3A_834, %swap3A_835], %swap3A_838 {strides = array<i32>} : memref<128x16xf32, #tpu.memory_space<vmem>>, vector<1x16xf32>,
    %broadcast_in_dim3A_839 = arith.constant 0.000000e+00 : f32
    %broadcast_in_dim3A_840 = vector.broadcast %broadcast_in_dim3A_839 : f32 to vector<16xf32>
    %swap3A_841 = arith.constant 105 : i32
    %swap3A_842 = arith.index_cast %swap3A_841 : i32 to index
    %swap3A_843 = arith.constant 0 : index
    %swap3A_844 = tpu.vector_load %arg7[%swap3A_842, %swap3A_843] {strides = array<i32>} : memref<128x16xf32, #tpu.memory_space<vmem>>, vector<1x16xf32>,
    %swap3A_845 = vector.shape_cast %swap3A_844 : vector<1x16xf32> to vector<16xf32>
    %swap3A_846 = vector.shape_cast %broadcast_in_dim3A_840 : vector<16xf32> to vector<1x16xf32>
    tpu.vector_store %arg7[%swap3A_842, %swap3A_843], %swap3A_846 {strides = array<i32>} : memref<128x16xf32, #tpu.memory_space<vmem>>, vector<1x16xf32>,
    %broadcast_in_dim3A_847 = arith.constant 0.000000e+00 : f32
    %broadcast_in_dim3A_848 = vector.broadcast %broadcast_in_dim3A_847 : f32 to vector<16xf32>
    %swap3A_849 = arith.constant 106 : i32
    %swap3A_850 = arith.index_cast %swap3A_849 : i32 to index
    %swap3A_851 = arith.constant 0 : index
    %swap3A_852 = tpu.vector_load %arg7[%swap3A_850, %swap3A_851] {strides = array<i32>} : memref<128x16xf32, #tpu.memory_space<vmem>>, vector<1x16xf32>,
    %swap3A_853 = vector.shape_cast %swap3A_852 : vector<1x16xf32> to vector<16xf32>
    %swap3A_854 = vector.shape_cast %broadcast_in_dim3A_848 : vector<16xf32> to vector<1x16xf32>
    tpu.vector_store %arg7[%swap3A_850, %swap3A_851], %swap3A_854 {strides = array<i32>} : memref<128x16xf32, #tpu.memory_space<vmem>>, vector<1x16xf32>,
    %broadcast_in_dim3A_855 = arith.constant 0.000000e+00 : f32
    %broadcast_in_dim3A_856 = vector.broadcast %broadcast_in_dim3A_855 : f32 to vector<16xf32>
    %swap3A_857 = arith.constant 107 : i32
    %swap3A_858 = arith.index_cast %swap3A_857 : i32 to index
    %swap3A_859 = arith.constant 0 : index
    %swap3A_860 = tpu.vector_load %arg7[%swap3A_858, %swap3A_859] {strides = array<i32>} : memref<128x16xf32, #tpu.memory_space<vmem>>, vector<1x16xf32>,
    %swap3A_861 = vector.shape_cast %swap3A_860 : vector<1x16xf32> to vector<16xf32>
    %swap3A_862 = vector.shape_cast %broadcast_in_dim3A_856 : vector<16xf32> to vector<1x16xf32>
    tpu.vector_store %arg7[%swap3A_858, %swap3A_859], %swap3A_862 {strides = array<i32>} : memref<128x16xf32, #tpu.memory_space<vmem>>, vector<1x16xf32>,
    %broadcast_in_dim3A_863 = arith.constant 0.000000e+00 : f32
    %broadcast_in_dim3A_864 = vector.broadcast %broadcast_in_dim3A_863 : f32 to vector<16xf32>
    %swap3A_865 = arith.constant 108 : i32
    %swap3A_866 = arith.index_cast %swap3A_865 : i32 to index
    %swap3A_867 = arith.constant 0 : index
    %swap3A_868 = tpu.vector_load %arg7[%swap3A_866, %swap3A_867] {strides = array<i32>} : memref<128x16xf32, #tpu.memory_space<vmem>>, vector<1x16xf32>,
    %swap3A_869 = vector.shape_cast %swap3A_868 : vector<1x16xf32> to vector<16xf32>
    %swap3A_870 = vector.shape_cast %broadcast_in_dim3A_864 : vector<16xf32> to vector<1x16xf32>
    tpu.vector_store %arg7[%swap3A_866, %swap3A_867], %swap3A_870 {strides = array<i32>} : memref<128x16xf32, #tpu.memory_space<vmem>>, vector<1x16xf32>,
    %broadcast_in_dim3A_871 = arith.constant 0.000000e+00 : f32
    %broadcast_in_dim3A_872 = vector.broadcast %broadcast_in_dim3A_871 : f32 to vector<16xf32>
    %swap3A_873 = arith.constant 109 : i32
    %swap3A_874 = arith.index_cast %swap3A_873 : i32 to index
    %swap3A_875 = arith.constant 0 : index
    %swap3A_876 = tpu.vector_load %arg7[%swap3A_874, %swap3A_875] {strides = array<i32>} : memref<128x16xf32, #tpu.memory_space<vmem>>, vector<1x16xf32>,
    %swap3A_877 = vector.shape_cast %swap3A_876 : vector<1x16xf32> to vector<16xf32>
    %swap3A_878 = vector.shape_cast %broadcast_in_dim3A_872 : vector<16xf32> to vector<1x16xf32>
    tpu.vector_store %arg7[%swap3A_874, %swap3A_875], %swap3A_878 {strides = array<i32>} : memref<128x16xf32, #tpu.memory_space<vmem>>, vector<1x16xf32>,
    %broadcast_in_dim3A_879 = arith.constant 0.000000e+00 : f32
    %broadcast_in_dim3A_880 = vector.broadcast %broadcast_in_dim3A_879 : f32 to vector<16xf32>
    %swap3A_881 = arith.constant 110 : i32
    %swap3A_882 = arith.index_cast %swap3A_881 : i32 to index
    %swap3A_883 = arith.constant 0 : index
    %swap3A_884 = tpu.vector_load %arg7[%swap3A_882, %swap3A_883] {strides = array<i32>} : memref<128x16xf32, #tpu.memory_space<vmem>>, vector<1x16xf32>,
    %swap3A_885 = vector.shape_cast %swap3A_884 : vector<1x16xf32> to vector<16xf32>
    %swap3A_886 = vector.shape_cast %broadcast_in_dim3A_880 : vector<16xf32> to vector<1x16xf32>
    tpu.vector_store %arg7[%swap3A_882, %swap3A_883], %swap3A_886 {strides = array<i32>} : memref<128x16xf32, #tpu.memory_space<vmem>>, vector<1x16xf32>,
    %broadcast_in_dim3A_887 = arith.constant 0.000000e+00 : f32
    %broadcast_in_dim3A_888 = vector.broadcast %broadcast_in_dim3A_887 : f32 to vector<16xf32>
    %swap3A_889 = arith.constant 111 : i32
    %swap3A_890 = arith.index_cast %swap3A_889 : i32 to index
    %swap3A_891 = arith.constant 0 : index
    %swap3A_892 = tpu.vector_load %arg7[%swap3A_890, %swap3A_891] {strides = array<i32>} : memref<128x16xf32, #tpu.memory_space<vmem>>, vector<1x16xf32>,
    %swap3A_893 = vector.shape_cast %swap3A_892 : vector<1x16xf32> to vector<16xf32>
    %swap3A_894 = vector.shape_cast %broadcast_in_dim3A_888 : vector<16xf32> to vector<1x16xf32>
    tpu.vector_store %arg7[%swap3A_890, %swap3A_891], %swap3A_894 {strides = array<i32>} : memref<128x16xf32, #tpu.memory_space<vmem>>, vector<1x16xf32>,
    %broadcast_in_dim3A_895 = arith.constant 0.000000e+00 : f32
    %broadcast_in_dim3A_896 = vector.broadcast %broadcast_in_dim3A_895 : f32 to vector<16xf32>
    %swap3A_897 = arith.constant 112 : i32
    %swap3A_898 = arith.index_cast %swap3A_897 : i32 to index
    %swap3A_899 = arith.constant 0 : index
    %swap3A_900 = tpu.vector_load %arg7[%swap3A_898, %swap3A_899] {strides = array<i32>} : memref<128x16xf32, #tpu.memory_space<vmem>>, vector<1x16xf32>,
    %swap3A_901 = vector.shape_cast %swap3A_900 : vector<1x16xf32> to vector<16xf32>
    %swap3A_902 = vector.shape_cast %broadcast_in_dim3A_896 : vector<16xf32> to vector<1x16xf32>
    tpu.vector_store %arg7[%swap3A_898, %swap3A_899], %swap3A_902 {strides = array<i32>} : memref<128x16xf32, #tpu.memory_space<vmem>>, vector<1x16xf32>,
    %broadcast_in_dim3A_903 = arith.constant 0.000000e+00 : f32
    %broadcast_in_dim3A_904 = vector.broadcast %broadcast_in_dim3A_903 : f32 to vector<16xf32>
    %swap3A_905 = arith.constant 113 : i32
    %swap3A_906 = arith.index_cast %swap3A_905 : i32 to index
    %swap3A_907 = arith.constant 0 : index
    %swap3A_908 = tpu.vector_load %arg7[%swap3A_906, %swap3A_907] {strides = array<i32>} : memref<128x16xf32, #tpu.memory_space<vmem>>, vector<1x16xf32>,
    %swap3A_909 = vector.shape_cast %swap3A_908 : vector<1x16xf32> to vector<16xf32>
    %swap3A_910 = vector.shape_cast %broadcast_in_dim3A_904 : vector<16xf32> to vector<1x16xf32>
    tpu.vector_store %arg7[%swap3A_906, %swap3A_907], %swap3A_910 {strides = array<i32>} : memref<128x16xf32, #tpu.memory_space<vmem>>, vector<1x16xf32>,
    %broadcast_in_dim3A_911 = arith.constant 0.000000e+00 : f32
    %broadcast_in_dim3A_912 = vector.broadcast %broadcast_in_dim3A_911 : f32 to vector<16xf32>
    %swap3A_913 = arith.constant 114 : i32
    %swap3A_914 = arith.index_cast %swap3A_913 : i32 to index
    %swap3A_915 = arith.constant 0 : index
    %swap3A_916 = tpu.vector_load %arg7[%swap3A_914, %swap3A_915] {strides = array<i32>} : memref<128x16xf32, #tpu.memory_space<vmem>>, vector<1x16xf32>,
    %swap3A_917 = vector.shape_cast %swap3A_916 : vector<1x16xf32> to vector<16xf32>
    %swap3A_918 = vector.shape_cast %broadcast_in_dim3A_912 : vector<16xf32> to vector<1x16xf32>
    tpu.vector_store %arg7[%swap3A_914, %swap3A_915], %swap3A_918 {strides = array<i32>} : memref<128x16xf32, #tpu.memory_space<vmem>>, vector<1x16xf32>,
    %broadcast_in_dim3A_919 = arith.constant 0.000000e+00 : f32
    %broadcast_in_dim3A_920 = vector.broadcast %broadcast_in_dim3A_919 : f32 to vector<16xf32>
    %swap3A_921 = arith.constant 115 : i32
    %swap3A_922 = arith.index_cast %swap3A_921 : i32 to index
    %swap3A_923 = arith.constant 0 : index
    %swap3A_924 = tpu.vector_load %arg7[%swap3A_922, %swap3A_923] {strides = array<i32>} : memref<128x16xf32, #tpu.memory_space<vmem>>, vector<1x16xf32>,
    %swap3A_925 = vector.shape_cast %swap3A_924 : vector<1x16xf32> to vector<16xf32>
    %swap3A_926 = vector.shape_cast %broadcast_in_dim3A_920 : vector<16xf32> to vector<1x16xf32>
    tpu.vector_store %arg7[%swap3A_922, %swap3A_923], %swap3A_926 {strides = array<i32>} : memref<128x16xf32, #tpu.memory_space<vmem>>, vector<1x16xf32>,
    %broadcast_in_dim3A_927 = arith.constant 0.000000e+00 : f32
    %broadcast_in_dim3A_928 = vector.broadcast %broadcast_in_dim3A_927 : f32 to vector<16xf32>
    %swap3A_929 = arith.constant 116 : i32
    %swap3A_930 = arith.index_cast %swap3A_929 : i32 to index
    %swap3A_931 = arith.constant 0 : index
    %swap3A_932 = tpu.vector_load %arg7[%swap3A_930, %swap3A_931] {strides = array<i32>} : memref<128x16xf32, #tpu.memory_space<vmem>>, vector<1x16xf32>,
    %swap3A_933 = vector.shape_cast %swap3A_932 : vector<1x16xf32> to vector<16xf32>
    %swap3A_934 = vector.shape_cast %broadcast_in_dim3A_928 : vector<16xf32> to vector<1x16xf32>
    tpu.vector_store %arg7[%swap3A_930, %swap3A_931], %swap3A_934 {strides = array<i32>} : memref<128x16xf32, #tpu.memory_space<vmem>>, vector<1x16xf32>,
    %broadcast_in_dim3A_935 = arith.constant 0.000000e+00 : f32
    %broadcast_in_dim3A_936 = vector.broadcast %broadcast_in_dim3A_935 : f32 to vector<16xf32>
    %swap3A_937 = arith.constant 117 : i32
    %swap3A_938 = arith.index_cast %swap3A_937 : i32 to index
    %swap3A_939 = arith.constant 0 : index
    %swap3A_940 = tpu.vector_load %arg7[%swap3A_938, %swap3A_939] {strides = array<i32>} : memref<128x16xf32, #tpu.memory_space<vmem>>, vector<1x16xf32>,
    %swap3A_941 = vector.shape_cast %swap3A_940 : vector<1x16xf32> to vector<16xf32>
    %swap3A_942 = vector.shape_cast %broadcast_in_dim3A_936 : vector<16xf32> to vector<1x16xf32>
    tpu.vector_store %arg7[%swap3A_938, %swap3A_939], %swap3A_942 {strides = array<i32>} : memref<128x16xf32, #tpu.memory_space<vmem>>, vector<1x16xf32>,
    %broadcast_in_dim3A_943 = arith.constant 0.000000e+00 : f32
    %broadcast_in_dim3A_944 = vector.broadcast %broadcast_in_dim3A_943 : f32 to vector<16xf32>
    %swap3A_945 = arith.constant 118 : i32
    %swap3A_946 = arith.index_cast %swap3A_945 : i32 to index
    %swap3A_947 = arith.constant 0 : index
    %swap3A_948 = tpu.vector_load %arg7[%swap3A_946, %swap3A_947] {strides = array<i32>} : memref<128x16xf32, #tpu.memory_space<vmem>>, vector<1x16xf32>,
    %swap3A_949 = vector.shape_cast %swap3A_948 : vector<1x16xf32> to vector<16xf32>
    %swap3A_950 = vector.shape_cast %broadcast_in_dim3A_944 : vector<16xf32> to vector<1x16xf32>
    tpu.vector_store %arg7[%swap3A_946, %swap3A_947], %swap3A_950 {strides = array<i32>} : memref<128x16xf32, #tpu.memory_space<vmem>>, vector<1x16xf32>,
    %broadcast_in_dim3A_951 = arith.constant 0.000000e+00 : f32
    %broadcast_in_dim3A_952 = vector.broadcast %broadcast_in_dim3A_951 : f32 to vector<16xf32>
    %swap3A_953 = arith.constant 119 : i32
    %swap3A_954 = arith.index_cast %swap3A_953 : i32 to index
    %swap3A_955 = arith.constant 0 : index
    %swap3A_956 = tpu.vector_load %arg7[%swap3A_954, %swap3A_955] {strides = array<i32>} : memref<128x16xf32, #tpu.memory_space<vmem>>, vector<1x16xf32>,
    %swap3A_957 = vector.shape_cast %swap3A_956 : vector<1x16xf32> to vector<16xf32>
    %swap3A_958 = vector.shape_cast %broadcast_in_dim3A_952 : vector<16xf32> to vector<1x16xf32>
    tpu.vector_store %arg7[%swap3A_954, %swap3A_955], %swap3A_958 {strides = array<i32>} : memref<128x16xf32, #tpu.memory_space<vmem>>, vector<1x16xf32>,
    %broadcast_in_dim3A_959 = arith.constant 0.000000e+00 : f32
    %broadcast_in_dim3A_960 = vector.broadcast %broadcast_in_dim3A_959 : f32 to vector<16xf32>
    %swap3A_961 = arith.constant 120 : i32
    %swap3A_962 = arith.index_cast %swap3A_961 : i32 to index
    %swap3A_963 = arith.constant 0 : index
    %swap3A_964 = tpu.vector_load %arg7[%swap3A_962, %swap3A_963] {strides = array<i32>} : memref<128x16xf32, #tpu.memory_space<vmem>>, vector<1x16xf32>,
    %swap3A_965 = vector.shape_cast %swap3A_964 : vector<1x16xf32> to vector<16xf32>
    %swap3A_966 = vector.shape_cast %broadcast_in_dim3A_960 : vector<16xf32> to vector<1x16xf32>
    tpu.vector_store %arg7[%swap3A_962, %swap3A_963], %swap3A_966 {strides = array<i32>} : memref<128x16xf32, #tpu.memory_space<vmem>>, vector<1x16xf32>,
    %broadcast_in_dim3A_967 = arith.constant 0.000000e+00 : f32
    %broadcast_in_dim3A_968 = vector.broadcast %broadcast_in_dim3A_967 : f32 to vector<16xf32>
    %swap3A_969 = arith.constant 121 : i32
    %swap3A_970 = arith.index_cast %swap3A_969 : i32 to index
    %swap3A_971 = arith.constant 0 : index
    %swap3A_972 = tpu.vector_load %arg7[%swap3A_970, %swap3A_971] {strides = array<i32>} : memref<128x16xf32, #tpu.memory_space<vmem>>, vector<1x16xf32>,
    %swap3A_973 = vector.shape_cast %swap3A_972 : vector<1x16xf32> to vector<16xf32>
    %swap3A_974 = vector.shape_cast %broadcast_in_dim3A_968 : vector<16xf32> to vector<1x16xf32>
    tpu.vector_store %arg7[%swap3A_970, %swap3A_971], %swap3A_974 {strides = array<i32>} : memref<128x16xf32, #tpu.memory_space<vmem>>, vector<1x16xf32>,
    %broadcast_in_dim3A_975 = arith.constant 0.000000e+00 : f32
    %broadcast_in_dim3A_976 = vector.broadcast %broadcast_in_dim3A_975 : f32 to vector<16xf32>
    %swap3A_977 = arith.constant 122 : i32
    %swap3A_978 = arith.index_cast %swap3A_977 : i32 to index
    %swap3A_979 = arith.constant 0 : index
    %swap3A_980 = tpu.vector_load %arg7[%swap3A_978, %swap3A_979] {strides = array<i32>} : memref<128x16xf32, #tpu.memory_space<vmem>>, vector<1x16xf32>,
    %swap3A_981 = vector.shape_cast %swap3A_980 : vector<1x16xf32> to vector<16xf32>
    %swap3A_982 = vector.shape_cast %broadcast_in_dim3A_976 : vector<16xf32> to vector<1x16xf32>
    tpu.vector_store %arg7[%swap3A_978, %swap3A_979], %swap3A_982 {strides = array<i32>} : memref<128x16xf32, #tpu.memory_space<vmem>>, vector<1x16xf32>,
    %broadcast_in_dim3A_983 = arith.constant 0.000000e+00 : f32
    %broadcast_in_dim3A_984 = vector.broadcast %broadcast_in_dim3A_983 : f32 to vector<16xf32>
    %swap3A_985 = arith.constant 123 : i32
    %swap3A_986 = arith.index_cast %swap3A_985 : i32 to index
    %swap3A_987 = arith.constant 0 : index
    %swap3A_988 = tpu.vector_load %arg7[%swap3A_986, %swap3A_987] {strides = array<i32>} : memref<128x16xf32, #tpu.memory_space<vmem>>, vector<1x16xf32>,
    %swap3A_989 = vector.shape_cast %swap3A_988 : vector<1x16xf32> to vector<16xf32>
    %swap3A_990 = vector.shape_cast %broadcast_in_dim3A_984 : vector<16xf32> to vector<1x16xf32>
    tpu.vector_store %arg7[%swap3A_986, %swap3A_987], %swap3A_990 {strides = array<i32>} : memref<128x16xf32, #tpu.memory_space<vmem>>, vector<1x16xf32>,
    %broadcast_in_dim3A_991 = arith.constant 0.000000e+00 : f32
    %broadcast_in_dim3A_992 = vector.broadcast %broadcast_in_dim3A_991 : f32 to vector<16xf32>
    %swap3A_993 = arith.constant 124 : i32
    %swap3A_994 = arith.index_cast %swap3A_993 : i32 to index
    %swap3A_995 = arith.constant 0 : index
    %swap3A_996 = tpu.vector_load %arg7[%swap3A_994, %swap3A_995] {strides = array<i32>} : memref<128x16xf32, #tpu.memory_space<vmem>>, vector<1x16xf32>,
    %swap3A_997 = vector.shape_cast %swap3A_996 : vector<1x16xf32> to vector<16xf32>
    %swap3A_998 = vector.shape_cast %broadcast_in_dim3A_992 : vector<16xf32> to vector<1x16xf32>
    tpu.vector_store %arg7[%swap3A_994, %swap3A_995], %swap3A_998 {strides = array<i32>} : memref<128x16xf32, #tpu.memory_space<vmem>>, vector<1x16xf32>,
    %broadcast_in_dim3A_999 = arith.constant 0.000000e+00 : f32
    %broadcast_in_dim3A_1000 = vector.broadcast %broadcast_in_dim3A_999 : f32 to vector<16xf32>
    %swap3A_1001 = arith.constant 125 : i32
    %swap3A_1002 = arith.index_cast %swap3A_1001 : i32 to index
    %swap3A_1003 = arith.constant 0 : index
    %swap3A_1004 = tpu.vector_load %arg7[%swap3A_1002, %swap3A_1003] {strides = array<i32>} : memref<128x16xf32, #tpu.memory_space<vmem>>, vector<1x16xf32>,
    %swap3A_1005 = vector.shape_cast %swap3A_1004 : vector<1x16xf32> to vector<16xf32>
    %swap3A_1006 = vector.shape_cast %broadcast_in_dim3A_1000 : vector<16xf32> to vector<1x16xf32>
    tpu.vector_store %arg7[%swap3A_1002, %swap3A_1003], %swap3A_1006 {strides = array<i32>} : memref<128x16xf32, #tpu.memory_space<vmem>>, vector<1x16xf32>,
    %broadcast_in_dim3A_1007 = arith.constant 0.000000e+00 : f32
    %broadcast_in_dim3A_1008 = vector.broadcast %broadcast_in_dim3A_1007 : f32 to vector<16xf32>
    %swap3A_1009 = arith.constant 126 : i32
    %swap3A_1010 = arith.index_cast %swap3A_1009 : i32 to index
    %swap3A_1011 = arith.constant 0 : index
    %swap3A_1012 = tpu.vector_load %arg7[%swap3A_1010, %swap3A_1011] {strides = array<i32>} : memref<128x16xf32, #tpu.memory_space<vmem>>, vector<1x16xf32>,
    %swap3A_1013 = vector.shape_cast %swap3A_1012 : vector<1x16xf32> to vector<16xf32>
    %swap3A_1014 = vector.shape_cast %broadcast_in_dim3A_1008 : vector<16xf32> to vector<1x16xf32>
    tpu.vector_store %arg7[%swap3A_1010, %swap3A_1011], %swap3A_1014 {strides = array<i32>} : memref<128x16xf32, #tpu.memory_space<vmem>>, vector<1x16xf32>,
    %broadcast_in_dim3A_1015 = arith.constant 0.000000e+00 : f32
    %broadcast_in_dim3A_1016 = vector.broadcast %broadcast_in_dim3A_1015 : f32 to vector<16xf32>
    %swap3A_1017 = arith.constant 127 : i32
    %swap3A_1018 = arith.index_cast %swap3A_1017 : i32 to index
    %swap3A_1019 = arith.constant 0 : index
    %swap3A_1020 = tpu.vector_load %arg7[%swap3A_1018, %swap3A_1019] {strides = array<i32>} : memref<128x16xf32, #tpu.memory_space<vmem>>, vector<1x16xf32>,
    %swap3A_1021 = vector.shape_cast %swap3A_1020 : vector<1x16xf32> to vector<16xf32>
    %swap3A_1022 = vector.shape_cast %broadcast_in_dim3A_1016 : vector<16xf32> to vector<1x16xf32>
    tpu.vector_store %arg7[%swap3A_1018, %swap3A_1019], %swap3A_1022 {strides = array<i32>} : memref<128x16xf32, #tpu.memory_space<vmem>>, vector<1x16xf32>,
    %mul3A_1023 = arith.constant 3328 : i32
    %mul3A_1024 = arith.muli %arg1, %mul3A_1023 : i32
    %add3A_1025 = arith.constant 0 : i32
    %add3A_1026 = arith.addi %mul3A_1024, %add3A_1025 : i32
    "tpu.region"() ({
      %run_scoped3A_1234 = tpu.sem_alloc : memref<!tpu.dma_semaphore, #tpu.memory_space<semaphore_mem>>
      %dma_start3A_1235 = arith.constant 0 : i32
      %dma_start3A_1236 = tpu.memref_slice %arg14[%add3A_1026, %dma_start3A_1235] : memref<53248x16xf32, #tpu.memory_space<vmem_shared>> -> memref<128x16xf32, #tpu.memory_space<vmem_shared>>
      %dma_start3A_1237 = arith.constant 0 : i32
      %dma_start3A_1238 = tpu.memref_slice %arg14[%add3A_1026, %dma_start3A_1237] : memref<53248x16xf32, #tpu.memory_space<vmem_shared>> -> memref<128x16xf32, #tpu.memory_space<vmem_shared>>
      tpu.enqueue_dma source(%arg7 : memref<128x16xf32, #tpu.memory_space<vmem>>) target(%dma_start3A_1238 : memref<128x16xf32, #tpu.memory_space<vmem_shared>>) target_semaphore(%run_scoped3A_1234 : memref<!tpu.dma_semaphore, #tpu.memory_space<semaphore_mem>>)
      %dma_wait3A_1239 = arith.constant 0 : i32
      %dma_wait3A_1240 = tpu.memref_slice %arg14[%add3A_1026, %dma_wait3A_1239] : memref<53248x16xf32, #tpu.memory_space<vmem_shared>> -> memref<128x16xf32, #tpu.memory_space<vmem_shared>>
      %dma_wait3A_1241 = arith.constant 0 : i32
      %dma_wait3A_1242 = tpu.memref_slice %arg14[%add3A_1026, %dma_wait3A_1241] : memref<53248x16xf32, #tpu.memory_space<vmem_shared>> -> memref<128x16xf32, #tpu.memory_space<vmem_shared>>
      tpu.wait_dma2 semaphore(%run_scoped3A_1234 : memref<!tpu.dma_semaphore, #tpu.memory_space<semaphore_mem>>) src(%arg7 : memref<128x16xf32, #tpu.memory_space<vmem>>) dst(%dma_wait3A_1242 : memref<128x16xf32, #tpu.memory_space<vmem_shared>>)
      tpu.yield
    }) : () -> ()
    %mul3A_1027 = arith.constant 3328 : i32
    %mul3A_1028 = arith.muli %arg1, %mul3A_1027 : i32
    %add3A_1029 = arith.constant 128 : i32
    %add3A_1030 = arith.addi %mul3A_1028, %add3A_1029 : i32
    "tpu.region"() ({
      %run_scoped3A_1234 = tpu.sem_alloc : memref<!tpu.dma_semaphore, #tpu.memory_space<semaphore_mem>>
      %dma_start3A_1235 = arith.constant 0 : i32
      %dma_start3A_1236 = tpu.memref_slice %arg14[%add3A_1030, %dma_start3A_1235] : memref<53248x16xf32, #tpu.memory_space<vmem_shared>> -> memref<128x16xf32, #tpu.memory_space<vmem_shared>>
      %dma_start3A_1237 = arith.constant 0 : i32
      %dma_start3A_1238 = tpu.memref_slice %arg14[%add3A_1030, %dma_start3A_1237] : memref<53248x16xf32, #tpu.memory_space<vmem_shared>> -> memref<128x16xf32, #tpu.memory_space<vmem_shared>>
      tpu.enqueue_dma source(%arg7 : memref<128x16xf32, #tpu.memory_space<vmem>>) target(%dma_start3A_1238 : memref<128x16xf32, #tpu.memory_space<vmem_shared>>) target_semaphore(%run_scoped3A_1234 : memref<!tpu.dma_semaphore, #tpu.memory_space<semaphore_mem>>)
      %dma_wait3A_1239 = arith.constant 0 : i32
      %dma_wait3A_1240 = tpu.memref_slice %arg14[%add3A_1030, %dma_wait3A_1239] : memref<53248x16xf32, #tpu.memory_space<vmem_shared>> -> memref<128x16xf32, #tpu.memory_space<vmem_shared>>
      %dma_wait3A_1241 = arith.constant 0 : i32
      %dma_wait3A_1242 = tpu.memref_slice %arg14[%add3A_1030, %dma_wait3A_1241] : memref<53248x16xf32, #tpu.memory_space<vmem_shared>> -> memref<128x16xf32, #tpu.memory_space<vmem_shared>>
      tpu.wait_dma2 semaphore(%run_scoped3A_1234 : memref<!tpu.dma_semaphore, #tpu.memory_space<semaphore_mem>>) src(%arg7 : memref<128x16xf32, #tpu.memory_space<vmem>>) dst(%dma_wait3A_1242 : memref<128x16xf32, #tpu.memory_space<vmem_shared>>)
      tpu.yield
    }) : () -> ()
    %mul3A_1031 = arith.constant 3328 : i32
    %mul3A_1032 = arith.muli %arg1, %mul3A_1031 : i32
    %add3A_1033 = arith.constant 256 : i32
    %add3A_1034 = arith.addi %mul3A_1032, %add3A_1033 : i32
    "tpu.region"() ({
      %run_scoped3A_1234 = tpu.sem_alloc : memref<!tpu.dma_semaphore, #tpu.memory_space<semaphore_mem>>
      %dma_start3A_1235 = arith.constant 0 : i32
      %dma_start3A_1236 = tpu.memref_slice %arg14[%add3A_1034, %dma_start3A_1235] : memref<53248x16xf32, #tpu.memory_space<vmem_shared>> -> memref<128x16xf32, #tpu.memory_space<vmem_shared>>
      %dma_start3A_1237 = arith.constant 0 : i32
      %dma_start3A_1238 = tpu.memref_slice %arg14[%add3A_1034, %dma_start3A_1237] : memref<53248x16xf32, #tpu.memory_space<vmem_shared>> -> memref<128x16xf32, #tpu.memory_space<vmem_shared>>
      tpu.enqueue_dma source(%arg7 : memref<128x16xf32, #tpu.memory_space<vmem>>) target(%dma_start3A_1238 : memref<128x16xf32, #tpu.memory_space<vmem_shared>>) target_semaphore(%run_scoped3A_1234 : memref<!tpu.dma_semaphore, #tpu.memory_space<semaphore_mem>>)
      %dma_wait3A_1239 = arith.constant 0 : i32
      %dma_wait3A_1240 = tpu.memref_slice %arg14[%add3A_1034, %dma_wait3A_1239] : memref<53248x16xf32, #tpu.memory_space<vmem_shared>> -> memref<128x16xf32, #tpu.memory_space<vmem_shared>>
      %dma_wait3A_1241 = arith.constant 0 : i32
      %dma_wait3A_1242 = tpu.memref_slice %arg14[%add3A_1034, %dma_wait3A_1241] : memref<53248x16xf32, #tpu.memory_space<vmem_shared>> -> memref<128x16xf32, #tpu.memory_space<vmem_shared>>
      tpu.wait_dma2 semaphore(%run_scoped3A_1234 : memref<!tpu.dma_semaphore, #tpu.memory_space<semaphore_mem>>) src(%arg7 : memref<128x16xf32, #tpu.memory_space<vmem>>) dst(%dma_wait3A_1242 : memref<128x16xf32, #tpu.memory_space<vmem_shared>>)
      tpu.yield
    }) : () -> ()
    %mul3A_1035 = arith.constant 3328 : i32
    %mul3A_1036 = arith.muli %arg1, %mul3A_1035 : i32
    %add3A_1037 = arith.constant 384 : i32
    %add3A_1038 = arith.addi %mul3A_1036, %add3A_1037 : i32
    "tpu.region"() ({
      %run_scoped3A_1234 = tpu.sem_alloc : memref<!tpu.dma_semaphore, #tpu.memory_space<semaphore_mem>>
      %dma_start3A_1235 = arith.constant 0 : i32
      %dma_start3A_1236 = tpu.memref_slice %arg14[%add3A_1038, %dma_start3A_1235] : memref<53248x16xf32, #tpu.memory_space<vmem_shared>> -> memref<128x16xf32, #tpu.memory_space<vmem_shared>>
      %dma_start3A_1237 = arith.constant 0 : i32
      %dma_start3A_1238 = tpu.memref_slice %arg14[%add3A_1038, %dma_start3A_1237] : memref<53248x16xf32, #tpu.memory_space<vmem_shared>> -> memref<128x16xf32, #tpu.memory_space<vmem_shared>>
      tpu.enqueue_dma source(%arg7 : memref<128x16xf32, #tpu.memory_space<vmem>>) target(%dma_start3A_1238 : memref<128x16xf32, #tpu.memory_space<vmem_shared>>) target_semaphore(%run_scoped3A_1234 : memref<!tpu.dma_semaphore, #tpu.memory_space<semaphore_mem>>)
      %dma_wait3A_1239 = arith.constant 0 : i32
      %dma_wait3A_1240 = tpu.memref_slice %arg14[%add3A_1038, %dma_wait3A_1239] : memref<53248x16xf32, #tpu.memory_space<vmem_shared>> -> memref<128x16xf32, #tpu.memory_space<vmem_shared>>
      %dma_wait3A_1241 = arith.constant 0 : i32
      %dma_wait3A_1242 = tpu.memref_slice %arg14[%add3A_1038, %dma_wait3A_1241] : memref<53248x16xf32, #tpu.memory_space<vmem_shared>> -> memref<128x16xf32, #tpu.memory_space<vmem_shared>>
      tpu.wait_dma2 semaphore(%run_scoped3A_1234 : memref<!tpu.dma_semaphore, #tpu.memory_space<semaphore_mem>>) src(%arg7 : memref<128x16xf32, #tpu.memory_space<vmem>>) dst(%dma_wait3A_1242 : memref<128x16xf32, #tpu.memory_space<vmem_shared>>)
      tpu.yield
    }) : () -> ()
    %mul3A_1039 = arith.constant 3328 : i32
    %mul3A_1040 = arith.muli %arg1, %mul3A_1039 : i32
    %add3A_1041 = arith.constant 512 : i32
    %add3A_1042 = arith.addi %mul3A_1040, %add3A_1041 : i32
    "tpu.region"() ({
      %run_scoped3A_1234 = tpu.sem_alloc : memref<!tpu.dma_semaphore, #tpu.memory_space<semaphore_mem>>
      %dma_start3A_1235 = arith.constant 0 : i32
      %dma_start3A_1236 = tpu.memref_slice %arg14[%add3A_1042, %dma_start3A_1235] : memref<53248x16xf32, #tpu.memory_space<vmem_shared>> -> memref<128x16xf32, #tpu.memory_space<vmem_shared>>
      %dma_start3A_1237 = arith.constant 0 : i32
      %dma_start3A_1238 = tpu.memref_slice %arg14[%add3A_1042, %dma_start3A_1237] : memref<53248x16xf32, #tpu.memory_space<vmem_shared>> -> memref<128x16xf32, #tpu.memory_space<vmem_shared>>
      tpu.enqueue_dma source(%arg7 : memref<128x16xf32, #tpu.memory_space<vmem>>) target(%dma_start3A_1238 : memref<128x16xf32, #tpu.memory_space<vmem_shared>>) target_semaphore(%run_scoped3A_1234 : memref<!tpu.dma_semaphore, #tpu.memory_space<semaphore_mem>>)
      %dma_wait3A_1239 = arith.constant 0 : i32
      %dma_wait3A_1240 = tpu.memref_slice %arg14[%add3A_1042, %dma_wait3A_1239] : memref<53248x16xf32, #tpu.memory_space<vmem_shared>> -> memref<128x16xf32, #tpu.memory_space<vmem_shared>>
      %dma_wait3A_1241 = arith.constant 0 : i32
      %dma_wait3A_1242 = tpu.memref_slice %arg14[%add3A_1042, %dma_wait3A_1241] : memref<53248x16xf32, #tpu.memory_space<vmem_shared>> -> memref<128x16xf32, #tpu.memory_space<vmem_shared>>
      tpu.wait_dma2 semaphore(%run_scoped3A_1234 : memref<!tpu.dma_semaphore, #tpu.memory_space<semaphore_mem>>) src(%arg7 : memref<128x16xf32, #tpu.memory_space<vmem>>) dst(%dma_wait3A_1242 : memref<128x16xf32, #tpu.memory_space<vmem_shared>>)
      tpu.yield
    }) : () -> ()
    %mul3A_1043 = arith.constant 3328 : i32
    %mul3A_1044 = arith.muli %arg1, %mul3A_1043 : i32
    %add3A_1045 = arith.constant 640 : i32
    %add3A_1046 = arith.addi %mul3A_1044, %add3A_1045 : i32
    "tpu.region"() ({
      %run_scoped3A_1234 = tpu.sem_alloc : memref<!tpu.dma_semaphore, #tpu.memory_space<semaphore_mem>>
      %dma_start3A_1235 = arith.constant 0 : i32
      %dma_start3A_1236 = tpu.memref_slice %arg14[%add3A_1046, %dma_start3A_1235] : memref<53248x16xf32, #tpu.memory_space<vmem_shared>> -> memref<128x16xf32, #tpu.memory_space<vmem_shared>>
      %dma_start3A_1237 = arith.constant 0 : i32
      %dma_start3A_1238 = tpu.memref_slice %arg14[%add3A_1046, %dma_start3A_1237] : memref<53248x16xf32, #tpu.memory_space<vmem_shared>> -> memref<128x16xf32, #tpu.memory_space<vmem_shared>>
      tpu.enqueue_dma source(%arg7 : memref<128x16xf32, #tpu.memory_space<vmem>>) target(%dma_start3A_1238 : memref<128x16xf32, #tpu.memory_space<vmem_shared>>) target_semaphore(%run_scoped3A_1234 : memref<!tpu.dma_semaphore, #tpu.memory_space<semaphore_mem>>)
      %dma_wait3A_1239 = arith.constant 0 : i32
      %dma_wait3A_1240 = tpu.memref_slice %arg14[%add3A_1046, %dma_wait3A_1239] : memref<53248x16xf32, #tpu.memory_space<vmem_shared>> -> memref<128x16xf32, #tpu.memory_space<vmem_shared>>
      %dma_wait3A_1241 = arith.constant 0 : i32
      %dma_wait3A_1242 = tpu.memref_slice %arg14[%add3A_1046, %dma_wait3A_1241] : memref<53248x16xf32, #tpu.memory_space<vmem_shared>> -> memref<128x16xf32, #tpu.memory_space<vmem_shared>>
      tpu.wait_dma2 semaphore(%run_scoped3A_1234 : memref<!tpu.dma_semaphore, #tpu.memory_space<semaphore_mem>>) src(%arg7 : memref<128x16xf32, #tpu.memory_space<vmem>>) dst(%dma_wait3A_1242 : memref<128x16xf32, #tpu.memory_space<vmem_shared>>)
      tpu.yield
    }) : () -> ()
    %mul3A_1047 = arith.constant 3328 : i32
    %mul3A_1048 = arith.muli %arg1, %mul3A_1047 : i32
    %add3A_1049 = arith.constant 768 : i32
    %add3A_1050 = arith.addi %mul3A_1048, %add3A_1049 : i32
    "tpu.region"() ({
      %run_scoped3A_1234 = tpu.sem_alloc : memref<!tpu.dma_semaphore, #tpu.memory_space<semaphore_mem>>
      %dma_start3A_1235 = arith.constant 0 : i32
      %dma_start3A_1236 = tpu.memref_slice %arg14[%add3A_1050, %dma_start3A_1235] : memref<53248x16xf32, #tpu.memory_space<vmem_shared>> -> memref<128x16xf32, #tpu.memory_space<vmem_shared>>
      %dma_start3A_1237 = arith.constant 0 : i32
      %dma_start3A_1238 = tpu.memref_slice %arg14[%add3A_1050, %dma_start3A_1237] : memref<53248x16xf32, #tpu.memory_space<vmem_shared>> -> memref<128x16xf32, #tpu.memory_space<vmem_shared>>
      tpu.enqueue_dma source(%arg7 : memref<128x16xf32, #tpu.memory_space<vmem>>) target(%dma_start3A_1238 : memref<128x16xf32, #tpu.memory_space<vmem_shared>>) target_semaphore(%run_scoped3A_1234 : memref<!tpu.dma_semaphore, #tpu.memory_space<semaphore_mem>>)
      %dma_wait3A_1239 = arith.constant 0 : i32
      %dma_wait3A_1240 = tpu.memref_slice %arg14[%add3A_1050, %dma_wait3A_1239] : memref<53248x16xf32, #tpu.memory_space<vmem_shared>> -> memref<128x16xf32, #tpu.memory_space<vmem_shared>>
      %dma_wait3A_1241 = arith.constant 0 : i32
      %dma_wait3A_1242 = tpu.memref_slice %arg14[%add3A_1050, %dma_wait3A_1241] : memref<53248x16xf32, #tpu.memory_space<vmem_shared>> -> memref<128x16xf32, #tpu.memory_space<vmem_shared>>
      tpu.wait_dma2 semaphore(%run_scoped3A_1234 : memref<!tpu.dma_semaphore, #tpu.memory_space<semaphore_mem>>) src(%arg7 : memref<128x16xf32, #tpu.memory_space<vmem>>) dst(%dma_wait3A_1242 : memref<128x16xf32, #tpu.memory_space<vmem_shared>>)
      tpu.yield
    }) : () -> ()
    %mul3A_1051 = arith.constant 3328 : i32
    %mul3A_1052 = arith.muli %arg1, %mul3A_1051 : i32
    %add3A_1053 = arith.constant 896 : i32
    %add3A_1054 = arith.addi %mul3A_1052, %add3A_1053 : i32
    "tpu.region"() ({
      %run_scoped3A_1234 = tpu.sem_alloc : memref<!tpu.dma_semaphore, #tpu.memory_space<semaphore_mem>>
      %dma_start3A_1235 = arith.constant 0 : i32
      %dma_start3A_1236 = tpu.memref_slice %arg14[%add3A_1054, %dma_start3A_1235] : memref<53248x16xf32, #tpu.memory_space<vmem_shared>> -> memref<128x16xf32, #tpu.memory_space<vmem_shared>>
      %dma_start3A_1237 = arith.constant 0 : i32
      %dma_start3A_1238 = tpu.memref_slice %arg14[%add3A_1054, %dma_start3A_1237] : memref<53248x16xf32, #tpu.memory_space<vmem_shared>> -> memref<128x16xf32, #tpu.memory_space<vmem_shared>>
      tpu.enqueue_dma source(%arg7 : memref<128x16xf32, #tpu.memory_space<vmem>>) target(%dma_start3A_1238 : memref<128x16xf32, #tpu.memory_space<vmem_shared>>) target_semaphore(%run_scoped3A_1234 : memref<!tpu.dma_semaphore, #tpu.memory_space<semaphore_mem>>)
      %dma_wait3A_1239 = arith.constant 0 : i32
      %dma_wait3A_1240 = tpu.memref_slice %arg14[%add3A_1054, %dma_wait3A_1239] : memref<53248x16xf32, #tpu.memory_space<vmem_shared>> -> memref<128x16xf32, #tpu.memory_space<vmem_shared>>
      %dma_wait3A_1241 = arith.constant 0 : i32
      %dma_wait3A_1242 = tpu.memref_slice %arg14[%add3A_1054, %dma_wait3A_1241] : memref<53248x16xf32, #tpu.memory_space<vmem_shared>> -> memref<128x16xf32, #tpu.memory_space<vmem_shared>>
      tpu.wait_dma2 semaphore(%run_scoped3A_1234 : memref<!tpu.dma_semaphore, #tpu.memory_space<semaphore_mem>>) src(%arg7 : memref<128x16xf32, #tpu.memory_space<vmem>>) dst(%dma_wait3A_1242 : memref<128x16xf32, #tpu.memory_space<vmem_shared>>)
      tpu.yield
    }) : () -> ()
    %mul3A_1055 = arith.constant 3328 : i32
    %mul3A_1056 = arith.muli %arg1, %mul3A_1055 : i32
    %add3A_1057 = arith.constant 1024 : i32
    %add3A_1058 = arith.addi %mul3A_1056, %add3A_1057 : i32
    "tpu.region"() ({
      %run_scoped3A_1234 = tpu.sem_alloc : memref<!tpu.dma_semaphore, #tpu.memory_space<semaphore_mem>>
      %dma_start3A_1235 = arith.constant 0 : i32
      %dma_start3A_1236 = tpu.memref_slice %arg14[%add3A_1058, %dma_start3A_1235] : memref<53248x16xf32, #tpu.memory_space<vmem_shared>> -> memref<128x16xf32, #tpu.memory_space<vmem_shared>>
      %dma_start3A_1237 = arith.constant 0 : i32
      %dma_start3A_1238 = tpu.memref_slice %arg14[%add3A_1058, %dma_start3A_1237] : memref<53248x16xf32, #tpu.memory_space<vmem_shared>> -> memref<128x16xf32, #tpu.memory_space<vmem_shared>>
      tpu.enqueue_dma source(%arg7 : memref<128x16xf32, #tpu.memory_space<vmem>>) target(%dma_start3A_1238 : memref<128x16xf32, #tpu.memory_space<vmem_shared>>) target_semaphore(%run_scoped3A_1234 : memref<!tpu.dma_semaphore, #tpu.memory_space<semaphore_mem>>)
      %dma_wait3A_1239 = arith.constant 0 : i32
      %dma_wait3A_1240 = tpu.memref_slice %arg14[%add3A_1058, %dma_wait3A_1239] : memref<53248x16xf32, #tpu.memory_space<vmem_shared>> -> memref<128x16xf32, #tpu.memory_space<vmem_shared>>
      %dma_wait3A_1241 = arith.constant 0 : i32
      %dma_wait3A_1242 = tpu.memref_slice %arg14[%add3A_1058, %dma_wait3A_1241] : memref<53248x16xf32, #tpu.memory_space<vmem_shared>> -> memref<128x16xf32, #tpu.memory_space<vmem_shared>>
      tpu.wait_dma2 semaphore(%run_scoped3A_1234 : memref<!tpu.dma_semaphore, #tpu.memory_space<semaphore_mem>>) src(%arg7 : memref<128x16xf32, #tpu.memory_space<vmem>>) dst(%dma_wait3A_1242 : memref<128x16xf32, #tpu.memory_space<vmem_shared>>)
      tpu.yield
    }) : () -> ()
    %mul3A_1059 = arith.constant 3328 : i32
    %mul3A_1060 = arith.muli %arg1, %mul3A_1059 : i32
    %add3A_1061 = arith.constant 1152 : i32
    %add3A_1062 = arith.addi %mul3A_1060, %add3A_1061 : i32
    "tpu.region"() ({
      %run_scoped3A_1234 = tpu.sem_alloc : memref<!tpu.dma_semaphore, #tpu.memory_space<semaphore_mem>>
      %dma_start3A_1235 = arith.constant 0 : i32
      %dma_start3A_1236 = tpu.memref_slice %arg14[%add3A_1062, %dma_start3A_1235] : memref<53248x16xf32, #tpu.memory_space<vmem_shared>> -> memref<128x16xf32, #tpu.memory_space<vmem_shared>>
      %dma_start3A_1237 = arith.constant 0 : i32
      %dma_start3A_1238 = tpu.memref_slice %arg14[%add3A_1062, %dma_start3A_1237] : memref<53248x16xf32, #tpu.memory_space<vmem_shared>> -> memref<128x16xf32, #tpu.memory_space<vmem_shared>>
      tpu.enqueue_dma source(%arg7 : memref<128x16xf32, #tpu.memory_space<vmem>>) target(%dma_start3A_1238 : memref<128x16xf32, #tpu.memory_space<vmem_shared>>) target_semaphore(%run_scoped3A_1234 : memref<!tpu.dma_semaphore, #tpu.memory_space<semaphore_mem>>)
      %dma_wait3A_1239 = arith.constant 0 : i32
      %dma_wait3A_1240 = tpu.memref_slice %arg14[%add3A_1062, %dma_wait3A_1239] : memref<53248x16xf32, #tpu.memory_space<vmem_shared>> -> memref<128x16xf32, #tpu.memory_space<vmem_shared>>
      %dma_wait3A_1241 = arith.constant 0 : i32
      %dma_wait3A_1242 = tpu.memref_slice %arg14[%add3A_1062, %dma_wait3A_1241] : memref<53248x16xf32, #tpu.memory_space<vmem_shared>> -> memref<128x16xf32, #tpu.memory_space<vmem_shared>>
      tpu.wait_dma2 semaphore(%run_scoped3A_1234 : memref<!tpu.dma_semaphore, #tpu.memory_space<semaphore_mem>>) src(%arg7 : memref<128x16xf32, #tpu.memory_space<vmem>>) dst(%dma_wait3A_1242 : memref<128x16xf32, #tpu.memory_space<vmem_shared>>)
      tpu.yield
    }) : () -> ()
    %mul3A_1063 = arith.constant 3328 : i32
    %mul3A_1064 = arith.muli %arg1, %mul3A_1063 : i32
    %add3A_1065 = arith.constant 1280 : i32
    %add3A_1066 = arith.addi %mul3A_1064, %add3A_1065 : i32
    "tpu.region"() ({
      %run_scoped3A_1234 = tpu.sem_alloc : memref<!tpu.dma_semaphore, #tpu.memory_space<semaphore_mem>>
      %dma_start3A_1235 = arith.constant 0 : i32
      %dma_start3A_1236 = tpu.memref_slice %arg14[%add3A_1066, %dma_start3A_1235] : memref<53248x16xf32, #tpu.memory_space<vmem_shared>> -> memref<128x16xf32, #tpu.memory_space<vmem_shared>>
      %dma_start3A_1237 = arith.constant 0 : i32
      %dma_start3A_1238 = tpu.memref_slice %arg14[%add3A_1066, %dma_start3A_1237] : memref<53248x16xf32, #tpu.memory_space<vmem_shared>> -> memref<128x16xf32, #tpu.memory_space<vmem_shared>>
      tpu.enqueue_dma source(%arg7 : memref<128x16xf32, #tpu.memory_space<vmem>>) target(%dma_start3A_1238 : memref<128x16xf32, #tpu.memory_space<vmem_shared>>) target_semaphore(%run_scoped3A_1234 : memref<!tpu.dma_semaphore, #tpu.memory_space<semaphore_mem>>)
      %dma_wait3A_1239 = arith.constant 0 : i32
      %dma_wait3A_1240 = tpu.memref_slice %arg14[%add3A_1066, %dma_wait3A_1239] : memref<53248x16xf32, #tpu.memory_space<vmem_shared>> -> memref<128x16xf32, #tpu.memory_space<vmem_shared>>
      %dma_wait3A_1241 = arith.constant 0 : i32
      %dma_wait3A_1242 = tpu.memref_slice %arg14[%add3A_1066, %dma_wait3A_1241] : memref<53248x16xf32, #tpu.memory_space<vmem_shared>> -> memref<128x16xf32, #tpu.memory_space<vmem_shared>>
      tpu.wait_dma2 semaphore(%run_scoped3A_1234 : memref<!tpu.dma_semaphore, #tpu.memory_space<semaphore_mem>>) src(%arg7 : memref<128x16xf32, #tpu.memory_space<vmem>>) dst(%dma_wait3A_1242 : memref<128x16xf32, #tpu.memory_space<vmem_shared>>)
      tpu.yield
    }) : () -> ()
    %mul3A_1067 = arith.constant 3328 : i32
    %mul3A_1068 = arith.muli %arg1, %mul3A_1067 : i32
    %add3A_1069 = arith.constant 1408 : i32
    %add3A_1070 = arith.addi %mul3A_1068, %add3A_1069 : i32
    "tpu.region"() ({
      %run_scoped3A_1234 = tpu.sem_alloc : memref<!tpu.dma_semaphore, #tpu.memory_space<semaphore_mem>>
      %dma_start3A_1235 = arith.constant 0 : i32
      %dma_start3A_1236 = tpu.memref_slice %arg14[%add3A_1070, %dma_start3A_1235] : memref<53248x16xf32, #tpu.memory_space<vmem_shared>> -> memref<128x16xf32, #tpu.memory_space<vmem_shared>>
      %dma_start3A_1237 = arith.constant 0 : i32
      %dma_start3A_1238 = tpu.memref_slice %arg14[%add3A_1070, %dma_start3A_1237] : memref<53248x16xf32, #tpu.memory_space<vmem_shared>> -> memref<128x16xf32, #tpu.memory_space<vmem_shared>>
      tpu.enqueue_dma source(%arg7 : memref<128x16xf32, #tpu.memory_space<vmem>>) target(%dma_start3A_1238 : memref<128x16xf32, #tpu.memory_space<vmem_shared>>) target_semaphore(%run_scoped3A_1234 : memref<!tpu.dma_semaphore, #tpu.memory_space<semaphore_mem>>)
      %dma_wait3A_1239 = arith.constant 0 : i32
      %dma_wait3A_1240 = tpu.memref_slice %arg14[%add3A_1070, %dma_wait3A_1239] : memref<53248x16xf32, #tpu.memory_space<vmem_shared>> -> memref<128x16xf32, #tpu.memory_space<vmem_shared>>
      %dma_wait3A_1241 = arith.constant 0 : i32
      %dma_wait3A_1242 = tpu.memref_slice %arg14[%add3A_1070, %dma_wait3A_1241] : memref<53248x16xf32, #tpu.memory_space<vmem_shared>> -> memref<128x16xf32, #tpu.memory_space<vmem_shared>>
      tpu.wait_dma2 semaphore(%run_scoped3A_1234 : memref<!tpu.dma_semaphore, #tpu.memory_space<semaphore_mem>>) src(%arg7 : memref<128x16xf32, #tpu.memory_space<vmem>>) dst(%dma_wait3A_1242 : memref<128x16xf32, #tpu.memory_space<vmem_shared>>)
      tpu.yield
    }) : () -> ()
    %mul3A_1071 = arith.constant 3328 : i32
    %mul3A_1072 = arith.muli %arg1, %mul3A_1071 : i32
    %add3A_1073 = arith.constant 1536 : i32
    %add3A_1074 = arith.addi %mul3A_1072, %add3A_1073 : i32
    "tpu.region"() ({
      %run_scoped3A_1234 = tpu.sem_alloc : memref<!tpu.dma_semaphore, #tpu.memory_space<semaphore_mem>>
      %dma_start3A_1235 = arith.constant 0 : i32
      %dma_start3A_1236 = tpu.memref_slice %arg14[%add3A_1074, %dma_start3A_1235] : memref<53248x16xf32, #tpu.memory_space<vmem_shared>> -> memref<128x16xf32, #tpu.memory_space<vmem_shared>>
      %dma_start3A_1237 = arith.constant 0 : i32
      %dma_start3A_1238 = tpu.memref_slice %arg14[%add3A_1074, %dma_start3A_1237] : memref<53248x16xf32, #tpu.memory_space<vmem_shared>> -> memref<128x16xf32, #tpu.memory_space<vmem_shared>>
      tpu.enqueue_dma source(%arg7 : memref<128x16xf32, #tpu.memory_space<vmem>>) target(%dma_start3A_1238 : memref<128x16xf32, #tpu.memory_space<vmem_shared>>) target_semaphore(%run_scoped3A_1234 : memref<!tpu.dma_semaphore, #tpu.memory_space<semaphore_mem>>)
      %dma_wait3A_1239 = arith.constant 0 : i32
      %dma_wait3A_1240 = tpu.memref_slice %arg14[%add3A_1074, %dma_wait3A_1239] : memref<53248x16xf32, #tpu.memory_space<vmem_shared>> -> memref<128x16xf32, #tpu.memory_space<vmem_shared>>
      %dma_wait3A_1241 = arith.constant 0 : i32
      %dma_wait3A_1242 = tpu.memref_slice %arg14[%add3A_1074, %dma_wait3A_1241] : memref<53248x16xf32, #tpu.memory_space<vmem_shared>> -> memref<128x16xf32, #tpu.memory_space<vmem_shared>>
      tpu.wait_dma2 semaphore(%run_scoped3A_1234 : memref<!tpu.dma_semaphore, #tpu.memory_space<semaphore_mem>>) src(%arg7 : memref<128x16xf32, #tpu.memory_space<vmem>>) dst(%dma_wait3A_1242 : memref<128x16xf32, #tpu.memory_space<vmem_shared>>)
      tpu.yield
    }) : () -> ()
    %mul3A_1075 = arith.constant 3328 : i32
    %mul3A_1076 = arith.muli %arg1, %mul3A_1075 : i32
    %add3A_1077 = arith.constant 1664 : i32
    %add3A_1078 = arith.addi %mul3A_1076, %add3A_1077 : i32
    "tpu.region"() ({
      %run_scoped3A_1234 = tpu.sem_alloc : memref<!tpu.dma_semaphore, #tpu.memory_space<semaphore_mem>>
      %dma_start3A_1235 = arith.constant 0 : i32
      %dma_start3A_1236 = tpu.memref_slice %arg14[%add3A_1078, %dma_start3A_1235] : memref<53248x16xf32, #tpu.memory_space<vmem_shared>> -> memref<128x16xf32, #tpu.memory_space<vmem_shared>>
      %dma_start3A_1237 = arith.constant 0 : i32
      %dma_start3A_1238 = tpu.memref_slice %arg14[%add3A_1078, %dma_start3A_1237] : memref<53248x16xf32, #tpu.memory_space<vmem_shared>> -> memref<128x16xf32, #tpu.memory_space<vmem_shared>>
      tpu.enqueue_dma source(%arg7 : memref<128x16xf32, #tpu.memory_space<vmem>>) target(%dma_start3A_1238 : memref<128x16xf32, #tpu.memory_space<vmem_shared>>) target_semaphore(%run_scoped3A_1234 : memref<!tpu.dma_semaphore, #tpu.memory_space<semaphore_mem>>)
      %dma_wait3A_1239 = arith.constant 0 : i32
      %dma_wait3A_1240 = tpu.memref_slice %arg14[%add3A_1078, %dma_wait3A_1239] : memref<53248x16xf32, #tpu.memory_space<vmem_shared>> -> memref<128x16xf32, #tpu.memory_space<vmem_shared>>
      %dma_wait3A_1241 = arith.constant 0 : i32
      %dma_wait3A_1242 = tpu.memref_slice %arg14[%add3A_1078, %dma_wait3A_1241] : memref<53248x16xf32, #tpu.memory_space<vmem_shared>> -> memref<128x16xf32, #tpu.memory_space<vmem_shared>>
      tpu.wait_dma2 semaphore(%run_scoped3A_1234 : memref<!tpu.dma_semaphore, #tpu.memory_space<semaphore_mem>>) src(%arg7 : memref<128x16xf32, #tpu.memory_space<vmem>>) dst(%dma_wait3A_1242 : memref<128x16xf32, #tpu.memory_space<vmem_shared>>)
      tpu.yield
    }) : () -> ()
    %mul3A_1079 = arith.constant 3328 : i32
    %mul3A_1080 = arith.muli %arg1, %mul3A_1079 : i32
    %add3A_1081 = arith.constant 1792 : i32
    %add3A_1082 = arith.addi %mul3A_1080, %add3A_1081 : i32
    "tpu.region"() ({
      %run_scoped3A_1234 = tpu.sem_alloc : memref<!tpu.dma_semaphore, #tpu.memory_space<semaphore_mem>>
      %dma_start3A_1235 = arith.constant 0 : i32
      %dma_start3A_1236 = tpu.memref_slice %arg14[%add3A_1082, %dma_start3A_1235] : memref<53248x16xf32, #tpu.memory_space<vmem_shared>> -> memref<128x16xf32, #tpu.memory_space<vmem_shared>>
      %dma_start3A_1237 = arith.constant 0 : i32
      %dma_start3A_1238 = tpu.memref_slice %arg14[%add3A_1082, %dma_start3A_1237] : memref<53248x16xf32, #tpu.memory_space<vmem_shared>> -> memref<128x16xf32, #tpu.memory_space<vmem_shared>>
      tpu.enqueue_dma source(%arg7 : memref<128x16xf32, #tpu.memory_space<vmem>>) target(%dma_start3A_1238 : memref<128x16xf32, #tpu.memory_space<vmem_shared>>) target_semaphore(%run_scoped3A_1234 : memref<!tpu.dma_semaphore, #tpu.memory_space<semaphore_mem>>)
      %dma_wait3A_1239 = arith.constant 0 : i32
      %dma_wait3A_1240 = tpu.memref_slice %arg14[%add3A_1082, %dma_wait3A_1239] : memref<53248x16xf32, #tpu.memory_space<vmem_shared>> -> memref<128x16xf32, #tpu.memory_space<vmem_shared>>
      %dma_wait3A_1241 = arith.constant 0 : i32
      %dma_wait3A_1242 = tpu.memref_slice %arg14[%add3A_1082, %dma_wait3A_1241] : memref<53248x16xf32, #tpu.memory_space<vmem_shared>> -> memref<128x16xf32, #tpu.memory_space<vmem_shared>>
      tpu.wait_dma2 semaphore(%run_scoped3A_1234 : memref<!tpu.dma_semaphore, #tpu.memory_space<semaphore_mem>>) src(%arg7 : memref<128x16xf32, #tpu.memory_space<vmem>>) dst(%dma_wait3A_1242 : memref<128x16xf32, #tpu.memory_space<vmem_shared>>)
      tpu.yield
    }) : () -> ()
    %mul3A_1083 = arith.constant 3328 : i32
    %mul3A_1084 = arith.muli %arg1, %mul3A_1083 : i32
    %add3A_1085 = arith.constant 1920 : i32
    %add3A_1086 = arith.addi %mul3A_1084, %add3A_1085 : i32
    "tpu.region"() ({
      %run_scoped3A_1234 = tpu.sem_alloc : memref<!tpu.dma_semaphore, #tpu.memory_space<semaphore_mem>>
      %dma_start3A_1235 = arith.constant 0 : i32
      %dma_start3A_1236 = tpu.memref_slice %arg14[%add3A_1086, %dma_start3A_1235] : memref<53248x16xf32, #tpu.memory_space<vmem_shared>> -> memref<128x16xf32, #tpu.memory_space<vmem_shared>>
      %dma_start3A_1237 = arith.constant 0 : i32
      %dma_start3A_1238 = tpu.memref_slice %arg14[%add3A_1086, %dma_start3A_1237] : memref<53248x16xf32, #tpu.memory_space<vmem_shared>> -> memref<128x16xf32, #tpu.memory_space<vmem_shared>>
      tpu.enqueue_dma source(%arg7 : memref<128x16xf32, #tpu.memory_space<vmem>>) target(%dma_start3A_1238 : memref<128x16xf32, #tpu.memory_space<vmem_shared>>) target_semaphore(%run_scoped3A_1234 : memref<!tpu.dma_semaphore, #tpu.memory_space<semaphore_mem>>)
      %dma_wait3A_1239 = arith.constant 0 : i32
      %dma_wait3A_1240 = tpu.memref_slice %arg14[%add3A_1086, %dma_wait3A_1239] : memref<53248x16xf32, #tpu.memory_space<vmem_shared>> -> memref<128x16xf32, #tpu.memory_space<vmem_shared>>
      %dma_wait3A_1241 = arith.constant 0 : i32
      %dma_wait3A_1242 = tpu.memref_slice %arg14[%add3A_1086, %dma_wait3A_1241] : memref<53248x16xf32, #tpu.memory_space<vmem_shared>> -> memref<128x16xf32, #tpu.memory_space<vmem_shared>>
      tpu.wait_dma2 semaphore(%run_scoped3A_1234 : memref<!tpu.dma_semaphore, #tpu.memory_space<semaphore_mem>>) src(%arg7 : memref<128x16xf32, #tpu.memory_space<vmem>>) dst(%dma_wait3A_1242 : memref<128x16xf32, #tpu.memory_space<vmem_shared>>)
      tpu.yield
    }) : () -> ()
    %mul3A_1087 = arith.constant 3328 : i32
    %mul3A_1088 = arith.muli %arg1, %mul3A_1087 : i32
    %add3A_1089 = arith.constant 2048 : i32
    %add3A_1090 = arith.addi %mul3A_1088, %add3A_1089 : i32
    "tpu.region"() ({
      %run_scoped3A_1234 = tpu.sem_alloc : memref<!tpu.dma_semaphore, #tpu.memory_space<semaphore_mem>>
      %dma_start3A_1235 = arith.constant 0 : i32
      %dma_start3A_1236 = tpu.memref_slice %arg14[%add3A_1090, %dma_start3A_1235] : memref<53248x16xf32, #tpu.memory_space<vmem_shared>> -> memref<128x16xf32, #tpu.memory_space<vmem_shared>>
      %dma_start3A_1237 = arith.constant 0 : i32
      %dma_start3A_1238 = tpu.memref_slice %arg14[%add3A_1090, %dma_start3A_1237] : memref<53248x16xf32, #tpu.memory_space<vmem_shared>> -> memref<128x16xf32, #tpu.memory_space<vmem_shared>>
      tpu.enqueue_dma source(%arg7 : memref<128x16xf32, #tpu.memory_space<vmem>>) target(%dma_start3A_1238 : memref<128x16xf32, #tpu.memory_space<vmem_shared>>) target_semaphore(%run_scoped3A_1234 : memref<!tpu.dma_semaphore, #tpu.memory_space<semaphore_mem>>)
      %dma_wait3A_1239 = arith.constant 0 : i32
      %dma_wait3A_1240 = tpu.memref_slice %arg14[%add3A_1090, %dma_wait3A_1239] : memref<53248x16xf32, #tpu.memory_space<vmem_shared>> -> memref<128x16xf32, #tpu.memory_space<vmem_shared>>
      %dma_wait3A_1241 = arith.constant 0 : i32
      %dma_wait3A_1242 = tpu.memref_slice %arg14[%add3A_1090, %dma_wait3A_1241] : memref<53248x16xf32, #tpu.memory_space<vmem_shared>> -> memref<128x16xf32, #tpu.memory_space<vmem_shared>>
      tpu.wait_dma2 semaphore(%run_scoped3A_1234 : memref<!tpu.dma_semaphore, #tpu.memory_space<semaphore_mem>>) src(%arg7 : memref<128x16xf32, #tpu.memory_space<vmem>>) dst(%dma_wait3A_1242 : memref<128x16xf32, #tpu.memory_space<vmem_shared>>)
      tpu.yield
    }) : () -> ()
    %mul3A_1091 = arith.constant 3328 : i32
    %mul3A_1092 = arith.muli %arg1, %mul3A_1091 : i32
    %add3A_1093 = arith.constant 2176 : i32
    %add3A_1094 = arith.addi %mul3A_1092, %add3A_1093 : i32
    "tpu.region"() ({
      %run_scoped3A_1234 = tpu.sem_alloc : memref<!tpu.dma_semaphore, #tpu.memory_space<semaphore_mem>>
      %dma_start3A_1235 = arith.constant 0 : i32
      %dma_start3A_1236 = tpu.memref_slice %arg14[%add3A_1094, %dma_start3A_1235] : memref<53248x16xf32, #tpu.memory_space<vmem_shared>> -> memref<128x16xf32, #tpu.memory_space<vmem_shared>>
      %dma_start3A_1237 = arith.constant 0 : i32
      %dma_start3A_1238 = tpu.memref_slice %arg14[%add3A_1094, %dma_start3A_1237] : memref<53248x16xf32, #tpu.memory_space<vmem_shared>> -> memref<128x16xf32, #tpu.memory_space<vmem_shared>>
      tpu.enqueue_dma source(%arg7 : memref<128x16xf32, #tpu.memory_space<vmem>>) target(%dma_start3A_1238 : memref<128x16xf32, #tpu.memory_space<vmem_shared>>) target_semaphore(%run_scoped3A_1234 : memref<!tpu.dma_semaphore, #tpu.memory_space<semaphore_mem>>)
      %dma_wait3A_1239 = arith.constant 0 : i32
      %dma_wait3A_1240 = tpu.memref_slice %arg14[%add3A_1094, %dma_wait3A_1239] : memref<53248x16xf32, #tpu.memory_space<vmem_shared>> -> memref<128x16xf32, #tpu.memory_space<vmem_shared>>
      %dma_wait3A_1241 = arith.constant 0 : i32
      %dma_wait3A_1242 = tpu.memref_slice %arg14[%add3A_1094, %dma_wait3A_1241] : memref<53248x16xf32, #tpu.memory_space<vmem_shared>> -> memref<128x16xf32, #tpu.memory_space<vmem_shared>>
      tpu.wait_dma2 semaphore(%run_scoped3A_1234 : memref<!tpu.dma_semaphore, #tpu.memory_space<semaphore_mem>>) src(%arg7 : memref<128x16xf32, #tpu.memory_space<vmem>>) dst(%dma_wait3A_1242 : memref<128x16xf32, #tpu.memory_space<vmem_shared>>)
      tpu.yield
    }) : () -> ()
    %mul3A_1095 = arith.constant 3328 : i32
    %mul3A_1096 = arith.muli %arg1, %mul3A_1095 : i32
    %add3A_1097 = arith.constant 2304 : i32
    %add3A_1098 = arith.addi %mul3A_1096, %add3A_1097 : i32
    "tpu.region"() ({
      %run_scoped3A_1234 = tpu.sem_alloc : memref<!tpu.dma_semaphore, #tpu.memory_space<semaphore_mem>>
      %dma_start3A_1235 = arith.constant 0 : i32
      %dma_start3A_1236 = tpu.memref_slice %arg14[%add3A_1098, %dma_start3A_1235] : memref<53248x16xf32, #tpu.memory_space<vmem_shared>> -> memref<128x16xf32, #tpu.memory_space<vmem_shared>>
      %dma_start3A_1237 = arith.constant 0 : i32
      %dma_start3A_1238 = tpu.memref_slice %arg14[%add3A_1098, %dma_start3A_1237] : memref<53248x16xf32, #tpu.memory_space<vmem_shared>> -> memref<128x16xf32, #tpu.memory_space<vmem_shared>>
      tpu.enqueue_dma source(%arg7 : memref<128x16xf32, #tpu.memory_space<vmem>>) target(%dma_start3A_1238 : memref<128x16xf32, #tpu.memory_space<vmem_shared>>) target_semaphore(%run_scoped3A_1234 : memref<!tpu.dma_semaphore, #tpu.memory_space<semaphore_mem>>)
      %dma_wait3A_1239 = arith.constant 0 : i32
      %dma_wait3A_1240 = tpu.memref_slice %arg14[%add3A_1098, %dma_wait3A_1239] : memref<53248x16xf32, #tpu.memory_space<vmem_shared>> -> memref<128x16xf32, #tpu.memory_space<vmem_shared>>
      %dma_wait3A_1241 = arith.constant 0 : i32
      %dma_wait3A_1242 = tpu.memref_slice %arg14[%add3A_1098, %dma_wait3A_1241] : memref<53248x16xf32, #tpu.memory_space<vmem_shared>> -> memref<128x16xf32, #tpu.memory_space<vmem_shared>>
      tpu.wait_dma2 semaphore(%run_scoped3A_1234 : memref<!tpu.dma_semaphore, #tpu.memory_space<semaphore_mem>>) src(%arg7 : memref<128x16xf32, #tpu.memory_space<vmem>>) dst(%dma_wait3A_1242 : memref<128x16xf32, #tpu.memory_space<vmem_shared>>)
      tpu.yield
    }) : () -> ()
    %mul3A_1099 = arith.constant 3328 : i32
    %mul3A_1100 = arith.muli %arg1, %mul3A_1099 : i32
    %add3A_1101 = arith.constant 2432 : i32
    %add3A_1102 = arith.addi %mul3A_1100, %add3A_1101 : i32
    "tpu.region"() ({
      %run_scoped3A_1234 = tpu.sem_alloc : memref<!tpu.dma_semaphore, #tpu.memory_space<semaphore_mem>>
      %dma_start3A_1235 = arith.constant 0 : i32
      %dma_start3A_1236 = tpu.memref_slice %arg14[%add3A_1102, %dma_start3A_1235] : memref<53248x16xf32, #tpu.memory_space<vmem_shared>> -> memref<128x16xf32, #tpu.memory_space<vmem_shared>>
      %dma_start3A_1237 = arith.constant 0 : i32
      %dma_start3A_1238 = tpu.memref_slice %arg14[%add3A_1102, %dma_start3A_1237] : memref<53248x16xf32, #tpu.memory_space<vmem_shared>> -> memref<128x16xf32, #tpu.memory_space<vmem_shared>>
      tpu.enqueue_dma source(%arg7 : memref<128x16xf32, #tpu.memory_space<vmem>>) target(%dma_start3A_1238 : memref<128x16xf32, #tpu.memory_space<vmem_shared>>) target_semaphore(%run_scoped3A_1234 : memref<!tpu.dma_semaphore, #tpu.memory_space<semaphore_mem>>)
      %dma_wait3A_1239 = arith.constant 0 : i32
      %dma_wait3A_1240 = tpu.memref_slice %arg14[%add3A_1102, %dma_wait3A_1239] : memref<53248x16xf32, #tpu.memory_space<vmem_shared>> -> memref<128x16xf32, #tpu.memory_space<vmem_shared>>
      %dma_wait3A_1241 = arith.constant 0 : i32
      %dma_wait3A_1242 = tpu.memref_slice %arg14[%add3A_1102, %dma_wait3A_1241] : memref<53248x16xf32, #tpu.memory_space<vmem_shared>> -> memref<128x16xf32, #tpu.memory_space<vmem_shared>>
      tpu.wait_dma2 semaphore(%run_scoped3A_1234 : memref<!tpu.dma_semaphore, #tpu.memory_space<semaphore_mem>>) src(%arg7 : memref<128x16xf32, #tpu.memory_space<vmem>>) dst(%dma_wait3A_1242 : memref<128x16xf32, #tpu.memory_space<vmem_shared>>)
      tpu.yield
    }) : () -> ()
    %mul3A_1103 = arith.constant 3328 : i32
    %mul3A_1104 = arith.muli %arg1, %mul3A_1103 : i32
    %add3A_1105 = arith.constant 2560 : i32
    %add3A_1106 = arith.addi %mul3A_1104, %add3A_1105 : i32
    "tpu.region"() ({
      %run_scoped3A_1234 = tpu.sem_alloc : memref<!tpu.dma_semaphore, #tpu.memory_space<semaphore_mem>>
      %dma_start3A_1235 = arith.constant 0 : i32
      %dma_start3A_1236 = tpu.memref_slice %arg14[%add3A_1106, %dma_start3A_1235] : memref<53248x16xf32, #tpu.memory_space<vmem_shared>> -> memref<128x16xf32, #tpu.memory_space<vmem_shared>>
      %dma_start3A_1237 = arith.constant 0 : i32
      %dma_start3A_1238 = tpu.memref_slice %arg14[%add3A_1106, %dma_start3A_1237] : memref<53248x16xf32, #tpu.memory_space<vmem_shared>> -> memref<128x16xf32, #tpu.memory_space<vmem_shared>>
      tpu.enqueue_dma source(%arg7 : memref<128x16xf32, #tpu.memory_space<vmem>>) target(%dma_start3A_1238 : memref<128x16xf32, #tpu.memory_space<vmem_shared>>) target_semaphore(%run_scoped3A_1234 : memref<!tpu.dma_semaphore, #tpu.memory_space<semaphore_mem>>)
      %dma_wait3A_1239 = arith.constant 0 : i32
      %dma_wait3A_1240 = tpu.memref_slice %arg14[%add3A_1106, %dma_wait3A_1239] : memref<53248x16xf32, #tpu.memory_space<vmem_shared>> -> memref<128x16xf32, #tpu.memory_space<vmem_shared>>
      %dma_wait3A_1241 = arith.constant 0 : i32
      %dma_wait3A_1242 = tpu.memref_slice %arg14[%add3A_1106, %dma_wait3A_1241] : memref<53248x16xf32, #tpu.memory_space<vmem_shared>> -> memref<128x16xf32, #tpu.memory_space<vmem_shared>>
      tpu.wait_dma2 semaphore(%run_scoped3A_1234 : memref<!tpu.dma_semaphore, #tpu.memory_space<semaphore_mem>>) src(%arg7 : memref<128x16xf32, #tpu.memory_space<vmem>>) dst(%dma_wait3A_1242 : memref<128x16xf32, #tpu.memory_space<vmem_shared>>)
      tpu.yield
    }) : () -> ()
    %mul3A_1107 = arith.constant 3328 : i32
    %mul3A_1108 = arith.muli %arg1, %mul3A_1107 : i32
    %add3A_1109 = arith.constant 2688 : i32
    %add3A_1110 = arith.addi %mul3A_1108, %add3A_1109 : i32
    "tpu.region"() ({
      %run_scoped3A_1234 = tpu.sem_alloc : memref<!tpu.dma_semaphore, #tpu.memory_space<semaphore_mem>>
      %dma_start3A_1235 = arith.constant 0 : i32
      %dma_start3A_1236 = tpu.memref_slice %arg14[%add3A_1110, %dma_start3A_1235] : memref<53248x16xf32, #tpu.memory_space<vmem_shared>> -> memref<128x16xf32, #tpu.memory_space<vmem_shared>>
      %dma_start3A_1237 = arith.constant 0 : i32
      %dma_start3A_1238 = tpu.memref_slice %arg14[%add3A_1110, %dma_start3A_1237] : memref<53248x16xf32, #tpu.memory_space<vmem_shared>> -> memref<128x16xf32, #tpu.memory_space<vmem_shared>>
      tpu.enqueue_dma source(%arg7 : memref<128x16xf32, #tpu.memory_space<vmem>>) target(%dma_start3A_1238 : memref<128x16xf32, #tpu.memory_space<vmem_shared>>) target_semaphore(%run_scoped3A_1234 : memref<!tpu.dma_semaphore, #tpu.memory_space<semaphore_mem>>)
      %dma_wait3A_1239 = arith.constant 0 : i32
      %dma_wait3A_1240 = tpu.memref_slice %arg14[%add3A_1110, %dma_wait3A_1239] : memref<53248x16xf32, #tpu.memory_space<vmem_shared>> -> memref<128x16xf32, #tpu.memory_space<vmem_shared>>
      %dma_wait3A_1241 = arith.constant 0 : i32
      %dma_wait3A_1242 = tpu.memref_slice %arg14[%add3A_1110, %dma_wait3A_1241] : memref<53248x16xf32, #tpu.memory_space<vmem_shared>> -> memref<128x16xf32, #tpu.memory_space<vmem_shared>>
      tpu.wait_dma2 semaphore(%run_scoped3A_1234 : memref<!tpu.dma_semaphore, #tpu.memory_space<semaphore_mem>>) src(%arg7 : memref<128x16xf32, #tpu.memory_space<vmem>>) dst(%dma_wait3A_1242 : memref<128x16xf32, #tpu.memory_space<vmem_shared>>)
      tpu.yield
    }) : () -> ()
    %mul3A_1111 = arith.constant 3328 : i32
    %mul3A_1112 = arith.muli %arg1, %mul3A_1111 : i32
    %add3A_1113 = arith.constant 2816 : i32
    %add3A_1114 = arith.addi %mul3A_1112, %add3A_1113 : i32
    "tpu.region"() ({
      %run_scoped3A_1234 = tpu.sem_alloc : memref<!tpu.dma_semaphore, #tpu.memory_space<semaphore_mem>>
      %dma_start3A_1235 = arith.constant 0 : i32
      %dma_start3A_1236 = tpu.memref_slice %arg14[%add3A_1114, %dma_start3A_1235] : memref<53248x16xf32, #tpu.memory_space<vmem_shared>> -> memref<128x16xf32, #tpu.memory_space<vmem_shared>>
      %dma_start3A_1237 = arith.constant 0 : i32
      %dma_start3A_1238 = tpu.memref_slice %arg14[%add3A_1114, %dma_start3A_1237] : memref<53248x16xf32, #tpu.memory_space<vmem_shared>> -> memref<128x16xf32, #tpu.memory_space<vmem_shared>>
      tpu.enqueue_dma source(%arg7 : memref<128x16xf32, #tpu.memory_space<vmem>>) target(%dma_start3A_1238 : memref<128x16xf32, #tpu.memory_space<vmem_shared>>) target_semaphore(%run_scoped3A_1234 : memref<!tpu.dma_semaphore, #tpu.memory_space<semaphore_mem>>)
      %dma_wait3A_1239 = arith.constant 0 : i32
      %dma_wait3A_1240 = tpu.memref_slice %arg14[%add3A_1114, %dma_wait3A_1239] : memref<53248x16xf32, #tpu.memory_space<vmem_shared>> -> memref<128x16xf32, #tpu.memory_space<vmem_shared>>
      %dma_wait3A_1241 = arith.constant 0 : i32
      %dma_wait3A_1242 = tpu.memref_slice %arg14[%add3A_1114, %dma_wait3A_1241] : memref<53248x16xf32, #tpu.memory_space<vmem_shared>> -> memref<128x16xf32, #tpu.memory_space<vmem_shared>>
      tpu.wait_dma2 semaphore(%run_scoped3A_1234 : memref<!tpu.dma_semaphore, #tpu.memory_space<semaphore_mem>>) src(%arg7 : memref<128x16xf32, #tpu.memory_space<vmem>>) dst(%dma_wait3A_1242 : memref<128x16xf32, #tpu.memory_space<vmem_shared>>)
      tpu.yield
    }) : () -> ()
    %mul3A_1115 = arith.constant 3328 : i32
    %mul3A_1116 = arith.muli %arg1, %mul3A_1115 : i32
    %add3A_1117 = arith.constant 2944 : i32
    %add3A_1118 = arith.addi %mul3A_1116, %add3A_1117 : i32
    "tpu.region"() ({
      %run_scoped3A_1234 = tpu.sem_alloc : memref<!tpu.dma_semaphore, #tpu.memory_space<semaphore_mem>>
      %dma_start3A_1235 = arith.constant 0 : i32
      %dma_start3A_1236 = tpu.memref_slice %arg14[%add3A_1118, %dma_start3A_1235] : memref<53248x16xf32, #tpu.memory_space<vmem_shared>> -> memref<128x16xf32, #tpu.memory_space<vmem_shared>>
      %dma_start3A_1237 = arith.constant 0 : i32
      %dma_start3A_1238 = tpu.memref_slice %arg14[%add3A_1118, %dma_start3A_1237] : memref<53248x16xf32, #tpu.memory_space<vmem_shared>> -> memref<128x16xf32, #tpu.memory_space<vmem_shared>>
      tpu.enqueue_dma source(%arg7 : memref<128x16xf32, #tpu.memory_space<vmem>>) target(%dma_start3A_1238 : memref<128x16xf32, #tpu.memory_space<vmem_shared>>) target_semaphore(%run_scoped3A_1234 : memref<!tpu.dma_semaphore, #tpu.memory_space<semaphore_mem>>)
      %dma_wait3A_1239 = arith.constant 0 : i32
      %dma_wait3A_1240 = tpu.memref_slice %arg14[%add3A_1118, %dma_wait3A_1239] : memref<53248x16xf32, #tpu.memory_space<vmem_shared>> -> memref<128x16xf32, #tpu.memory_space<vmem_shared>>
      %dma_wait3A_1241 = arith.constant 0 : i32
      %dma_wait3A_1242 = tpu.memref_slice %arg14[%add3A_1118, %dma_wait3A_1241] : memref<53248x16xf32, #tpu.memory_space<vmem_shared>> -> memref<128x16xf32, #tpu.memory_space<vmem_shared>>
      tpu.wait_dma2 semaphore(%run_scoped3A_1234 : memref<!tpu.dma_semaphore, #tpu.memory_space<semaphore_mem>>) src(%arg7 : memref<128x16xf32, #tpu.memory_space<vmem>>) dst(%dma_wait3A_1242 : memref<128x16xf32, #tpu.memory_space<vmem_shared>>)
      tpu.yield
    }) : () -> ()
    %mul3A_1119 = arith.constant 3328 : i32
    %mul3A_1120 = arith.muli %arg1, %mul3A_1119 : i32
    %add3A_1121 = arith.constant 3072 : i32
    %add3A_1122 = arith.addi %mul3A_1120, %add3A_1121 : i32
    "tpu.region"() ({
      %run_scoped3A_1234 = tpu.sem_alloc : memref<!tpu.dma_semaphore, #tpu.memory_space<semaphore_mem>>
      %dma_start3A_1235 = arith.constant 0 : i32
      %dma_start3A_1236 = tpu.memref_slice %arg14[%add3A_1122, %dma_start3A_1235] : memref<53248x16xf32, #tpu.memory_space<vmem_shared>> -> memref<128x16xf32, #tpu.memory_space<vmem_shared>>
      %dma_start3A_1237 = arith.constant 0 : i32
      %dma_start3A_1238 = tpu.memref_slice %arg14[%add3A_1122, %dma_start3A_1237] : memref<53248x16xf32, #tpu.memory_space<vmem_shared>> -> memref<128x16xf32, #tpu.memory_space<vmem_shared>>
      tpu.enqueue_dma source(%arg7 : memref<128x16xf32, #tpu.memory_space<vmem>>) target(%dma_start3A_1238 : memref<128x16xf32, #tpu.memory_space<vmem_shared>>) target_semaphore(%run_scoped3A_1234 : memref<!tpu.dma_semaphore, #tpu.memory_space<semaphore_mem>>)
      %dma_wait3A_1239 = arith.constant 0 : i32
      %dma_wait3A_1240 = tpu.memref_slice %arg14[%add3A_1122, %dma_wait3A_1239] : memref<53248x16xf32, #tpu.memory_space<vmem_shared>> -> memref<128x16xf32, #tpu.memory_space<vmem_shared>>
      %dma_wait3A_1241 = arith.constant 0 : i32
      %dma_wait3A_1242 = tpu.memref_slice %arg14[%add3A_1122, %dma_wait3A_1241] : memref<53248x16xf32, #tpu.memory_space<vmem_shared>> -> memref<128x16xf32, #tpu.memory_space<vmem_shared>>
      tpu.wait_dma2 semaphore(%run_scoped3A_1234 : memref<!tpu.dma_semaphore, #tpu.memory_space<semaphore_mem>>) src(%arg7 : memref<128x16xf32, #tpu.memory_space<vmem>>) dst(%dma_wait3A_1242 : memref<128x16xf32, #tpu.memory_space<vmem_shared>>)
      tpu.yield
    }) : () -> ()
    %mul3A_1123 = arith.constant 3328 : i32
    %mul3A_1124 = arith.muli %arg1, %mul3A_1123 : i32
    %add3A_1125 = arith.constant 3200 : i32
    %add3A_1126 = arith.addi %mul3A_1124, %add3A_1125 : i32
    "tpu.region"() ({
      %run_scoped3A_1234 = tpu.sem_alloc : memref<!tpu.dma_semaphore, #tpu.memory_space<semaphore_mem>>
      %dma_start3A_1235 = arith.constant 0 : i32
      %dma_start3A_1236 = tpu.memref_slice %arg14[%add3A_1126, %dma_start3A_1235] : memref<53248x16xf32, #tpu.memory_space<vmem_shared>> -> memref<128x16xf32, #tpu.memory_space<vmem_shared>>
      %dma_start3A_1237 = arith.constant 0 : i32
      %dma_start3A_1238 = tpu.memref_slice %arg14[%add3A_1126, %dma_start3A_1237] : memref<53248x16xf32, #tpu.memory_space<vmem_shared>> -> memref<128x16xf32, #tpu.memory_space<vmem_shared>>
      tpu.enqueue_dma source(%arg7 : memref<128x16xf32, #tpu.memory_space<vmem>>) target(%dma_start3A_1238 : memref<128x16xf32, #tpu.memory_space<vmem_shared>>) target_semaphore(%run_scoped3A_1234 : memref<!tpu.dma_semaphore, #tpu.memory_space<semaphore_mem>>)
      %dma_wait3A_1239 = arith.constant 0 : i32
      %dma_wait3A_1240 = tpu.memref_slice %arg14[%add3A_1126, %dma_wait3A_1239] : memref<53248x16xf32, #tpu.memory_space<vmem_shared>> -> memref<128x16xf32, #tpu.memory_space<vmem_shared>>
      %dma_wait3A_1241 = arith.constant 0 : i32
      %dma_wait3A_1242 = tpu.memref_slice %arg14[%add3A_1126, %dma_wait3A_1241] : memref<53248x16xf32, #tpu.memory_space<vmem_shared>> -> memref<128x16xf32, #tpu.memory_space<vmem_shared>>
      tpu.wait_dma2 semaphore(%run_scoped3A_1234 : memref<!tpu.dma_semaphore, #tpu.memory_space<semaphore_mem>>) src(%arg7 : memref<128x16xf32, #tpu.memory_space<vmem>>) dst(%dma_wait3A_1242 : memref<128x16xf32, #tpu.memory_space<vmem_shared>>)
      tpu.yield
    }) : () -> ()
    %barrier3A = arith.constant 0 : index
    tpu.barrier barrier_id(%barrier3A)
    %run_scoped3A = arith.constant 0 : i32
    "tpu.region"() ({
      %run_scoped3A_1234 = tpu.sem_alloc : memref<!tpu.dma_semaphore, #tpu.memory_space<semaphore_mem>>
      %dma_start3A_1235 = arith.constant 0 : i32
      %dma_start3A_1236 = arith.constant 0 : i32
      %dma_start3A_1237 = tpu.memref_slice %arg3[%run_scoped3A, %add3A, %dma_start3A_1235, %dma_start3A_1236] : memref<2x32x196x128xi32, #tpu.memory_space<hbm>> -> memref<1x1x196x128xi32, #tpu.memory_space<hbm>>
      %dma_start3A_1238 = tpu.memref_squeeze %dma_start3A_1237 : memref<1x1x196x128xi32, #tpu.memory_space<hbm>> -> memref<196x128xi32, #tpu.memory_space<hbm>>
      %dma_start3A_1239 = arith.constant 0 : i32
      %dma_start3A_1240 = arith.constant 0 : i32
      %dma_start3A_1241 = tpu.memref_slice %arg3[%run_scoped3A, %add3A, %dma_start3A_1239, %dma_start3A_1240] : memref<2x32x196x128xi32, #tpu.memory_space<hbm>> -> memref<1x1x196x128xi32, #tpu.memory_space<hbm>>
      %dma_start3A_1242 = tpu.memref_squeeze %dma_start3A_1241 : memref<1x1x196x128xi32, #tpu.memory_space<hbm>> -> memref<196x128xi32, #tpu.memory_space<hbm>>
      tpu.enqueue_dma source(%dma_start3A_1242 : memref<196x128xi32, #tpu.memory_space<hbm>>) target(%arg5 : memref<196x128xi32, #tpu.memory_space<vmem>>) target_semaphore(%run_scoped3A_1234 : memref<!tpu.dma_semaphore, #tpu.memory_space<semaphore_mem>>)
      %dma_wait3A_1243 = arith.constant 0 : i32
      %dma_wait3A_1244 = arith.constant 0 : i32
      %dma_wait3A_1245 = tpu.memref_slice %arg3[%run_scoped3A, %add3A, %dma_wait3A_1243, %dma_wait3A_1244] : memref<2x32x196x128xi32, #tpu.memory_space<hbm>> -> memref<1x1x196x128xi32, #tpu.memory_space<hbm>>
      %dma_wait3A_1246 = tpu.memref_squeeze %dma_wait3A_1245 : memref<1x1x196x128xi32, #tpu.memory_space<hbm>> -> memref<196x128xi32, #tpu.memory_space<hbm>>
      %dma_wait3A_1247 = arith.constant 0 : i32
      %dma_wait3A_1248 = arith.constant 0 : i32
      %dma_wait3A_1249 = tpu.memref_slice %arg3[%run_scoped3A, %add3A, %dma_wait3A_1247, %dma_wait3A_1248] : memref<2x32x196x128xi32, #tpu.memory_space<hbm>> -> memref<1x1x196x128xi32, #tpu.memory_space<hbm>>
      %dma_wait3A_1250 = tpu.memref_squeeze %dma_wait3A_1249 : memref<1x1x196x128xi32, #tpu.memory_space<hbm>> -> memref<196x128xi32, #tpu.memory_space<hbm>>
      tpu.wait_dma2 semaphore(%run_scoped3A_1234 : memref<!tpu.dma_semaphore, #tpu.memory_space<semaphore_mem>>) src(%dma_wait3A_1250 : memref<196x128xi32, #tpu.memory_space<hbm>>) dst(%arg5 : memref<196x128xi32, #tpu.memory_space<vmem>>)
      tpu.yield
    }) : () -> ()
    %run_scoped3A_1127 = arith.constant 1 : i32
    "tpu.region"() ({
      %run_scoped3A_1234 = tpu.sem_alloc : memref<!tpu.dma_semaphore, #tpu.memory_space<semaphore_mem>>
      %dma_start3A_1235 = arith.constant 0 : i32
      %dma_start3A_1236 = arith.constant 0 : i32
      %dma_start3A_1237 = tpu.memref_slice %arg3[%run_scoped3A_1127, %add3A, %dma_start3A_1235, %dma_start3A_1236] : memref<2x32x196x128xi32, #tpu.memory_space<hbm>> -> memref<1x1x196x128xi32, #tpu.memory_space<hbm>>
      %dma_start3A_1238 = tpu.memref_squeeze %dma_start3A_1237 : memref<1x1x196x128xi32, #tpu.memory_space<hbm>> -> memref<196x128xi32, #tpu.memory_space<hbm>>
      %dma_start3A_1239 = arith.constant 0 : i32
      %dma_start3A_1240 = arith.constant 0 : i32
      %dma_start3A_1241 = tpu.memref_slice %arg3[%run_scoped3A_1127, %add3A, %dma_start3A_1239, %dma_start3A_1240] : memref<2x32x196x128xi32, #tpu.memory_space<hbm>> -> memref<1x1x196x128xi32, #tpu.memory_space<hbm>>
      %dma_start3A_1242 = tpu.memref_squeeze %dma_start3A_1241 : memref<1x1x196x128xi32, #tpu.memory_space<hbm>> -> memref<196x128xi32, #tpu.memory_space<hbm>>
      tpu.enqueue_dma source(%dma_start3A_1242 : memref<196x128xi32, #tpu.memory_space<hbm>>) target(%arg6 : memref<196x128xi32, #tpu.memory_space<vmem>>) target_semaphore(%run_scoped3A_1234 : memref<!tpu.dma_semaphore, #tpu.memory_space<semaphore_mem>>)
      %dma_wait3A_1243 = arith.constant 0 : i32
      %dma_wait3A_1244 = arith.constant 0 : i32
      %dma_wait3A_1245 = tpu.memref_slice %arg3[%run_scoped3A_1127, %add3A, %dma_wait3A_1243, %dma_wait3A_1244] : memref<2x32x196x128xi32, #tpu.memory_space<hbm>> -> memref<1x1x196x128xi32, #tpu.memory_space<hbm>>
      %dma_wait3A_1246 = tpu.memref_squeeze %dma_wait3A_1245 : memref<1x1x196x128xi32, #tpu.memory_space<hbm>> -> memref<196x128xi32, #tpu.memory_space<hbm>>
      %dma_wait3A_1247 = arith.constant 0 : i32
      %dma_wait3A_1248 = arith.constant 0 : i32
      %dma_wait3A_1249 = tpu.memref_slice %arg3[%run_scoped3A_1127, %add3A, %dma_wait3A_1247, %dma_wait3A_1248] : memref<2x32x196x128xi32, #tpu.memory_space<hbm>> -> memref<1x1x196x128xi32, #tpu.memory_space<hbm>>
      %dma_wait3A_1250 = tpu.memref_squeeze %dma_wait3A_1249 : memref<1x1x196x128xi32, #tpu.memory_space<hbm>> -> memref<196x128xi32, #tpu.memory_space<hbm>>
      tpu.wait_dma2 semaphore(%run_scoped3A_1234 : memref<!tpu.dma_semaphore, #tpu.memory_space<semaphore_mem>>) src(%dma_wait3A_1250 : memref<196x128xi32, #tpu.memory_space<hbm>>) dst(%arg6 : memref<196x128xi32, #tpu.memory_space<vmem>>)
      tpu.yield
    }) : () -> ()
    %dma_start3A = arith.constant 0 : i32
    %dma_start3A_1128 = arith.constant 0 : i32
    %dma_start3A_1129 = tpu.memref_slice %arg5[%dma_start3A, %dma_start3A_1128] : memref<196x128xi32, #tpu.memory_space<vmem>> -> memref<1x128xi32, #tpu.memory_space<vmem>>
    %dma_start3A_1130 = tpu.memref_squeeze %dma_start3A_1129 : memref<1x128xi32, #tpu.memory_space<vmem>> -> memref<128xi32, #tpu.memory_space<vmem>>
    %dma_start3A_1131 = arith.constant 0 : i32
    %dma_start3A_1132 = arith.constant 0 : i32
    %dma_start3A_1133 = tpu.memref_slice %arg2[%dma_start3A_1131, %dma_start3A_1132] : memref<50000x16xf32, #tpu.memory_space<hbm>> -> memref<50000x16xf32, #tpu.memory_space<hbm>>
    tpu.enqueue_indirect_dma source(%dma_start3A_1133 : memref<50000x16xf32, #tpu.memory_space<hbm>>) target(%arg7 : memref<128x16xf32, #tpu.memory_space<vmem>>) offsets(%dma_start3A_1130 : memref<128xi32, #tpu.memory_space<vmem>>) semaphore(%arg15 : memref<!tpu.dma_semaphore, #tpu.memory_space<semaphore_mem>>)
    %dma_start3A_1134 = arith.constant 1 : i32
    %dma_start3A_1135 = arith.constant 0 : i32
    %dma_start3A_1136 = tpu.memref_slice %arg5[%dma_start3A_1134, %dma_start3A_1135] : memref<196x128xi32, #tpu.memory_space<vmem>> -> memref<1x128xi32, #tpu.memory_space<vmem>>
    %dma_start3A_1137 = tpu.memref_squeeze %dma_start3A_1136 : memref<1x128xi32, #tpu.memory_space<vmem>> -> memref<128xi32, #tpu.memory_space<vmem>>
    %dma_start3A_1138 = arith.constant 0 : i32
    %dma_start3A_1139 = arith.constant 0 : i32
    %dma_start3A_1140 = tpu.memref_slice %arg2[%dma_start3A_1138, %dma_start3A_1139] : memref<50000x16xf32, #tpu.memory_space<hbm>> -> memref<50000x16xf32, #tpu.memory_space<hbm>>
    tpu.enqueue_indirect_dma source(%dma_start3A_1140 : memref<50000x16xf32, #tpu.memory_space<hbm>>) target(%arg8 : memref<128x16xf32, #tpu.memory_space<vmem>>) offsets(%dma_start3A_1137 : memref<128xi32, #tpu.memory_space<vmem>>) semaphore(%arg16 : memref<!tpu.dma_semaphore, #tpu.memory_space<semaphore_mem>>)
    %dma_start3A_1141 = arith.constant 2 : i32
    %dma_start3A_1142 = arith.constant 0 : i32
    %dma_start3A_1143 = tpu.memref_slice %arg5[%dma_start3A_1141, %dma_start3A_1142] : memref<196x128xi32, #tpu.memory_space<vmem>> -> memref<1x128xi32, #tpu.memory_space<vmem>>
    %dma_start3A_1144 = tpu.memref_squeeze %dma_start3A_1143 : memref<1x128xi32, #tpu.memory_space<vmem>> -> memref<128xi32, #tpu.memory_space<vmem>>
    %dma_start3A_1145 = arith.constant 0 : i32
    %dma_start3A_1146 = arith.constant 0 : i32
    %dma_start3A_1147 = tpu.memref_slice %arg2[%dma_start3A_1145, %dma_start3A_1146] : memref<50000x16xf32, #tpu.memory_space<hbm>> -> memref<50000x16xf32, #tpu.memory_space<hbm>>
    tpu.enqueue_indirect_dma source(%dma_start3A_1147 : memref<50000x16xf32, #tpu.memory_space<hbm>>) target(%arg9 : memref<128x16xf32, #tpu.memory_space<vmem>>) offsets(%dma_start3A_1144 : memref<128xi32, #tpu.memory_space<vmem>>) semaphore(%arg17 : memref<!tpu.dma_semaphore, #tpu.memory_space<semaphore_mem>>)
    %dma_start3A_1148 = arith.constant 3 : i32
    %dma_start3A_1149 = arith.constant 0 : i32
    %dma_start3A_1150 = tpu.memref_slice %arg5[%dma_start3A_1148, %dma_start3A_1149] : memref<196x128xi32, #tpu.memory_space<vmem>> -> memref<1x128xi32, #tpu.memory_space<vmem>>
    %dma_start3A_1151 = tpu.memref_squeeze %dma_start3A_1150 : memref<1x128xi32, #tpu.memory_space<vmem>> -> memref<128xi32, #tpu.memory_space<vmem>>
    %dma_start3A_1152 = arith.constant 0 : i32
    %dma_start3A_1153 = arith.constant 0 : i32
    %dma_start3A_1154 = tpu.memref_slice %arg2[%dma_start3A_1152, %dma_start3A_1153] : memref<50000x16xf32, #tpu.memory_space<hbm>> -> memref<50000x16xf32, #tpu.memory_space<hbm>>
    tpu.enqueue_indirect_dma source(%dma_start3A_1154 : memref<50000x16xf32, #tpu.memory_space<hbm>>) target(%arg10 : memref<128x16xf32, #tpu.memory_space<vmem>>) offsets(%dma_start3A_1151 : memref<128xi32, #tpu.memory_space<vmem>>) semaphore(%arg18 : memref<!tpu.dma_semaphore, #tpu.memory_space<semaphore_mem>>)
    %dma_start3A_1155 = arith.constant 4 : i32
    %dma_start3A_1156 = arith.constant 0 : i32
    %dma_start3A_1157 = tpu.memref_slice %arg5[%dma_start3A_1155, %dma_start3A_1156] : memref<196x128xi32, #tpu.memory_space<vmem>> -> memref<1x128xi32, #tpu.memory_space<vmem>>
    %dma_start3A_1158 = tpu.memref_squeeze %dma_start3A_1157 : memref<1x128xi32, #tpu.memory_space<vmem>> -> memref<128xi32, #tpu.memory_space<vmem>>
    %dma_start3A_1159 = arith.constant 0 : i32
    %dma_start3A_1160 = arith.constant 0 : i32
    %dma_start3A_1161 = tpu.memref_slice %arg2[%dma_start3A_1159, %dma_start3A_1160] : memref<50000x16xf32, #tpu.memory_space<hbm>> -> memref<50000x16xf32, #tpu.memory_space<hbm>>
    tpu.enqueue_indirect_dma source(%dma_start3A_1161 : memref<50000x16xf32, #tpu.memory_space<hbm>>) target(%arg11 : memref<128x16xf32, #tpu.memory_space<vmem>>) offsets(%dma_start3A_1158 : memref<128xi32, #tpu.memory_space<vmem>>) semaphore(%arg19 : memref<!tpu.dma_semaphore, #tpu.memory_space<semaphore_mem>>)
    %dma_start3A_1162 = arith.constant 5 : i32
    %dma_start3A_1163 = arith.constant 0 : i32
    %dma_start3A_1164 = tpu.memref_slice %arg5[%dma_start3A_1162, %dma_start3A_1163] : memref<196x128xi32, #tpu.memory_space<vmem>> -> memref<1x128xi32, #tpu.memory_space<vmem>>
    %dma_start3A_1165 = tpu.memref_squeeze %dma_start3A_1164 : memref<1x128xi32, #tpu.memory_space<vmem>> -> memref<128xi32, #tpu.memory_space<vmem>>
    %dma_start3A_1166 = arith.constant 0 : i32
    %dma_start3A_1167 = arith.constant 0 : i32
    %dma_start3A_1168 = tpu.memref_slice %arg2[%dma_start3A_1166, %dma_start3A_1167] : memref<50000x16xf32, #tpu.memory_space<hbm>> -> memref<50000x16xf32, #tpu.memory_space<hbm>>
    tpu.enqueue_indirect_dma source(%dma_start3A_1168 : memref<50000x16xf32, #tpu.memory_space<hbm>>) target(%arg12 : memref<128x16xf32, #tpu.memory_space<vmem>>) offsets(%dma_start3A_1165 : memref<128xi32, #tpu.memory_space<vmem>>) semaphore(%arg20 : memref<!tpu.dma_semaphore, #tpu.memory_space<semaphore_mem>>)
    %dma_start3A_1169 = arith.constant 6 : i32
    %dma_start3A_1170 = arith.constant 0 : i32
    %dma_start3A_1171 = tpu.memref_slice %arg5[%dma_start3A_1169, %dma_start3A_1170] : memref<196x128xi32, #tpu.memory_space<vmem>> -> memref<1x128xi32, #tpu.memory_space<vmem>>
    %dma_start3A_1172 = tpu.memref_squeeze %dma_start3A_1171 : memref<1x128xi32, #tpu.memory_space<vmem>> -> memref<128xi32, #tpu.memory_space<vmem>>
    %dma_start3A_1173 = arith.constant 0 : i32
    %dma_start3A_1174 = arith.constant 0 : i32
    %dma_start3A_1175 = tpu.memref_slice %arg2[%dma_start3A_1173, %dma_start3A_1174] : memref<50000x16xf32, #tpu.memory_space<hbm>> -> memref<50000x16xf32, #tpu.memory_space<hbm>>
    tpu.enqueue_indirect_dma source(%dma_start3A_1175 : memref<50000x16xf32, #tpu.memory_space<hbm>>) target(%arg13 : memref<128x16xf32, #tpu.memory_space<vmem>>) offsets(%dma_start3A_1172 : memref<128xi32, #tpu.memory_space<vmem>>) semaphore(%arg21 : memref<!tpu.dma_semaphore, #tpu.memory_space<semaphore_mem>>)
    %scan3A = arith.constant 0 : i32
    %scan3A_1176 = arith.constant 0 : i32
    %scan3A_1177 = arith.constant 28 : i32
    %scan3A_1178 = arith.addi %scan3A_1176, %scan3A_1177 : i32
    %scan3A_1179 = arith.constant 1 : i32
    scf.for %scan3A_1234 = %scan3A_1176 to %scan3A_1178 step %scan3A_1179  : i32 {
      %mul3A_1235 = arith.constant 7 : i32
      %mul3A_1236 = arith.muli %scan3A_1234, %mul3A_1235 : i32
      %add3A_1237 = arith.constant 0 : i32
      %add3A_1238 = arith.addi %mul3A_1236, %add3A_1237 : i32
      %dma_wait3A_1239 = arith.constant 0 : i32
      %dma_wait3A_1240 = tpu.memref_slice %arg5[%add3A_1238, %dma_wait3A_1239] : memref<196x128xi32, #tpu.memory_space<vmem>> -> memref<1x128xi32, #tpu.memory_space<vmem>>
      %dma_wait3A_1241 = tpu.memref_squeeze %dma_wait3A_1240 : memref<1x128xi32, #tpu.memory_space<vmem>> -> memref<128xi32, #tpu.memory_space<vmem>>
      %dma_wait3A_1242 = arith.constant 0 : i32
      %dma_wait3A_1243 = arith.constant 0 : i32
      %dma_wait3A_1244 = tpu.memref_slice %arg2[%dma_wait3A_1242, %dma_wait3A_1243] : memref<50000x16xf32, #tpu.memory_space<hbm>> -> memref<50000x16xf32, #tpu.memory_space<hbm>>
      tpu.wait_indirect_dma semaphore(%arg15 : memref<!tpu.dma_semaphore, #tpu.memory_space<semaphore_mem>>) src(%dma_wait3A_1244 : memref<50000x16xf32, #tpu.memory_space<hbm>>) dst(%arg7 : memref<128x16xf32, #tpu.memory_space<vmem>>)
      %dma_start3A_1245 = arith.constant 0 : i32
      %dma_start3A_1246 = tpu.memref_slice %arg6[%add3A_1238, %dma_start3A_1245] : memref<196x128xi32, #tpu.memory_space<vmem>> -> memref<1x128xi32, #tpu.memory_space<vmem>>
      %dma_start3A_1247 = tpu.memref_squeeze %dma_start3A_1246 : memref<1x128xi32, #tpu.memory_space<vmem>> -> memref<128xi32, #tpu.memory_space<vmem>>
      %dma_start3A_1248 = arith.constant 0 : i32
      %dma_start3A_1249 = arith.constant 0 : i32
      %dma_start3A_1250 = tpu.memref_slice %arg14[%dma_start3A_1248, %dma_start3A_1249] : memref<53248x16xf32, #tpu.memory_space<vmem_shared>> -> memref<53248x16xf32, #tpu.memory_space<vmem_shared>>
      tpu.enqueue_indirect_dma source(%arg7 : memref<128x16xf32, #tpu.memory_space<vmem>>) target(%dma_start3A_1250 : memref<53248x16xf32, #tpu.memory_space<vmem_shared>>) offsets(%dma_start3A_1247 : memref<128xi32, #tpu.memory_space<vmem>>) semaphore(%arg22 : memref<!tpu.dma_semaphore, #tpu.memory_space<semaphore_mem>>) {add = true}
      %add3A_1251 = arith.constant 1 : i32
      %add3A_1252 = arith.addi %mul3A_1236, %add3A_1251 : i32
      %dma_wait3A_1253 = arith.constant 0 : i32
      %dma_wait3A_1254 = tpu.memref_slice %arg5[%add3A_1252, %dma_wait3A_1253] : memref<196x128xi32, #tpu.memory_space<vmem>> -> memref<1x128xi32, #tpu.memory_space<vmem>>
      %dma_wait3A_1255 = tpu.memref_squeeze %dma_wait3A_1254 : memref<1x128xi32, #tpu.memory_space<vmem>> -> memref<128xi32, #tpu.memory_space<vmem>>
      %dma_wait3A_1256 = arith.constant 0 : i32
      %dma_wait3A_1257 = arith.constant 0 : i32
      %dma_wait3A_1258 = tpu.memref_slice %arg2[%dma_wait3A_1256, %dma_wait3A_1257] : memref<50000x16xf32, #tpu.memory_space<hbm>> -> memref<50000x16xf32, #tpu.memory_space<hbm>>
      tpu.wait_indirect_dma semaphore(%arg16 : memref<!tpu.dma_semaphore, #tpu.memory_space<semaphore_mem>>) src(%dma_wait3A_1258 : memref<50000x16xf32, #tpu.memory_space<hbm>>) dst(%arg8 : memref<128x16xf32, #tpu.memory_space<vmem>>)
      %dma_start3A_1259 = arith.constant 0 : i32
      %dma_start3A_1260 = tpu.memref_slice %arg6[%add3A_1252, %dma_start3A_1259] : memref<196x128xi32, #tpu.memory_space<vmem>> -> memref<1x128xi32, #tpu.memory_space<vmem>>
      %dma_start3A_1261 = tpu.memref_squeeze %dma_start3A_1260 : memref<1x128xi32, #tpu.memory_space<vmem>> -> memref<128xi32, #tpu.memory_space<vmem>>
      %dma_start3A_1262 = arith.constant 0 : i32
      %dma_start3A_1263 = arith.constant 0 : i32
      %dma_start3A_1264 = tpu.memref_slice %arg14[%dma_start3A_1262, %dma_start3A_1263] : memref<53248x16xf32, #tpu.memory_space<vmem_shared>> -> memref<53248x16xf32, #tpu.memory_space<vmem_shared>>
      tpu.enqueue_indirect_dma source(%arg8 : memref<128x16xf32, #tpu.memory_space<vmem>>) target(%dma_start3A_1264 : memref<53248x16xf32, #tpu.memory_space<vmem_shared>>) offsets(%dma_start3A_1261 : memref<128xi32, #tpu.memory_space<vmem>>) semaphore(%arg23 : memref<!tpu.dma_semaphore, #tpu.memory_space<semaphore_mem>>) {add = true}
      %add3A_1265 = arith.constant 2 : i32
      %add3A_1266 = arith.addi %mul3A_1236, %add3A_1265 : i32
      %dma_wait3A_1267 = arith.constant 0 : i32
      %dma_wait3A_1268 = tpu.memref_slice %arg5[%add3A_1266, %dma_wait3A_1267] : memref<196x128xi32, #tpu.memory_space<vmem>> -> memref<1x128xi32, #tpu.memory_space<vmem>>
      %dma_wait3A_1269 = tpu.memref_squeeze %dma_wait3A_1268 : memref<1x128xi32, #tpu.memory_space<vmem>> -> memref<128xi32, #tpu.memory_space<vmem>>
      %dma_wait3A_1270 = arith.constant 0 : i32
      %dma_wait3A_1271 = arith.constant 0 : i32
      %dma_wait3A_1272 = tpu.memref_slice %arg2[%dma_wait3A_1270, %dma_wait3A_1271] : memref<50000x16xf32, #tpu.memory_space<hbm>> -> memref<50000x16xf32, #tpu.memory_space<hbm>>
      tpu.wait_indirect_dma semaphore(%arg17 : memref<!tpu.dma_semaphore, #tpu.memory_space<semaphore_mem>>) src(%dma_wait3A_1272 : memref<50000x16xf32, #tpu.memory_space<hbm>>) dst(%arg9 : memref<128x16xf32, #tpu.memory_space<vmem>>)
      %dma_start3A_1273 = arith.constant 0 : i32
      %dma_start3A_1274 = tpu.memref_slice %arg6[%add3A_1266, %dma_start3A_1273] : memref<196x128xi32, #tpu.memory_space<vmem>> -> memref<1x128xi32, #tpu.memory_space<vmem>>
      %dma_start3A_1275 = tpu.memref_squeeze %dma_start3A_1274 : memref<1x128xi32, #tpu.memory_space<vmem>> -> memref<128xi32, #tpu.memory_space<vmem>>
      %dma_start3A_1276 = arith.constant 0 : i32
      %dma_start3A_1277 = arith.constant 0 : i32
      %dma_start3A_1278 = tpu.memref_slice %arg14[%dma_start3A_1276, %dma_start3A_1277] : memref<53248x16xf32, #tpu.memory_space<vmem_shared>> -> memref<53248x16xf32, #tpu.memory_space<vmem_shared>>
      tpu.enqueue_indirect_dma source(%arg9 : memref<128x16xf32, #tpu.memory_space<vmem>>) target(%dma_start3A_1278 : memref<53248x16xf32, #tpu.memory_space<vmem_shared>>) offsets(%dma_start3A_1275 : memref<128xi32, #tpu.memory_space<vmem>>) semaphore(%arg24 : memref<!tpu.dma_semaphore, #tpu.memory_space<semaphore_mem>>) {add = true}
      %add3A_1279 = arith.constant 3 : i32
      %add3A_1280 = arith.addi %mul3A_1236, %add3A_1279 : i32
      %dma_wait3A_1281 = arith.constant 0 : i32
      %dma_wait3A_1282 = tpu.memref_slice %arg5[%add3A_1280, %dma_wait3A_1281] : memref<196x128xi32, #tpu.memory_space<vmem>> -> memref<1x128xi32, #tpu.memory_space<vmem>>
      %dma_wait3A_1283 = tpu.memref_squeeze %dma_wait3A_1282 : memref<1x128xi32, #tpu.memory_space<vmem>> -> memref<128xi32, #tpu.memory_space<vmem>>
      %dma_wait3A_1284 = arith.constant 0 : i32
      %dma_wait3A_1285 = arith.constant 0 : i32
      %dma_wait3A_1286 = tpu.memref_slice %arg2[%dma_wait3A_1284, %dma_wait3A_1285] : memref<50000x16xf32, #tpu.memory_space<hbm>> -> memref<50000x16xf32, #tpu.memory_space<hbm>>
      tpu.wait_indirect_dma semaphore(%arg18 : memref<!tpu.dma_semaphore, #tpu.memory_space<semaphore_mem>>) src(%dma_wait3A_1286 : memref<50000x16xf32, #tpu.memory_space<hbm>>) dst(%arg10 : memref<128x16xf32, #tpu.memory_space<vmem>>)
      %dma_start3A_1287 = arith.constant 0 : i32
      %dma_start3A_1288 = tpu.memref_slice %arg6[%add3A_1280, %dma_start3A_1287] : memref<196x128xi32, #tpu.memory_space<vmem>> -> memref<1x128xi32, #tpu.memory_space<vmem>>
      %dma_start3A_1289 = tpu.memref_squeeze %dma_start3A_1288 : memref<1x128xi32, #tpu.memory_space<vmem>> -> memref<128xi32, #tpu.memory_space<vmem>>
      %dma_start3A_1290 = arith.constant 0 : i32
      %dma_start3A_1291 = arith.constant 0 : i32
      %dma_start3A_1292 = tpu.memref_slice %arg14[%dma_start3A_1290, %dma_start3A_1291] : memref<53248x16xf32, #tpu.memory_space<vmem_shared>> -> memref<53248x16xf32, #tpu.memory_space<vmem_shared>>
      tpu.enqueue_indirect_dma source(%arg10 : memref<128x16xf32, #tpu.memory_space<vmem>>) target(%dma_start3A_1292 : memref<53248x16xf32, #tpu.memory_space<vmem_shared>>) offsets(%dma_start3A_1289 : memref<128xi32, #tpu.memory_space<vmem>>) semaphore(%arg25 : memref<!tpu.dma_semaphore, #tpu.memory_space<semaphore_mem>>) {add = true}
      %add3A_1293 = arith.constant 4 : i32
      %add3A_1294 = arith.addi %mul3A_1236, %add3A_1293 : i32
      %dma_wait3A_1295 = arith.constant 0 : i32
      %dma_wait3A_1296 = tpu.memref_slice %arg5[%add3A_1294, %dma_wait3A_1295] : memref<196x128xi32, #tpu.memory_space<vmem>> -> memref<1x128xi32, #tpu.memory_space<vmem>>
      %dma_wait3A_1297 = tpu.memref_squeeze %dma_wait3A_1296 : memref<1x128xi32, #tpu.memory_space<vmem>> -> memref<128xi32, #tpu.memory_space<vmem>>
      %dma_wait3A_1298 = arith.constant 0 : i32
      %dma_wait3A_1299 = arith.constant 0 : i32
      %dma_wait3A_1300 = tpu.memref_slice %arg2[%dma_wait3A_1298, %dma_wait3A_1299] : memref<50000x16xf32, #tpu.memory_space<hbm>> -> memref<50000x16xf32, #tpu.memory_space<hbm>>
      tpu.wait_indirect_dma semaphore(%arg19 : memref<!tpu.dma_semaphore, #tpu.memory_space<semaphore_mem>>) src(%dma_wait3A_1300 : memref<50000x16xf32, #tpu.memory_space<hbm>>) dst(%arg11 : memref<128x16xf32, #tpu.memory_space<vmem>>)
      %dma_start3A_1301 = arith.constant 0 : i32
      %dma_start3A_1302 = tpu.memref_slice %arg6[%add3A_1294, %dma_start3A_1301] : memref<196x128xi32, #tpu.memory_space<vmem>> -> memref<1x128xi32, #tpu.memory_space<vmem>>
      %dma_start3A_1303 = tpu.memref_squeeze %dma_start3A_1302 : memref<1x128xi32, #tpu.memory_space<vmem>> -> memref<128xi32, #tpu.memory_space<vmem>>
      %dma_start3A_1304 = arith.constant 0 : i32
      %dma_start3A_1305 = arith.constant 0 : i32
      %dma_start3A_1306 = tpu.memref_slice %arg14[%dma_start3A_1304, %dma_start3A_1305] : memref<53248x16xf32, #tpu.memory_space<vmem_shared>> -> memref<53248x16xf32, #tpu.memory_space<vmem_shared>>
      tpu.enqueue_indirect_dma source(%arg11 : memref<128x16xf32, #tpu.memory_space<vmem>>) target(%dma_start3A_1306 : memref<53248x16xf32, #tpu.memory_space<vmem_shared>>) offsets(%dma_start3A_1303 : memref<128xi32, #tpu.memory_space<vmem>>) semaphore(%arg26 : memref<!tpu.dma_semaphore, #tpu.memory_space<semaphore_mem>>) {add = true}
      %add3A_1307 = arith.constant 5 : i32
      %add3A_1308 = arith.addi %mul3A_1236, %add3A_1307 : i32
      %dma_wait3A_1309 = arith.constant 0 : i32
      %dma_wait3A_1310 = tpu.memref_slice %arg5[%add3A_1308, %dma_wait3A_1309] : memref<196x128xi32, #tpu.memory_space<vmem>> -> memref<1x128xi32, #tpu.memory_space<vmem>>
      %dma_wait3A_1311 = tpu.memref_squeeze %dma_wait3A_1310 : memref<1x128xi32, #tpu.memory_space<vmem>> -> memref<128xi32, #tpu.memory_space<vmem>>
      %dma_wait3A_1312 = arith.constant 0 : i32
      %dma_wait3A_1313 = arith.constant 0 : i32
      %dma_wait3A_1314 = tpu.memref_slice %arg2[%dma_wait3A_1312, %dma_wait3A_1313] : memref<50000x16xf32, #tpu.memory_space<hbm>> -> memref<50000x16xf32, #tpu.memory_space<hbm>>
      tpu.wait_indirect_dma semaphore(%arg20 : memref<!tpu.dma_semaphore, #tpu.memory_space<semaphore_mem>>) src(%dma_wait3A_1314 : memref<50000x16xf32, #tpu.memory_space<hbm>>) dst(%arg12 : memref<128x16xf32, #tpu.memory_space<vmem>>)
      %dma_start3A_1315 = arith.constant 0 : i32
      %dma_start3A_1316 = tpu.memref_slice %arg6[%add3A_1308, %dma_start3A_1315] : memref<196x128xi32, #tpu.memory_space<vmem>> -> memref<1x128xi32, #tpu.memory_space<vmem>>
      %dma_start3A_1317 = tpu.memref_squeeze %dma_start3A_1316 : memref<1x128xi32, #tpu.memory_space<vmem>> -> memref<128xi32, #tpu.memory_space<vmem>>
      %dma_start3A_1318 = arith.constant 0 : i32
      %dma_start3A_1319 = arith.constant 0 : i32
      %dma_start3A_1320 = tpu.memref_slice %arg14[%dma_start3A_1318, %dma_start3A_1319] : memref<53248x16xf32, #tpu.memory_space<vmem_shared>> -> memref<53248x16xf32, #tpu.memory_space<vmem_shared>>
      tpu.enqueue_indirect_dma source(%arg12 : memref<128x16xf32, #tpu.memory_space<vmem>>) target(%dma_start3A_1320 : memref<53248x16xf32, #tpu.memory_space<vmem_shared>>) offsets(%dma_start3A_1317 : memref<128xi32, #tpu.memory_space<vmem>>) semaphore(%arg27 : memref<!tpu.dma_semaphore, #tpu.memory_space<semaphore_mem>>) {add = true}
      %add3A_1321 = arith.constant 6 : i32
      %add3A_1322 = arith.addi %mul3A_1236, %add3A_1321 : i32
      %dma_wait3A_1323 = arith.constant 0 : i32
      %dma_wait3A_1324 = tpu.memref_slice %arg5[%add3A_1322, %dma_wait3A_1323] : memref<196x128xi32, #tpu.memory_space<vmem>> -> memref<1x128xi32, #tpu.memory_space<vmem>>
      %dma_wait3A_1325 = tpu.memref_squeeze %dma_wait3A_1324 : memref<1x128xi32, #tpu.memory_space<vmem>> -> memref<128xi32, #tpu.memory_space<vmem>>
      %dma_wait3A_1326 = arith.constant 0 : i32
      %dma_wait3A_1327 = arith.constant 0 : i32
      %dma_wait3A_1328 = tpu.memref_slice %arg2[%dma_wait3A_1326, %dma_wait3A_1327] : memref<50000x16xf32, #tpu.memory_space<hbm>> -> memref<50000x16xf32, #tpu.memory_space<hbm>>
      tpu.wait_indirect_dma semaphore(%arg21 : memref<!tpu.dma_semaphore, #tpu.memory_space<semaphore_mem>>) src(%dma_wait3A_1328 : memref<50000x16xf32, #tpu.memory_space<hbm>>) dst(%arg13 : memref<128x16xf32, #tpu.memory_space<vmem>>)
      %dma_start3A_1329 = arith.constant 0 : i32
      %dma_start3A_1330 = tpu.memref_slice %arg6[%add3A_1322, %dma_start3A_1329] : memref<196x128xi32, #tpu.memory_space<vmem>> -> memref<1x128xi32, #tpu.memory_space<vmem>>
      %dma_start3A_1331 = tpu.memref_squeeze %dma_start3A_1330 : memref<1x128xi32, #tpu.memory_space<vmem>> -> memref<128xi32, #tpu.memory_space<vmem>>
      %dma_start3A_1332 = arith.constant 0 : i32
      %dma_start3A_1333 = arith.constant 0 : i32
      %dma_start3A_1334 = tpu.memref_slice %arg14[%dma_start3A_1332, %dma_start3A_1333] : memref<53248x16xf32, #tpu.memory_space<vmem_shared>> -> memref<53248x16xf32, #tpu.memory_space<vmem_shared>>
      tpu.enqueue_indirect_dma source(%arg13 : memref<128x16xf32, #tpu.memory_space<vmem>>) target(%dma_start3A_1334 : memref<53248x16xf32, #tpu.memory_space<vmem_shared>>) offsets(%dma_start3A_1331 : memref<128xi32, #tpu.memory_space<vmem>>) semaphore(%arg28 : memref<!tpu.dma_semaphore, #tpu.memory_space<semaphore_mem>>) {add = true}
      %add3A_1335 = arith.constant 0 : i32
      %add3A_1336 = arith.addi %mul3A_1236, %add3A_1335 : i32
      %add3A_1337 = arith.constant 7 : i32
      %add3A_1338 = arith.addi %add3A_1336, %add3A_1337 : i32
      %lt3A = arith.constant 196 : i32
      %lt3A_1339 = arith.cmpi slt, %add3A_1338, %lt3A : i32
      %convert_element_type3A = arith.extui %lt3A_1339 : i1 to i32
      %cond3A = arith.constant 0 : i32
      %cond3A_1340 = arith.cmpi ne, %convert_element_type3A, %cond3A : i32
      scf.if %cond3A_1340 {
        %dma_wait3A_1395 = arith.constant 0 : i32
        %dma_wait3A_1396 = tpu.memref_slice %arg6[%add3A_1336, %dma_wait3A_1395] : memref<196x128xi32, #tpu.memory_space<vmem>> -> memref<1x128xi32, #tpu.memory_space<vmem>>
        %dma_wait3A_1397 = tpu.memref_squeeze %dma_wait3A_1396 : memref<1x128xi32, #tpu.memory_space<vmem>> -> memref<128xi32, #tpu.memory_space<vmem>>
        %dma_wait3A_1398 = arith.constant 0 : i32
        %dma_wait3A_1399 = arith.constant 0 : i32
        %dma_wait3A_1400 = tpu.memref_slice %arg14[%dma_wait3A_1398, %dma_wait3A_1399] : memref<53248x16xf32, #tpu.memory_space<vmem_shared>> -> memref<53248x16xf32, #tpu.memory_space<vmem_shared>>
        tpu.wait_indirect_dma semaphore(%arg22 : memref<!tpu.dma_semaphore, #tpu.memory_space<semaphore_mem>>) src(%arg7 : memref<128x16xf32, #tpu.memory_space<vmem>>) dst(%dma_wait3A_1400 : memref<53248x16xf32, #tpu.memory_space<vmem_shared>>)
        %add3A_1401 = arith.constant 7 : i32
        %add3A_1402 = arith.addi %add3A_1336, %add3A_1401 : i32
        %dma_start3A_1403 = arith.constant 0 : i32
        %dma_start3A_1404 = tpu.memref_slice %arg5[%add3A_1402, %dma_start3A_1403] : memref<196x128xi32, #tpu.memory_space<vmem>> -> memref<1x128xi32, #tpu.memory_space<vmem>>
        %dma_start3A_1405 = tpu.memref_squeeze %dma_start3A_1404 : memref<1x128xi32, #tpu.memory_space<vmem>> -> memref<128xi32, #tpu.memory_space<vmem>>
        %dma_start3A_1406 = arith.constant 0 : i32
        %dma_start3A_1407 = arith.constant 0 : i32
        %dma_start3A_1408 = tpu.memref_slice %arg2[%dma_start3A_1406, %dma_start3A_1407] : memref<50000x16xf32, #tpu.memory_space<hbm>> -> memref<50000x16xf32, #tpu.memory_space<hbm>>
        tpu.enqueue_indirect_dma source(%dma_start3A_1408 : memref<50000x16xf32, #tpu.memory_space<hbm>>) target(%arg7 : memref<128x16xf32, #tpu.memory_space<vmem>>) offsets(%dma_start3A_1405 : memref<128xi32, #tpu.memory_space<vmem>>) semaphore(%arg15 : memref<!tpu.dma_semaphore, #tpu.memory_space<semaphore_mem>>)
      } else {
      }
      %add3A_1341 = arith.constant 1 : i32
      %add3A_1342 = arith.addi %mul3A_1236, %add3A_1341 : i32
      %add3A_1343 = arith.constant 7 : i32
      %add3A_1344 = arith.addi %add3A_1342, %add3A_1343 : i32
      %lt3A_1345 = arith.constant 196 : i32
      %lt3A_1346 = arith.cmpi slt, %add3A_1344, %lt3A_1345 : i32
      %convert_element_type3A_1347 = arith.extui %lt3A_1346 : i1 to i32
      %cond3A_1348 = arith.constant 0 : i32
      %cond3A_1349 = arith.cmpi ne, %convert_element_type3A_1347, %cond3A_1348 : i32
      scf.if %cond3A_1349 {
        %dma_wait3A_1395 = arith.constant 0 : i32
        %dma_wait3A_1396 = tpu.memref_slice %arg6[%add3A_1342, %dma_wait3A_1395] : memref<196x128xi32, #tpu.memory_space<vmem>> -> memref<1x128xi32, #tpu.memory_space<vmem>>
        %dma_wait3A_1397 = tpu.memref_squeeze %dma_wait3A_1396 : memref<1x128xi32, #tpu.memory_space<vmem>> -> memref<128xi32, #tpu.memory_space<vmem>>
        %dma_wait3A_1398 = arith.constant 0 : i32
        %dma_wait3A_1399 = arith.constant 0 : i32
        %dma_wait3A_1400 = tpu.memref_slice %arg14[%dma_wait3A_1398, %dma_wait3A_1399] : memref<53248x16xf32, #tpu.memory_space<vmem_shared>> -> memref<53248x16xf32, #tpu.memory_space<vmem_shared>>
        tpu.wait_indirect_dma semaphore(%arg23 : memref<!tpu.dma_semaphore, #tpu.memory_space<semaphore_mem>>) src(%arg8 : memref<128x16xf32, #tpu.memory_space<vmem>>) dst(%dma_wait3A_1400 : memref<53248x16xf32, #tpu.memory_space<vmem_shared>>)
        %add3A_1401 = arith.constant 7 : i32
        %add3A_1402 = arith.addi %add3A_1342, %add3A_1401 : i32
        %dma_start3A_1403 = arith.constant 0 : i32
        %dma_start3A_1404 = tpu.memref_slice %arg5[%add3A_1402, %dma_start3A_1403] : memref<196x128xi32, #tpu.memory_space<vmem>> -> memref<1x128xi32, #tpu.memory_space<vmem>>
        %dma_start3A_1405 = tpu.memref_squeeze %dma_start3A_1404 : memref<1x128xi32, #tpu.memory_space<vmem>> -> memref<128xi32, #tpu.memory_space<vmem>>
        %dma_start3A_1406 = arith.constant 0 : i32
        %dma_start3A_1407 = arith.constant 0 : i32
        %dma_start3A_1408 = tpu.memref_slice %arg2[%dma_start3A_1406, %dma_start3A_1407] : memref<50000x16xf32, #tpu.memory_space<hbm>> -> memref<50000x16xf32, #tpu.memory_space<hbm>>
        tpu.enqueue_indirect_dma source(%dma_start3A_1408 : memref<50000x16xf32, #tpu.memory_space<hbm>>) target(%arg8 : memref<128x16xf32, #tpu.memory_space<vmem>>) offsets(%dma_start3A_1405 : memref<128xi32, #tpu.memory_space<vmem>>) semaphore(%arg16 : memref<!tpu.dma_semaphore, #tpu.memory_space<semaphore_mem>>)
      } else {
      }
      %add3A_1350 = arith.constant 2 : i32
      %add3A_1351 = arith.addi %mul3A_1236, %add3A_1350 : i32
      %add3A_1352 = arith.constant 7 : i32
      %add3A_1353 = arith.addi %add3A_1351, %add3A_1352 : i32
      %lt3A_1354 = arith.constant 196 : i32
      %lt3A_1355 = arith.cmpi slt, %add3A_1353, %lt3A_1354 : i32
      %convert_element_type3A_1356 = arith.extui %lt3A_1355 : i1 to i32
      %cond3A_1357 = arith.constant 0 : i32
      %cond3A_1358 = arith.cmpi ne, %convert_element_type3A_1356, %cond3A_1357 : i32
      scf.if %cond3A_1358 {
        %dma_wait3A_1395 = arith.constant 0 : i32
        %dma_wait3A_1396 = tpu.memref_slice %arg6[%add3A_1351, %dma_wait3A_1395] : memref<196x128xi32, #tpu.memory_space<vmem>> -> memref<1x128xi32, #tpu.memory_space<vmem>>
        %dma_wait3A_1397 = tpu.memref_squeeze %dma_wait3A_1396 : memref<1x128xi32, #tpu.memory_space<vmem>> -> memref<128xi32, #tpu.memory_space<vmem>>
        %dma_wait3A_1398 = arith.constant 0 : i32
        %dma_wait3A_1399 = arith.constant 0 : i32
        %dma_wait3A_1400 = tpu.memref_slice %arg14[%dma_wait3A_1398, %dma_wait3A_1399] : memref<53248x16xf32, #tpu.memory_space<vmem_shared>> -> memref<53248x16xf32, #tpu.memory_space<vmem_shared>>
        tpu.wait_indirect_dma semaphore(%arg24 : memref<!tpu.dma_semaphore, #tpu.memory_space<semaphore_mem>>) src(%arg9 : memref<128x16xf32, #tpu.memory_space<vmem>>) dst(%dma_wait3A_1400 : memref<53248x16xf32, #tpu.memory_space<vmem_shared>>)
        %add3A_1401 = arith.constant 7 : i32
        %add3A_1402 = arith.addi %add3A_1351, %add3A_1401 : i32
        %dma_start3A_1403 = arith.constant 0 : i32
        %dma_start3A_1404 = tpu.memref_slice %arg5[%add3A_1402, %dma_start3A_1403] : memref<196x128xi32, #tpu.memory_space<vmem>> -> memref<1x128xi32, #tpu.memory_space<vmem>>
        %dma_start3A_1405 = tpu.memref_squeeze %dma_start3A_1404 : memref<1x128xi32, #tpu.memory_space<vmem>> -> memref<128xi32, #tpu.memory_space<vmem>>
        %dma_start3A_1406 = arith.constant 0 : i32
        %dma_start3A_1407 = arith.constant 0 : i32
        %dma_start3A_1408 = tpu.memref_slice %arg2[%dma_start3A_1406, %dma_start3A_1407] : memref<50000x16xf32, #tpu.memory_space<hbm>> -> memref<50000x16xf32, #tpu.memory_space<hbm>>
        tpu.enqueue_indirect_dma source(%dma_start3A_1408 : memref<50000x16xf32, #tpu.memory_space<hbm>>) target(%arg9 : memref<128x16xf32, #tpu.memory_space<vmem>>) offsets(%dma_start3A_1405 : memref<128xi32, #tpu.memory_space<vmem>>) semaphore(%arg17 : memref<!tpu.dma_semaphore, #tpu.memory_space<semaphore_mem>>)
      } else {
      }
      %add3A_1359 = arith.constant 3 : i32
      %add3A_1360 = arith.addi %mul3A_1236, %add3A_1359 : i32
      %add3A_1361 = arith.constant 7 : i32
      %add3A_1362 = arith.addi %add3A_1360, %add3A_1361 : i32
      %lt3A_1363 = arith.constant 196 : i32
      %lt3A_1364 = arith.cmpi slt, %add3A_1362, %lt3A_1363 : i32
      %convert_element_type3A_1365 = arith.extui %lt3A_1364 : i1 to i32
      %cond3A_1366 = arith.constant 0 : i32
      %cond3A_1367 = arith.cmpi ne, %convert_element_type3A_1365, %cond3A_1366 : i32
      scf.if %cond3A_1367 {
        %dma_wait3A_1395 = arith.constant 0 : i32
        %dma_wait3A_1396 = tpu.memref_slice %arg6[%add3A_1360, %dma_wait3A_1395] : memref<196x128xi32, #tpu.memory_space<vmem>> -> memref<1x128xi32, #tpu.memory_space<vmem>>
        %dma_wait3A_1397 = tpu.memref_squeeze %dma_wait3A_1396 : memref<1x128xi32, #tpu.memory_space<vmem>> -> memref<128xi32, #tpu.memory_space<vmem>>
        %dma_wait3A_1398 = arith.constant 0 : i32
        %dma_wait3A_1399 = arith.constant 0 : i32
        %dma_wait3A_1400 = tpu.memref_slice %arg14[%dma_wait3A_1398, %dma_wait3A_1399] : memref<53248x16xf32, #tpu.memory_space<vmem_shared>> -> memref<53248x16xf32, #tpu.memory_space<vmem_shared>>
        tpu.wait_indirect_dma semaphore(%arg25 : memref<!tpu.dma_semaphore, #tpu.memory_space<semaphore_mem>>) src(%arg10 : memref<128x16xf32, #tpu.memory_space<vmem>>) dst(%dma_wait3A_1400 : memref<53248x16xf32, #tpu.memory_space<vmem_shared>>)
        %add3A_1401 = arith.constant 7 : i32
        %add3A_1402 = arith.addi %add3A_1360, %add3A_1401 : i32
        %dma_start3A_1403 = arith.constant 0 : i32
        %dma_start3A_1404 = tpu.memref_slice %arg5[%add3A_1402, %dma_start3A_1403] : memref<196x128xi32, #tpu.memory_space<vmem>> -> memref<1x128xi32, #tpu.memory_space<vmem>>
        %dma_start3A_1405 = tpu.memref_squeeze %dma_start3A_1404 : memref<1x128xi32, #tpu.memory_space<vmem>> -> memref<128xi32, #tpu.memory_space<vmem>>
        %dma_start3A_1406 = arith.constant 0 : i32
        %dma_start3A_1407 = arith.constant 0 : i32
        %dma_start3A_1408 = tpu.memref_slice %arg2[%dma_start3A_1406, %dma_start3A_1407] : memref<50000x16xf32, #tpu.memory_space<hbm>> -> memref<50000x16xf32, #tpu.memory_space<hbm>>
        tpu.enqueue_indirect_dma source(%dma_start3A_1408 : memref<50000x16xf32, #tpu.memory_space<hbm>>) target(%arg10 : memref<128x16xf32, #tpu.memory_space<vmem>>) offsets(%dma_start3A_1405 : memref<128xi32, #tpu.memory_space<vmem>>) semaphore(%arg18 : memref<!tpu.dma_semaphore, #tpu.memory_space<semaphore_mem>>)
      } else {
      }
      %add3A_1368 = arith.constant 4 : i32
      %add3A_1369 = arith.addi %mul3A_1236, %add3A_1368 : i32
      %add3A_1370 = arith.constant 7 : i32
      %add3A_1371 = arith.addi %add3A_1369, %add3A_1370 : i32
      %lt3A_1372 = arith.constant 196 : i32
      %lt3A_1373 = arith.cmpi slt, %add3A_1371, %lt3A_1372 : i32
      %convert_element_type3A_1374 = arith.extui %lt3A_1373 : i1 to i32
      %cond3A_1375 = arith.constant 0 : i32
      %cond3A_1376 = arith.cmpi ne, %convert_element_type3A_1374, %cond3A_1375 : i32
      scf.if %cond3A_1376 {
        %dma_wait3A_1395 = arith.constant 0 : i32
        %dma_wait3A_1396 = tpu.memref_slice %arg6[%add3A_1369, %dma_wait3A_1395] : memref<196x128xi32, #tpu.memory_space<vmem>> -> memref<1x128xi32, #tpu.memory_space<vmem>>
        %dma_wait3A_1397 = tpu.memref_squeeze %dma_wait3A_1396 : memref<1x128xi32, #tpu.memory_space<vmem>> -> memref<128xi32, #tpu.memory_space<vmem>>
        %dma_wait3A_1398 = arith.constant 0 : i32
        %dma_wait3A_1399 = arith.constant 0 : i32
        %dma_wait3A_1400 = tpu.memref_slice %arg14[%dma_wait3A_1398, %dma_wait3A_1399] : memref<53248x16xf32, #tpu.memory_space<vmem_shared>> -> memref<53248x16xf32, #tpu.memory_space<vmem_shared>>
        tpu.wait_indirect_dma semaphore(%arg26 : memref<!tpu.dma_semaphore, #tpu.memory_space<semaphore_mem>>) src(%arg11 : memref<128x16xf32, #tpu.memory_space<vmem>>) dst(%dma_wait3A_1400 : memref<53248x16xf32, #tpu.memory_space<vmem_shared>>)
        %add3A_1401 = arith.constant 7 : i32
        %add3A_1402 = arith.addi %add3A_1369, %add3A_1401 : i32
        %dma_start3A_1403 = arith.constant 0 : i32
        %dma_start3A_1404 = tpu.memref_slice %arg5[%add3A_1402, %dma_start3A_1403] : memref<196x128xi32, #tpu.memory_space<vmem>> -> memref<1x128xi32, #tpu.memory_space<vmem>>
        %dma_start3A_1405 = tpu.memref_squeeze %dma_start3A_1404 : memref<1x128xi32, #tpu.memory_space<vmem>> -> memref<128xi32, #tpu.memory_space<vmem>>
        %dma_start3A_1406 = arith.constant 0 : i32
        %dma_start3A_1407 = arith.constant 0 : i32
        %dma_start3A_1408 = tpu.memref_slice %arg2[%dma_start3A_1406, %dma_start3A_1407] : memref<50000x16xf32, #tpu.memory_space<hbm>> -> memref<50000x16xf32, #tpu.memory_space<hbm>>
        tpu.enqueue_indirect_dma source(%dma_start3A_1408 : memref<50000x16xf32, #tpu.memory_space<hbm>>) target(%arg11 : memref<128x16xf32, #tpu.memory_space<vmem>>) offsets(%dma_start3A_1405 : memref<128xi32, #tpu.memory_space<vmem>>) semaphore(%arg19 : memref<!tpu.dma_semaphore, #tpu.memory_space<semaphore_mem>>)
      } else {
      }
      %add3A_1377 = arith.constant 5 : i32
      %add3A_1378 = arith.addi %mul3A_1236, %add3A_1377 : i32
      %add3A_1379 = arith.constant 7 : i32
      %add3A_1380 = arith.addi %add3A_1378, %add3A_1379 : i32
      %lt3A_1381 = arith.constant 196 : i32
      %lt3A_1382 = arith.cmpi slt, %add3A_1380, %lt3A_1381 : i32
      %convert_element_type3A_1383 = arith.extui %lt3A_1382 : i1 to i32
      %cond3A_1384 = arith.constant 0 : i32
      %cond3A_1385 = arith.cmpi ne, %convert_element_type3A_1383, %cond3A_1384 : i32
      scf.if %cond3A_1385 {
        %dma_wait3A_1395 = arith.constant 0 : i32
        %dma_wait3A_1396 = tpu.memref_slice %arg6[%add3A_1378, %dma_wait3A_1395] : memref<196x128xi32, #tpu.memory_space<vmem>> -> memref<1x128xi32, #tpu.memory_space<vmem>>
        %dma_wait3A_1397 = tpu.memref_squeeze %dma_wait3A_1396 : memref<1x128xi32, #tpu.memory_space<vmem>> -> memref<128xi32, #tpu.memory_space<vmem>>
        %dma_wait3A_1398 = arith.constant 0 : i32
        %dma_wait3A_1399 = arith.constant 0 : i32
        %dma_wait3A_1400 = tpu.memref_slice %arg14[%dma_wait3A_1398, %dma_wait3A_1399] : memref<53248x16xf32, #tpu.memory_space<vmem_shared>> -> memref<53248x16xf32, #tpu.memory_space<vmem_shared>>
        tpu.wait_indirect_dma semaphore(%arg27 : memref<!tpu.dma_semaphore, #tpu.memory_space<semaphore_mem>>) src(%arg12 : memref<128x16xf32, #tpu.memory_space<vmem>>) dst(%dma_wait3A_1400 : memref<53248x16xf32, #tpu.memory_space<vmem_shared>>)
        %add3A_1401 = arith.constant 7 : i32
        %add3A_1402 = arith.addi %add3A_1378, %add3A_1401 : i32
        %dma_start3A_1403 = arith.constant 0 : i32
        %dma_start3A_1404 = tpu.memref_slice %arg5[%add3A_1402, %dma_start3A_1403] : memref<196x128xi32, #tpu.memory_space<vmem>> -> memref<1x128xi32, #tpu.memory_space<vmem>>
        %dma_start3A_1405 = tpu.memref_squeeze %dma_start3A_1404 : memref<1x128xi32, #tpu.memory_space<vmem>> -> memref<128xi32, #tpu.memory_space<vmem>>
        %dma_start3A_1406 = arith.constant 0 : i32
        %dma_start3A_1407 = arith.constant 0 : i32
        %dma_start3A_1408 = tpu.memref_slice %arg2[%dma_start3A_1406, %dma_start3A_1407] : memref<50000x16xf32, #tpu.memory_space<hbm>> -> memref<50000x16xf32, #tpu.memory_space<hbm>>
        tpu.enqueue_indirect_dma source(%dma_start3A_1408 : memref<50000x16xf32, #tpu.memory_space<hbm>>) target(%arg12 : memref<128x16xf32, #tpu.memory_space<vmem>>) offsets(%dma_start3A_1405 : memref<128xi32, #tpu.memory_space<vmem>>) semaphore(%arg20 : memref<!tpu.dma_semaphore, #tpu.memory_space<semaphore_mem>>)
      } else {
      }
      %add3A_1386 = arith.constant 6 : i32
      %add3A_1387 = arith.addi %mul3A_1236, %add3A_1386 : i32
      %add3A_1388 = arith.constant 7 : i32
      %add3A_1389 = arith.addi %add3A_1387, %add3A_1388 : i32
      %lt3A_1390 = arith.constant 196 : i32
      %lt3A_1391 = arith.cmpi slt, %add3A_1389, %lt3A_1390 : i32
      %convert_element_type3A_1392 = arith.extui %lt3A_1391 : i1 to i32
      %cond3A_1393 = arith.constant 0 : i32
      %cond3A_1394 = arith.cmpi ne, %convert_element_type3A_1392, %cond3A_1393 : i32
      scf.if %cond3A_1394 {
        %dma_wait3A_1395 = arith.constant 0 : i32
        %dma_wait3A_1396 = tpu.memref_slice %arg6[%add3A_1387, %dma_wait3A_1395] : memref<196x128xi32, #tpu.memory_space<vmem>> -> memref<1x128xi32, #tpu.memory_space<vmem>>
        %dma_wait3A_1397 = tpu.memref_squeeze %dma_wait3A_1396 : memref<1x128xi32, #tpu.memory_space<vmem>> -> memref<128xi32, #tpu.memory_space<vmem>>
        %dma_wait3A_1398 = arith.constant 0 : i32
        %dma_wait3A_1399 = arith.constant 0 : i32
        %dma_wait3A_1400 = tpu.memref_slice %arg14[%dma_wait3A_1398, %dma_wait3A_1399] : memref<53248x16xf32, #tpu.memory_space<vmem_shared>> -> memref<53248x16xf32, #tpu.memory_space<vmem_shared>>
        tpu.wait_indirect_dma semaphore(%arg28 : memref<!tpu.dma_semaphore, #tpu.memory_space<semaphore_mem>>) src(%arg13 : memref<128x16xf32, #tpu.memory_space<vmem>>) dst(%dma_wait3A_1400 : memref<53248x16xf32, #tpu.memory_space<vmem_shared>>)
        %add3A_1401 = arith.constant 7 : i32
        %add3A_1402 = arith.addi %add3A_1387, %add3A_1401 : i32
        %dma_start3A_1403 = arith.constant 0 : i32
        %dma_start3A_1404 = tpu.memref_slice %arg5[%add3A_1402, %dma_start3A_1403] : memref<196x128xi32, #tpu.memory_space<vmem>> -> memref<1x128xi32, #tpu.memory_space<vmem>>
        %dma_start3A_1405 = tpu.memref_squeeze %dma_start3A_1404 : memref<1x128xi32, #tpu.memory_space<vmem>> -> memref<128xi32, #tpu.memory_space<vmem>>
        %dma_start3A_1406 = arith.constant 0 : i32
        %dma_start3A_1407 = arith.constant 0 : i32
        %dma_start3A_1408 = tpu.memref_slice %arg2[%dma_start3A_1406, %dma_start3A_1407] : memref<50000x16xf32, #tpu.memory_space<hbm>> -> memref<50000x16xf32, #tpu.memory_space<hbm>>
        tpu.enqueue_indirect_dma source(%dma_start3A_1408 : memref<50000x16xf32, #tpu.memory_space<hbm>>) target(%arg13 : memref<128x16xf32, #tpu.memory_space<vmem>>) offsets(%dma_start3A_1405 : memref<128xi32, #tpu.memory_space<vmem>>) semaphore(%arg21 : memref<!tpu.dma_semaphore, #tpu.memory_space<semaphore_mem>>)
      } else {
      }
    }
    %scan3A_1180 = arith.constant 28 : i32
    %dma_wait3A = arith.constant 189 : i32
    %dma_wait3A_1181 = arith.constant 0 : i32
    %dma_wait3A_1182 = tpu.memref_slice %arg6[%dma_wait3A, %dma_wait3A_1181] : memref<196x128xi32, #tpu.memory_space<vmem>> -> memref<1x128xi32, #tpu.memory_space<vmem>>
    %dma_wait3A_1183 = tpu.memref_squeeze %dma_wait3A_1182 : memref<1x128xi32, #tpu.memory_space<vmem>> -> memref<128xi32, #tpu.memory_space<vmem>>
    %dma_wait3A_1184 = arith.constant 0 : i32
    %dma_wait3A_1185 = arith.constant 0 : i32
    %dma_wait3A_1186 = tpu.memref_slice %arg14[%dma_wait3A_1184, %dma_wait3A_1185] : memref<53248x16xf32, #tpu.memory_space<vmem_shared>> -> memref<53248x16xf32, #tpu.memory_space<vmem_shared>>
    tpu.wait_indirect_dma semaphore(%arg22 : memref<!tpu.dma_semaphore, #tpu.memory_space<semaphore_mem>>) src(%arg7 : memref<128x16xf32, #tpu.memory_space<vmem>>) dst(%dma_wait3A_1186 : memref<53248x16xf32, #tpu.memory_space<vmem_shared>>)
    %dma_wait3A_1187 = arith.constant 190 : i32
    %dma_wait3A_1188 = arith.constant 0 : i32
    %dma_wait3A_1189 = tpu.memref_slice %arg6[%dma_wait3A_1187, %dma_wait3A_1188] : memref<196x128xi32, #tpu.memory_space<vmem>> -> memref<1x128xi32, #tpu.memory_space<vmem>>
    %dma_wait3A_1190 = tpu.memref_squeeze %dma_wait3A_1189 : memref<1x128xi32, #tpu.memory_space<vmem>> -> memref<128xi32, #tpu.memory_space<vmem>>
    %dma_wait3A_1191 = arith.constant 0 : i32
    %dma_wait3A_1192 = arith.constant 0 : i32
    %dma_wait3A_1193 = tpu.memref_slice %arg14[%dma_wait3A_1191, %dma_wait3A_1192] : memref<53248x16xf32, #tpu.memory_space<vmem_shared>> -> memref<53248x16xf32, #tpu.memory_space<vmem_shared>>
    tpu.wait_indirect_dma semaphore(%arg23 : memref<!tpu.dma_semaphore, #tpu.memory_space<semaphore_mem>>) src(%arg8 : memref<128x16xf32, #tpu.memory_space<vmem>>) dst(%dma_wait3A_1193 : memref<53248x16xf32, #tpu.memory_space<vmem_shared>>)
    %dma_wait3A_1194 = arith.constant 191 : i32
    %dma_wait3A_1195 = arith.constant 0 : i32
    %dma_wait3A_1196 = tpu.memref_slice %arg6[%dma_wait3A_1194, %dma_wait3A_1195] : memref<196x128xi32, #tpu.memory_space<vmem>> -> memref<1x128xi32, #tpu.memory_space<vmem>>
    %dma_wait3A_1197 = tpu.memref_squeeze %dma_wait3A_1196 : memref<1x128xi32, #tpu.memory_space<vmem>> -> memref<128xi32, #tpu.memory_space<vmem>>
    %dma_wait3A_1198 = arith.constant 0 : i32
    %dma_wait3A_1199 = arith.constant 0 : i32
    %dma_wait3A_1200 = tpu.memref_slice %arg14[%dma_wait3A_1198, %dma_wait3A_1199] : memref<53248x16xf32, #tpu.memory_space<vmem_shared>> -> memref<53248x16xf32, #tpu.memory_space<vmem_shared>>
    tpu.wait_indirect_dma semaphore(%arg24 : memref<!tpu.dma_semaphore, #tpu.memory_space<semaphore_mem>>) src(%arg9 : memref<128x16xf32, #tpu.memory_space<vmem>>) dst(%dma_wait3A_1200 : memref<53248x16xf32, #tpu.memory_space<vmem_shared>>)
    %dma_wait3A_1201 = arith.constant 192 : i32
    %dma_wait3A_1202 = arith.constant 0 : i32
    %dma_wait3A_1203 = tpu.memref_slice %arg6[%dma_wait3A_1201, %dma_wait3A_1202] : memref<196x128xi32, #tpu.memory_space<vmem>> -> memref<1x128xi32, #tpu.memory_space<vmem>>
    %dma_wait3A_1204 = tpu.memref_squeeze %dma_wait3A_1203 : memref<1x128xi32, #tpu.memory_space<vmem>> -> memref<128xi32, #tpu.memory_space<vmem>>
    %dma_wait3A_1205 = arith.constant 0 : i32
    %dma_wait3A_1206 = arith.constant 0 : i32
    %dma_wait3A_1207 = tpu.memref_slice %arg14[%dma_wait3A_1205, %dma_wait3A_1206] : memref<53248x16xf32, #tpu.memory_space<vmem_shared>> -> memref<53248x16xf32, #tpu.memory_space<vmem_shared>>
    tpu.wait_indirect_dma semaphore(%arg25 : memref<!tpu.dma_semaphore, #tpu.memory_space<semaphore_mem>>) src(%arg10 : memref<128x16xf32, #tpu.memory_space<vmem>>) dst(%dma_wait3A_1207 : memref<53248x16xf32, #tpu.memory_space<vmem_shared>>)
    %dma_wait3A_1208 = arith.constant 193 : i32
    %dma_wait3A_1209 = arith.constant 0 : i32
    %dma_wait3A_1210 = tpu.memref_slice %arg6[%dma_wait3A_1208, %dma_wait3A_1209] : memref<196x128xi32, #tpu.memory_space<vmem>> -> memref<1x128xi32, #tpu.memory_space<vmem>>
    %dma_wait3A_1211 = tpu.memref_squeeze %dma_wait3A_1210 : memref<1x128xi32, #tpu.memory_space<vmem>> -> memref<128xi32, #tpu.memory_space<vmem>>
    %dma_wait3A_1212 = arith.constant 0 : i32
    %dma_wait3A_1213 = arith.constant 0 : i32
    %dma_wait3A_1214 = tpu.memref_slice %arg14[%dma_wait3A_1212, %dma_wait3A_1213] : memref<53248x16xf32, #tpu.memory_space<vmem_shared>> -> memref<53248x16xf32, #tpu.memory_space<vmem_shared>>
    tpu.wait_indirect_dma semaphore(%arg26 : memref<!tpu.dma_semaphore, #tpu.memory_space<semaphore_mem>>) src(%arg11 : memref<128x16xf32, #tpu.memory_space<vmem>>) dst(%dma_wait3A_1214 : memref<53248x16xf32, #tpu.memory_space<vmem_shared>>)
    %dma_wait3A_1215 = arith.constant 194 : i32
    %dma_wait3A_1216 = arith.constant 0 : i32
    %dma_wait3A_1217 = tpu.memref_slice %arg6[%dma_wait3A_1215, %dma_wait3A_1216] : memref<196x128xi32, #tpu.memory_space<vmem>> -> memref<1x128xi32, #tpu.memory_space<vmem>>
    %dma_wait3A_1218 = tpu.memref_squeeze %dma_wait3A_1217 : memref<1x128xi32, #tpu.memory_space<vmem>> -> memref<128xi32, #tpu.memory_space<vmem>>
    %dma_wait3A_1219 = arith.constant 0 : i32
    %dma_wait3A_1220 = arith.constant 0 : i32
    %dma_wait3A_1221 = tpu.memref_slice %arg14[%dma_wait3A_1219, %dma_wait3A_1220] : memref<53248x16xf32, #tpu.memory_space<vmem_shared>> -> memref<53248x16xf32, #tpu.memory_space<vmem_shared>>
    tpu.wait_indirect_dma semaphore(%arg27 : memref<!tpu.dma_semaphore, #tpu.memory_space<semaphore_mem>>) src(%arg12 : memref<128x16xf32, #tpu.memory_space<vmem>>) dst(%dma_wait3A_1221 : memref<53248x16xf32, #tpu.memory_space<vmem_shared>>)
    %dma_wait3A_1222 = arith.constant 195 : i32
    %dma_wait3A_1223 = arith.constant 0 : i32
    %dma_wait3A_1224 = tpu.memref_slice %arg6[%dma_wait3A_1222, %dma_wait3A_1223] : memref<196x128xi32, #tpu.memory_space<vmem>> -> memref<1x128xi32, #tpu.memory_space<vmem>>
    %dma_wait3A_1225 = tpu.memref_squeeze %dma_wait3A_1224 : memref<1x128xi32, #tpu.memory_space<vmem>> -> memref<128xi32, #tpu.memory_space<vmem>>
    %dma_wait3A_1226 = arith.constant 0 : i32
    %dma_wait3A_1227 = arith.constant 0 : i32
    %dma_wait3A_1228 = tpu.memref_slice %arg14[%dma_wait3A_1226, %dma_wait3A_1227] : memref<53248x16xf32, #tpu.memory_space<vmem_shared>> -> memref<53248x16xf32, #tpu.memory_space<vmem_shared>>
    tpu.wait_indirect_dma semaphore(%arg28 : memref<!tpu.dma_semaphore, #tpu.memory_space<semaphore_mem>>) src(%arg13 : memref<128x16xf32, #tpu.memory_space<vmem>>) dst(%dma_wait3A_1228 : memref<53248x16xf32, #tpu.memory_space<vmem_shared>>)
    %barrier3A_1229 = arith.constant 0 : index
    tpu.barrier barrier_id(%barrier3A_1229)
    %mul3A_1230 = arith.constant 3328 : i32
    %mul3A_1231 = arith.muli %arg1, %mul3A_1230 : i32
    %mul3A_1232 = arith.constant 3328 : i32
    %mul3A_1233 = arith.muli %arg1, %mul3A_1232 : i32
    "tpu.region"() ({
      %run_scoped3A_1234 = tpu.sem_alloc : memref<!tpu.dma_semaphore, #tpu.memory_space<semaphore_mem>>
      %dma_start3A_1235 = arith.constant 0 : i32
      %dma_start3A_1236 = tpu.memref_slice %arg4[%arg0, %mul3A_1233, %dma_start3A_1235] : memref<2x53248x16xf32, #tpu.memory_space<hbm>> -> memref<1x3328x16xf32, #tpu.memory_space<hbm>>
      %dma_start3A_1237 = tpu.memref_squeeze %dma_start3A_1236 : memref<1x3328x16xf32, #tpu.memory_space<hbm>> -> memref<3328x16xf32, #tpu.memory_space<hbm>>
      %dma_start3A_1238 = arith.constant 0 : i32
      %dma_start3A_1239 = tpu.memref_slice %arg14[%mul3A_1231, %dma_start3A_1238] : memref<53248x16xf32, #tpu.memory_space<vmem_shared>> -> memref<3328x16xf32, #tpu.memory_space<vmem_shared>>
      tpu.enqueue_dma source(%dma_start3A_1239 : memref<3328x16xf32, #tpu.memory_space<vmem_shared>>) target(%dma_start3A_1237 : memref<3328x16xf32, #tpu.memory_space<hbm>>) target_semaphore(%run_scoped3A_1234 : memref<!tpu.dma_semaphore, #tpu.memory_space<semaphore_mem>>)
      %dma_wait3A_1240 = arith.constant 0 : i32
      %dma_wait3A_1241 = tpu.memref_slice %arg4[%arg0, %mul3A_1233, %dma_wait3A_1240] : memref<2x53248x16xf32, #tpu.memory_space<hbm>> -> memref<1x3328x16xf32, #tpu.memory_space<hbm>>
      %dma_wait3A_1242 = tpu.memref_squeeze %dma_wait3A_1241 : memref<1x3328x16xf32, #tpu.memory_space<hbm>> -> memref<3328x16xf32, #tpu.memory_space<hbm>>
      %dma_wait3A_1243 = arith.constant 0 : i32
      %dma_wait3A_1244 = tpu.memref_slice %arg14[%mul3A_1231, %dma_wait3A_1243] : memref<53248x16xf32, #tpu.memory_space<vmem_shared>> -> memref<3328x16xf32, #tpu.memory_space<vmem_shared>>
      tpu.wait_dma2 semaphore(%run_scoped3A_1234 : memref<!tpu.dma_semaphore, #tpu.memory_space<semaphore_mem>>) src(%dma_wait3A_1244 : memref<3328x16xf32, #tpu.memory_space<vmem_shared>>) dst(%dma_wait3A_1242 : memref<3328x16xf32, #tpu.memory_space<hbm>>)
      tpu.yield
    }) : () -> ()
    return
  }
}

module attributes {stable_mosaic.version = 14 : i64} {
  func.func @body(%arg0: i32, %arg1: memref<512x24xf32, #tpu.memory_space<vmem>>, %arg2: memref<2x512x128xf32, #tpu.memory_space<vmem>>, %arg3: memref<24x1200xf32, #tpu.memory_space<vmem>>, %arg4: memref<128x1200xf32, #tpu.memory_space<vmem>>, %arg5: memref<128x128xf32, #tpu.memory_space<vmem>>, %arg6: memref<1x1200xf32, #tpu.memory_space<vmem>>, %arg7: memref<1200x128xbf16, #tpu.memory_space<vmem>>, %arg8: memref<1200x128xbf16, #tpu.memory_space<vmem>>, %arg9: memref<1x128xf32, #tpu.memory_space<vmem>>, %arg10: memref<512x128xf32, #tpu.memory_space<vmem>>, %arg11: memref<512x128xf32, #tpu.memory_space<vmem>>) attributes {dimension_semantics = [#tpu.dimension_semantics<arbitrary>], iteration_bounds = array<i64: 13>, scalar_prefetch = 0 : i64, scratch_operands = 0 : i64, tpu.core_type = #tpu.core_type<tc>, window_params = [{transform_indices = @transform_0, window_bounds = array<i64: 512, 24>}, {transform_indices = @transform_1, window_bounds = array<i64: 2, 512, 128>}, {pipeline_mode = #tpu.pipeline_mode<synchronous>, transform_indices = @transform_2, window_bounds = array<i64: 24, 1200>}, {pipeline_mode = #tpu.pipeline_mode<synchronous>, transform_indices = @transform_3, window_bounds = array<i64: 128, 1200>}, {pipeline_mode = #tpu.pipeline_mode<synchronous>, transform_indices = @transform_4, window_bounds = array<i64: 128, 128>}, {pipeline_mode = #tpu.pipeline_mode<synchronous>, transform_indices = @transform_5, window_bounds = array<i64: 1, 1200>}, {pipeline_mode = #tpu.pipeline_mode<synchronous>, transform_indices = @transform_6, window_bounds = array<i64: 1200, 128>}, {pipeline_mode = #tpu.pipeline_mode<synchronous>, transform_indices = @transform_7, window_bounds = array<i64: 1200, 128>}, {pipeline_mode = #tpu.pipeline_mode<synchronous>, transform_indices = @transform_8, window_bounds = array<i64: 1, 128>}, {transform_indices = @transform_9, window_bounds = array<i64: 512, 128>}, {transform_indices = @transform_10, window_bounds = array<i64: 512, 128>}]} {
    %get3A = arith.constant 0 : index
    %get3A_0 = arith.constant 0 : index
    %get3A_1 = arith.constant 0 : index
    %get3A_2 = vector.load %arg2[%get3A, %get3A_0, %get3A_1] : memref<2x512x128xf32, #tpu.memory_space<vmem>>, vector<1x512x128xf32>
    %get3A_3 = vector.shape_cast %get3A_2 : vector<1x512x128xf32> to vector<512x128xf32>
    %get3A_4 = arith.constant 1 : index
    %get3A_5 = arith.constant 0 : index
    %get3A_6 = arith.constant 0 : index
    %get3A_7 = vector.load %arg2[%get3A_4, %get3A_5, %get3A_6] : memref<2x512x128xf32, #tpu.memory_space<vmem>>, vector<1x512x128xf32>
    %get3A_8 = vector.shape_cast %get3A_7 : vector<1x512x128xf32> to vector<512x128xf32>
    %add3A = arith.addf %get3A_3, %get3A_8 : vector<512x128xf32>
    %get3A_9 = arith.constant 0 : index
    %get3A_10 = arith.constant 0 : index
    %get3A_11 = vector.load %arg5[%get3A_9, %get3A_10] : memref<128x128xf32, #tpu.memory_space<vmem>>, vector<128x128xf32>
    %dot_general3A = arith.constant dense<0.000000e+00> : vector<512x128xf32>
    %dot_general3A_12 = tpu.matmul %add3A, %get3A_11, %dot_general3A {dimension_numbers = #tpu.dot_dimension_numbers<[1], [0], [0], [1], [0, 0, 1, 1], [], []>, transpose_lhs_hint = false} : vector<512x128xf32>, vector<128x128xf32>, vector<512x128xf32> -> vector<512x128xf32>
    %jit3A = arith.constant 1.000000e+00 : f32
    %max3A = vector.broadcast %jit3A : f32 to vector<512x128xf32>
    %max3A_13 = arith.maximumf %max3A, %dot_general3A_12 : vector<512x128xf32>
    %div3A = arith.divf %add3A, %max3A_13 : vector<512x128xf32>
    %get3A_14 = arith.constant 0 : index
    %get3A_15 = arith.constant 0 : index
    %get3A_16 = vector.load %arg1[%get3A_14, %get3A_15] : memref<512x24xf32, #tpu.memory_space<vmem>>, vector<512x24xf32>
    %get3A_17 = arith.constant 0 : index
    %get3A_18 = arith.constant 0 : index
    %get3A_19 = vector.load %arg3[%get3A_17, %get3A_18] : memref<24x1200xf32, #tpu.memory_space<vmem>>, vector<24x1200xf32>
    %dot_general3A_20 = arith.constant dense<0.000000e+00> : vector<512x1200xf32>
    %dot_general3A_21 = tpu.matmul %get3A_16, %get3A_19, %dot_general3A_20 {dimension_numbers = #tpu.dot_dimension_numbers<[1], [0], [0], [1], [0, 0, 1, 1], [], []>, transpose_lhs_hint = false} : vector<512x24xf32>, vector<24x1200xf32>, vector<512x1200xf32> -> vector<512x1200xf32>
    %get3A_22 = arith.constant 0 : index
    %get3A_23 = arith.constant 0 : index
    %get3A_24 = vector.load %arg4[%get3A_22, %get3A_23] : memref<128x1200xf32, #tpu.memory_space<vmem>>, vector<128x1200xf32>
    %dot_general3A_25 = arith.constant dense<0.000000e+00> : vector<512x1200xf32>
    %dot_general3A_26 = tpu.matmul %div3A, %get3A_24, %dot_general3A_25 {dimension_numbers = #tpu.dot_dimension_numbers<[1], [0], [0], [1], [0, 0, 1, 1], [], []>, transpose_lhs_hint = false} : vector<512x128xf32>, vector<128x1200xf32>, vector<512x1200xf32> -> vector<512x1200xf32>
    %add3A_27 = arith.addf %dot_general3A_21, %dot_general3A_26 : vector<512x1200xf32>
    %get3A_28 = arith.constant 0 : index
    %get3A_29 = arith.constant 0 : index
    %get3A_30 = vector.load %arg6[%get3A_28, %get3A_29] : memref<1x1200xf32, #tpu.memory_space<vmem>>, vector<1x1200xf32>
    %add3A_31 = vector.broadcast %get3A_30 : vector<1x1200xf32> to vector<512x1200xf32>
    %add3A_32 = arith.addf %add3A_27, %add3A_31 : vector<512x1200xf32>
    %max3A_33 = arith.constant 0.000000e+00 : f32
    %max3A_34 = vector.broadcast %max3A_33 : f32 to vector<512x1200xf32>
    %max3A_35 = arith.maximumf %add3A_32, %max3A_34 : vector<512x1200xf32>
    %convert_element_type3A = arith.truncf %max3A_35 : vector<512x1200xf32> to vector<512x1200xbf16>
    %get3A_36 = arith.constant 0 : index
    %get3A_37 = arith.constant 0 : index
    %get3A_38 = vector.load %arg8[%get3A_36, %get3A_37] : memref<1200x128xbf16, #tpu.memory_space<vmem>>, vector<1200x128xbf16>
    %dot_general3A_39 = arith.constant dense<0.000000e+00> : vector<512x128xf32>
    %dot_general3A_40 = tpu.matmul %convert_element_type3A, %get3A_38, %dot_general3A_39 {dimension_numbers = #tpu.dot_dimension_numbers<[1], [0], [0], [1], [0, 0, 1, 1], [], []>, transpose_lhs_hint = false} : vector<512x1200xbf16>, vector<1200x128xbf16>, vector<512x128xf32> -> vector<512x128xf32>
    %swap3A = arith.constant 0 : index
    %swap3A_41 = arith.constant 0 : index
    %swap3A_42 = vector.load %arg10[%swap3A, %swap3A_41] : memref<512x128xf32, #tpu.memory_space<vmem>>, vector<512x128xf32>
    tpu.vector_store %arg10[%swap3A, %swap3A_41], %dot_general3A_40 {strides = array<i32>} : memref<512x128xf32, #tpu.memory_space<vmem>>, vector<512x128xf32>,
    %get3A_43 = arith.constant 0 : index
    %get3A_44 = arith.constant 0 : index
    %get3A_45 = vector.load %arg7[%get3A_43, %get3A_44] : memref<1200x128xbf16, #tpu.memory_space<vmem>>, vector<1200x128xbf16>
    %dot_general3A_46 = arith.constant dense<0.000000e+00> : vector<512x128xf32>
    %dot_general3A_47 = tpu.matmul %convert_element_type3A, %get3A_45, %dot_general3A_46 {dimension_numbers = #tpu.dot_dimension_numbers<[1], [0], [0], [1], [0, 0, 1, 1], [], []>, transpose_lhs_hint = false} : vector<512x1200xbf16>, vector<1200x128xbf16>, vector<512x128xf32> -> vector<512x128xf32>
    %get3A_48 = arith.constant 0 : index
    %get3A_49 = arith.constant 0 : index
    %get3A_50 = vector.load %arg9[%get3A_48, %get3A_49] : memref<1x128xf32, #tpu.memory_space<vmem>>, vector<1x128xf32>
    %add3A_51 = vector.broadcast %get3A_50 : vector<1x128xf32> to vector<512x128xf32>
    %add3A_52 = arith.addf %dot_general3A_47, %add3A_51 : vector<512x128xf32>
    %swap3A_53 = arith.constant 0 : index
    %swap3A_54 = arith.constant 0 : index
    %swap3A_55 = vector.load %arg11[%swap3A_53, %swap3A_54] : memref<512x128xf32, #tpu.memory_space<vmem>>, vector<512x128xf32>
    tpu.vector_store %arg11[%swap3A_53, %swap3A_54], %add3A_52 {strides = array<i32>} : memref<512x128xf32, #tpu.memory_space<vmem>>, vector<512x128xf32>,
    return
  }
  func.func @transform_0(%arg0: i32) -> (i32, i32) {
    %c0_i32 = arith.constant 0 : i32
    %c0_i32_0 = arith.constant 0 : i32
    return %arg0, %c0_i32 : i32, i32
  }
  func.func @transform_1(%arg0: i32) -> (i32, i32, i32) {
    %c0_i32 = arith.constant 0 : i32
    %c0_i32_0 = arith.constant 0 : i32
    %c0_i32_1 = arith.constant 0 : i32
    return %c0_i32, %arg0, %c0_i32_0 : i32, i32, i32
  }
  func.func @transform_2(%arg0: i32) -> (i32, i32) {
    %c0_i32 = arith.constant 0 : i32
    %c0_i32_0 = arith.constant 0 : i32
    %c0_i32_1 = arith.constant 0 : i32
    return %c0_i32, %c0_i32_0 : i32, i32
  }
  func.func @transform_3(%arg0: i32) -> (i32, i32) {
    %c0_i32 = arith.constant 0 : i32
    %c0_i32_0 = arith.constant 0 : i32
    %c0_i32_1 = arith.constant 0 : i32
    return %c0_i32, %c0_i32_0 : i32, i32
  }
  func.func @transform_4(%arg0: i32) -> (i32, i32) {
    %c0_i32 = arith.constant 0 : i32
    %c0_i32_0 = arith.constant 0 : i32
    %c0_i32_1 = arith.constant 0 : i32
    return %c0_i32, %c0_i32_0 : i32, i32
  }
  func.func @transform_5(%arg0: i32) -> (i32, i32) {
    %c0_i32 = arith.constant 0 : i32
    %c0_i32_0 = arith.constant 0 : i32
    %c0_i32_1 = arith.constant 0 : i32
    return %c0_i32, %c0_i32_0 : i32, i32
  }
  func.func @transform_6(%arg0: i32) -> (i32, i32) {
    %c0_i32 = arith.constant 0 : i32
    %c0_i32_0 = arith.constant 0 : i32
    %c0_i32_1 = arith.constant 0 : i32
    return %c0_i32, %c0_i32_0 : i32, i32
  }
  func.func @transform_7(%arg0: i32) -> (i32, i32) {
    %c0_i32 = arith.constant 0 : i32
    %c0_i32_0 = arith.constant 0 : i32
    %c0_i32_1 = arith.constant 0 : i32
    return %c0_i32, %c0_i32_0 : i32, i32
  }
  func.func @transform_8(%arg0: i32) -> (i32, i32) {
    %c0_i32 = arith.constant 0 : i32
    %c0_i32_0 = arith.constant 0 : i32
    %c0_i32_1 = arith.constant 0 : i32
    return %c0_i32, %c0_i32_0 : i32, i32
  }
  func.func @transform_9(%arg0: i32) -> (i32, i32) {
    %c0_i32 = arith.constant 0 : i32
    %c0_i32_0 = arith.constant 0 : i32
    return %arg0, %c0_i32 : i32, i32
  }
  func.func @transform_10(%arg0: i32) -> (i32, i32) {
    %c0_i32 = arith.constant 0 : i32
    %c0_i32_0 = arith.constant 0 : i32
    return %arg0, %c0_i32 : i32, i32
  }
}

module attributes {stable_mosaic.version = 14 : i64} {
  func.func @body(%arg0: i32, %arg1: memref<512x128xf32, #tpu.memory_space<vmem>>, %arg2: memref<2x512x128xf32, #tpu.memory_space<vmem>>, %arg3: memref<2x512x128xf32, #tpu.memory_space<vmem>>, %arg4: memref<128x128xf32, #tpu.memory_space<vmem>>, %arg5: memref<512x128xf32, #tpu.memory_space<vmem>>) attributes {dimension_semantics = [#tpu.dimension_semantics<arbitrary>], iteration_bounds = array<i64: 13>, scalar_prefetch = 0 : i64, scratch_operands = 0 : i64, tpu.core_type = #tpu.core_type<tc>, window_params = [{transform_indices = @transform_0, window_bounds = array<i64: 512, 128>}, {transform_indices = @transform_1, window_bounds = array<i64: 2, 512, 128>}, {transform_indices = @transform_2, window_bounds = array<i64: 2, 512, 128>}, {pipeline_mode = #tpu.pipeline_mode<synchronous>, transform_indices = @transform_3, window_bounds = array<i64: 128, 128>}, {transform_indices = @transform_4, window_bounds = array<i64: 512, 128>}]} {
    %get3A = arith.constant 0 : index
    %get3A_0 = arith.constant 0 : index
    %get3A_1 = arith.constant 0 : index
    %get3A_2 = vector.load %arg2[%get3A, %get3A_0, %get3A_1] : memref<2x512x128xf32, #tpu.memory_space<vmem>>, vector<1x512x128xf32>
    %get3A_3 = vector.shape_cast %get3A_2 : vector<1x512x128xf32> to vector<512x128xf32>
    %get3A_4 = arith.constant 1 : index
    %get3A_5 = arith.constant 0 : index
    %get3A_6 = arith.constant 0 : index
    %get3A_7 = vector.load %arg2[%get3A_4, %get3A_5, %get3A_6] : memref<2x512x128xf32, #tpu.memory_space<vmem>>, vector<1x512x128xf32>
    %get3A_8 = vector.shape_cast %get3A_7 : vector<1x512x128xf32> to vector<512x128xf32>
    %add3A = arith.addf %get3A_3, %get3A_8 : vector<512x128xf32>
    %get3A_9 = arith.constant 0 : index
    %get3A_10 = arith.constant 0 : index
    %get3A_11 = arith.constant 0 : index
    %get3A_12 = vector.load %arg3[%get3A_9, %get3A_10, %get3A_11] : memref<2x512x128xf32, #tpu.memory_space<vmem>>, vector<1x512x128xf32>
    %get3A_13 = vector.shape_cast %get3A_12 : vector<1x512x128xf32> to vector<512x128xf32>
    %get3A_14 = arith.constant 1 : index
    %get3A_15 = arith.constant 0 : index
    %get3A_16 = arith.constant 0 : index
    %get3A_17 = vector.load %arg3[%get3A_14, %get3A_15, %get3A_16] : memref<2x512x128xf32, #tpu.memory_space<vmem>>, vector<1x512x128xf32>
    %get3A_18 = vector.shape_cast %get3A_17 : vector<1x512x128xf32> to vector<512x128xf32>
    %add3A_19 = arith.addf %get3A_13, %get3A_18 : vector<512x128xf32>
    %get3A_20 = arith.constant 0 : index
    %get3A_21 = arith.constant 0 : index
    %get3A_22 = vector.load %arg4[%get3A_20, %get3A_21] : memref<128x128xf32, #tpu.memory_space<vmem>>, vector<128x128xf32>
    %dot_general3A = arith.constant dense<0.000000e+00> : vector<512x128xf32>
    %dot_general3A_23 = tpu.matmul %add3A_19, %get3A_22, %dot_general3A {dimension_numbers = #tpu.dot_dimension_numbers<[1], [0], [0], [1], [0, 0, 1, 1], [], []>, transpose_lhs_hint = false} : vector<512x128xf32>, vector<128x128xf32>, vector<512x128xf32> -> vector<512x128xf32>
    %jit3A = arith.constant 1.000000e+00 : f32
    %max3A = vector.broadcast %jit3A : f32 to vector<512x128xf32>
    %max3A_24 = arith.maximumf %max3A, %dot_general3A_23 : vector<512x128xf32>
    %get3A_25 = arith.constant 0 : index
    %get3A_26 = arith.constant 0 : index
    %get3A_27 = vector.load %arg1[%get3A_25, %get3A_26] : memref<512x128xf32, #tpu.memory_space<vmem>>, vector<512x128xf32>
    %div3A = arith.divf %add3A, %max3A_24 : vector<512x128xf32>
    %add3A_28 = arith.addf %get3A_27, %div3A : vector<512x128xf32>
    %swap3A = arith.constant 0 : index
    %swap3A_29 = arith.constant 0 : index
    %swap3A_30 = vector.load %arg5[%swap3A, %swap3A_29] : memref<512x128xf32, #tpu.memory_space<vmem>>, vector<512x128xf32>
    tpu.vector_store %arg5[%swap3A, %swap3A_29], %add3A_28 {strides = array<i32>} : memref<512x128xf32, #tpu.memory_space<vmem>>, vector<512x128xf32>,
    return
  }
  func.func @transform_0(%arg0: i32) -> (i32, i32) {
    %c0_i32 = arith.constant 0 : i32
    %c0_i32_0 = arith.constant 0 : i32
    return %arg0, %c0_i32 : i32, i32
  }
  func.func @transform_1(%arg0: i32) -> (i32, i32, i32) {
    %c0_i32 = arith.constant 0 : i32
    %c0_i32_0 = arith.constant 0 : i32
    %c0_i32_1 = arith.constant 0 : i32
    return %c0_i32, %arg0, %c0_i32_0 : i32, i32, i32
  }
  func.func @transform_2(%arg0: i32) -> (i32, i32, i32) {
    %c0_i32 = arith.constant 0 : i32
    %c0_i32_0 = arith.constant 0 : i32
    %c0_i32_1 = arith.constant 0 : i32
    return %c0_i32, %arg0, %c0_i32_0 : i32, i32, i32
  }
  func.func @transform_3(%arg0: i32) -> (i32, i32) {
    %c0_i32 = arith.constant 0 : i32
    %c0_i32_0 = arith.constant 0 : i32
    %c0_i32_1 = arith.constant 0 : i32
    return %c0_i32, %c0_i32_0 : i32, i32
  }
  func.func @transform_4(%arg0: i32) -> (i32, i32) {
    %c0_i32 = arith.constant 0 : i32
    %c0_i32_0 = arith.constant 0 : i32
    return %arg0, %c0_i32 : i32, i32
  }
}

</mosaic_0001>

<sc_bundles>
// kernel: kernel.6.cloned.1.call-start
scs
__scs_entry_jumppad:
0x0: {  	(pc) =	sbr.rel $0x88, $3  }
0x1: {  	(tag) =	ssettag $0x0;
	lr =	simm.s32 $0x1  }
0x2: {  	[smem:$0x3F99] =	sst lr;
	_ =	strace $0xD0000000  }
0x3: {  	_ = 	snop  }
0x4: {  	_ = 	snop  }
0x5: {  	_ = 	snop  }
0x6: {  	_ = 	snop  }
0x7: {  	_ = 	snop  }
__scs_overlays_trampoline_lowered:
0x8: {  	[smem:$0x3FA8] =	sst s0  }
0x9: {  	[smem:$0x3FA9] =	sst s1  }
0xa: {  	[smem:$0x3FAA] =	sst s2  }
0xb: {  	[smem:$0x3FAB] =	sst s3  }
0xc: {  	[smem:$0x3FAC] =	sst s4  }
0xd: {  	[smem:$0x3FAD] =	sst s5  }
0xe: {  	[smem:$0x3FAE] =	sst s6  }
0xf: {  	[smem:$0x3FAF] =	sst s7  }
0x10: {  	[smem:$0x3FB0] =	sst s8  }
0x11: {  	[smem:$0x3FB1] =	sst s9;
	s0 =	simm.s32 @!p0 $0x0  }
0x12: {  	s1 =	sld [smem:$0x3F97];
	s0 =	simm.s32 @p0 $0x1  }
0x13: {  	[smem:$0x3FB2] =	sst s0;
	s0 =	simm.s32 @!p1 $0x0  }
0x14: {  	s2 =	sld [smem:$0x3F96];
	s0 =	simm.s32 @p1 $0x1  }
0x15: {  	[smem:$0x3FB3] =	sst s0;
	s0 =	simm.s32 @!p2 $0x0  }
0x16: {  	s3 =	sld [smem:$0x3FDB];
	s0 =	simm.s32 @p2 $0x1  }
0x17: {  	s4 =	simm.s32 $0x1BF5;
	[smem:$0x3FB5] =	sst s0  }
0x18: {  	s0 =	sld [smem:$0x3F98];
	_ =	swait.ge [sflag:s4], $0x0  }
0x19: {  	s7 =	sld [smem:$0x3F99]  }
0x1a: {  	s8 =	sadd.s32 $0xFFFFE003, lr  }
0x1b: {  	s9 =	sadd.s32 $0xFFFFFEF7, lr;
	s5 =	simm.s32 $0xFFFFFFFF;
	p2 =	slt.u32 s8, $0xFFFFF086  }
0x1c: {  	p1 =	slt.u32 s9, $0xF7A;
	s5 =	simm.s32 @!p2 $0x0  }
0x1d: {  	s5 =	simm.s32 @p1 $0x1;
	p0 =	seq.s32 s7, s2  }
0x1e: {  	s7 =	smul.u32 @!p0 $0xF7A, s2;
	p2 =	seq.s32 @!p0 s5, $0x0  }
0x1f: {  	s9 =	smul.u32 $0xF7A, s1;
	s8 =	simm.s32 @!p0 $0x1BF5;
	p2 =	por !p2, p0  }
0x20: {  	[sflag:s8] =	ssyncset.s32 @!p0 $0xFFFFF086;
	s6 =	sadd.s32 @!p0 s3, s7;
	s7 =	simm.s32 @!p0 $0x108  }
0x21: {  	s3 =	sadd.s32 s3, s9;
	s6 =	sadd.s32 @!p0 $0x88, s6;
	s7 =	simm.s32 @p2 $0x1082  }
0x22: {  	[simem:s7], [sflag:s8] =	dma.local @!p0 [hbm:s6], $0xF7A  }
0x23: {  	s9 =	sor.u32 $0xD0000000, s2;
	s6 =	simm.s32 $0x108;
	_ =	swait.ge @!p0 [sflag:s8], $0x0  }
0x24: {  	s3 =	sadd.s32 $0x88, s3;
	s6 =	simm.s32 @!p1 $0x1082;
	[sflag:s4] =	ssyncset.s32 $0xFFFFF086  }
0x25: {  	[simem:s6], [sflag:s4] =	dma.local [hbm:s3], $0xF7A  }
0x26: {  	[smem:$0x3F99] =	sst s1;
	(tag) =	ssettag s2;
	_ =	strace s9  }
0x27: {  	s1 =	sld [smem:$0x3FA9]  }
0x28: {  	s2 =	sld [smem:$0x3FAA]  }
0x29: {  	s4 =	sld [smem:$0x3FAC]  }
0x2a: {  	p0 =	seq.s32 s5, $0x0;
	s5 =	sld [smem:$0x3FAD]  }
0x2b: {  	s6 =	sld [smem:$0x3FAE]  }
0x2c: {  	s7 =	sld [smem:$0x3FAF]  }
0x2d: {  	s3 =	simm.s32 $0x108;
	s8 =	sld [smem:$0x3FB0]  }
0x2e: {  	s3 =	simm.s32 @!p0 $0x1082;
	s9 =	sld [smem:$0x3FB1]  }
0x2f: {  	lr =	sadd.s32 s0, s3;
	s0 =	sld [smem:$0x3FA8]  }
0x30: {  	s3 =	sld [smem:$0x3FAB]  }
0x31: {  	[smem:$0x3FB4] =	sst s10  }
0x32: {  	s10 =	sld [smem:$0x3FB2];
	_ =	sdelay $0x3  }
0x33: {  	p0 =	seq.s32 s10, $0x1;
	s10 =	sld [smem:$0x3FB4];
	_ =	sdelay $0x3  }
0x34: {  	[smem:$0x3FB4] =	sst s10  }
0x35: {  	s10 =	sld [smem:$0x3FB3];
	_ =	sdelay $0x3  }
0x36: {  	p1 =	seq.s32 s10, $0x1;
	s10 =	sld [smem:$0x3FB4];
	_ =	sdelay $0x3  }
0x37: {  	[smem:$0x3FB4] =	sst s10  }
0x38: {  	s10 =	sld [smem:$0x3FB5]  }
0x39: {  	_ = 	snop;
	(pc) =	sbr.ind lr, $3  }
0x3a: {  	_ = 	snop  }
0x3b: {  	_ = 	snop  }
0x3c: {  	p2 =	seq.s32 s10, $0x1;
	s10 =	sld [smem:$0x3FB4]  }
0x3d: {  	_ =	shalt  }
0x3e: {  	_ =	shalt  }
0x3f: {  	_ =	shalt  }
0x40: {  	_ =	shalt  }
0x41: {  	_ =	shalt  }
0x42: {  	_ =	shalt  }
0x43: {  	_ =	shalt  }
0x44: {  	_ =	shalt  }
0x45: {  	_ =	shalt  }
0x46: {  	_ =	shalt  }
0x47: {  	_ =	shalt  }
0x48: {  	_ =	shalt  }
0x49: {  	_ =	shalt  }
0x4a: {  	_ =	shalt  }
0x4b: {  	_ =	shalt  }
0x4c: {  	_ =	shalt  }
0x4d: {  	_ =	shalt  }
0x4e: {  	_ =	shalt  }
0x4f: {  	_ =	shalt  }
0x50: {  	_ =	shalt  }
0x51: {  	_ =	shalt  }
0x52: {  	_ =	shalt  }
0x53: {  	_ =	shalt  }
0x54: {  	_ =	shalt  }
0x55: {  	_ =	shalt  }
0x56: {  	_ =	shalt  }
0x57: {  	_ =	shalt  }
0x58: {  	_ =	shalt  }
0x59: {  	_ =	shalt  }
0x5a: {  	_ =	shalt  }
0x5b: {  	_ =	shalt  }
0x5c: {  	_ =	shalt  }
0x5d: {  	_ =	shalt  }
0x5e: {  	_ =	shalt  }
0x5f: {  	_ =	shalt  }
0x60: {  	_ =	shalt  }
0x61: {  	_ =	shalt  }
0x62: {  	_ =	shalt  }
0x63: {  	_ =	shalt  }
0x64: {  	_ =	shalt  }
0x65: {  	_ =	shalt  }
0x66: {  	_ =	shalt  }
0x67: {  	_ =	shalt  }
0x68: {  	_ =	shalt  }
0x69: {  	_ =	shalt  }
0x6a: {  	_ =	shalt  }
0x6b: {  	_ =	shalt  }
0x6c: {  	_ =	shalt  }
0x6d: {  	_ =	shalt  }
0x6e: {  	_ =	shalt  }
0x6f: {  	_ =	shalt  }
0x70: {  	_ =	shalt  }
0x71: {  	_ =	shalt  }
0x72: {  	_ =	shalt  }
0x73: {  	_ =	shalt  }
0x74: {  	_ =	shalt  }
0x75: {  	_ =	shalt  }
0x76: {  	_ =	shalt  }
0x77: {  	_ =	shalt  }
0x78: {  	_ =	shalt  }
0x79: {  	_ =	shalt  }
0x7a: {  	_ =	shalt  }
0x7b: {  	_ =	shalt  }
0x7c: {  	_ =	shalt  }
0x7d: {  	_ =	shalt  }
0x7e: {  	_ =	shalt  }
0x7f: {  	_ =	shalt  }
0x80: {  	_ =	shalt  }
0x81: {  	_ =	shalt  }
0x82: {  	_ =	shalt  }
0x83: {  	_ =	shalt  }
0x84: {  	_ =	shalt  }
0x85: {  	_ =	shalt  }
0x86: {  	_ =	shalt  }
0x87: {  	_ =	shalt  }
.Lfunc_end0:
.L_simem_size_0:
called_computation_lowered:
.L_overlay_start_0:
0x88: {  	s2 =	sld [smem:$0x3FD9]  }
0x89: {  	s3 =	sld [smem:$0x3FFE];
	_ =	sdelay $0x1  }
0x8a: {  	s1 =	srdreg.scid  }
0x8b: {  	s0 =	sand.u32 $0x1, s1  }
0x8c: {  	s17 =	sshll.u32 s0, $0xA;
	s2 =	sadd.s32 s3, s2  }
0x8d: {  	s2 =	sadd.s32 s2, s17  }
0x8e: {  	[smem:$0x3FC0] =	sst s2  }
0x8f: {  	_ = 	snop  }
0x90: {  	s2 =	sld [smem:$0x3FD0];
	(tm) =	ssettm $0x1  }
0x91: {  	s18 =	sld [smem:$0x3FFB];
	_ =	sdelay $0x3  }
0x92: {  	_ =	strace s18  }
0x93: {  	s3 =	sld [smem:$0x3FFC];
	_ =	sdelay $0x3  }
0x94: {  	_ =	strace s3  }
0x95: {  	s3 =	sld [smem:$0x3FFD];
	_ =	sdelay $0x3  }
0x96: {  	_ =	strace s3  }
0x97: {  	_ =	strace $0x8FFFFFFF  }
0x98: {  	s19 =	sld [smem:$0x3FDB];
	_ =	sdelay $0x1  }
0x99: {  	s4 =	simm.s32 $_scs_section_size  }
0x9a: {  	s5 =	simm.s32 $_size__tile_overlayer_lowered;
	s6 =	simm.s32 $_tile_overlayer_lowered  }
0x9b: {  	s22 =	simm.s32 $0x1BFF;
	s21 =	sshll.u32 s6, $0x1;
	s3 =	sadd.s32 s4, s19  }
0x9c: {  	s7 =	simm.s32 $0x0;
	s20 =	sshll.u32 s5, $0x1;
	s5 =	sadd.s32 s21, s3  }
0x9d: {  	[timem:s7], [sflag:s22] =	dma.local [hbm:s5], s20  }
0x9e: {  	_ =	swait.ge [sflag:s22], s20  }
0x9f: {  	s4 =	ssub.s32 $0x0, s20;
	[sflag:s22] =	ssyncset.done $0x0  }
0xa0: {  	[sflag:s22] =	ssyncadd.s32 s4;
	_ =	sdelay $0x1  }
0xa1: {  	s23 =	simm.s32 $0x1B8B  }
0xa2: {  	_ =	swait.ge [sflag:s23], $0x1  }
0xa3: {  	[sflag:s23] =	ssyncset.done $0x0  }
0xa4: {  	s25 =	simm.s32 $0x1B8E;
	s24 =	sld [smem:$0x3FFE];
	[sflag:s23] =	ssyncadd.s32 $0xFFFFFFFF  }
0xa5: {  	s26 =	simm.s32 $execute0_lowered;
	[smem:$0x3FD2] =	sst s25  }
0xa6: {  	s5 =	sshll.u32 s26, $0x1;
	_ =	strace $0x80000046;
	[dreg:$0x1] =	wrdreg $0xFFFFFFFF  }
0xa7: {  	s28 =	simm.s32 $_size_execute0_lowered;
	s3 =	sadd.s32 s3, s5;
	[dreg:$0x0] =	wrdreg $0x0  }
0xa8: {  	s5 =	sshll.u32 s28, $0x1;
	[dreg:$0x2] =	wrdreg s3  }
0xa9: {  	[dreg:$0x3] =	wrdreg s5  }
0xaa: {  	[dreg:$0x4] =	wrdreg $0xC0  }
0xab: {  	_ =	task [dreg:s7], $0x5FFFF  }
0xac: {  	[dreg:$0x1] =	wrdreg $0xFFFFFFFF  }
0xad: {  	[dreg:$0x0] =	wrdreg $0x60  }
0xae: {  	[dreg:$0x2] =	wrdreg s2  }
0xaf: {  	[dreg:$0x3] =	wrdreg s24  }
0xb0: {  	[dreg:$0x4] =	wrdreg $0xFC000  }
0xb1: {  	[dreg:$0x5] =	wrdreg $0x9  }
0xb2: {  	_ =	task.clear_ibuf [dreg:s7], $0x6FFFF;
	_ =	strace $0x90000046  }
0xb3: {  	s29 =	simm.s32 $0x9;
	_ =	strace $0x80000048  }
0xb4: {  	_ =	swait.ge [sflag:s29], $0x1  }
0xb5: {  	[sflag:s29] =	ssyncadd.s32 $0xFFFFFFFF  }
0xb6: {  	_ =	strace $0x90000048  }
0xb7: {  	_ =	sfence  }
0xb8: {  	s30 =	sld [smem:$0x0];
	_ =	sdelay $0x2  }
0xb9: {  	s31 =	sshll.u32 s1, $0xD;
	s1 =	sshrl.u32 s1, $0x2  }
0xba: {  	s3 =	sand.u32 $0x4000, s31;
	s1 =	sadd.s32 s1, s30  }
0xbb: {  	s0 =	sor.u32 s3, s0;
	s1 =	sshll.u32 s1, $0x11  }
0xbc: {  	s0 =	sor.u32 s1, s0  }
0xbd: {  	s0 =	sadd.s32 $0x8F2B, s0  }
0xbe: {  	[sflag:s0] =	ssyncadd.remote.s32 $0x1  }
0xbf: {  	_ =	sfence.sel $0xFFFF  }
0xc0: {  	[dreg:$0x0] =	wrdreg $0xFFFFFFFF;
	(pc) =	sbr.abs _section_cstart, $3  }
0xc1: {  	[dreg:$0x1] =	wrdreg $0xFFFFFFFF  }
0xc2: {  	_ =	task.clear_ibuf [dreg:s7], $0x2FFFF;
	_ =	strace $0x9FFFFFFF  }
0xc3: {  	(tm) =	ssettm $0x7FFFFFFF  }
tec
execute0_lowered:
.L_overlay_start_1:
0x0: {  	(tag) =	ssettag $0x1  }
0x1: {  	s0 =	srdreg.scid  }
0x2: {  	s8 =	stileid.u32;
	s1 =	rddreg [dreg:$0x0]  }
0x3: {  	s5 =	rddreg [dreg:$0x1];
	s6 =	smul.u32 $0xD000, s8  }
0x4: {  	s0 =	sand.u32 $0x1, s0;
	s2 =	sshll.u32 s8, $0x1;
	s8 =	smul.u32 $0x34000, s8  }
0x5: {  	s3 =	rddreg [dreg:$0x2];
	s2 =	sor.u32 s0, s2;
	s7 =	smul.u32 $0xD0000, s0  }
0x6: {  	s4 =	simm.s32 $0x0;
	s0 =	ssub.s32 $0x2, s0;
	s2 =	smul.u32 $0x6200, s2  }
0x7: {  	[smem:$0x7FF] =	sst s4;
	s19 =	sshrl.u32 s0, $0x1;
	s8 =	sshrl.u32 s8, $0x2  }
0x8: {  	s7 =	sadd.s32 s6, s7;
	s0 =	ssub.s32 s0, s19;
	s2 =	sshrl.u32 s2, $0x3  }
0x9: {  	s7 =	sshrl.u32 s7, $0x3;
	s0 =	smax.u32 s0, $0x1;
	s2 =	sadd.s32 s2, s5  }
0xa: {  	s7 =	sadd.s32 s7, s5;
	s5 =	sadd.s32 s6, s3;
	s6 =	sadd.s32 s8, s3  }
0xb: {  	_ =	strace $0x80000047;
	[smem:$0x7FD] =	sst s0;
	s8 =	sadd.s32 $0x800, s6  }
0xc: {  	s20 =	sadd.s32 $0x1000, s6;
	[dreg:$0x4] =	wrdreg s8  }
0xd: {  	s21 =	sadd.s32 $0x1800, s6;
	[dreg:$0x5] =	wrdreg s20  }
0xe: {  	s22 =	sadd.s32 $0x2000, s6;
	[dreg:$0x6] =	wrdreg s21  }
0xf: {  	s23 =	sadd.s32 $0x2800, s6;
	[dreg:$0x7] =	wrdreg s22  }
0x10: {  	s24 =	sadd.s32 $0x3000, s6;
	[dreg:$0x8] =	wrdreg s23  }
0x11: {  	s25 =	sadd.s32 $0x3800, s6;
	[dreg:$0x9] =	wrdreg s24  }
0x12: {  	s26 =	sadd.s32 $0x4000, s6;
	[dreg:$0xa] =	wrdreg s25  }
0x13: {  	s9 =	sadd.s32 $0x4800, s6;
	[dreg:$0xb] =	wrdreg s26  }
0x14: {  	s10 =	sadd.s32 $0x5000, s6;
	[dreg:$0xc] =	wrdreg s9  }
0x15: {  	s11 =	sadd.s32 $0x5800, s6;
	[dreg:$0xd] =	wrdreg s10  }
0x16: {  	s12 =	sadd.s32 $0x6000, s6;
	[dreg:$0xe] =	wrdreg s11  }
0x17: {  	s13 =	sadd.s32 $0x6800, s6;
	[dreg:$0xf] =	wrdreg s12  }
0x18: {  	s14 =	sadd.s32 $0x7000, s6;
	[dreg:$0x10] =	wrdreg s13  }
0x19: {  	s15 =	sadd.s32 $0x7800, s6;
	[dreg:$0x11] =	wrdreg s14  }
0x1a: {  	s28 =	simm.s32 $0xB;
	s16 =	sadd.s32 $0x8000, s6;
	[dreg:$0x12] =	wrdreg s15  }
0x1b: {  	s29 =	simm.s32 $0xC;
	s17 =	sadd.s32 $0x8800, s6;
	[dreg:$0x13] =	wrdreg s16  }
0x1c: {  	s30 =	simm.s32 $0xD;
	s18 =	sadd.s32 $0x9000, s6;
	[dreg:$0x14] =	wrdreg s17  }
0x1d: {  	s31 =	simm.s32 $0xE;
	s19 =	sadd.s32 $0x9800, s6;
	[dreg:$0x15] =	wrdreg s18  }
0x1e: {  	[dreg:$0x16] =	wrdreg s19;
	s20 =	sadd.s32 $0xA000, s6;
	s21 =	sadd.s32 $0xA800, s6  }
0x1f: {  	s22 =	sadd.s32 $0xB000, s6;
	s23 =	sadd.s32 $0xB800, s6;
	s24 =	sadd.s32 $0xC000, s6  }
0x20: {  	s6 =	sadd.s32 $0xC800, s6;
	s25 =	sadd.s32 $0x2A00, s2;
	[dreg:$0x17] =	wrdreg s20  }
0x21: {  	s2 =	sadd.s32 $0x1B200, s2;
	s26 =	sadd.s32 $0x33A00, s7;
	[dreg:$0x18] =	wrdreg s21  }
0x22: {  	s8 =	simm.s32 $0xC400;
	s9 =	simm.s32 $0xF;
	[dreg:$0x19] =	wrdreg s22  }
0x23: {  	s10 =	simm.s32 $0x80;
	s11 =	simm.s32 $0xCC00;
	[dreg:$0x1a] =	wrdreg s23  }
0x24: {  	s12 =	simm.s32 $0xD400;
	s13 =	simm.s32 $0xDC00;
	[dreg:$0x1b] =	wrdreg s24  }
0x25: {  	s14 =	simm.s32 $0xE400;
	s15 =	simm.s32 $0xEC00;
	[dreg:$0x1c] =	wrdreg s6  }
0x26: {  	s16 =	simm.s32 $0xF400;
	s17 =	simm.s32 $0x1;
	[dreg:$0x1d] =	wrdreg s25  }
0x27: {  	s18 =	simm.s32 $0x2;
	s19 =	simm.s32 $0x3;
	[dreg:$0x1e] =	wrdreg s2  }
0x28: {  	[dreg:$0x1f] =	wrdreg s26;
	s20 =	simm.s32 $0x4;
	s21 =	simm.s32 $0x5  }
0x29: {  	s22 =	simm.s32 $0x6;
	s23 =	simm.s32 $0x7;
	s24 =	simm.s32 $0x8  }
0x2a: {  	v0 =	vimm.f32 $0.0e+00;
	s25 =	simm.s32 $0x9;
	s26 =	simm.s32 $0xA;
	s2 =	simm.s32 $0x0  }
.LBB2_1:
0x2b: {  	[tilespmem:$0xC400] =	vst v0  }
0x2c: {  	[tilespmem:$0xC410] =	vst v0  }
0x2d: {  	[tilespmem:$0xC420] =	vst v0  }
0x2e: {  	[tilespmem:$0xC430] =	vst v0  }
0x2f: {  	[tilespmem:$0xC440] =	vst v0  }
0x30: {  	[tilespmem:$0xC450] =	vst v0  }
0x31: {  	[tilespmem:$0xC460] =	vst v0  }
0x32: {  	[tilespmem:$0xC470] =	vst v0  }
0x33: {  	[tilespmem:$0xC480] =	vst v0  }
0x34: {  	[tilespmem:$0xC490] =	vst v0  }
0x35: {  	[tilespmem:$0xC4A0] =	vst v0  }
0x36: {  	[tilespmem:$0xC4B0] =	vst v0  }
0x37: {  	[tilespmem:$0xC4C0] =	vst v0  }
0x38: {  	[tilespmem:$0xC4D0] =	vst v0  }
0x39: {  	[tilespmem:$0xC4E0] =	vst v0  }
0x3a: {  	[tilespmem:$0xC4F0] =	vst v0  }
0x3b: {  	[tilespmem:$0xC500] =	vst v0  }
0x3c: {  	[tilespmem:$0xC510] =	vst v0  }
0x3d: {  	[tilespmem:$0xC520] =	vst v0  }
0x3e: {  	[tilespmem:$0xC530] =	vst v0  }
0x3f: {  	[tilespmem:$0xC540] =	vst v0  }
0x40: {  	[tilespmem:$0xC550] =	vst v0  }
0x41: {  	[tilespmem:$0xC560] =	vst v0  }
0x42: {  	[tilespmem:$0xC570] =	vst v0  }
0x43: {  	[tilespmem:$0xC580] =	vst v0  }
0x44: {  	[tilespmem:$0xC590] =	vst v0  }
0x45: {  	[tilespmem:$0xC5A0] =	vst v0  }
0x46: {  	[tilespmem:$0xC5B0] =	vst v0  }
0x47: {  	[tilespmem:$0xC5C0] =	vst v0  }
0x48: {  	[tilespmem:$0xC5D0] =	vst v0  }
0x49: {  	[tilespmem:$0xC5E0] =	vst v0  }
0x4a: {  	[tilespmem:$0xC5F0] =	vst v0  }
0x4b: {  	[tilespmem:$0xC600] =	vst v0  }
0x4c: {  	[tilespmem:$0xC610] =	vst v0  }
0x4d: {  	[tilespmem:$0xC620] =	vst v0  }
0x4e: {  	[tilespmem:$0xC630] =	vst v0  }
0x4f: {  	[tilespmem:$0xC640] =	vst v0  }
0x50: {  	[tilespmem:$0xC650] =	vst v0  }
0x51: {  	[tilespmem:$0xC660] =	vst v0  }
0x52: {  	[tilespmem:$0xC670] =	vst v0  }
0x53: {  	[tilespmem:$0xC680] =	vst v0  }
0x54: {  	[tilespmem:$0xC690] =	vst v0  }
0x55: {  	[tilespmem:$0xC6A0] =	vst v0  }
0x56: {  	[tilespmem:$0xC6B0] =	vst v0  }
0x57: {  	[tilespmem:$0xC6C0] =	vst v0  }
0x58: {  	[tilespmem:$0xC6D0] =	vst v0  }
0x59: {  	[tilespmem:$0xC6E0] =	vst v0  }
0x5a: {  	[tilespmem:$0xC6F0] =	vst v0  }
0x5b: {  	[tilespmem:$0xC700] =	vst v0  }
0x5c: {  	[tilespmem:$0xC710] =	vst v0  }
0x5d: {  	[tilespmem:$0xC720] =	vst v0  }
0x5e: {  	[tilespmem:$0xC730] =	vst v0  }
0x5f: {  	[tilespmem:$0xC740] =	vst v0  }
0x60: {  	[tilespmem:$0xC750] =	vst v0  }
0x61: {  	[tilespmem:$0xC760] =	vst v0  }
0x62: {  	[tilespmem:$0xC770] =	vst v0  }
0x63: {  	[tilespmem:$0xC780] =	vst v0  }
0x64: {  	[tilespmem:$0xC790] =	vst v0  }
0x65: {  	[tilespmem:$0xC7A0] =	vst v0  }
0x66: {  	[tilespmem:$0xC7B0] =	vst v0  }
0x67: {  	[tilespmem:$0xC7C0] =	vst v0  }
0x68: {  	[tilespmem:$0xC7D0] =	vst v0  }
0x69: {  	[tilespmem:$0xC7E0] =	vst v0  }
0x6a: {  	[tilespmem:$0xC7F0] =	vst v0  }
0x6b: {  	[tilespmem:$0xC800] =	vst v0  }
0x6c: {  	[tilespmem:$0xC810] =	vst v0  }
0x6d: {  	[tilespmem:$0xC820] =	vst v0  }
0x6e: {  	[tilespmem:$0xC830] =	vst v0  }
0x6f: {  	[tilespmem:$0xC840] =	vst v0  }
0x70: {  	[tilespmem:$0xC850] =	vst v0  }
0x71: {  	[tilespmem:$0xC860] =	vst v0  }
0x72: {  	[tilespmem:$0xC870] =	vst v0  }
0x73: {  	[tilespmem:$0xC880] =	vst v0  }
0x74: {  	[tilespmem:$0xC890] =	vst v0  }
0x75: {  	[tilespmem:$0xC8A0] =	vst v0  }
0x76: {  	[tilespmem:$0xC8B0] =	vst v0  }
0x77: {  	[tilespmem:$0xC8C0] =	vst v0  }
0x78: {  	[tilespmem:$0xC8D0] =	vst v0  }
0x79: {  	[tilespmem:$0xC8E0] =	vst v0  }
0x7a: {  	[tilespmem:$0xC8F0] =	vst v0  }
0x7b: {  	[tilespmem:$0xC900] =	vst v0  }
0x7c: {  	[tilespmem:$0xC910] =	vst v0  }
0x7d: {  	[tilespmem:$0xC920] =	vst v0  }
0x7e: {  	[tilespmem:$0xC930] =	vst v0  }
0x7f: {  	[tilespmem:$0xC940] =	vst v0  }
0x80: {  	[tilespmem:$0xC950] =	vst v0  }
0x81: {  	[tilespmem:$0xC960] =	vst v0  }
0x82: {  	[tilespmem:$0xC970] =	vst v0  }
0x83: {  	[tilespmem:$0xC980] =	vst v0  }
0x84: {  	[tilespmem:$0xC990] =	vst v0  }
0x85: {  	[tilespmem:$0xC9A0] =	vst v0  }
0x86: {  	[tilespmem:$0xC9B0] =	vst v0  }
0x87: {  	[tilespmem:$0xC9C0] =	vst v0  }
0x88: {  	[tilespmem:$0xC9D0] =	vst v0  }
0x89: {  	[tilespmem:$0xC9E0] =	vst v0  }
0x8a: {  	[tilespmem:$0xC9F0] =	vst v0  }
0x8b: {  	[tilespmem:$0xCA00] =	vst v0  }
0x8c: {  	[tilespmem:$0xCA10] =	vst v0  }
0x8d: {  	[tilespmem:$0xCA20] =	vst v0  }
0x8e: {  	[tilespmem:$0xCA30] =	vst v0  }
0x8f: {  	[tilespmem:$0xCA40] =	vst v0  }
0x90: {  	[tilespmem:$0xCA50] =	vst v0  }
0x91: {  	[tilespmem:$0xCA60] =	vst v0  }
0x92: {  	[tilespmem:$0xCA70] =	vst v0  }
0x93: {  	[tilespmem:$0xCA80] =	vst v0  }
0x94: {  	[tilespmem:$0xCA90] =	vst v0  }
0x95: {  	[tilespmem:$0xCAA0] =	vst v0  }
0x96: {  	[tilespmem:$0xCAB0] =	vst v0  }
0x97: {  	[tilespmem:$0xCAC0] =	vst v0  }
0x98: {  	[tilespmem:$0xCAD0] =	vst v0  }
0x99: {  	[tilespmem:$0xCAE0] =	vst v0  }
0x9a: {  	[tilespmem:$0xCAF0] =	vst v0  }
0x9b: {  	[tilespmem:$0xCB00] =	vst v0  }
0x9c: {  	[tilespmem:$0xCB10] =	vst v0  }
0x9d: {  	[tilespmem:$0xCB20] =	vst v0  }
0x9e: {  	[tilespmem:$0xCB30] =	vst v0  }
0x9f: {  	[tilespmem:$0xCB40] =	vst v0  }
0xa0: {  	[tilespmem:$0xCB50] =	vst v0  }
0xa1: {  	[tilespmem:$0xCB60] =	vst v0  }
0xa2: {  	[tilespmem:$0xCB70] =	vst v0  }
0xa3: {  	[tilespmem:$0xCB80] =	vst v0  }
0xa4: {  	[tilespmem:$0xCB90] =	vst v0  }
0xa5: {  	[tilespmem:$0xCBA0] =	vst v0  }
0xa6: {  	[tilespmem:$0xCBB0] =	vst v0  }
0xa7: {  	[tilespmem:$0xCBC0] =	vst v0  }
0xa8: {  	[tilespmem:$0xCBD0] =	vst v0  }
0xa9: {  	[tilespmem:$0xCBE0] =	vst v0  }
0xaa: {  	[tilespmem:$0xCBF0] =	vst v0  }
0xab: {  	[spmem:s5] =	stream.linear.scatter [tilespmem:s8], [sflag:$0xF], $0x800, $0x38;
	[tilespmem:$0x1CC00] =	vst v63  }
0xac: {  	_ =	swait.ge [sflag:s9], $0x800  }
0xad: {  	[sflag:s9] =	ssyncset.done $0x0  }
0xae: {  	s0 =	rddreg [dreg:$0x4];
	[sflag:s9] =	ssyncadd.s32 $0xFFFFF800  }
0xaf: {  	[spmem:s0] =	stream.linear.scatter [tilespmem:s8], [sflag:$0xF], $0x800, $0x38;
	[tilespmem:$0x1CC00] =	vst v63  }
0xb0: {  	_ =	swait.ge [sflag:s9], $0x800  }
0xb1: {  	[sflag:s9] =	ssyncset.done $0x0  }
0xb2: {  	s6 =	rddreg [dreg:$0x5];
	[sflag:s9] =	ssyncadd.s32 $0xFFFFF800  }
0xb3: {  	[spmem:s6] =	stream.linear.scatter [tilespmem:s8], [sflag:$0xF], $0x800, $0x38;
	[tilespmem:$0x1CC00] =	vst v63  }
0xb4: {  	_ =	swait.ge [sflag:s9], $0x800  }
0xb5: {  	[sflag:s9] =	ssyncset.done $0x0  }
0xb6: {  	s7 =	rddreg [dreg:$0x6];
	[sflag:s9] =	ssyncadd.s32 $0xFFFFF800  }
0xb7: {  	[spmem:s7] =	stream.linear.scatter [tilespmem:s8], [sflag:$0xF], $0x800, $0x38;
	[tilespmem:$0x1CC00] =	vst v63  }
0xb8: {  	_ =	swait.ge [sflag:s9], $0x800  }
0xb9: {  	[sflag:s9] =	ssyncset.done $0x0  }
0xba: {  	s6 =	rddreg [dreg:$0x7];
	[sflag:s9] =	ssyncadd.s32 $0xFFFFF800  }
0xbb: {  	[spmem:s6] =	stream.linear.scatter [tilespmem:s8], [sflag:$0xF], $0x800, $0x38;
	[tilespmem:$0x1CC00] =	vst v63  }
0xbc: {  	_ =	swait.ge [sflag:s9], $0x800  }
0xbd: {  	[sflag:s9] =	ssyncset.done $0x0  }
0xbe: {  	s7 =	rddreg [dreg:$0x8];
	[sflag:s9] =	ssyncadd.s32 $0xFFFFF800  }
0xbf: {  	[spmem:s7] =	stream.linear.scatter [tilespmem:s8], [sflag:$0xF], $0x800, $0x38;
	[tilespmem:$0x1CC00] =	vst v63  }
0xc0: {  	_ =	swait.ge [sflag:s9], $0x800  }
0xc1: {  	[sflag:s9] =	ssyncset.done $0x0  }
0xc2: {  	s6 =	rddreg [dreg:$0x9];
	[sflag:s9] =	ssyncadd.s32 $0xFFFFF800  }
0xc3: {  	[spmem:s6] =	stream.linear.scatter [tilespmem:s8], [sflag:$0xF], $0x800, $0x38;
	[tilespmem:$0x1CC00] =	vst v63  }
0xc4: {  	_ =	swait.ge [sflag:s9], $0x800  }
0xc5: {  	[sflag:s9] =	ssyncset.done $0x0  }
0xc6: {  	s7 =	rddreg [dreg:$0xa];
	[sflag:s9] =	ssyncadd.s32 $0xFFFFF800  }
0xc7: {  	[spmem:s7] =	stream.linear.scatter [tilespmem:s8], [sflag:$0xF], $0x800, $0x38;
	[tilespmem:$0x1CC00] =	vst v63  }
0xc8: {  	_ =	swait.ge [sflag:s9], $0x800  }
0xc9: {  	[sflag:s9] =	ssyncset.done $0x0  }
0xca: {  	s6 =	rddreg [dreg:$0xb];
	[sflag:s9] =	ssyncadd.s32 $0xFFFFF800  }
0xcb: {  	[spmem:s6] =	stream.linear.scatter [tilespmem:s8], [sflag:$0xF], $0x800, $0x38;
	[tilespmem:$0x1CC00] =	vst v63  }
0xcc: {  	_ =	swait.ge [sflag:s9], $0x800  }
0xcd: {  	[sflag:s9] =	ssyncset.done $0x0  }
0xce: {  	s7 =	rddreg [dreg:$0xc];
	[sflag:s9] =	ssyncadd.s32 $0xFFFFF800  }
0xcf: {  	[spmem:s7] =	stream.linear.scatter [tilespmem:s8], [sflag:$0xF], $0x800, $0x38;
	[tilespmem:$0x1CC00] =	vst v63  }
0xd0: {  	_ =	swait.ge [sflag:s9], $0x800  }
0xd1: {  	[sflag:s9] =	ssyncset.done $0x0  }
0xd2: {  	s6 =	rddreg [dreg:$0xd];
	[sflag:s9] =	ssyncadd.s32 $0xFFFFF800  }
0xd3: {  	[spmem:s6] =	stream.linear.scatter [tilespmem:s8], [sflag:$0xF], $0x800, $0x38;
	[tilespmem:$0x1CC00] =	vst v63  }
0xd4: {  	_ =	swait.ge [sflag:s9], $0x800  }
0xd5: {  	[sflag:s9] =	ssyncset.done $0x0  }
0xd6: {  	s7 =	rddreg [dreg:$0xe];
	[sflag:s9] =	ssyncadd.s32 $0xFFFFF800  }
0xd7: {  	[spmem:s7] =	stream.linear.scatter [tilespmem:s8], [sflag:$0xF], $0x800, $0x38;
	[tilespmem:$0x1CC00] =	vst v63  }
0xd8: {  	_ =	swait.ge [sflag:s9], $0x800  }
0xd9: {  	[sflag:s9] =	ssyncset.done $0x0  }
0xda: {  	s6 =	rddreg [dreg:$0xf];
	[sflag:s9] =	ssyncadd.s32 $0xFFFFF800  }
0xdb: {  	[spmem:s6] =	stream.linear.scatter [tilespmem:s8], [sflag:$0xF], $0x800, $0x38;
	[tilespmem:$0x1CC00] =	vst v63  }
0xdc: {  	_ =	swait.ge [sflag:s9], $0x800  }
0xdd: {  	[sflag:s9] =	ssyncset.done $0x0  }
0xde: {  	s7 =	rddreg [dreg:$0x10];
	[sflag:s9] =	ssyncadd.s32 $0xFFFFF800  }
0xdf: {  	[spmem:s7] =	stream.linear.scatter [tilespmem:s8], [sflag:$0xF], $0x800, $0x38;
	[tilespmem:$0x1CC00] =	vst v63  }
0xe0: {  	_ =	swait.ge [sflag:s9], $0x800  }
0xe1: {  	[sflag:s9] =	ssyncset.done $0x0  }
0xe2: {  	s6 =	rddreg [dreg:$0x11];
	[sflag:s9] =	ssyncadd.s32 $0xFFFFF800  }
0xe3: {  	[spmem:s6] =	stream.linear.scatter [tilespmem:s8], [sflag:$0xF], $0x800, $0x38;
	[tilespmem:$0x1CC00] =	vst v63  }
0xe4: {  	_ =	swait.ge [sflag:s9], $0x800  }
0xe5: {  	[sflag:s9] =	ssyncset.done $0x0  }
0xe6: {  	s7 =	rddreg [dreg:$0x12];
	[sflag:s9] =	ssyncadd.s32 $0xFFFFF800  }
0xe7: {  	[spmem:s7] =	stream.linear.scatter [tilespmem:s8], [sflag:$0xF], $0x800, $0x38;
	[tilespmem:$0x1CC00] =	vst v63  }
0xe8: {  	_ =	swait.ge [sflag:s9], $0x800  }
0xe9: {  	[sflag:s9] =	ssyncset.done $0x0  }
0xea: {  	s6 =	rddreg [dreg:$0x13];
	[sflag:s9] =	ssyncadd.s32 $0xFFFFF800  }
0xeb: {  	[spmem:s6] =	stream.linear.scatter [tilespmem:s8], [sflag:$0xF], $0x800, $0x38;
	[tilespmem:$0x1CC00] =	vst v63  }
0xec: {  	_ =	swait.ge [sflag:s9], $0x800  }
0xed: {  	[sflag:s9] =	ssyncset.done $0x0  }
0xee: {  	s7 =	rddreg [dreg:$0x14];
	[sflag:s9] =	ssyncadd.s32 $0xFFFFF800  }
0xef: {  	[spmem:s7] =	stream.linear.scatter [tilespmem:s8], [sflag:$0xF], $0x800, $0x38;
	[tilespmem:$0x1CC00] =	vst v63  }
0xf0: {  	_ =	swait.ge [sflag:s9], $0x800  }
0xf1: {  	[sflag:s9] =	ssyncset.done $0x0  }
0xf2: {  	s6 =	rddreg [dreg:$0x15];
	[sflag:s9] =	ssyncadd.s32 $0xFFFFF800  }
0xf3: {  	[spmem:s6] =	stream.linear.scatter [tilespmem:s8], [sflag:$0xF], $0x800, $0x38;
	[tilespmem:$0x1CC00] =	vst v63  }
0xf4: {  	_ =	swait.ge [sflag:s9], $0x800  }
0xf5: {  	[sflag:s9] =	ssyncset.done $0x0  }
0xf6: {  	s7 =	rddreg [dreg:$0x16];
	[sflag:s9] =	ssyncadd.s32 $0xFFFFF800  }
0xf7: {  	[spmem:s7] =	stream.linear.scatter [tilespmem:s8], [sflag:$0xF], $0x800, $0x38;
	[tilespmem:$0x1CC00] =	vst v63  }
0xf8: {  	_ =	swait.ge [sflag:s9], $0x800  }
0xf9: {  	[sflag:s9] =	ssyncset.done $0x0  }
0xfa: {  	s6 =	rddreg [dreg:$0x17];
	[sflag:s9] =	ssyncadd.s32 $0xFFFFF800  }
0xfb: {  	[spmem:s6] =	stream.linear.scatter [tilespmem:s8], [sflag:$0xF], $0x800, $0x38;
	[tilespmem:$0x1CC00] =	vst v63  }
0xfc: {  	_ =	swait.ge [sflag:s9], $0x800  }
0xfd: {  	[sflag:s9] =	ssyncset.done $0x0  }
0xfe: {  	s7 =	rddreg [dreg:$0x18];
	[sflag:s9] =	ssyncadd.s32 $0xFFFFF800  }
0xff: {  	[spmem:s7] =	stream.linear.scatter [tilespmem:s8], [sflag:$0xF], $0x800, $0x38;
	[tilespmem:$0x1CC00] =	vst v63  }
0x100: {  	_ =	swait.ge [sflag:s9], $0x800  }
0x101: {  	[sflag:s9] =	ssyncset.done $0x0  }
0x102: {  	s6 =	rddreg [dreg:$0x19];
	[sflag:s9] =	ssyncadd.s32 $0xFFFFF800  }
0x103: {  	[spmem:s6] =	stream.linear.scatter [tilespmem:s8], [sflag:$0xF], $0x800, $0x38;
	[tilespmem:$0x1CC00] =	vst v63  }
0x104: {  	_ =	swait.ge [sflag:s9], $0x800  }
0x105: {  	[sflag:s9] =	ssyncset.done $0x0  }
0x106: {  	s7 =	rddreg [dreg:$0x1a];
	[sflag:s9] =	ssyncadd.s32 $0xFFFFF800  }
0x107: {  	[spmem:s7] =	stream.linear.scatter [tilespmem:s8], [sflag:$0xF], $0x800, $0x38;
	[tilespmem:$0x1CC00] =	vst v63  }
0x108: {  	_ =	swait.ge [sflag:s9], $0x800  }
0x109: {  	[sflag:s9] =	ssyncset.done $0x0  }
0x10a: {  	s6 =	rddreg [dreg:$0x1b];
	[sflag:s9] =	ssyncadd.s32 $0xFFFFF800  }
0x10b: {  	[spmem:s6] =	stream.linear.scatter [tilespmem:s8], [sflag:$0xF], $0x800, $0x38;
	[tilespmem:$0x1CC00] =	vst v63  }
0x10c: {  	_ =	swait.ge [sflag:s9], $0x800  }
0x10d: {  	[sflag:s9] =	ssyncset.done $0x0  }
0x10e: {  	s7 =	rddreg [dreg:$0x1c];
	[sflag:s9] =	ssyncadd.s32 $0xFFFFF800  }
0x10f: {  	[spmem:s7] =	stream.linear.scatter [tilespmem:s8], [sflag:$0xF], $0x800, $0x38;
	[tilespmem:$0x1CC00] =	vst v63  }
0x110: {  	_ =	swait.ge [sflag:s9], $0x800  }
0x111: {  	[sflag:s9] =	ssyncset.done $0x0  }
0x112: {  	[sflag:s9] =	ssyncadd.s32 $0xFFFFF800  }
0x113: {  	[bflag:$0x0] =	sbarrier.arrive $0xFFFF  }
0x114: {  	s6 =	rddreg [dreg:$0x1d]  }
0x115: {  	[tilespmem:s4], [sflag:$0xF] =	stream.linear.gather [hbm4b:s6+s4], $0x6200, $0x38;
	[tilespmem:$0x1CC00] =	vst v63  }
0x116: {  	_ =	swait.ge [sflag:s9], $0x6200  }
0x117: {  	[sflag:s9] =	ssyncset.done $0x0  }
0x118: {  	s6 =	simm.s32 $0x6200;
	s7 =	rddreg [dreg:$0x1e];
	[sflag:s9] =	ssyncadd.s32 $0xFFFF9E00  }
0x119: {  	[tilespmem:s6], [sflag:$0xF] =	stream.linear.gather [hbm4b:s7+s4], $0x6200, $0x38;
	[tilespmem:$0x1CC00] =	vst v63  }
0x11a: {  	_ =	swait.ge [sflag:s9], $0x6200  }
0x11b: {  	[sflag:s9] =	ssyncset.done $0x0  }
0x11c: {  	[sflag:s9] =	ssyncadd.s32 $0xFFFF9E00  }
0x11d: {  	[tilespmem:s8], [sflag:$0x1] =	stream.indirect.gather [hbm4b:s1+s10], $0x10, s4, s10, $0xb8;
	[tilespmem:$0x1CC00] =	vst v63  }
0x11e: {  	_ = 	snop  }
0x11f: {  	[tilespmem:s11], [sflag:$0x2] =	stream.indirect.gather [hbm4b:s1+s10], $0x10, s10, s10, $0xb8;
	[tilespmem:$0x1CC00] =	vst v63  }
0x120: {  	s6 =	simm.s32 $0x100  }
0x121: {  	[tilespmem:s12], [sflag:$0x3] =	stream.indirect.gather [hbm4b:s1+s10], $0x10, s6, s10, $0xb8;
	[tilespmem:$0x1CC00] =	vst v63  }
0x122: {  	s7 =	simm.s32 $0x180  }
0x123: {  	[tilespmem:s13], [sflag:$0x4] =	stream.indirect.gather [hbm4b:s1+s10], $0x10, s7, s10, $0xb8;
	[tilespmem:$0x1CC00] =	vst v63  }
0x124: {  	s6 =	simm.s32 $0x200  }
0x125: {  	[tilespmem:s14], [sflag:$0x5] =	stream.indirect.gather [hbm4b:s1+s10], $0x10, s6, s10, $0xb8;
	[tilespmem:$0x1CC00] =	vst v63  }
0x126: {  	s7 =	simm.s32 $0x280  }
0x127: {  	[tilespmem:s15], [sflag:$0x6] =	stream.indirect.gather [hbm4b:s1+s10], $0x10, s7, s10, $0xb8;
	[tilespmem:$0x1CC00] =	vst v63  }
0x128: {  	s6 =	simm.s32 $0x300  }
0x129: {  	[tilespmem:s16], [sflag:$0x7] =	stream.indirect.gather [hbm4b:s1+s10], $0x10, s6, s10, $0xb8;
	[tilespmem:$0x1CC00] =	vst v63  }
0x12a: {  	_ =	swait.ge [sflag:s17], $0x800  }
0x12b: {  	[sflag:s17] =	ssyncset.done $0x0  }
0x12c: {  	s7 =	simm.s32 $0x6200;
	[sflag:s17] =	ssyncadd.s32 $0xFFFFF800  }
0x12d: {  	[spmem:s3] =	stream.indirect.scatter.add.f32 [tilespmem:s8], [sflag:$0x8], $0x10, s7, s10, $0xb8;
	[tilespmem:$0x1CC00] =	vst v63  }
0x12e: {  	_ =	swait.ge [sflag:s18], $0x800  }
0x12f: {  	[sflag:s18] =	ssyncset.done $0x0  }
0x130: {  	s6 =	simm.s32 $0x6280;
	[sflag:s18] =	ssyncadd.s32 $0xFFFFF800  }
0x131: {  	[spmem:s3] =	stream.indirect.scatter.add.f32 [tilespmem:s11], [sflag:$0x9], $0x10, s6, s10, $0xb8;
	[tilespmem:$0x1CC00] =	vst v63  }
0x132: {  	_ =	swait.ge [sflag:s19], $0x800  }
0x133: {  	[sflag:s19] =	ssyncset.done $0x0  }
0x134: {  	s7 =	simm.s32 $0x6300;
	[sflag:s19] =	ssyncadd.s32 $0xFFFFF800  }
0x135: {  	[spmem:s3] =	stream.indirect.scatter.add.f32 [tilespmem:s12], [sflag:$0xA], $0x10, s7, s10, $0xb8;
	[tilespmem:$0x1CC00] =	vst v63  }
0x136: {  	_ =	swait.ge [sflag:s20], $0x800  }
0x137: {  	[sflag:s20] =	ssyncset.done $0x0  }
0x138: {  	s6 =	simm.s32 $0x6380;
	[sflag:s20] =	ssyncadd.s32 $0xFFFFF800  }
0x139: {  	[spmem:s3] =	stream.indirect.scatter.add.f32 [tilespmem:s13], [sflag:$0xB], $0x10, s6, s10, $0xb8;
	[tilespmem:$0x1CC00] =	vst v63  }
0x13a: {  	_ =	swait.ge [sflag:s21], $0x800  }
0x13b: {  	[sflag:s21] =	ssyncset.done $0x0  }
0x13c: {  	s7 =	simm.s32 $0x6400;
	[sflag:s21] =	ssyncadd.s32 $0xFFFFF800  }
0x13d: {  	[spmem:s3] =	stream.indirect.scatter.add.f32 [tilespmem:s14], [sflag:$0xC], $0x10, s7, s10, $0xb8;
	[tilespmem:$0x1CC00] =	vst v63  }
0x13e: {  	_ =	swait.ge [sflag:s22], $0x800  }
0x13f: {  	[sflag:s22] =	ssyncset.done $0x0  }
0x140: {  	s6 =	simm.s32 $0x6480;
	[sflag:s22] =	ssyncadd.s32 $0xFFFFF800  }
0x141: {  	[spmem:s3] =	stream.indirect.scatter.add.f32 [tilespmem:s15], [sflag:$0xD], $0x10, s6, s10, $0xb8;
	[tilespmem:$0x1CC00] =	vst v63  }
0x142: {  	_ =	swait.ge [sflag:s23], $0x800  }
0x143: {  	[sflag:s23] =	ssyncset.done $0x0  }
0x144: {  	s7 =	simm.s32 $0x6500;
	[sflag:s23] =	ssyncadd.s32 $0xFFFFF800  }
0x145: {  	[spmem:s3] =	stream.indirect.scatter.add.f32 [tilespmem:s16], [sflag:$0xE], $0x10, s7, s10, $0xb8;
	[tilespmem:$0x1CC00] =	vst v63  }
0x146: {  	_ =	swait.ge [sflag:s24], $0x800  }
0x147: {  	[sflag:s24] =	ssyncset.done $0x0  }
0x148: {  	s6 =	simm.s32 $0x380;
	[sflag:s24] =	ssyncadd.s32 $0xFFFFF800  }
0x149: {  	[tilespmem:s8], [sflag:$0x1] =	stream.indirect.gather [hbm4b:s1+s10], $0x10, s6, s10, $0xb8;
	[tilespmem:$0x1CC00] =	vst v63  }
0x14a: {  	_ =	swait.ge [sflag:s25], $0x800  }
0x14b: {  	[sflag:s25] =	ssyncset.done $0x0  }
0x14c: {  	s7 =	simm.s32 $0x400;
	[sflag:s25] =	ssyncadd.s32 $0xFFFFF800  }
0x14d: {  	[tilespmem:s11], [sflag:$0x2] =	stream.indirect.gather [hbm4b:s1+s10], $0x10, s7, s10, $0xb8;
	[tilespmem:$0x1CC00] =	vst v63  }
0x14e: {  	_ =	swait.ge [sflag:s26], $0x800  }
0x14f: {  	[sflag:s26] =	ssyncset.done $0x0  }
0x150: {  	s6 =	simm.s32 $0x480;
	[sflag:s26] =	ssyncadd.s32 $0xFFFFF800  }
0x151: {  	[tilespmem:s12], [sflag:$0x3] =	stream.indirect.gather [hbm4b:s1+s10], $0x10, s6, s10, $0xb8;
	[tilespmem:$0x1CC00] =	vst v63  }
0x152: {  	_ =	swait.ge [sflag:s28], $0x800  }
0x153: {  	[sflag:s28] =	ssyncset.done $0x0  }
0x154: {  	s7 =	simm.s32 $0x500;
	[sflag:s28] =	ssyncadd.s32 $0xFFFFF800  }
0x155: {  	[tilespmem:s13], [sflag:$0x4] =	stream.indirect.gather [hbm4b:s1+s10], $0x10, s7, s10, $0xb8;
	[tilespmem:$0x1CC00] =	vst v63  }
0x156: {  	_ =	swait.ge [sflag:s29], $0x800  }
0x157: {  	[sflag:s29] =	ssyncset.done $0x0  }
0x158: {  	s6 =	simm.s32 $0x580;
	[sflag:s29] =	ssyncadd.s32 $0xFFFFF800  }
0x159: {  	[tilespmem:s14], [sflag:$0x5] =	stream.indirect.gather [hbm4b:s1+s10], $0x10, s6, s10, $0xb8;
	[tilespmem:$0x1CC00] =	vst v63  }
0x15a: {  	_ =	swait.ge [sflag:s30], $0x800  }
0x15b: {  	[sflag:s30] =	ssyncset.done $0x0  }
0x15c: {  	s7 =	simm.s32 $0x600;
	[sflag:s30] =	ssyncadd.s32 $0xFFFFF800  }
0x15d: {  	[tilespmem:s15], [sflag:$0x6] =	stream.indirect.gather [hbm4b:s1+s10], $0x10, s7, s10, $0xb8;
	[tilespmem:$0x1CC00] =	vst v63  }
0x15e: {  	_ =	swait.ge [sflag:s31], $0x800  }
0x15f: {  	[sflag:s31] =	ssyncset.done $0x0  }
0x160: {  	s0 =	simm.s32 $0xE00;
	s6 =	simm.s32 $0x680;
	[sflag:s31] =	ssyncadd.s32 $0xFFFFF800  }
.LBB2_2:
0x161: {  	[tilespmem:s16], [sflag:$0x7] =	stream.indirect.gather [hbm4b:s1+s10], $0x10, s6, s10, $0xb8;
	[tilespmem:$0x1CC00] =	vst v63  }
0x162: {  	s6 =	smov.u32 s0  }
0x163: {  	p0 =	sne.s32 s0, $0x16C00;
	s0 =	sadd.s32 $0xE00, s0;
	_ =	swait.ge [sflag:s17], $0x800  }
0x164: {  	s6 =	sshra.s32 s6, $0x2;
	[sflag:s17] =	ssyncset.done $0x0  }
0x165: {  	s7 =	sadd.s32 $0x6200, s6;
	[sflag:s17] =	ssyncadd.s32 $0xFFFFF800  }
0x166: {  	[spmem:s3] =	stream.indirect.scatter.add.f32 [tilespmem:s8], [sflag:$0x8], $0x10, s7, s10, $0xb8;
	[tilespmem:$0x1CC00] =	vst v63  }
0x167: {  	_ =	swait.ge [sflag:s18], $0x800  }
0x168: {  	[sflag:s18] =	ssyncset.done $0x0  }
0x169: {  	s7 =	sadd.s32 $0x6280, s6;
	[sflag:s18] =	ssyncadd.s32 $0xFFFFF800  }
0x16a: {  	[spmem:s3] =	stream.indirect.scatter.add.f32 [tilespmem:s11], [sflag:$0x9], $0x10, s7, s10, $0xb8;
	[tilespmem:$0x1CC00] =	vst v63  }
0x16b: {  	_ =	swait.ge [sflag:s19], $0x800  }
0x16c: {  	[sflag:s19] =	ssyncset.done $0x0  }
0x16d: {  	s7 =	sadd.s32 $0x6300, s6;
	[sflag:s19] =	ssyncadd.s32 $0xFFFFF800  }
0x16e: {  	[spmem:s3] =	stream.indirect.scatter.add.f32 [tilespmem:s12], [sflag:$0xA], $0x10, s7, s10, $0xb8;
	[tilespmem:$0x1CC00] =	vst v63  }
0x16f: {  	_ =	swait.ge [sflag:s20], $0x800  }
0x170: {  	[sflag:s20] =	ssyncset.done $0x0  }
0x171: {  	s7 =	sadd.s32 $0x6380, s6;
	[sflag:s20] =	ssyncadd.s32 $0xFFFFF800  }
0x172: {  	[spmem:s3] =	stream.indirect.scatter.add.f32 [tilespmem:s13], [sflag:$0xB], $0x10, s7, s10, $0xb8;
	[tilespmem:$0x1CC00] =	vst v63  }
0x173: {  	_ =	swait.ge [sflag:s21], $0x800  }
0x174: {  	[sflag:s21] =	ssyncset.done $0x0  }
0x175: {  	s7 =	sadd.s32 $0x6400, s6;
	[sflag:s21] =	ssyncadd.s32 $0xFFFFF800  }
0x176: {  	[spmem:s3] =	stream.indirect.scatter.add.f32 [tilespmem:s14], [sflag:$0xC], $0x10, s7, s10, $0xb8;
	[tilespmem:$0x1CC00] =	vst v63  }
0x177: {  	_ =	swait.ge [sflag:s22], $0x800  }
0x178: {  	[sflag:s22] =	ssyncset.done $0x0  }
0x179: {  	s7 =	sadd.s32 $0x6480, s6;
	[sflag:s22] =	ssyncadd.s32 $0xFFFFF800  }
0x17a: {  	[spmem:s3] =	stream.indirect.scatter.add.f32 [tilespmem:s15], [sflag:$0xD], $0x10, s7, s10, $0xb8;
	[tilespmem:$0x1CC00] =	vst v63  }
0x17b: {  	_ =	swait.ge [sflag:s23], $0x800  }
0x17c: {  	[sflag:s23] =	ssyncset.done $0x0  }
0x17d: {  	s7 =	sadd.s32 $0x6500, s6;
	[sflag:s23] =	ssyncadd.s32 $0xFFFFF800  }
0x17e: {  	[spmem:s3] =	stream.indirect.scatter.add.f32 [tilespmem:s16], [sflag:$0xE], $0x10, s7, s10, $0xb8;
	[tilespmem:$0x1CC00] =	vst v63  }
0x17f: {  	_ =	swait.ge [sflag:s24], $0x800  }
0x180: {  	[sflag:s24] =	ssyncset.done $0x0  }
0x181: {  	s7 =	sadd.s32 $0x380, s6;
	[sflag:s24] =	ssyncadd.s32 $0xFFFFF800  }
0x182: {  	[tilespmem:s8], [sflag:$0x1] =	stream.indirect.gather [hbm4b:s1+s10], $0x10, s7, s10, $0xb8;
	[tilespmem:$0x1CC00] =	vst v63  }
0x183: {  	_ =	swait.ge [sflag:s25], $0x800  }
0x184: {  	[sflag:s25] =	ssyncset.done $0x0  }
0x185: {  	s7 =	sadd.s32 $0x400, s6;
	[sflag:s25] =	ssyncadd.s32 $0xFFFFF800  }
0x186: {  	[tilespmem:s11], [sflag:$0x2] =	stream.indirect.gather [hbm4b:s1+s10], $0x10, s7, s10, $0xb8;
	[tilespmem:$0x1CC00] =	vst v63  }
0x187: {  	_ =	swait.ge [sflag:s26], $0x800  }
0x188: {  	[sflag:s26] =	ssyncset.done $0x0  }
0x189: {  	s7 =	sadd.s32 $0x480, s6;
	[sflag:s26] =	ssyncadd.s32 $0xFFFFF800  }
0x18a: {  	[tilespmem:s12], [sflag:$0x3] =	stream.indirect.gather [hbm4b:s1+s10], $0x10, s7, s10, $0xb8;
	[tilespmem:$0x1CC00] =	vst v63  }
0x18b: {  	_ =	swait.ge [sflag:s28], $0x800  }
0x18c: {  	[sflag:s28] =	ssyncset.done $0x0  }
0x18d: {  	s7 =	sadd.s32 $0x500, s6;
	[sflag:s28] =	ssyncadd.s32 $0xFFFFF800  }
0x18e: {  	[tilespmem:s13], [sflag:$0x4] =	stream.indirect.gather [hbm4b:s1+s10], $0x10, s7, s10, $0xb8;
	[tilespmem:$0x1CC00] =	vst v63  }
0x18f: {  	_ =	swait.ge [sflag:s29], $0x800  }
0x190: {  	[sflag:s29] =	ssyncset.done $0x0  }
0x191: {  	s7 =	sadd.s32 $0x580, s6;
	[sflag:s29] =	ssyncadd.s32 $0xFFFFF800  }
0x192: {  	[tilespmem:s14], [sflag:$0x5] =	stream.indirect.gather [hbm4b:s1+s10], $0x10, s7, s10, $0xb8;
	[tilespmem:$0x1CC00] =	vst v63  }
0x193: {  	_ =	swait.ge [sflag:s30], $0x800  }
0x194: {  	[sflag:s30] =	ssyncset.done $0x0  }
.Ltmp0:
0x195: {  	s7 =	sadd.s32 $0x600, s6;
	[sflag:s30] =	ssyncadd.s32 $0xFFFFF800;
	(pc) =	sbr.rel @p0 .LBB2_2-.Ltmp0, $4  }
0x196: {  	[tilespmem:s15], [sflag:$0x6] =	stream.indirect.gather [hbm4b:s1+s10], $0x10, s7, s10, $0xb8;
	[tilespmem:$0x1CC00] =	vst v63  }
0x197: {  	_ =	swait.ge [sflag:s31], $0x800  }
0x198: {  	[sflag:s31] =	ssyncset.done $0x0  }
0x199: {  	s6 =	sadd.s32 $0x680, s6;
	[sflag:s31] =	ssyncadd.s32 $0xFFFFF800  }
0x19a: {  	[tilespmem:s16], [sflag:$0x7] =	stream.indirect.gather [hbm4b:s1+s10], $0x10, s6, s10, $0xb8;
	[tilespmem:$0x1CC00] =	vst v63  }
0x19b: {  	_ =	swait.ge [sflag:s17], $0x800  }
0x19c: {  	[sflag:s17] =	ssyncset.done $0x0  }
0x19d: {  	s0 =	simm.s32 $0xC080;
	[sflag:s17] =	ssyncadd.s32 $0xFFFFF800  }
0x19e: {  	[spmem:s3] =	stream.indirect.scatter.add.f32 [tilespmem:s8], [sflag:$0x8], $0x10, s0, s10, $0xb8;
	[tilespmem:$0x1CC00] =	vst v63  }
0x19f: {  	_ =	swait.ge [sflag:s18], $0x800  }
0x1a0: {  	[sflag:s18] =	ssyncset.done $0x0  }
0x1a1: {  	s6 =	simm.s32 $0xC100;
	[sflag:s18] =	ssyncadd.s32 $0xFFFFF800  }
0x1a2: {  	[spmem:s3] =	stream.indirect.scatter.add.f32 [tilespmem:s11], [sflag:$0x9], $0x10, s6, s10, $0xb8;
	[tilespmem:$0x1CC00] =	vst v63  }
0x1a3: {  	_ =	swait.ge [sflag:s19], $0x800  }
0x1a4: {  	[sflag:s19] =	ssyncset.done $0x0  }
0x1a5: {  	s7 =	simm.s32 $0xC180;
	[sflag:s19] =	ssyncadd.s32 $0xFFFFF800  }
0x1a6: {  	[spmem:s3] =	stream.indirect.scatter.add.f32 [tilespmem:s12], [sflag:$0xA], $0x10, s7, s10, $0xb8;
	[tilespmem:$0x1CC00] =	vst v63  }
0x1a7: {  	_ =	swait.ge [sflag:s20], $0x800  }
0x1a8: {  	[sflag:s20] =	ssyncset.done $0x0  }
0x1a9: {  	s6 =	simm.s32 $0xC200;
	[sflag:s20] =	ssyncadd.s32 $0xFFFFF800  }
0x1aa: {  	[spmem:s3] =	stream.indirect.scatter.add.f32 [tilespmem:s13], [sflag:$0xB], $0x10, s6, s10, $0xb8;
	[tilespmem:$0x1CC00] =	vst v63  }
0x1ab: {  	_ =	swait.ge [sflag:s21], $0x800  }
0x1ac: {  	[sflag:s21] =	ssyncset.done $0x0  }
0x1ad: {  	s7 =	simm.s32 $0xC280;
	[sflag:s21] =	ssyncadd.s32 $0xFFFFF800  }
0x1ae: {  	[spmem:s3] =	stream.indirect.scatter.add.f32 [tilespmem:s14], [sflag:$0xC], $0x10, s7, s10, $0xb8;
	[tilespmem:$0x1CC00] =	vst v63  }
0x1af: {  	_ =	swait.ge [sflag:s22], $0x800  }
0x1b0: {  	[sflag:s22] =	ssyncset.done $0x0  }
0x1b1: {  	s6 =	simm.s32 $0xC300;
	[sflag:s22] =	ssyncadd.s32 $0xFFFFF800  }
0x1b2: {  	[spmem:s3] =	stream.indirect.scatter.add.f32 [tilespmem:s15], [sflag:$0xD], $0x10, s6, s10, $0xb8;
	[tilespmem:$0x1CC00] =	vst v63  }
0x1b3: {  	_ =	swait.ge [sflag:s23], $0x800  }
0x1b4: {  	[sflag:s23] =	ssyncset.done $0x0  }
0x1b5: {  	s7 =	simm.s32 $0xC380;
	[sflag:s23] =	ssyncadd.s32 $0xFFFFF800  }
0x1b6: {  	[spmem:s3] =	stream.indirect.scatter.add.f32 [tilespmem:s16], [sflag:$0xE], $0x10, s7, s10, $0xb8;
	[tilespmem:$0x1CC00] =	vst v63  }
0x1b7: {  	_ =	swait.ge [sflag:s24], $0x800  }
0x1b8: {  	[sflag:s24] =	ssyncset.done $0x0  }
0x1b9: {  	[sflag:s24] =	ssyncadd.s32 $0xFFFFF800  }
0x1ba: {  	_ =	swait.ge [sflag:s25], $0x800  }
0x1bb: {  	[sflag:s25] =	ssyncset.done $0x0  }
0x1bc: {  	[sflag:s25] =	ssyncadd.s32 $0xFFFFF800  }
0x1bd: {  	_ =	swait.ge [sflag:s26], $0x800  }
0x1be: {  	[sflag:s26] =	ssyncset.done $0x0  }
0x1bf: {  	[sflag:s26] =	ssyncadd.s32 $0xFFFFF800  }
0x1c0: {  	_ =	swait.ge [sflag:s28], $0x800  }
0x1c1: {  	[sflag:s28] =	ssyncset.done $0x0  }
0x1c2: {  	[sflag:s28] =	ssyncadd.s32 $0xFFFFF800  }
0x1c3: {  	_ =	swait.ge [sflag:s29], $0x800  }
0x1c4: {  	[sflag:s29] =	ssyncset.done $0x0  }
0x1c5: {  	[sflag:s29] =	ssyncadd.s32 $0xFFFFF800  }
0x1c6: {  	_ =	swait.ge [sflag:s30], $0x800  }
0x1c7: {  	[sflag:s30] =	ssyncset.done $0x0  }
0x1c8: {  	[sflag:s30] =	ssyncadd.s32 $0xFFFFF800  }
0x1c9: {  	_ =	swait.ge [sflag:s31], $0x800  }
0x1ca: {  	[sflag:s31] =	ssyncset.done $0x0  }
0x1cb: {  	s6 =	stileid.u32;
	[sflag:s31] =	ssyncadd.s32 $0xFFFFF800  }
0x1cc: {  	s0 =	sshll.u32 s6, $0x6;
	[bflag:$0x0] =	sbarrier.arrive $0xFFFF  }
0x1cd: {  	s6 =	sshrl.u32 s5, $0x3;
	s0 =	sor.u32 $0x1C0F, s0;
	s7 =	rddreg [dreg:$0x1f]  }
0x1ce: {  	[hbm:s7], [sflag:s0] =	dma.local [spmem:s6], $0x1A00  }
0x1cf: {  	_ =	swait.ge [sflag:s9], $0x1A00  }
0x1d0: {  	s7 =	sld [smem:$0x7FD];
	_ =	sdelay $0x1  }
0x1d1: {  	s2 =	sadd.s32 $0x1, s2  }
0x1d2: {  	p0 =	sne.s32 s2, s7  }
.Ltmp1:
0x1d3: {  	_ = 	snop;
	(pc) =	sbr.rel @p0 .LBB2_1-.Ltmp1, $3  }
0x1d4: {  	_ =	sdelay $0x1  }
0x1d5: {  	[sflag:s9] =	ssyncset.done $0x0  }
0x1d6: {  	[sflag:s9] =	ssyncadd.s32 $0xFFFFE600  }
0x1d7: {  	_ =	sfence.sel $0x180000  }
0x1d8: {  	[bflag:$0x0] =	sbarrier.arrive $0xFFFF  }
0x1d9: {  	_ =	strace $0x90000047  }
0x1da: {  	s0 =	stileid.u32;
	[bflag:$0x2] =	sbarrier.arrive $0xFFFF  }
0x1db: {  	p0 =	sne.s32 s0, $0x0;
	s0 =	rddreg [dreg:$0x3]  }
0x1dc: {  	s0 =	sadd.s32 @!p0 $0x100000, s0  }
0x1dd: {  	[sflag:s0] =	ssyncadd.tile.s32 @!p0 $0x1;
	_ =	shalt  }
.Lfunc_end2:
_tile_overlayer_lowered:
.L_overlay_start_2:
0x1de: {  	(tag) =	ssettag $0x2  }
0x1df: {  	s0 =	rddreg [dreg:$0x0];
	s2 =	stileid.u32  }
0x1e0: {  	s1 =	rddreg [dreg:$0x1];
	p0 =	sne.s32 s2, $0x0  }
0x1e1: {  	s3 =	rddreg [dreg:$0x2];
	[bflag:$0x3] =	sbarrier.arrive $0xFFFF;
	s2 =	simm.s32 @!p0 $0x1C0F  }
0x1e2: {  	[timem:s3], [sflag:s2] =	dma.local @!p0 [hbm:s0], s1  }
0x1e3: {  	s0 =	simm.s32 @!p0 $0xF  }
0x1e4: {  	_ =	swait.ge @!p0 [sflag:s0], s1  }
0x1e5: {  	s1 =	ssub.s32 @!p0 $0x0, s1;
	[sflag:s0] =	ssyncset.done @!p0 $0x0  }
0x1e6: {  	[sflag:s0] =	ssyncadd.s32 @!p0 s1  }
0x1e7: {  	[bflag:$0x3] =	sbarrier.arrive $0xFFFF  }
0x1e8: {  	_ =	shalt  }

// kernel: kernel.9.cloned.1.call-start
scs
__scs_entry_jumppad:
0x0: {  	(pc) =	sbr.rel $0x88, $3  }
0x1: {  	(tag) =	ssettag $0x0;
	lr =	simm.s32 $0x1  }
0x2: {  	[smem:$0x3F99] =	sst lr;
	_ =	strace $0xD0000000  }
0x3: {  	_ = 	snop  }
0x4: {  	_ = 	snop  }
0x5: {  	_ = 	snop  }
0x6: {  	_ = 	snop  }
0x7: {  	_ = 	snop  }
__scs_overlays_trampoline_lowered:
0x8: {  	[smem:$0x3FA8] =	sst s0  }
0x9: {  	[smem:$0x3FA9] =	sst s1  }
0xa: {  	[smem:$0x3FAA] =	sst s2  }
0xb: {  	[smem:$0x3FAB] =	sst s3  }
0xc: {  	[smem:$0x3FAC] =	sst s4  }
0xd: {  	[smem:$0x3FAD] =	sst s5  }
0xe: {  	[smem:$0x3FAE] =	sst s6  }
0xf: {  	[smem:$0x3FAF] =	sst s7  }
0x10: {  	[smem:$0x3FB0] =	sst s8  }
0x11: {  	[smem:$0x3FB1] =	sst s9;
	s0 =	simm.s32 @!p0 $0x0  }
0x12: {  	s1 =	sld [smem:$0x3F97];
	s0 =	simm.s32 @p0 $0x1  }
0x13: {  	[smem:$0x3FB2] =	sst s0;
	s0 =	simm.s32 @!p1 $0x0  }
0x14: {  	s2 =	sld [smem:$0x3F96];
	s0 =	simm.s32 @p1 $0x1  }
0x15: {  	[smem:$0x3FB3] =	sst s0;
	s0 =	simm.s32 @!p2 $0x0  }
0x16: {  	s3 =	sld [smem:$0x3FDB];
	s0 =	simm.s32 @p2 $0x1  }
0x17: {  	s4 =	simm.s32 $0x1BF5;
	[smem:$0x3FB5] =	sst s0  }
0x18: {  	s0 =	sld [smem:$0x3F98];
	_ =	swait.ge [sflag:s4], $0x0  }
0x19: {  	s7 =	sld [smem:$0x3F99]  }
0x1a: {  	s8 =	sadd.s32 $0xFFFFE003, lr  }
0x1b: {  	s9 =	sadd.s32 $0xFFFFFEF7, lr;
	s5 =	simm.s32 $0xFFFFFFFF;
	p2 =	slt.u32 s8, $0xFFFFF086  }
0x1c: {  	p1 =	slt.u32 s9, $0xF7A;
	s5 =	simm.s32 @!p2 $0x0  }
0x1d: {  	s5 =	simm.s32 @p1 $0x1;
	p0 =	seq.s32 s7, s2  }
0x1e: {  	s7 =	smul.u32 @!p0 $0xF7A, s2;
	p2 =	seq.s32 @!p0 s5, $0x0  }
0x1f: {  	s9 =	smul.u32 $0xF7A, s1;
	s8 =	simm.s32 @!p0 $0x1BF5;
	p2 =	por !p2, p0  }
0x20: {  	[sflag:s8] =	ssyncset.s32 @!p0 $0xFFFFF086;
	s6 =	sadd.s32 @!p0 s3, s7;
	s7 =	simm.s32 @!p0 $0x108  }
0x21: {  	s3 =	sadd.s32 s3, s9;
	s6 =	sadd.s32 @!p0 $0x88, s6;
	s7 =	simm.s32 @p2 $0x1082  }
0x22: {  	[simem:s7], [sflag:s8] =	dma.local @!p0 [hbm:s6], $0xF7A  }
0x23: {  	s9 =	sor.u32 $0xD0000000, s2;
	s6 =	simm.s32 $0x108;
	_ =	swait.ge @!p0 [sflag:s8], $0x0  }
0x24: {  	s3 =	sadd.s32 $0x88, s3;
	s6 =	simm.s32 @!p1 $0x1082;
	[sflag:s4] =	ssyncset.s32 $0xFFFFF086  }
0x25: {  	[simem:s6], [sflag:s4] =	dma.local [hbm:s3], $0xF7A  }
0x26: {  	[smem:$0x3F99] =	sst s1;
	(tag) =	ssettag s2;
	_ =	strace s9  }
0x27: {  	s1 =	sld [smem:$0x3FA9]  }
0x28: {  	s2 =	sld [smem:$0x3FAA]  }
0x29: {  	s4 =	sld [smem:$0x3FAC]  }
0x2a: {  	p0 =	seq.s32 s5, $0x0;
	s5 =	sld [smem:$0x3FAD]  }
0x2b: {  	s6 =	sld [smem:$0x3FAE]  }
0x2c: {  	s7 =	sld [smem:$0x3FAF]  }
0x2d: {  	s3 =	simm.s32 $0x108;
	s8 =	sld [smem:$0x3FB0]  }
0x2e: {  	s3 =	simm.s32 @!p0 $0x1082;
	s9 =	sld [smem:$0x3FB1]  }
0x2f: {  	lr =	sadd.s32 s0, s3;
	s0 =	sld [smem:$0x3FA8]  }
0x30: {  	s3 =	sld [smem:$0x3FAB]  }
0x31: {  	[smem:$0x3FB4] =	sst s10  }
0x32: {  	s10 =	sld [smem:$0x3FB2];
	_ =	sdelay $0x3  }
0x33: {  	p0 =	seq.s32 s10, $0x1;
	s10 =	sld [smem:$0x3FB4];
	_ =	sdelay $0x3  }
0x34: {  	[smem:$0x3FB4] =	sst s10  }
0x35: {  	s10 =	sld [smem:$0x3FB3];
	_ =	sdelay $0x3  }
0x36: {  	p1 =	seq.s32 s10, $0x1;
	s10 =	sld [smem:$0x3FB4];
	_ =	sdelay $0x3  }
0x37: {  	[smem:$0x3FB4] =	sst s10  }
0x38: {  	s10 =	sld [smem:$0x3FB5]  }
0x39: {  	_ = 	snop;
	(pc) =	sbr.ind lr, $3  }
0x3a: {  	_ = 	snop  }
0x3b: {  	_ = 	snop  }
0x3c: {  	p2 =	seq.s32 s10, $0x1;
	s10 =	sld [smem:$0x3FB4]  }
0x3d: {  	_ =	shalt  }
0x3e: {  	_ =	shalt  }
0x3f: {  	_ =	shalt  }
0x40: {  	_ =	shalt  }
0x41: {  	_ =	shalt  }
0x42: {  	_ =	shalt  }
0x43: {  	_ =	shalt  }
0x44: {  	_ =	shalt  }
0x45: {  	_ =	shalt  }
0x46: {  	_ =	shalt  }
0x47: {  	_ =	shalt  }
0x48: {  	_ =	shalt  }
0x49: {  	_ =	shalt  }
0x4a: {  	_ =	shalt  }
0x4b: {  	_ =	shalt  }
0x4c: {  	_ =	shalt  }
0x4d: {  	_ =	shalt  }
0x4e: {  	_ =	shalt  }
0x4f: {  	_ =	shalt  }
0x50: {  	_ =	shalt  }
0x51: {  	_ =	shalt  }
0x52: {  	_ =	shalt  }
0x53: {  	_ =	shalt  }
0x54: {  	_ =	shalt  }
0x55: {  	_ =	shalt  }
0x56: {  	_ =	shalt  }
0x57: {  	_ =	shalt  }
0x58: {  	_ =	shalt  }
0x59: {  	_ =	shalt  }
0x5a: {  	_ =	shalt  }
0x5b: {  	_ =	shalt  }
0x5c: {  	_ =	shalt  }
0x5d: {  	_ =	shalt  }
0x5e: {  	_ =	shalt  }
0x5f: {  	_ =	shalt  }
0x60: {  	_ =	shalt  }
0x61: {  	_ =	shalt  }
0x62: {  	_ =	shalt  }
0x63: {  	_ =	shalt  }
0x64: {  	_ =	shalt  }
0x65: {  	_ =	shalt  }
0x66: {  	_ =	shalt  }
0x67: {  	_ =	shalt  }
0x68: {  	_ =	shalt  }
0x69: {  	_ =	shalt  }
0x6a: {  	_ =	shalt  }
0x6b: {  	_ =	shalt  }
0x6c: {  	_ =	shalt  }
0x6d: {  	_ =	shalt  }
0x6e: {  	_ =	shalt  }
0x6f: {  	_ =	shalt  }
0x70: {  	_ =	shalt  }
0x71: {  	_ =	shalt  }
0x72: {  	_ =	shalt  }
0x73: {  	_ =	shalt  }
0x74: {  	_ =	shalt  }
0x75: {  	_ =	shalt  }
0x76: {  	_ =	shalt  }
0x77: {  	_ =	shalt  }
0x78: {  	_ =	shalt  }
0x79: {  	_ =	shalt  }
0x7a: {  	_ =	shalt  }
0x7b: {  	_ =	shalt  }
0x7c: {  	_ =	shalt  }
0x7d: {  	_ =	shalt  }
0x7e: {  	_ =	shalt  }
0x7f: {  	_ =	shalt  }
0x80: {  	_ =	shalt  }
0x81: {  	_ =	shalt  }
0x82: {  	_ =	shalt  }
0x83: {  	_ =	shalt  }
0x84: {  	_ =	shalt  }
0x85: {  	_ =	shalt  }
0x86: {  	_ =	shalt  }
0x87: {  	_ =	shalt  }
.Lfunc_end0:
.L_simem_size_0:
called_computation.1_lowered:
.L_overlay_start_0:
0x88: {  	s2 =	sld [smem:$0x3FD9]  }
0x89: {  	s3 =	sld [smem:$0x3FFE];
	_ =	sdelay $0x1  }
0x8a: {  	s1 =	srdreg.scid  }
0x8b: {  	s0 =	sand.u32 $0x1, s1  }
0x8c: {  	s17 =	sshll.u32 s0, $0xA;
	s2 =	sadd.s32 s3, s2  }
0x8d: {  	s2 =	sadd.s32 s2, s17  }
0x8e: {  	[smem:$0x3FC0] =	sst s2  }
0x8f: {  	_ = 	snop  }
0x90: {  	s2 =	sld [smem:$0x3FD0];
	(tm) =	ssettm $0x1  }
0x91: {  	s18 =	sld [smem:$0x3FFB];
	_ =	sdelay $0x3  }
0x92: {  	_ =	strace s18  }
0x93: {  	s3 =	sld [smem:$0x3FFC];
	_ =	sdelay $0x3  }
0x94: {  	_ =	strace s3  }
0x95: {  	s3 =	sld [smem:$0x3FFD];
	_ =	sdelay $0x3  }
0x96: {  	_ =	strace s3  }
0x97: {  	_ =	strace $0x8FFFFFFF  }
0x98: {  	s19 =	sld [smem:$0x3FDB];
	_ =	sdelay $0x1  }
0x99: {  	s4 =	simm.s32 $_scs_section_size  }
0x9a: {  	s5 =	simm.s32 $_size__tile_overlayer_lowered;
	s6 =	simm.s32 $_tile_overlayer_lowered  }
0x9b: {  	s22 =	simm.s32 $0x1BFF;
	s21 =	sshll.u32 s6, $0x1;
	s3 =	sadd.s32 s4, s19  }
0x9c: {  	s7 =	simm.s32 $0x0;
	s20 =	sshll.u32 s5, $0x1;
	s5 =	sadd.s32 s21, s3  }
0x9d: {  	[timem:s7], [sflag:s22] =	dma.local [hbm:s5], s20  }
0x9e: {  	_ =	swait.ge [sflag:s22], s20  }
0x9f: {  	s4 =	ssub.s32 $0x0, s20;
	[sflag:s22] =	ssyncset.done $0x0  }
0xa0: {  	[sflag:s22] =	ssyncadd.s32 s4;
	_ =	sdelay $0x1  }
0xa1: {  	s23 =	simm.s32 $0x1B8B  }
0xa2: {  	_ =	swait.ge [sflag:s23], $0x1  }
0xa3: {  	[sflag:s23] =	ssyncset.done $0x0  }
0xa4: {  	s25 =	simm.s32 $0x1B8E;
	s24 =	sld [smem:$0x3FFE];
	[sflag:s23] =	ssyncadd.s32 $0xFFFFFFFF  }
0xa5: {  	s26 =	simm.s32 $execute0_lowered;
	[smem:$0x3FD2] =	sst s25  }
0xa6: {  	s5 =	sshll.u32 s26, $0x1;
	_ =	strace $0x80000049;
	[dreg:$0x1] =	wrdreg $0xFFFFFFFF  }
0xa7: {  	s28 =	simm.s32 $_size_execute0_lowered;
	s3 =	sadd.s32 s3, s5;
	[dreg:$0x0] =	wrdreg $0x0  }
0xa8: {  	s5 =	sshll.u32 s28, $0x1;
	[dreg:$0x2] =	wrdreg s3  }
0xa9: {  	[dreg:$0x3] =	wrdreg s5  }
0xaa: {  	[dreg:$0x4] =	wrdreg $0xC0  }
0xab: {  	_ =	task [dreg:s7], $0x5FFFF  }
0xac: {  	[dreg:$0x1] =	wrdreg $0xFFFFFFFF  }
0xad: {  	[dreg:$0x0] =	wrdreg $0x60  }
0xae: {  	[dreg:$0x2] =	wrdreg s2  }
0xaf: {  	[dreg:$0x3] =	wrdreg s24  }
0xb0: {  	[dreg:$0x4] =	wrdreg $0xFC000  }
0xb1: {  	[dreg:$0x5] =	wrdreg $0x9  }
0xb2: {  	_ =	task.clear_ibuf [dreg:s7], $0x6FFFF;
	_ =	strace $0x90000049  }
0xb3: {  	s29 =	simm.s32 $0x9;
	_ =	strace $0x8000004B  }
0xb4: {  	_ =	swait.ge [sflag:s29], $0x1  }
0xb5: {  	[sflag:s29] =	ssyncadd.s32 $0xFFFFFFFF  }
0xb6: {  	_ =	strace $0x9000004B  }
0xb7: {  	_ =	sfence  }
0xb8: {  	s30 =	sld [smem:$0x0];
	_ =	sdelay $0x2  }
0xb9: {  	s31 =	sshll.u32 s1, $0xD;
	s1 =	sshrl.u32 s1, $0x2  }
0xba: {  	s3 =	sand.u32 $0x4000, s31;
	s1 =	sadd.s32 s1, s30  }
0xbb: {  	s0 =	sor.u32 s3, s0;
	s1 =	sshll.u32 s1, $0x11  }
0xbc: {  	s0 =	sor.u32 s1, s0  }
0xbd: {  	s0 =	sadd.s32 $0x8F2B, s0  }
0xbe: {  	[sflag:s0] =	ssyncadd.remote.s32 $0x1  }
0xbf: {  	_ =	sfence.sel $0xFFFF  }
0xc0: {  	[dreg:$0x0] =	wrdreg $0xFFFFFFFF;
	(pc) =	sbr.abs _section_cstart, $3  }
0xc1: {  	[dreg:$0x1] =	wrdreg $0xFFFFFFFF  }
0xc2: {  	_ =	task.clear_ibuf [dreg:s7], $0x2FFFF;
	_ =	strace $0x9FFFFFFF  }
0xc3: {  	(tm) =	ssettm $0x7FFFFFFF  }
tec
execute0_lowered:
.L_overlay_start_1:
0x0: {  	(tag) =	ssettag $0x1  }
0x1: {  	s0 =	srdreg.scid  }
0x2: {  	s8 =	stileid.u32;
	s1 =	rddreg [dreg:$0x0]  }
0x3: {  	s5 =	rddreg [dreg:$0x1];
	s6 =	smul.u32 $0xD000, s8  }
0x4: {  	s0 =	sand.u32 $0x1, s0;
	s2 =	sshll.u32 s8, $0x1;
	s8 =	smul.u32 $0x34000, s8  }
0x5: {  	s3 =	rddreg [dreg:$0x2];
	s2 =	sor.u32 s0, s2;
	s7 =	smul.u32 $0xD0000, s0  }
0x6: {  	s4 =	simm.s32 $0x0;
	s0 =	ssub.s32 $0x2, s0;
	s2 =	smul.u32 $0x6200, s2  }
0x7: {  	[smem:$0x7FF] =	sst s4;
	s19 =	sshrl.u32 s0, $0x1;
	s8 =	sshrl.u32 s8, $0x2  }
0x8: {  	s7 =	sadd.s32 s6, s7;
	s0 =	ssub.s32 s0, s19;
	s2 =	sshrl.u32 s2, $0x3  }
0x9: {  	s7 =	sshrl.u32 s7, $0x3;
	s0 =	smax.u32 s0, $0x1;
	s2 =	sadd.s32 s2, s5  }
0xa: {  	s7 =	sadd.s32 s7, s5;
	s5 =	sadd.s32 s6, s3;
	s6 =	sadd.s32 s8, s3  }
0xb: {  	_ =	strace $0x8000004A;
	[smem:$0x7FD] =	sst s0;
	s8 =	sadd.s32 $0x800, s6  }
0xc: {  	s20 =	sadd.s32 $0x1000, s6;
	[dreg:$0x4] =	wrdreg s8  }
0xd: {  	s21 =	sadd.s32 $0x1800, s6;
	[dreg:$0x5] =	wrdreg s20  }
0xe: {  	s22 =	sadd.s32 $0x2000, s6;
	[dreg:$0x6] =	wrdreg s21  }
0xf: {  	s23 =	sadd.s32 $0x2800, s6;
	[dreg:$0x7] =	wrdreg s22  }
0x10: {  	s24 =	sadd.s32 $0x3000, s6;
	[dreg:$0x8] =	wrdreg s23  }
0x11: {  	s25 =	sadd.s32 $0x3800, s6;
	[dreg:$0x9] =	wrdreg s24  }
0x12: {  	s26 =	sadd.s32 $0x4000, s6;
	[dreg:$0xa] =	wrdreg s25  }
0x13: {  	s9 =	sadd.s32 $0x4800, s6;
	[dreg:$0xb] =	wrdreg s26  }
0x14: {  	s10 =	sadd.s32 $0x5000, s6;
	[dreg:$0xc] =	wrdreg s9  }
0x15: {  	s11 =	sadd.s32 $0x5800, s6;
	[dreg:$0xd] =	wrdreg s10  }
0x16: {  	s12 =	sadd.s32 $0x6000, s6;
	[dreg:$0xe] =	wrdreg s11  }
0x17: {  	s13 =	sadd.s32 $0x6800, s6;
	[dreg:$0xf] =	wrdreg s12  }
0x18: {  	s14 =	sadd.s32 $0x7000, s6;
	[dreg:$0x10] =	wrdreg s13  }
0x19: {  	s15 =	sadd.s32 $0x7800, s6;
	[dreg:$0x11] =	wrdreg s14  }
0x1a: {  	s28 =	simm.s32 $0xB;
	s16 =	sadd.s32 $0x8000, s6;
	[dreg:$0x12] =	wrdreg s15  }
0x1b: {  	s29 =	simm.s32 $0xC;
	s17 =	sadd.s32 $0x8800, s6;
	[dreg:$0x13] =	wrdreg s16  }
0x1c: {  	s30 =	simm.s32 $0xD;
	s18 =	sadd.s32 $0x9000, s6;
	[dreg:$0x14] =	wrdreg s17  }
0x1d: {  	s31 =	simm.s32 $0xE;
	s19 =	sadd.s32 $0x9800, s6;
	[dreg:$0x15] =	wrdreg s18  }
0x1e: {  	[dreg:$0x16] =	wrdreg s19;
	s20 =	sadd.s32 $0xA000, s6;
	s21 =	sadd.s32 $0xA800, s6  }
0x1f: {  	s22 =	sadd.s32 $0xB000, s6;
	s23 =	sadd.s32 $0xB800, s6;
	s24 =	sadd.s32 $0xC000, s6  }
0x20: {  	s6 =	sadd.s32 $0xC800, s6;
	s25 =	sadd.s32 $0x2A00, s2;
	[dreg:$0x17] =	wrdreg s20  }
0x21: {  	s2 =	sadd.s32 $0x1B200, s2;
	s26 =	sadd.s32 $0x33A00, s7;
	[dreg:$0x18] =	wrdreg s21  }
0x22: {  	s8 =	simm.s32 $0xC400;
	s9 =	simm.s32 $0xF;
	[dreg:$0x19] =	wrdreg s22  }
0x23: {  	s10 =	simm.s32 $0x80;
	s11 =	simm.s32 $0xCC00;
	[dreg:$0x1a] =	wrdreg s23  }
0x24: {  	s12 =	simm.s32 $0xD400;
	s13 =	simm.s32 $0xDC00;
	[dreg:$0x1b] =	wrdreg s24  }
0x25: {  	s14 =	simm.s32 $0xE400;
	s15 =	simm.s32 $0xEC00;
	[dreg:$0x1c] =	wrdreg s6  }
0x26: {  	s16 =	simm.s32 $0xF400;
	s17 =	simm.s32 $0x1;
	[dreg:$0x1d] =	wrdreg s25  }
0x27: {  	s18 =	simm.s32 $0x2;
	s19 =	simm.s32 $0x3;
	[dreg:$0x1e] =	wrdreg s2  }
0x28: {  	[dreg:$0x1f] =	wrdreg s26;
	s20 =	simm.s32 $0x4;
	s21 =	simm.s32 $0x5  }
0x29: {  	s22 =	simm.s32 $0x6;
	s23 =	simm.s32 $0x7;
	s24 =	simm.s32 $0x8  }
0x2a: {  	v0 =	vimm.f32 $0.0e+00;
	s25 =	simm.s32 $0x9;
	s26 =	simm.s32 $0xA;
	s2 =	simm.s32 $0x0  }
.LBB2_1:
0x2b: {  	[tilespmem:$0xC400] =	vst v0  }
0x2c: {  	[tilespmem:$0xC410] =	vst v0  }
0x2d: {  	[tilespmem:$0xC420] =	vst v0  }
0x2e: {  	[tilespmem:$0xC430] =	vst v0  }
0x2f: {  	[tilespmem:$0xC440] =	vst v0  }
0x30: {  	[tilespmem:$0xC450] =	vst v0  }
0x31: {  	[tilespmem:$0xC460] =	vst v0  }
0x32: {  	[tilespmem:$0xC470] =	vst v0  }
0x33: {  	[tilespmem:$0xC480] =	vst v0  }
0x34: {  	[tilespmem:$0xC490] =	vst v0  }
0x35: {  	[tilespmem:$0xC4A0] =	vst v0  }
0x36: {  	[tilespmem:$0xC4B0] =	vst v0  }
0x37: {  	[tilespmem:$0xC4C0] =	vst v0  }
0x38: {  	[tilespmem:$0xC4D0] =	vst v0  }
0x39: {  	[tilespmem:$0xC4E0] =	vst v0  }
0x3a: {  	[tilespmem:$0xC4F0] =	vst v0  }
0x3b: {  	[tilespmem:$0xC500] =	vst v0  }
0x3c: {  	[tilespmem:$0xC510] =	vst v0  }
0x3d: {  	[tilespmem:$0xC520] =	vst v0  }
0x3e: {  	[tilespmem:$0xC530] =	vst v0  }
0x3f: {  	[tilespmem:$0xC540] =	vst v0  }
0x40: {  	[tilespmem:$0xC550] =	vst v0  }
0x41: {  	[tilespmem:$0xC560] =	vst v0  }
0x42: {  	[tilespmem:$0xC570] =	vst v0  }
0x43: {  	[tilespmem:$0xC580] =	vst v0  }
0x44: {  	[tilespmem:$0xC590] =	vst v0  }
0x45: {  	[tilespmem:$0xC5A0] =	vst v0  }
0x46: {  	[tilespmem:$0xC5B0] =	vst v0  }
0x47: {  	[tilespmem:$0xC5C0] =	vst v0  }
0x48: {  	[tilespmem:$0xC5D0] =	vst v0  }
0x49: {  	[tilespmem:$0xC5E0] =	vst v0  }
0x4a: {  	[tilespmem:$0xC5F0] =	vst v0  }
0x4b: {  	[tilespmem:$0xC600] =	vst v0  }
0x4c: {  	[tilespmem:$0xC610] =	vst v0  }
0x4d: {  	[tilespmem:$0xC620] =	vst v0  }
0x4e: {  	[tilespmem:$0xC630] =	vst v0  }
0x4f: {  	[tilespmem:$0xC640] =	vst v0  }
0x50: {  	[tilespmem:$0xC650] =	vst v0  }
0x51: {  	[tilespmem:$0xC660] =	vst v0  }
0x52: {  	[tilespmem:$0xC670] =	vst v0  }
0x53: {  	[tilespmem:$0xC680] =	vst v0  }
0x54: {  	[tilespmem:$0xC690] =	vst v0  }
0x55: {  	[tilespmem:$0xC6A0] =	vst v0  }
0x56: {  	[tilespmem:$0xC6B0] =	vst v0  }
0x57: {  	[tilespmem:$0xC6C0] =	vst v0  }
0x58: {  	[tilespmem:$0xC6D0] =	vst v0  }
0x59: {  	[tilespmem:$0xC6E0] =	vst v0  }
0x5a: {  	[tilespmem:$0xC6F0] =	vst v0  }
0x5b: {  	[tilespmem:$0xC700] =	vst v0  }
0x5c: {  	[tilespmem:$0xC710] =	vst v0  }
0x5d: {  	[tilespmem:$0xC720] =	vst v0  }
0x5e: {  	[tilespmem:$0xC730] =	vst v0  }
0x5f: {  	[tilespmem:$0xC740] =	vst v0  }
0x60: {  	[tilespmem:$0xC750] =	vst v0  }
0x61: {  	[tilespmem:$0xC760] =	vst v0  }
0x62: {  	[tilespmem:$0xC770] =	vst v0  }
0x63: {  	[tilespmem:$0xC780] =	vst v0  }
0x64: {  	[tilespmem:$0xC790] =	vst v0  }
0x65: {  	[tilespmem:$0xC7A0] =	vst v0  }
0x66: {  	[tilespmem:$0xC7B0] =	vst v0  }
0x67: {  	[tilespmem:$0xC7C0] =	vst v0  }
0x68: {  	[tilespmem:$0xC7D0] =	vst v0  }
0x69: {  	[tilespmem:$0xC7E0] =	vst v0  }
0x6a: {  	[tilespmem:$0xC7F0] =	vst v0  }
0x6b: {  	[tilespmem:$0xC800] =	vst v0  }
0x6c: {  	[tilespmem:$0xC810] =	vst v0  }
0x6d: {  	[tilespmem:$0xC820] =	vst v0  }
0x6e: {  	[tilespmem:$0xC830] =	vst v0  }
0x6f: {  	[tilespmem:$0xC840] =	vst v0  }
0x70: {  	[tilespmem:$0xC850] =	vst v0  }
0x71: {  	[tilespmem:$0xC860] =	vst v0  }
0x72: {  	[tilespmem:$0xC870] =	vst v0  }
0x73: {  	[tilespmem:$0xC880] =	vst v0  }
0x74: {  	[tilespmem:$0xC890] =	vst v0  }
0x75: {  	[tilespmem:$0xC8A0] =	vst v0  }
0x76: {  	[tilespmem:$0xC8B0] =	vst v0  }
0x77: {  	[tilespmem:$0xC8C0] =	vst v0  }
0x78: {  	[tilespmem:$0xC8D0] =	vst v0  }
0x79: {  	[tilespmem:$0xC8E0] =	vst v0  }
0x7a: {  	[tilespmem:$0xC8F0] =	vst v0  }
0x7b: {  	[tilespmem:$0xC900] =	vst v0  }
0x7c: {  	[tilespmem:$0xC910] =	vst v0  }
0x7d: {  	[tilespmem:$0xC920] =	vst v0  }
0x7e: {  	[tilespmem:$0xC930] =	vst v0  }
0x7f: {  	[tilespmem:$0xC940] =	vst v0  }
0x80: {  	[tilespmem:$0xC950] =	vst v0  }
0x81: {  	[tilespmem:$0xC960] =	vst v0  }
0x82: {  	[tilespmem:$0xC970] =	vst v0  }
0x83: {  	[tilespmem:$0xC980] =	vst v0  }
0x84: {  	[tilespmem:$0xC990] =	vst v0  }
0x85: {  	[tilespmem:$0xC9A0] =	vst v0  }
0x86: {  	[tilespmem:$0xC9B0] =	vst v0  }
0x87: {  	[tilespmem:$0xC9C0] =	vst v0  }
0x88: {  	[tilespmem:$0xC9D0] =	vst v0  }
0x89: {  	[tilespmem:$0xC9E0] =	vst v0  }
0x8a: {  	[tilespmem:$0xC9F0] =	vst v0  }
0x8b: {  	[tilespmem:$0xCA00] =	vst v0  }
0x8c: {  	[tilespmem:$0xCA10] =	vst v0  }
0x8d: {  	[tilespmem:$0xCA20] =	vst v0  }
0x8e: {  	[tilespmem:$0xCA30] =	vst v0  }
0x8f: {  	[tilespmem:$0xCA40] =	vst v0  }
0x90: {  	[tilespmem:$0xCA50] =	vst v0  }
0x91: {  	[tilespmem:$0xCA60] =	vst v0  }
0x92: {  	[tilespmem:$0xCA70] =	vst v0  }
0x93: {  	[tilespmem:$0xCA80] =	vst v0  }
0x94: {  	[tilespmem:$0xCA90] =	vst v0  }
0x95: {  	[tilespmem:$0xCAA0] =	vst v0  }
0x96: {  	[tilespmem:$0xCAB0] =	vst v0  }
0x97: {  	[tilespmem:$0xCAC0] =	vst v0  }
0x98: {  	[tilespmem:$0xCAD0] =	vst v0  }
0x99: {  	[tilespmem:$0xCAE0] =	vst v0  }
0x9a: {  	[tilespmem:$0xCAF0] =	vst v0  }
0x9b: {  	[tilespmem:$0xCB00] =	vst v0  }
0x9c: {  	[tilespmem:$0xCB10] =	vst v0  }
0x9d: {  	[tilespmem:$0xCB20] =	vst v0  }
0x9e: {  	[tilespmem:$0xCB30] =	vst v0  }
0x9f: {  	[tilespmem:$0xCB40] =	vst v0  }
0xa0: {  	[tilespmem:$0xCB50] =	vst v0  }
0xa1: {  	[tilespmem:$0xCB60] =	vst v0  }
0xa2: {  	[tilespmem:$0xCB70] =	vst v0  }
0xa3: {  	[tilespmem:$0xCB80] =	vst v0  }
0xa4: {  	[tilespmem:$0xCB90] =	vst v0  }
0xa5: {  	[tilespmem:$0xCBA0] =	vst v0  }
0xa6: {  	[tilespmem:$0xCBB0] =	vst v0  }
0xa7: {  	[tilespmem:$0xCBC0] =	vst v0  }
0xa8: {  	[tilespmem:$0xCBD0] =	vst v0  }
0xa9: {  	[tilespmem:$0xCBE0] =	vst v0  }
0xaa: {  	[tilespmem:$0xCBF0] =	vst v0  }
0xab: {  	[spmem:s5] =	stream.linear.scatter [tilespmem:s8], [sflag:$0xF], $0x800, $0x38;
	[tilespmem:$0x1CC00] =	vst v63  }
0xac: {  	_ =	swait.ge [sflag:s9], $0x800  }
0xad: {  	[sflag:s9] =	ssyncset.done $0x0  }
0xae: {  	s0 =	rddreg [dreg:$0x4];
	[sflag:s9] =	ssyncadd.s32 $0xFFFFF800  }
0xaf: {  	[spmem:s0] =	stream.linear.scatter [tilespmem:s8], [sflag:$0xF], $0x800, $0x38;
	[tilespmem:$0x1CC00] =	vst v63  }
0xb0: {  	_ =	swait.ge [sflag:s9], $0x800  }
0xb1: {  	[sflag:s9] =	ssyncset.done $0x0  }
0xb2: {  	s6 =	rddreg [dreg:$0x5];
	[sflag:s9] =	ssyncadd.s32 $0xFFFFF800  }
0xb3: {  	[spmem:s6] =	stream.linear.scatter [tilespmem:s8], [sflag:$0xF], $0x800, $0x38;
	[tilespmem:$0x1CC00] =	vst v63  }
0xb4: {  	_ =	swait.ge [sflag:s9], $0x800  }
0xb5: {  	[sflag:s9] =	ssyncset.done $0x0  }
0xb6: {  	s7 =	rddreg [dreg:$0x6];
	[sflag:s9] =	ssyncadd.s32 $0xFFFFF800  }
0xb7: {  	[spmem:s7] =	stream.linear.scatter [tilespmem:s8], [sflag:$0xF], $0x800, $0x38;
	[tilespmem:$0x1CC00] =	vst v63  }
0xb8: {  	_ =	swait.ge [sflag:s9], $0x800  }
0xb9: {  	[sflag:s9] =	ssyncset.done $0x0  }
0xba: {  	s6 =	rddreg [dreg:$0x7];
	[sflag:s9] =	ssyncadd.s32 $0xFFFFF800  }
0xbb: {  	[spmem:s6] =	stream.linear.scatter [tilespmem:s8], [sflag:$0xF], $0x800, $0x38;
	[tilespmem:$0x1CC00] =	vst v63  }
0xbc: {  	_ =	swait.ge [sflag:s9], $0x800  }
0xbd: {  	[sflag:s9] =	ssyncset.done $0x0  }
0xbe: {  	s7 =	rddreg [dreg:$0x8];
	[sflag:s9] =	ssyncadd.s32 $0xFFFFF800  }
0xbf: {  	[spmem:s7] =	stream.linear.scatter [tilespmem:s8], [sflag:$0xF], $0x800, $0x38;
	[tilespmem:$0x1CC00] =	vst v63  }
0xc0: {  	_ =	swait.ge [sflag:s9], $0x800  }
0xc1: {  	[sflag:s9] =	ssyncset.done $0x0  }
0xc2: {  	s6 =	rddreg [dreg:$0x9];
	[sflag:s9] =	ssyncadd.s32 $0xFFFFF800  }
0xc3: {  	[spmem:s6] =	stream.linear.scatter [tilespmem:s8], [sflag:$0xF], $0x800, $0x38;
	[tilespmem:$0x1CC00] =	vst v63  }
0xc4: {  	_ =	swait.ge [sflag:s9], $0x800  }
0xc5: {  	[sflag:s9] =	ssyncset.done $0x0  }
0xc6: {  	s7 =	rddreg [dreg:$0xa];
	[sflag:s9] =	ssyncadd.s32 $0xFFFFF800  }
0xc7: {  	[spmem:s7] =	stream.linear.scatter [tilespmem:s8], [sflag:$0xF], $0x800, $0x38;
	[tilespmem:$0x1CC00] =	vst v63  }
0xc8: {  	_ =	swait.ge [sflag:s9], $0x800  }
0xc9: {  	[sflag:s9] =	ssyncset.done $0x0  }
0xca: {  	s6 =	rddreg [dreg:$0xb];
	[sflag:s9] =	ssyncadd.s32 $0xFFFFF800  }
0xcb: {  	[spmem:s6] =	stream.linear.scatter [tilespmem:s8], [sflag:$0xF], $0x800, $0x38;
	[tilespmem:$0x1CC00] =	vst v63  }
0xcc: {  	_ =	swait.ge [sflag:s9], $0x800  }
0xcd: {  	[sflag:s9] =	ssyncset.done $0x0  }
0xce: {  	s7 =	rddreg [dreg:$0xc];
	[sflag:s9] =	ssyncadd.s32 $0xFFFFF800  }
0xcf: {  	[spmem:s7] =	stream.linear.scatter [tilespmem:s8], [sflag:$0xF], $0x800, $0x38;
	[tilespmem:$0x1CC00] =	vst v63  }
0xd0: {  	_ =	swait.ge [sflag:s9], $0x800  }
0xd1: {  	[sflag:s9] =	ssyncset.done $0x0  }
0xd2: {  	s6 =	rddreg [dreg:$0xd];
	[sflag:s9] =	ssyncadd.s32 $0xFFFFF800  }
0xd3: {  	[spmem:s6] =	stream.linear.scatter [tilespmem:s8], [sflag:$0xF], $0x800, $0x38;
	[tilespmem:$0x1CC00] =	vst v63  }
0xd4: {  	_ =	swait.ge [sflag:s9], $0x800  }
0xd5: {  	[sflag:s9] =	ssyncset.done $0x0  }
0xd6: {  	s7 =	rddreg [dreg:$0xe];
	[sflag:s9] =	ssyncadd.s32 $0xFFFFF800  }
0xd7: {  	[spmem:s7] =	stream.linear.scatter [tilespmem:s8], [sflag:$0xF], $0x800, $0x38;
	[tilespmem:$0x1CC00] =	vst v63  }
0xd8: {  	_ =	swait.ge [sflag:s9], $0x800  }
0xd9: {  	[sflag:s9] =	ssyncset.done $0x0  }
0xda: {  	s6 =	rddreg [dreg:$0xf];
	[sflag:s9] =	ssyncadd.s32 $0xFFFFF800  }
0xdb: {  	[spmem:s6] =	stream.linear.scatter [tilespmem:s8], [sflag:$0xF], $0x800, $0x38;
	[tilespmem:$0x1CC00] =	vst v63  }
0xdc: {  	_ =	swait.ge [sflag:s9], $0x800  }
0xdd: {  	[sflag:s9] =	ssyncset.done $0x0  }
0xde: {  	s7 =	rddreg [dreg:$0x10];
	[sflag:s9] =	ssyncadd.s32 $0xFFFFF800  }
0xdf: {  	[spmem:s7] =	stream.linear.scatter [tilespmem:s8], [sflag:$0xF], $0x800, $0x38;
	[tilespmem:$0x1CC00] =	vst v63  }
0xe0: {  	_ =	swait.ge [sflag:s9], $0x800  }
0xe1: {  	[sflag:s9] =	ssyncset.done $0x0  }
0xe2: {  	s6 =	rddreg [dreg:$0x11];
	[sflag:s9] =	ssyncadd.s32 $0xFFFFF800  }
0xe3: {  	[spmem:s6] =	stream.linear.scatter [tilespmem:s8], [sflag:$0xF], $0x800, $0x38;
	[tilespmem:$0x1CC00] =	vst v63  }
0xe4: {  	_ =	swait.ge [sflag:s9], $0x800  }
0xe5: {  	[sflag:s9] =	ssyncset.done $0x0  }
0xe6: {  	s7 =	rddreg [dreg:$0x12];
	[sflag:s9] =	ssyncadd.s32 $0xFFFFF800  }
0xe7: {  	[spmem:s7] =	stream.linear.scatter [tilespmem:s8], [sflag:$0xF], $0x800, $0x38;
	[tilespmem:$0x1CC00] =	vst v63  }
0xe8: {  	_ =	swait.ge [sflag:s9], $0x800  }
0xe9: {  	[sflag:s9] =	ssyncset.done $0x0  }
0xea: {  	s6 =	rddreg [dreg:$0x13];
	[sflag:s9] =	ssyncadd.s32 $0xFFFFF800  }
0xeb: {  	[spmem:s6] =	stream.linear.scatter [tilespmem:s8], [sflag:$0xF], $0x800, $0x38;
	[tilespmem:$0x1CC00] =	vst v63  }
0xec: {  	_ =	swait.ge [sflag:s9], $0x800  }
0xed: {  	[sflag:s9] =	ssyncset.done $0x0  }
0xee: {  	s7 =	rddreg [dreg:$0x14];
	[sflag:s9] =	ssyncadd.s32 $0xFFFFF800  }
0xef: {  	[spmem:s7] =	stream.linear.scatter [tilespmem:s8], [sflag:$0xF], $0x800, $0x38;
	[tilespmem:$0x1CC00] =	vst v63  }
0xf0: {  	_ =	swait.ge [sflag:s9], $0x800  }
0xf1: {  	[sflag:s9] =	ssyncset.done $0x0  }
0xf2: {  	s6 =	rddreg [dreg:$0x15];
	[sflag:s9] =	ssyncadd.s32 $0xFFFFF800  }
0xf3: {  	[spmem:s6] =	stream.linear.scatter [tilespmem:s8], [sflag:$0xF], $0x800, $0x38;
	[tilespmem:$0x1CC00] =	vst v63  }
0xf4: {  	_ =	swait.ge [sflag:s9], $0x800  }
0xf5: {  	[sflag:s9] =	ssyncset.done $0x0  }
0xf6: {  	s7 =	rddreg [dreg:$0x16];
	[sflag:s9] =	ssyncadd.s32 $0xFFFFF800  }
0xf7: {  	[spmem:s7] =	stream.linear.scatter [tilespmem:s8], [sflag:$0xF], $0x800, $0x38;
	[tilespmem:$0x1CC00] =	vst v63  }
0xf8: {  	_ =	swait.ge [sflag:s9], $0x800  }
0xf9: {  	[sflag:s9] =	ssyncset.done $0x0  }
0xfa: {  	s6 =	rddreg [dreg:$0x17];
	[sflag:s9] =	ssyncadd.s32 $0xFFFFF800  }
0xfb: {  	[spmem:s6] =	stream.linear.scatter [tilespmem:s8], [sflag:$0xF], $0x800, $0x38;
	[tilespmem:$0x1CC00] =	vst v63  }
0xfc: {  	_ =	swait.ge [sflag:s9], $0x800  }
0xfd: {  	[sflag:s9] =	ssyncset.done $0x0  }
0xfe: {  	s7 =	rddreg [dreg:$0x18];
	[sflag:s9] =	ssyncadd.s32 $0xFFFFF800  }
0xff: {  	[spmem:s7] =	stream.linear.scatter [tilespmem:s8], [sflag:$0xF], $0x800, $0x38;
	[tilespmem:$0x1CC00] =	vst v63  }
0x100: {  	_ =	swait.ge [sflag:s9], $0x800  }
0x101: {  	[sflag:s9] =	ssyncset.done $0x0  }
0x102: {  	s6 =	rddreg [dreg:$0x19];
	[sflag:s9] =	ssyncadd.s32 $0xFFFFF800  }
0x103: {  	[spmem:s6] =	stream.linear.scatter [tilespmem:s8], [sflag:$0xF], $0x800, $0x38;
	[tilespmem:$0x1CC00] =	vst v63  }
0x104: {  	_ =	swait.ge [sflag:s9], $0x800  }
0x105: {  	[sflag:s9] =	ssyncset.done $0x0  }
0x106: {  	s7 =	rddreg [dreg:$0x1a];
	[sflag:s9] =	ssyncadd.s32 $0xFFFFF800  }
0x107: {  	[spmem:s7] =	stream.linear.scatter [tilespmem:s8], [sflag:$0xF], $0x800, $0x38;
	[tilespmem:$0x1CC00] =	vst v63  }
0x108: {  	_ =	swait.ge [sflag:s9], $0x800  }
0x109: {  	[sflag:s9] =	ssyncset.done $0x0  }
0x10a: {  	s6 =	rddreg [dreg:$0x1b];
	[sflag:s9] =	ssyncadd.s32 $0xFFFFF800  }
0x10b: {  	[spmem:s6] =	stream.linear.scatter [tilespmem:s8], [sflag:$0xF], $0x800, $0x38;
	[tilespmem:$0x1CC00] =	vst v63  }
0x10c: {  	_ =	swait.ge [sflag:s9], $0x800  }
0x10d: {  	[sflag:s9] =	ssyncset.done $0x0  }
0x10e: {  	s7 =	rddreg [dreg:$0x1c];
	[sflag:s9] =	ssyncadd.s32 $0xFFFFF800  }
0x10f: {  	[spmem:s7] =	stream.linear.scatter [tilespmem:s8], [sflag:$0xF], $0x800, $0x38;
	[tilespmem:$0x1CC00] =	vst v63  }
0x110: {  	_ =	swait.ge [sflag:s9], $0x800  }
0x111: {  	[sflag:s9] =	ssyncset.done $0x0  }
0x112: {  	[sflag:s9] =	ssyncadd.s32 $0xFFFFF800  }
0x113: {  	[bflag:$0x0] =	sbarrier.arrive $0xFFFF  }
0x114: {  	s6 =	rddreg [dreg:$0x1d]  }
0x115: {  	[tilespmem:s4], [sflag:$0xF] =	stream.linear.gather [hbm4b:s6+s4], $0x6200, $0x38;
	[tilespmem:$0x1CC00] =	vst v63  }
0x116: {  	_ =	swait.ge [sflag:s9], $0x6200  }
0x117: {  	[sflag:s9] =	ssyncset.done $0x0  }
0x118: {  	s6 =	simm.s32 $0x6200;
	s7 =	rddreg [dreg:$0x1e];
	[sflag:s9] =	ssyncadd.s32 $0xFFFF9E00  }
0x119: {  	[tilespmem:s6], [sflag:$0xF] =	stream.linear.gather [hbm4b:s7+s4], $0x6200, $0x38;
	[tilespmem:$0x1CC00] =	vst v63  }
0x11a: {  	_ =	swait.ge [sflag:s9], $0x6200  }
0x11b: {  	[sflag:s9] =	ssyncset.done $0x0  }
0x11c: {  	[sflag:s9] =	ssyncadd.s32 $0xFFFF9E00  }
0x11d: {  	[tilespmem:s8], [sflag:$0x1] =	stream.indirect.gather [hbm4b:s1+s10], $0x10, s4, s10, $0xb8;
	[tilespmem:$0x1CC00] =	vst v63  }
0x11e: {  	_ = 	snop  }
0x11f: {  	[tilespmem:s11], [sflag:$0x2] =	stream.indirect.gather [hbm4b:s1+s10], $0x10, s10, s10, $0xb8;
	[tilespmem:$0x1CC00] =	vst v63  }
0x120: {  	s6 =	simm.s32 $0x100  }
0x121: {  	[tilespmem:s12], [sflag:$0x3] =	stream.indirect.gather [hbm4b:s1+s10], $0x10, s6, s10, $0xb8;
	[tilespmem:$0x1CC00] =	vst v63  }
0x122: {  	s7 =	simm.s32 $0x180  }
0x123: {  	[tilespmem:s13], [sflag:$0x4] =	stream.indirect.gather [hbm4b:s1+s10], $0x10, s7, s10, $0xb8;
	[tilespmem:$0x1CC00] =	vst v63  }
0x124: {  	s6 =	simm.s32 $0x200  }
0x125: {  	[tilespmem:s14], [sflag:$0x5] =	stream.indirect.gather [hbm4b:s1+s10], $0x10, s6, s10, $0xb8;
	[tilespmem:$0x1CC00] =	vst v63  }
0x126: {  	s7 =	simm.s32 $0x280  }
0x127: {  	[tilespmem:s15], [sflag:$0x6] =	stream.indirect.gather [hbm4b:s1+s10], $0x10, s7, s10, $0xb8;
	[tilespmem:$0x1CC00] =	vst v63  }
0x128: {  	s6 =	simm.s32 $0x300  }
0x129: {  	[tilespmem:s16], [sflag:$0x7] =	stream.indirect.gather [hbm4b:s1+s10], $0x10, s6, s10, $0xb8;
	[tilespmem:$0x1CC00] =	vst v63  }
0x12a: {  	_ =	swait.ge [sflag:s17], $0x800  }
0x12b: {  	[sflag:s17] =	ssyncset.done $0x0  }
0x12c: {  	s7 =	simm.s32 $0x6200;
	[sflag:s17] =	ssyncadd.s32 $0xFFFFF800  }
0x12d: {  	[spmem:s3] =	stream.indirect.scatter.add.f32 [tilespmem:s8], [sflag:$0x8], $0x10, s7, s10, $0xb8;
	[tilespmem:$0x1CC00] =	vst v63  }
0x12e: {  	_ =	swait.ge [sflag:s18], $0x800  }
0x12f: {  	[sflag:s18] =	ssyncset.done $0x0  }
0x130: {  	s6 =	simm.s32 $0x6280;
	[sflag:s18] =	ssyncadd.s32 $0xFFFFF800  }
0x131: {  	[spmem:s3] =	stream.indirect.scatter.add.f32 [tilespmem:s11], [sflag:$0x9], $0x10, s6, s10, $0xb8;
	[tilespmem:$0x1CC00] =	vst v63  }
0x132: {  	_ =	swait.ge [sflag:s19], $0x800  }
0x133: {  	[sflag:s19] =	ssyncset.done $0x0  }
0x134: {  	s7 =	simm.s32 $0x6300;
	[sflag:s19] =	ssyncadd.s32 $0xFFFFF800  }
0x135: {  	[spmem:s3] =	stream.indirect.scatter.add.f32 [tilespmem:s12], [sflag:$0xA], $0x10, s7, s10, $0xb8;
	[tilespmem:$0x1CC00] =	vst v63  }
0x136: {  	_ =	swait.ge [sflag:s20], $0x800  }
0x137: {  	[sflag:s20] =	ssyncset.done $0x0  }
0x138: {  	s6 =	simm.s32 $0x6380;
	[sflag:s20] =	ssyncadd.s32 $0xFFFFF800  }
0x139: {  	[spmem:s3] =	stream.indirect.scatter.add.f32 [tilespmem:s13], [sflag:$0xB], $0x10, s6, s10, $0xb8;
	[tilespmem:$0x1CC00] =	vst v63  }
0x13a: {  	_ =	swait.ge [sflag:s21], $0x800  }
0x13b: {  	[sflag:s21] =	ssyncset.done $0x0  }
0x13c: {  	s7 =	simm.s32 $0x6400;
	[sflag:s21] =	ssyncadd.s32 $0xFFFFF800  }
0x13d: {  	[spmem:s3] =	stream.indirect.scatter.add.f32 [tilespmem:s14], [sflag:$0xC], $0x10, s7, s10, $0xb8;
	[tilespmem:$0x1CC00] =	vst v63  }
0x13e: {  	_ =	swait.ge [sflag:s22], $0x800  }
0x13f: {  	[sflag:s22] =	ssyncset.done $0x0  }
0x140: {  	s6 =	simm.s32 $0x6480;
	[sflag:s22] =	ssyncadd.s32 $0xFFFFF800  }
0x141: {  	[spmem:s3] =	stream.indirect.scatter.add.f32 [tilespmem:s15], [sflag:$0xD], $0x10, s6, s10, $0xb8;
	[tilespmem:$0x1CC00] =	vst v63  }
0x142: {  	_ =	swait.ge [sflag:s23], $0x800  }
0x143: {  	[sflag:s23] =	ssyncset.done $0x0  }
0x144: {  	s7 =	simm.s32 $0x6500;
	[sflag:s23] =	ssyncadd.s32 $0xFFFFF800  }
0x145: {  	[spmem:s3] =	stream.indirect.scatter.add.f32 [tilespmem:s16], [sflag:$0xE], $0x10, s7, s10, $0xb8;
	[tilespmem:$0x1CC00] =	vst v63  }
0x146: {  	_ =	swait.ge [sflag:s24], $0x800  }
0x147: {  	[sflag:s24] =	ssyncset.done $0x0  }
0x148: {  	s6 =	simm.s32 $0x380;
	[sflag:s24] =	ssyncadd.s32 $0xFFFFF800  }
0x149: {  	[tilespmem:s8], [sflag:$0x1] =	stream.indirect.gather [hbm4b:s1+s10], $0x10, s6, s10, $0xb8;
	[tilespmem:$0x1CC00] =	vst v63  }
0x14a: {  	_ =	swait.ge [sflag:s25], $0x800  }
0x14b: {  	[sflag:s25] =	ssyncset.done $0x0  }
0x14c: {  	s7 =	simm.s32 $0x400;
	[sflag:s25] =	ssyncadd.s32 $0xFFFFF800  }
0x14d: {  	[tilespmem:s11], [sflag:$0x2] =	stream.indirect.gather [hbm4b:s1+s10], $0x10, s7, s10, $0xb8;
	[tilespmem:$0x1CC00] =	vst v63  }
0x14e: {  	_ =	swait.ge [sflag:s26], $0x800  }
0x14f: {  	[sflag:s26] =	ssyncset.done $0x0  }
0x150: {  	s6 =	simm.s32 $0x480;
	[sflag:s26] =	ssyncadd.s32 $0xFFFFF800  }
0x151: {  	[tilespmem:s12], [sflag:$0x3] =	stream.indirect.gather [hbm4b:s1+s10], $0x10, s6, s10, $0xb8;
	[tilespmem:$0x1CC00] =	vst v63  }
0x152: {  	_ =	swait.ge [sflag:s28], $0x800  }
0x153: {  	[sflag:s28] =	ssyncset.done $0x0  }
0x154: {  	s7 =	simm.s32 $0x500;
	[sflag:s28] =	ssyncadd.s32 $0xFFFFF800  }
0x155: {  	[tilespmem:s13], [sflag:$0x4] =	stream.indirect.gather [hbm4b:s1+s10], $0x10, s7, s10, $0xb8;
	[tilespmem:$0x1CC00] =	vst v63  }
0x156: {  	_ =	swait.ge [sflag:s29], $0x800  }
0x157: {  	[sflag:s29] =	ssyncset.done $0x0  }
0x158: {  	s6 =	simm.s32 $0x580;
	[sflag:s29] =	ssyncadd.s32 $0xFFFFF800  }
0x159: {  	[tilespmem:s14], [sflag:$0x5] =	stream.indirect.gather [hbm4b:s1+s10], $0x10, s6, s10, $0xb8;
	[tilespmem:$0x1CC00] =	vst v63  }
0x15a: {  	_ =	swait.ge [sflag:s30], $0x800  }
0x15b: {  	[sflag:s30] =	ssyncset.done $0x0  }
0x15c: {  	s7 =	simm.s32 $0x600;
	[sflag:s30] =	ssyncadd.s32 $0xFFFFF800  }
0x15d: {  	[tilespmem:s15], [sflag:$0x6] =	stream.indirect.gather [hbm4b:s1+s10], $0x10, s7, s10, $0xb8;
	[tilespmem:$0x1CC00] =	vst v63  }
0x15e: {  	_ =	swait.ge [sflag:s31], $0x800  }
0x15f: {  	[sflag:s31] =	ssyncset.done $0x0  }
0x160: {  	s0 =	simm.s32 $0xE00;
	s6 =	simm.s32 $0x680;
	[sflag:s31] =	ssyncadd.s32 $0xFFFFF800  }
.LBB2_2:
0x161: {  	[tilespmem:s16], [sflag:$0x7] =	stream.indirect.gather [hbm4b:s1+s10], $0x10, s6, s10, $0xb8;
	[tilespmem:$0x1CC00] =	vst v63  }
0x162: {  	s6 =	smov.u32 s0  }
0x163: {  	p0 =	sne.s32 s0, $0x16C00;
	s0 =	sadd.s32 $0xE00, s0;
	_ =	swait.ge [sflag:s17], $0x800  }
0x164: {  	s6 =	sshra.s32 s6, $0x2;
	[sflag:s17] =	ssyncset.done $0x0  }
0x165: {  	s7 =	sadd.s32 $0x6200, s6;
	[sflag:s17] =	ssyncadd.s32 $0xFFFFF800  }
0x166: {  	[spmem:s3] =	stream.indirect.scatter.add.f32 [tilespmem:s8], [sflag:$0x8], $0x10, s7, s10, $0xb8;
	[tilespmem:$0x1CC00] =	vst v63  }
0x167: {  	_ =	swait.ge [sflag:s18], $0x800  }
0x168: {  	[sflag:s18] =	ssyncset.done $0x0  }
0x169: {  	s7 =	sadd.s32 $0x6280, s6;
	[sflag:s18] =	ssyncadd.s32 $0xFFFFF800  }
0x16a: {  	[spmem:s3] =	stream.indirect.scatter.add.f32 [tilespmem:s11], [sflag:$0x9], $0x10, s7, s10, $0xb8;
	[tilespmem:$0x1CC00] =	vst v63  }
0x16b: {  	_ =	swait.ge [sflag:s19], $0x800  }
0x16c: {  	[sflag:s19] =	ssyncset.done $0x0  }
0x16d: {  	s7 =	sadd.s32 $0x6300, s6;
	[sflag:s19] =	ssyncadd.s32 $0xFFFFF800  }
0x16e: {  	[spmem:s3] =	stream.indirect.scatter.add.f32 [tilespmem:s12], [sflag:$0xA], $0x10, s7, s10, $0xb8;
	[tilespmem:$0x1CC00] =	vst v63  }
0x16f: {  	_ =	swait.ge [sflag:s20], $0x800  }
0x170: {  	[sflag:s20] =	ssyncset.done $0x0  }
0x171: {  	s7 =	sadd.s32 $0x6380, s6;
	[sflag:s20] =	ssyncadd.s32 $0xFFFFF800  }
0x172: {  	[spmem:s3] =	stream.indirect.scatter.add.f32 [tilespmem:s13], [sflag:$0xB], $0x10, s7, s10, $0xb8;
	[tilespmem:$0x1CC00] =	vst v63  }
0x173: {  	_ =	swait.ge [sflag:s21], $0x800  }
0x174: {  	[sflag:s21] =	ssyncset.done $0x0  }
0x175: {  	s7 =	sadd.s32 $0x6400, s6;
	[sflag:s21] =	ssyncadd.s32 $0xFFFFF800  }
0x176: {  	[spmem:s3] =	stream.indirect.scatter.add.f32 [tilespmem:s14], [sflag:$0xC], $0x10, s7, s10, $0xb8;
	[tilespmem:$0x1CC00] =	vst v63  }
0x177: {  	_ =	swait.ge [sflag:s22], $0x800  }
0x178: {  	[sflag:s22] =	ssyncset.done $0x0  }
0x179: {  	s7 =	sadd.s32 $0x6480, s6;
	[sflag:s22] =	ssyncadd.s32 $0xFFFFF800  }
0x17a: {  	[spmem:s3] =	stream.indirect.scatter.add.f32 [tilespmem:s15], [sflag:$0xD], $0x10, s7, s10, $0xb8;
	[tilespmem:$0x1CC00] =	vst v63  }
0x17b: {  	_ =	swait.ge [sflag:s23], $0x800  }
0x17c: {  	[sflag:s23] =	ssyncset.done $0x0  }
0x17d: {  	s7 =	sadd.s32 $0x6500, s6;
	[sflag:s23] =	ssyncadd.s32 $0xFFFFF800  }
0x17e: {  	[spmem:s3] =	stream.indirect.scatter.add.f32 [tilespmem:s16], [sflag:$0xE], $0x10, s7, s10, $0xb8;
	[tilespmem:$0x1CC00] =	vst v63  }
0x17f: {  	_ =	swait.ge [sflag:s24], $0x800  }
0x180: {  	[sflag:s24] =	ssyncset.done $0x0  }
0x181: {  	s7 =	sadd.s32 $0x380, s6;
	[sflag:s24] =	ssyncadd.s32 $0xFFFFF800  }
0x182: {  	[tilespmem:s8], [sflag:$0x1] =	stream.indirect.gather [hbm4b:s1+s10], $0x10, s7, s10, $0xb8;
	[tilespmem:$0x1CC00] =	vst v63  }
0x183: {  	_ =	swait.ge [sflag:s25], $0x800  }
0x184: {  	[sflag:s25] =	ssyncset.done $0x0  }
0x185: {  	s7 =	sadd.s32 $0x400, s6;
	[sflag:s25] =	ssyncadd.s32 $0xFFFFF800  }
0x186: {  	[tilespmem:s11], [sflag:$0x2] =	stream.indirect.gather [hbm4b:s1+s10], $0x10, s7, s10, $0xb8;
	[tilespmem:$0x1CC00] =	vst v63  }
0x187: {  	_ =	swait.ge [sflag:s26], $0x800  }
0x188: {  	[sflag:s26] =	ssyncset.done $0x0  }
0x189: {  	s7 =	sadd.s32 $0x480, s6;
	[sflag:s26] =	ssyncadd.s32 $0xFFFFF800  }
0x18a: {  	[tilespmem:s12], [sflag:$0x3] =	stream.indirect.gather [hbm4b:s1+s10], $0x10, s7, s10, $0xb8;
	[tilespmem:$0x1CC00] =	vst v63  }
0x18b: {  	_ =	swait.ge [sflag:s28], $0x800  }
0x18c: {  	[sflag:s28] =	ssyncset.done $0x0  }
0x18d: {  	s7 =	sadd.s32 $0x500, s6;
	[sflag:s28] =	ssyncadd.s32 $0xFFFFF800  }
0x18e: {  	[tilespmem:s13], [sflag:$0x4] =	stream.indirect.gather [hbm4b:s1+s10], $0x10, s7, s10, $0xb8;
	[tilespmem:$0x1CC00] =	vst v63  }
0x18f: {  	_ =	swait.ge [sflag:s29], $0x800  }
0x190: {  	[sflag:s29] =	ssyncset.done $0x0  }
0x191: {  	s7 =	sadd.s32 $0x580, s6;
	[sflag:s29] =	ssyncadd.s32 $0xFFFFF800  }
0x192: {  	[tilespmem:s14], [sflag:$0x5] =	stream.indirect.gather [hbm4b:s1+s10], $0x10, s7, s10, $0xb8;
	[tilespmem:$0x1CC00] =	vst v63  }
0x193: {  	_ =	swait.ge [sflag:s30], $0x800  }
0x194: {  	[sflag:s30] =	ssyncset.done $0x0  }
.Ltmp0:
0x195: {  	s7 =	sadd.s32 $0x600, s6;
	[sflag:s30] =	ssyncadd.s32 $0xFFFFF800;
	(pc) =	sbr.rel @p0 .LBB2_2-.Ltmp0, $4  }
0x196: {  	[tilespmem:s15], [sflag:$0x6] =	stream.indirect.gather [hbm4b:s1+s10], $0x10, s7, s10, $0xb8;
	[tilespmem:$0x1CC00] =	vst v63  }
0x197: {  	_ =	swait.ge [sflag:s31], $0x800  }
0x198: {  	[sflag:s31] =	ssyncset.done $0x0  }
0x199: {  	s6 =	sadd.s32 $0x680, s6;
	[sflag:s31] =	ssyncadd.s32 $0xFFFFF800  }
0x19a: {  	[tilespmem:s16], [sflag:$0x7] =	stream.indirect.gather [hbm4b:s1+s10], $0x10, s6, s10, $0xb8;
	[tilespmem:$0x1CC00] =	vst v63  }
0x19b: {  	_ =	swait.ge [sflag:s17], $0x800  }
0x19c: {  	[sflag:s17] =	ssyncset.done $0x0  }
0x19d: {  	s0 =	simm.s32 $0xC080;
	[sflag:s17] =	ssyncadd.s32 $0xFFFFF800  }
0x19e: {  	[spmem:s3] =	stream.indirect.scatter.add.f32 [tilespmem:s8], [sflag:$0x8], $0x10, s0, s10, $0xb8;
	[tilespmem:$0x1CC00] =	vst v63  }
0x19f: {  	_ =	swait.ge [sflag:s18], $0x800  }
0x1a0: {  	[sflag:s18] =	ssyncset.done $0x0  }
0x1a1: {  	s6 =	simm.s32 $0xC100;
	[sflag:s18] =	ssyncadd.s32 $0xFFFFF800  }
0x1a2: {  	[spmem:s3] =	stream.indirect.scatter.add.f32 [tilespmem:s11], [sflag:$0x9], $0x10, s6, s10, $0xb8;
	[tilespmem:$0x1CC00] =	vst v63  }
0x1a3: {  	_ =	swait.ge [sflag:s19], $0x800  }
0x1a4: {  	[sflag:s19] =	ssyncset.done $0x0  }
0x1a5: {  	s7 =	simm.s32 $0xC180;
	[sflag:s19] =	ssyncadd.s32 $0xFFFFF800  }
0x1a6: {  	[spmem:s3] =	stream.indirect.scatter.add.f32 [tilespmem:s12], [sflag:$0xA], $0x10, s7, s10, $0xb8;
	[tilespmem:$0x1CC00] =	vst v63  }
0x1a7: {  	_ =	swait.ge [sflag:s20], $0x800  }
0x1a8: {  	[sflag:s20] =	ssyncset.done $0x0  }
0x1a9: {  	s6 =	simm.s32 $0xC200;
	[sflag:s20] =	ssyncadd.s32 $0xFFFFF800  }
0x1aa: {  	[spmem:s3] =	stream.indirect.scatter.add.f32 [tilespmem:s13], [sflag:$0xB], $0x10, s6, s10, $0xb8;
	[tilespmem:$0x1CC00] =	vst v63  }
0x1ab: {  	_ =	swait.ge [sflag:s21], $0x800  }
0x1ac: {  	[sflag:s21] =	ssyncset.done $0x0  }
0x1ad: {  	s7 =	simm.s32 $0xC280;
	[sflag:s21] =	ssyncadd.s32 $0xFFFFF800  }
0x1ae: {  	[spmem:s3] =	stream.indirect.scatter.add.f32 [tilespmem:s14], [sflag:$0xC], $0x10, s7, s10, $0xb8;
	[tilespmem:$0x1CC00] =	vst v63  }
0x1af: {  	_ =	swait.ge [sflag:s22], $0x800  }
0x1b0: {  	[sflag:s22] =	ssyncset.done $0x0  }
0x1b1: {  	s6 =	simm.s32 $0xC300;
	[sflag:s22] =	ssyncadd.s32 $0xFFFFF800  }
0x1b2: {  	[spmem:s3] =	stream.indirect.scatter.add.f32 [tilespmem:s15], [sflag:$0xD], $0x10, s6, s10, $0xb8;
	[tilespmem:$0x1CC00] =	vst v63  }
0x1b3: {  	_ =	swait.ge [sflag:s23], $0x800  }
0x1b4: {  	[sflag:s23] =	ssyncset.done $0x0  }
0x1b5: {  	s7 =	simm.s32 $0xC380;
	[sflag:s23] =	ssyncadd.s32 $0xFFFFF800  }
0x1b6: {  	[spmem:s3] =	stream.indirect.scatter.add.f32 [tilespmem:s16], [sflag:$0xE], $0x10, s7, s10, $0xb8;
	[tilespmem:$0x1CC00] =	vst v63  }
0x1b7: {  	_ =	swait.ge [sflag:s24], $0x800  }
0x1b8: {  	[sflag:s24] =	ssyncset.done $0x0  }
0x1b9: {  	[sflag:s24] =	ssyncadd.s32 $0xFFFFF800  }
0x1ba: {  	_ =	swait.ge [sflag:s25], $0x800  }
0x1bb: {  	[sflag:s25] =	ssyncset.done $0x0  }
0x1bc: {  	[sflag:s25] =	ssyncadd.s32 $0xFFFFF800  }
0x1bd: {  	_ =	swait.ge [sflag:s26], $0x800  }
0x1be: {  	[sflag:s26] =	ssyncset.done $0x0  }
0x1bf: {  	[sflag:s26] =	ssyncadd.s32 $0xFFFFF800  }
0x1c0: {  	_ =	swait.ge [sflag:s28], $0x800  }
0x1c1: {  	[sflag:s28] =	ssyncset.done $0x0  }
0x1c2: {  	[sflag:s28] =	ssyncadd.s32 $0xFFFFF800  }
0x1c3: {  	_ =	swait.ge [sflag:s29], $0x800  }
0x1c4: {  	[sflag:s29] =	ssyncset.done $0x0  }
0x1c5: {  	[sflag:s29] =	ssyncadd.s32 $0xFFFFF800  }
0x1c6: {  	_ =	swait.ge [sflag:s30], $0x800  }
0x1c7: {  	[sflag:s30] =	ssyncset.done $0x0  }
0x1c8: {  	[sflag:s30] =	ssyncadd.s32 $0xFFFFF800  }
0x1c9: {  	_ =	swait.ge [sflag:s31], $0x800  }
0x1ca: {  	[sflag:s31] =	ssyncset.done $0x0  }
0x1cb: {  	s6 =	stileid.u32;
	[sflag:s31] =	ssyncadd.s32 $0xFFFFF800  }
0x1cc: {  	s0 =	sshll.u32 s6, $0x6;
	[bflag:$0x0] =	sbarrier.arrive $0xFFFF  }
0x1cd: {  	s6 =	sshrl.u32 s5, $0x3;
	s0 =	sor.u32 $0x1C0F, s0;
	s7 =	rddreg [dreg:$0x1f]  }
0x1ce: {  	[hbm:s7], [sflag:s0] =	dma.local [spmem:s6], $0x1A00  }
0x1cf: {  	_ =	swait.ge [sflag:s9], $0x1A00  }
0x1d0: {  	s7 =	sld [smem:$0x7FD];
	_ =	sdelay $0x1  }
0x1d1: {  	s2 =	sadd.s32 $0x1, s2  }
0x1d2: {  	p0 =	sne.s32 s2, s7  }
.Ltmp1:
0x1d3: {  	_ = 	snop;
	(pc) =	sbr.rel @p0 .LBB2_1-.Ltmp1, $3  }
0x1d4: {  	_ =	sdelay $0x1  }
0x1d5: {  	[sflag:s9] =	ssyncset.done $0x0  }
0x1d6: {  	[sflag:s9] =	ssyncadd.s32 $0xFFFFE600  }
0x1d7: {  	_ =	sfence.sel $0x180000  }
0x1d8: {  	[bflag:$0x0] =	sbarrier.arrive $0xFFFF  }
0x1d9: {  	_ =	strace $0x9000004A  }
0x1da: {  	s0 =	stileid.u32;
	[bflag:$0x2] =	sbarrier.arrive $0xFFFF  }
0x1db: {  	p0 =	sne.s32 s0, $0x0;
	s0 =	rddreg [dreg:$0x3]  }
0x1dc: {  	s0 =	sadd.s32 @!p0 $0x100000, s0  }
0x1dd: {  	[sflag:s0] =	ssyncadd.tile.s32 @!p0 $0x1;
	_ =	shalt  }
.Lfunc_end2:
_tile_overlayer_lowered:
.L_overlay_start_2:
0x1de: {  	(tag) =	ssettag $0x2  }
0x1df: {  	s0 =	rddreg [dreg:$0x0];
	s2 =	stileid.u32  }
0x1e0: {  	s1 =	rddreg [dreg:$0x1];
	p0 =	sne.s32 s2, $0x0  }
0x1e1: {  	s3 =	rddreg [dreg:$0x2];
	[bflag:$0x3] =	sbarrier.arrive $0xFFFF;
	s2 =	simm.s32 @!p0 $0x1C0F  }
0x1e2: {  	[timem:s3], [sflag:s2] =	dma.local @!p0 [hbm:s0], s1  }
0x1e3: {  	s0 =	simm.s32 @!p0 $0xF  }
0x1e4: {  	_ =	swait.ge @!p0 [sflag:s0], s1  }
0x1e5: {  	s1 =	ssub.s32 @!p0 $0x0, s1;
	[sflag:s0] =	ssyncset.done @!p0 $0x0  }
0x1e6: {  	[sflag:s0] =	ssyncadd.s32 @!p0 s1  }
0x1e7: {  	[bflag:$0x3] =	sbarrier.arrive $0xFFFF  }
0x1e8: {  	_ =	shalt  }

</sc_bundles>
